<compile_context>
chip_gen: v7x
topology: tpu7x:2x2x1
jax: 0.10.2.dev20260603
libtpu: 0.0.44.dev20260713+nightly
codegen_flags: <defaults>
</compile_context>

<pallas_src>
import functools

import jax
import jax.numpy as jnp
from jax import lax
from jax.experimental import pallas as pl
from jax.experimental.pallas import tpu as pltpu
from jax.experimental.pallas import tpu_sc as plsc

GAMMA = 12.0
NC = 2
NS = 16
L = 16
NW = NC * NS
CHUNK = 112


def _negate(x):
    def body(x_ref, o_ref):
        o_ref[...] = -x_ref[...]

    return pl.pallas_call(
        body, out_shape=jax.ShapeDtypeStruct(x.shape, x.dtype))(x)


@functools.lru_cache(maxsize=None)
def _build(n_edges: int, n_nodes: int, d: int):
    assert n_edges % NW == 0
    epw = n_edges // NW
    n_chunks = -(-epw // CHUNK)
    mesh = plsc.VectorSubcoreMesh(core_axis_name="c", subcore_axis_name="s")

    def body(node_hbm, neg_hbm, src_hbm, dst_hbm, rel_hbm, out_hbm, *scr):
        slots = [dict(zip(("src", "dst", "acc", "out", "s_idx",
                           "s_rel", "s_head", "s_tail", "s_out"),
                          scr[i * 9:(i + 1) * 9])) for i in range(3)]
        part_v = scr[27]
        shared_node = scr[28]
        cid = lax.axis_index("c")
        sid = lax.axis_index("s")
        wid = sid * NC + cid
        base_w = wid * epw

        rows_per_tile = (n_nodes // NS) & ~7
        tail_rows = n_nodes - rows_per_tile * NS
        r0 = sid * rows_per_tile
        pltpu.sync_copy(node_hbm.at[pl.ds(r0, rows_per_tile)],
                        shared_node.at[pl.ds(r0, rows_per_tile)])
        if tail_rows:
            @pl.when(sid == NS - 1)
            def _():
                t0 = rows_per_tile * NS
                pltpu.sync_copy(node_hbm.at[pl.ds(t0, tail_rows)],
                                shared_node.at[pl.ds(t0, tail_rows)])
        plsc.subcore_barrier()

        def cbase(g):
            return base_w + jnp.minimum(g * CHUNK, epw - CHUNK)

        def issue_idx(g, s):
            b = cbase(g)
            pltpu.async_copy(src_hbm.at[pl.ds(b, CHUNK)], s["src"], s["s_idx"])
            pltpu.async_copy(dst_hbm.at[pl.ds(b, CHUNK)], s["dst"], s["s_idx"])

        def wait_idx(g, s):
            b = cbase(g)
            pltpu.make_async_copy(src_hbm.at[pl.ds(b, CHUNK)], s["src"],
                                  s["s_idx"]).wait()
            pltpu.make_async_copy(dst_hbm.at[pl.ds(b, CHUNK)], s["dst"],
                                  s["s_idx"]).wait()

        def issue_rel(g, s):
            b = cbase(g)
            pltpu.async_copy(rel_hbm.at[pl.ds(b, CHUNK)], s["acc"], s["s_rel"])

        def wait_rel(g, s):
            b = cbase(g)
            pltpu.make_async_copy(rel_hbm.at[pl.ds(b, CHUNK)], s["acc"],
                                  s["s_rel"]).wait()

        def issue_gathers(g, s):
            pltpu.async_copy(shared_node.at[s["src"]], s["acc"], s["s_head"],
                             add=True)
            pltpu.async_copy(neg_hbm.at[s["dst"]], s["acc"], s["s_tail"],
                             add=True)

        def wait_gathers(g, s):
            pltpu.make_async_copy(shared_node.at[s["src"]], s["acc"],
                                  s["s_head"]).wait()
            pltpu.make_async_copy(neg_hbm.at[s["dst"]], s["acc"],
                                  s["s_tail"]).wait()

        def issue_out(g, s):
            b = cbase(g)
            pltpu.async_copy(s["out"], out_hbm.at[pl.ds(b, CHUNK)], s["s_out"])

        def wait_out(g, s):
            b = cbase(g)
            pltpu.make_async_copy(s["out"], out_hbm.at[pl.ds(b, CHUNK)],
                                  s["s_out"]).wait()

        def compute(s):
            acc_v, out_v = s["acc"], s["out"]
            iota = lax.iota(jnp.int32, L)

            def per_block(eb, carry):
                for j in range(L):
                    e = eb * L + j
                    vs = [jnp.abs(acc_v[e, pl.ds(k * L, L)])
                          for k in range(d // L)]
                    while len(vs) > 1:
                        vs = [vs[i] + vs[i + 1] for i in range(0, len(vs), 2)]
                    part_v[j, :] = vs[0]
                acc0 = jnp.full((L,), GAMMA, jnp.float32)
                acc1 = jnp.zeros((L,), jnp.float32)
                for l in range(0, L, 2):
                    acc0 = acc0 - plsc.load_gather(
                        part_v, [iota, jnp.full((L,), l, jnp.int32)])
                    acc1 = acc1 + plsc.load_gather(
                        part_v, [iota, jnp.full((L,), l + 1, jnp.int32)])
                out_v[pl.ds(eb * L, L)] = acc0 - acc1
                return carry

            lax.fori_loop(0, CHUNK // L, per_block, 0)

        def phase(g, p):
            q, r = (p + 1) % 3, (p + 2) % 3
            sp, sq, sr = slots[p], slots[q], slots[r]

            @pl.when(g + 1 < n_chunks)
            def _():
                wait_rel(g + 1, sq)
                issue_gathers(g + 1, sq)

            @pl.when(g + 2 < n_chunks)
            def _():
                wait_idx(g + 2, sr)
                issue_rel(g + 2, sr)

            wait_gathers(g, sp)

            @pl.when(g + 3 < n_chunks)
            def _():
                issue_idx(g + 3, sp)

            @pl.when(g >= 3)
            def _():
                wait_out(g - 3, sp)

            compute(sp)
            issue_out(g, sp)

        issue_idx(0, slots[0])
        issue_idx(1, slots[1])
        wait_idx(0, slots[0])
        issue_rel(0, slots[0])
        issue_idx(2, slots[2])
        wait_rel(0, slots[0])
        issue_gathers(0, slots[0])
        wait_idx(1, slots[1])
        issue_rel(1, slots[1])

        n_triples = n_chunks // 3

        def triple(k, carry):
            g0 = k * 3
            phase(g0, 0)
            phase(g0 + 1, 1)
            phase(g0 + 2, 2)
            return carry

        lax.fori_loop(0, n_triples, triple, 0)
        for g in range(n_triples * 3, n_chunks):
            phase(g, g % 3)
        for g in range(max(0, n_chunks - 3), n_chunks):
            wait_out(g, slots[g % 3])

    slot_scratch = []
    for _ in range(3):
        slot_scratch += [
            pltpu.VMEM((CHUNK,), jnp.int32),
            pltpu.VMEM((CHUNK,), jnp.int32),
            pltpu.VMEM((CHUNK, d), jnp.float32),
            pltpu.VMEM((CHUNK,), jnp.float32),
            pltpu.SemaphoreType.DMA,
            pltpu.SemaphoreType.DMA,
            pltpu.SemaphoreType.DMA,
            pltpu.SemaphoreType.DMA,
            pltpu.SemaphoreType.DMA,
        ]
    slot_scratch.append(pltpu.VMEM((L, L), jnp.float32))
    slot_scratch.append(
        pltpu.VMEM_SHARED((n_nodes, d), jnp.float32))

    return pl.kernel(
        body,
        out_type=jax.ShapeDtypeStruct((n_edges,), jnp.float32),
        mesh=mesh,
        compiler_params=pltpu.CompilerParams(needs_layout_passes=False),
        scratch_types=slot_scratch,
    )


def kernel(node_emb, edge_index, rel_emb):
    ei = edge_index.astype(jnp.int32)
    neg = _negate(node_emb)
    fn = _build(rel_emb.shape[0], node_emb.shape[0], node_emb.shape[1])
    return fn(node_emb, neg, ei[0], ei[1], rel_emb)

# --- scband reference (transcript-rebuilt; emitter-appended) ---
"""Pipeline reference for scband-trans-escore-16681652978482 (READ-ONLY COPY).

The authoritative reference and input builder live on the scoring server;
editing this copy changes nothing except your own understanding.
"""

import jax, jax.numpy as jnp
import numpy as np

GAMMA = 12.0
N_NODES = 10000
N_EDGES = 320000
D = 128


def setup_inputs(seed: int = 0) -> dict:
    key = jax.random.key(seed)
    k1, k2, k3 = jax.random.split(key, 3)
    node_emb = jax.random.normal(k1, (N_NODES, D), dtype=jnp.float32)
    edge_index = jax.random.randint(k2, (2, N_EDGES), 0, N_NODES, dtype=jnp.int64)
    rel_emb = jax.random.normal(k3, (N_EDGES, D), dtype=jnp.float32)
    return {"node_emb": node_emb, "edge_index": edge_index, "rel_emb": rel_emb}


def reference(node_emb, edge_index, rel_emb):
    # DGL g.apply_edges with TransE edge_func:
    #   head = edges.src['emb']; tail = edges.dst['emb']; rel = edges.data['emb']
    #   score = gamma - || head + rel - tail ||_1
    src = edge_index[0]
    dst = edge_index[1]
    head = jnp.take(node_emb, src, axis=0)
    tail = jnp.take(node_emb, dst, axis=0)
    diff = head + rel_emb - tail
    score = GAMMA - jnp.sum(jnp.abs(diff), axis=-1)
    return score

if __name__ == "__main__":
    import jax
    _d = setup_inputs()
    print(jax.jit(kernel)(*tuple(_d.values())))

</pallas_src>

<mosaic_0001>
#map = affine_map<(d0, d1) -> (0, 0)>
#map1 = affine_map<(d0, d1) -> (0)>
module attributes {stable_mosaic.version = 14 : i64} {
  func.func @body(%arg0: i32, %arg1: i32, %arg2: memref<10000x128xf32, #tpu.memory_space<hbm>>, %arg3: memref<10000x128xf32, #tpu.memory_space<hbm>>, %arg4: memref<320000xi32, #tpu.memory_space<hbm>>, %arg5: memref<320000xi32, #tpu.memory_space<hbm>>, %arg6: memref<320000x128xf32, #tpu.memory_space<hbm>>, %arg7: memref<320000xf32, #tpu.memory_space<hbm>>, %arg8: memref<112xi32, #tpu.memory_space<vmem>>, %arg9: memref<112xi32, #tpu.memory_space<vmem>>, %arg10: memref<112x128xf32, #tpu.memory_space<vmem>>, %arg11: memref<112xf32, #tpu.memory_space<vmem>>, %arg12: memref<!tpu.dma_semaphore, #tpu.memory_space<semaphore_mem>>, %arg13: memref<!tpu.dma_semaphore, #tpu.memory_space<semaphore_mem>>, %arg14: memref<!tpu.dma_semaphore, #tpu.memory_space<semaphore_mem>>, %arg15: memref<!tpu.dma_semaphore, #tpu.memory_space<semaphore_mem>>, %arg16: memref<!tpu.dma_semaphore, #tpu.memory_space<semaphore_mem>>, %arg17: memref<112xi32, #tpu.memory_space<vmem>>, %arg18: memref<112xi32, #tpu.memory_space<vmem>>, %arg19: memref<112x128xf32, #tpu.memory_space<vmem>>, %arg20: memref<112xf32, #tpu.memory_space<vmem>>, %arg21: memref<!tpu.dma_semaphore, #tpu.memory_space<semaphore_mem>>, %arg22: memref<!tpu.dma_semaphore, #tpu.memory_space<semaphore_mem>>, %arg23: memref<!tpu.dma_semaphore, #tpu.memory_space<semaphore_mem>>, %arg24: memref<!tpu.dma_semaphore, #tpu.memory_space<semaphore_mem>>, %arg25: memref<!tpu.dma_semaphore, #tpu.memory_space<semaphore_mem>>, %arg26: memref<112xi32, #tpu.memory_space<vmem>>, %arg27: memref<112xi32, #tpu.memory_space<vmem>>, %arg28: memref<112x128xf32, #tpu.memory_space<vmem>>, %arg29: memref<112xf32, #tpu.memory_space<vmem>>, %arg30: memref<!tpu.dma_semaphore, #tpu.memory_space<semaphore_mem>>, %arg31: memref<!tpu.dma_semaphore, #tpu.memory_space<semaphore_mem>>, %arg32: memref<!tpu.dma_semaphore, #tpu.memory_space<semaphore_mem>>, %arg33: memref<!tpu.dma_semaphore, #tpu.memory_space<semaphore_mem>>, %arg34: memref<!tpu.dma_semaphore, #tpu.memory_space<semaphore_mem>>, %arg35: memref<16x16xf32, #tpu.memory_space<vmem>>, %arg36: memref<10000x128xf32, #tpu.memory_space<vmem_shared>>) attributes {dimension_semantics = [#tpu.dimension_semantics<core_parallel>, #tpu.dimension_semantics<subcore_parallel>], iteration_bounds = array<i64: 2, 16>, scalar_prefetch = 0 : i64, scratch_operands = 29 : i64, tpu.core_type = #tpu.core_type<sc_vector_subcore>, window_params = [{transform_indices = #map}, {transform_indices = #map}, {transform_indices = #map1}, {transform_indices = #map1}, {transform_indices = #map}, {transform_indices = #map1}]} {
    %mul3A = arith.constant 2 : i32
    %mul3A_0 = arith.muli %arg1, %mul3A : i32
    %add3A = arith.addi %mul3A_0, %arg0 : i32
    %mul3A_1 = arith.constant 10000 : i32
    %mul3A_2 = arith.muli %add3A, %mul3A_1 : i32
    %mul3A_3 = arith.constant 624 : i32
    %mul3A_4 = arith.muli %arg1, %mul3A_3 : i32
    "tpu.region"() ({
      %run_scoped3A = tpu.sem_alloc : memref<!tpu.dma_semaphore, #tpu.memory_space<semaphore_mem>>
      %dma_start3A_97 = arith.constant 0 : i32
      %dma_start3A_98 = tpu.memref_slice %arg36[%mul3A_4, %dma_start3A_97] : memref<10000x128xf32, #tpu.memory_space<vmem_shared>> -> memref<624x128xf32, #tpu.memory_space<vmem_shared>>
      %dma_start3A_99 = arith.constant 0 : i32
      %dma_start3A_100 = tpu.memref_slice %arg2[%mul3A_4, %dma_start3A_99] : memref<10000x128xf32, #tpu.memory_space<hbm>> -> memref<624x128xf32, #tpu.memory_space<hbm>>
      tpu.enqueue_dma source(%dma_start3A_100 : memref<624x128xf32, #tpu.memory_space<hbm>>) target(%dma_start3A_98 : memref<624x128xf32, #tpu.memory_space<vmem_shared>>) target_semaphore(%run_scoped3A : memref<!tpu.dma_semaphore, #tpu.memory_space<semaphore_mem>>)
      %dma_wait3A_101 = arith.constant 0 : i32
      %dma_wait3A_102 = tpu.memref_slice %arg36[%mul3A_4, %dma_wait3A_101] : memref<10000x128xf32, #tpu.memory_space<vmem_shared>> -> memref<624x128xf32, #tpu.memory_space<vmem_shared>>
      %dma_wait3A_103 = arith.constant 0 : i32
      %dma_wait3A_104 = tpu.memref_slice %arg2[%mul3A_4, %dma_wait3A_103] : memref<10000x128xf32, #tpu.memory_space<hbm>> -> memref<624x128xf32, #tpu.memory_space<hbm>>
      tpu.wait_dma2 semaphore(%run_scoped3A : memref<!tpu.dma_semaphore, #tpu.memory_space<semaphore_mem>>) src(%dma_wait3A_104 : memref<624x128xf32, #tpu.memory_space<hbm>>) dst(%dma_wait3A_102 : memref<624x128xf32, #tpu.memory_space<vmem_shared>>)
      tpu.yield
    }) : () -> ()
    %eq3A = arith.constant 15 : i32
    %eq3A_5 = arith.cmpi eq, %arg1, %eq3A : i32
    %convert_element_type3A = arith.extui %eq3A_5 : i1 to i32
    %cond3A = arith.constant 0 : i32
    %cond3A_6 = arith.cmpi ne, %convert_element_type3A, %cond3A : i32
    scf.if %cond3A_6 {
      "tpu.region"() ({
        %run_scoped3A = tpu.sem_alloc : memref<!tpu.dma_semaphore, #tpu.memory_space<semaphore_mem>>
        %dma_start3A_97 = arith.constant 9984 : i32
        %dma_start3A_98 = arith.constant 0 : i32
        %dma_start3A_99 = tpu.memref_slice %arg36[%dma_start3A_97, %dma_start3A_98] : memref<10000x128xf32, #tpu.memory_space<vmem_shared>> -> memref<16x128xf32, #tpu.memory_space<vmem_shared>>
        %dma_start3A_100 = arith.constant 9984 : i32
        %dma_start3A_101 = arith.constant 0 : i32
        %dma_start3A_102 = tpu.memref_slice %arg2[%dma_start3A_100, %dma_start3A_101] : memref<10000x128xf32, #tpu.memory_space<hbm>> -> memref<16x128xf32, #tpu.memory_space<hbm>>
        tpu.enqueue_dma source(%dma_start3A_102 : memref<16x128xf32, #tpu.memory_space<hbm>>) target(%dma_start3A_99 : memref<16x128xf32, #tpu.memory_space<vmem_shared>>) target_semaphore(%run_scoped3A : memref<!tpu.dma_semaphore, #tpu.memory_space<semaphore_mem>>)
        %dma_wait3A_103 = arith.constant 9984 : i32
        %dma_wait3A_104 = arith.constant 0 : i32
        %dma_wait3A_105 = tpu.memref_slice %arg36[%dma_wait3A_103, %dma_wait3A_104] : memref<10000x128xf32, #tpu.memory_space<vmem_shared>> -> memref<16x128xf32, #tpu.memory_space<vmem_shared>>
        %dma_wait3A_106 = arith.constant 9984 : i32
        %dma_wait3A_107 = arith.constant 0 : i32
        %dma_wait3A_108 = tpu.memref_slice %arg2[%dma_wait3A_106, %dma_wait3A_107] : memref<10000x128xf32, #tpu.memory_space<hbm>> -> memref<16x128xf32, #tpu.memory_space<hbm>>
        tpu.wait_dma2 semaphore(%run_scoped3A : memref<!tpu.dma_semaphore, #tpu.memory_space<semaphore_mem>>) src(%dma_wait3A_108 : memref<16x128xf32, #tpu.memory_space<hbm>>) dst(%dma_wait3A_105 : memref<16x128xf32, #tpu.memory_space<vmem_shared>>)
        tpu.yield
      }) : () -> ()
    } else {
    }
    %barrier3A = arith.constant 0 : index
    tpu.barrier barrier_id(%barrier3A)
    %min3A = arith.constant 0 : i32
    %min3A_7 = arith.constant 9888 : i32
    %min3A_8 = arith.minsi %min3A, %min3A_7 : i32
    %add3A_9 = arith.addi %mul3A_2, %min3A_8 : i32
    %dma_start3A = tpu.memref_slice %arg4[%add3A_9] : memref<320000xi32, #tpu.memory_space<hbm>> -> memref<112xi32, #tpu.memory_space<hbm>>
    %dma_start3A_10 = tpu.memref_slice %arg4[%add3A_9] : memref<320000xi32, #tpu.memory_space<hbm>> -> memref<112xi32, #tpu.memory_space<hbm>>
    tpu.enqueue_dma source(%dma_start3A_10 : memref<112xi32, #tpu.memory_space<hbm>>) target(%arg8 : memref<112xi32, #tpu.memory_space<vmem>>) target_semaphore(%arg12 : memref<!tpu.dma_semaphore, #tpu.memory_space<semaphore_mem>>)
    %dma_start3A_11 = tpu.memref_slice %arg5[%add3A_9] : memref<320000xi32, #tpu.memory_space<hbm>> -> memref<112xi32, #tpu.memory_space<hbm>>
    %dma_start3A_12 = tpu.memref_slice %arg5[%add3A_9] : memref<320000xi32, #tpu.memory_space<hbm>> -> memref<112xi32, #tpu.memory_space<hbm>>
    tpu.enqueue_dma source(%dma_start3A_12 : memref<112xi32, #tpu.memory_space<hbm>>) target(%arg9 : memref<112xi32, #tpu.memory_space<vmem>>) target_semaphore(%arg12 : memref<!tpu.dma_semaphore, #tpu.memory_space<semaphore_mem>>)
    %min3A_13 = arith.constant 112 : i32
    %min3A_14 = arith.constant 9888 : i32
    %min3A_15 = arith.minsi %min3A_13, %min3A_14 : i32
    %add3A_16 = arith.addi %mul3A_2, %min3A_15 : i32
    %dma_start3A_17 = tpu.memref_slice %arg4[%add3A_16] : memref<320000xi32, #tpu.memory_space<hbm>> -> memref<112xi32, #tpu.memory_space<hbm>>
    %dma_start3A_18 = tpu.memref_slice %arg4[%add3A_16] : memref<320000xi32, #tpu.memory_space<hbm>> -> memref<112xi32, #tpu.memory_space<hbm>>
    tpu.enqueue_dma source(%dma_start3A_18 : memref<112xi32, #tpu.memory_space<hbm>>) target(%arg17 : memref<112xi32, #tpu.memory_space<vmem>>) target_semaphore(%arg21 : memref<!tpu.dma_semaphore, #tpu.memory_space<semaphore_mem>>)
    %dma_start3A_19 = tpu.memref_slice %arg5[%add3A_16] : memref<320000xi32, #tpu.memory_space<hbm>> -> memref<112xi32, #tpu.memory_space<hbm>>
    %dma_start3A_20 = tpu.memref_slice %arg5[%add3A_16] : memref<320000xi32, #tpu.memory_space<hbm>> -> memref<112xi32, #tpu.memory_space<hbm>>
    tpu.enqueue_dma source(%dma_start3A_20 : memref<112xi32, #tpu.memory_space<hbm>>) target(%arg18 : memref<112xi32, #tpu.memory_space<vmem>>) target_semaphore(%arg21 : memref<!tpu.dma_semaphore, #tpu.memory_space<semaphore_mem>>)
    %min3A_21 = arith.constant 0 : i32
    %min3A_22 = arith.constant 9888 : i32
    %min3A_23 = arith.minsi %min3A_21, %min3A_22 : i32
    %add3A_24 = arith.addi %mul3A_2, %min3A_23 : i32
    %dma_wait3A = tpu.memref_slice %arg4[%add3A_24] : memref<320000xi32, #tpu.memory_space<hbm>> -> memref<112xi32, #tpu.memory_space<hbm>>
    %dma_wait3A_25 = tpu.memref_slice %arg4[%add3A_24] : memref<320000xi32, #tpu.memory_space<hbm>> -> memref<112xi32, #tpu.memory_space<hbm>>
    tpu.wait_dma2 semaphore(%arg12 : memref<!tpu.dma_semaphore, #tpu.memory_space<semaphore_mem>>) src(%dma_wait3A_25 : memref<112xi32, #tpu.memory_space<hbm>>) dst(%arg8 : memref<112xi32, #tpu.memory_space<vmem>>)
    %dma_wait3A_26 = tpu.memref_slice %arg5[%add3A_24] : memref<320000xi32, #tpu.memory_space<hbm>> -> memref<112xi32, #tpu.memory_space<hbm>>
    %dma_wait3A_27 = tpu.memref_slice %arg5[%add3A_24] : memref<320000xi32, #tpu.memory_space<hbm>> -> memref<112xi32, #tpu.memory_space<hbm>>
    tpu.wait_dma2 semaphore(%arg12 : memref<!tpu.dma_semaphore, #tpu.memory_space<semaphore_mem>>) src(%dma_wait3A_27 : memref<112xi32, #tpu.memory_space<hbm>>) dst(%arg9 : memref<112xi32, #tpu.memory_space<vmem>>)
    %min3A_28 = arith.constant 0 : i32
    %min3A_29 = arith.constant 9888 : i32
    %min3A_30 = arith.minsi %min3A_28, %min3A_29 : i32
    %add3A_31 = arith.addi %mul3A_2, %min3A_30 : i32
    %dma_start3A_32 = arith.constant 0 : i32
    %dma_start3A_33 = tpu.memref_slice %arg6[%add3A_31, %dma_start3A_32] : memref<320000x128xf32, #tpu.memory_space<hbm>> -> memref<112x128xf32, #tpu.memory_space<hbm>>
    %dma_start3A_34 = arith.constant 0 : i32
    %dma_start3A_35 = tpu.memref_slice %arg6[%add3A_31, %dma_start3A_34] : memref<320000x128xf32, #tpu.memory_space<hbm>> -> memref<112x128xf32, #tpu.memory_space<hbm>>
    tpu.enqueue_dma source(%dma_start3A_35 : memref<112x128xf32, #tpu.memory_space<hbm>>) target(%arg10 : memref<112x128xf32, #tpu.memory_space<vmem>>) target_semaphore(%arg13 : memref<!tpu.dma_semaphore, #tpu.memory_space<semaphore_mem>>)
    %min3A_36 = arith.constant 224 : i32
    %min3A_37 = arith.constant 9888 : i32
    %min3A_38 = arith.minsi %min3A_36, %min3A_37 : i32
    %add3A_39 = arith.addi %mul3A_2, %min3A_38 : i32
    %dma_start3A_40 = tpu.memref_slice %arg4[%add3A_39] : memref<320000xi32, #tpu.memory_space<hbm>> -> memref<112xi32, #tpu.memory_space<hbm>>
    %dma_start3A_41 = tpu.memref_slice %arg4[%add3A_39] : memref<320000xi32, #tpu.memory_space<hbm>> -> memref<112xi32, #tpu.memory_space<hbm>>
    tpu.enqueue_dma source(%dma_start3A_41 : memref<112xi32, #tpu.memory_space<hbm>>) target(%arg26 : memref<112xi32, #tpu.memory_space<vmem>>) target_semaphore(%arg30 : memref<!tpu.dma_semaphore, #tpu.memory_space<semaphore_mem>>)
    %dma_start3A_42 = tpu.memref_slice %arg5[%add3A_39] : memref<320000xi32, #tpu.memory_space<hbm>> -> memref<112xi32, #tpu.memory_space<hbm>>
    %dma_start3A_43 = tpu.memref_slice %arg5[%add3A_39] : memref<320000xi32, #tpu.memory_space<hbm>> -> memref<112xi32, #tpu.memory_space<hbm>>
    tpu.enqueue_dma source(%dma_start3A_43 : memref<112xi32, #tpu.memory_space<hbm>>) target(%arg27 : memref<112xi32, #tpu.memory_space<vmem>>) target_semaphore(%arg30 : memref<!tpu.dma_semaphore, #tpu.memory_space<semaphore_mem>>)
    %min3A_44 = arith.constant 0 : i32
    %min3A_45 = arith.constant 9888 : i32
    %min3A_46 = arith.minsi %min3A_44, %min3A_45 : i32
    %add3A_47 = arith.addi %mul3A_2, %min3A_46 : i32
    %dma_wait3A_48 = arith.constant 0 : i32
    %dma_wait3A_49 = tpu.memref_slice %arg6[%add3A_47, %dma_wait3A_48] : memref<320000x128xf32, #tpu.memory_space<hbm>> -> memref<112x128xf32, #tpu.memory_space<hbm>>
    %dma_wait3A_50 = arith.constant 0 : i32
    %dma_wait3A_51 = tpu.memref_slice %arg6[%add3A_47, %dma_wait3A_50] : memref<320000x128xf32, #tpu.memory_space<hbm>> -> memref<112x128xf32, #tpu.memory_space<hbm>>
    tpu.wait_dma2 semaphore(%arg13 : memref<!tpu.dma_semaphore, #tpu.memory_space<semaphore_mem>>) src(%dma_wait3A_51 : memref<112x128xf32, #tpu.memory_space<hbm>>) dst(%arg10 : memref<112x128xf32, #tpu.memory_space<vmem>>)
    %dma_start3A_52 = arith.constant 0 : i32
    %dma_start3A_53 = arith.constant 0 : i32
    %dma_start3A_54 = tpu.memref_slice %arg36[%dma_start3A_52, %dma_start3A_53] : memref<10000x128xf32, #tpu.memory_space<vmem_shared>> -> memref<10000x128xf32, #tpu.memory_space<vmem_shared>>
    tpu.enqueue_indirect_dma source(%dma_start3A_54 : memref<10000x128xf32, #tpu.memory_space<vmem_shared>>) target(%arg10 : memref<112x128xf32, #tpu.memory_space<vmem>>) offsets(%arg8 : memref<112xi32, #tpu.memory_space<vmem>>) semaphore(%arg14 : memref<!tpu.dma_semaphore, #tpu.memory_space<semaphore_mem>>) {add = true}
    %dma_start3A_55 = arith.constant 0 : i32
    %dma_start3A_56 = arith.constant 0 : i32
    %dma_start3A_57 = tpu.memref_slice %arg3[%dma_start3A_55, %dma_start3A_56] : memref<10000x128xf32, #tpu.memory_space<hbm>> -> memref<10000x128xf32, #tpu.memory_space<hbm>>
    tpu.enqueue_indirect_dma source(%dma_start3A_57 : memref<10000x128xf32, #tpu.memory_space<hbm>>) target(%arg10 : memref<112x128xf32, #tpu.memory_space<vmem>>) offsets(%arg9 : memref<112xi32, #tpu.memory_space<vmem>>) semaphore(%arg15 : memref<!tpu.dma_semaphore, #tpu.memory_space<semaphore_mem>>) {add = true}
    %min3A_58 = arith.constant 112 : i32
    %min3A_59 = arith.constant 9888 : i32
    %min3A_60 = arith.minsi %min3A_58, %min3A_59 : i32
    %add3A_61 = arith.addi %mul3A_2, %min3A_60 : i32
    %dma_wait3A_62 = tpu.memref_slice %arg4[%add3A_61] : memref<320000xi32, #tpu.memory_space<hbm>> -> memref<112xi32, #tpu.memory_space<hbm>>
    %dma_wait3A_63 = tpu.memref_slice %arg4[%add3A_61] : memref<320000xi32, #tpu.memory_space<hbm>> -> memref<112xi32, #tpu.memory_space<hbm>>
    tpu.wait_dma2 semaphore(%arg21 : memref<!tpu.dma_semaphore, #tpu.memory_space<semaphore_mem>>) src(%dma_wait3A_63 : memref<112xi32, #tpu.memory_space<hbm>>) dst(%arg17 : memref<112xi32, #tpu.memory_space<vmem>>)
    %dma_wait3A_64 = tpu.memref_slice %arg5[%add3A_61] : memref<320000xi32, #tpu.memory_space<hbm>> -> memref<112xi32, #tpu.memory_space<hbm>>
    %dma_wait3A_65 = tpu.memref_slice %arg5[%add3A_61] : memref<320000xi32, #tpu.memory_space<hbm>> -> memref<112xi32, #tpu.memory_space<hbm>>
    tpu.wait_dma2 semaphore(%arg21 : memref<!tpu.dma_semaphore, #tpu.memory_space<semaphore_mem>>) src(%dma_wait3A_65 : memref<112xi32, #tpu.memory_space<hbm>>) dst(%arg18 : memref<112xi32, #tpu.memory_space<vmem>>)
    %min3A_66 = arith.constant 112 : i32
    %min3A_67 = arith.constant 9888 : i32
    %min3A_68 = arith.minsi %min3A_66, %min3A_67 : i32
    %add3A_69 = arith.addi %mul3A_2, %min3A_68 : i32
    %dma_start3A_70 = arith.constant 0 : i32
    %dma_start3A_71 = tpu.memref_slice %arg6[%add3A_69, %dma_start3A_70] : memref<320000x128xf32, #tpu.memory_space<hbm>> -> memref<112x128xf32, #tpu.memory_space<hbm>>
    %dma_start3A_72 = arith.constant 0 : i32
    %dma_start3A_73 = tpu.memref_slice %arg6[%add3A_69, %dma_start3A_72] : memref<320000x128xf32, #tpu.memory_space<hbm>> -> memref<112x128xf32, #tpu.memory_space<hbm>>
    tpu.enqueue_dma source(%dma_start3A_73 : memref<112x128xf32, #tpu.memory_space<hbm>>) target(%arg19 : memref<112x128xf32, #tpu.memory_space<vmem>>) target_semaphore(%arg22 : memref<!tpu.dma_semaphore, #tpu.memory_space<semaphore_mem>>)
    %scan3A = arith.constant 0 : i32
    %scan3A_74 = arith.constant 0 : i32
    %scan3A_75 = arith.constant 30 : i32
    %scan3A_76 = arith.addi %scan3A_74, %scan3A_75 : i32
    %scan3A_77 = arith.constant 1 : i32
    scf.for %scan3A_97 = %scan3A_74 to %scan3A_76 step %scan3A_77  : i32 {
      %mul3A_98 = arith.constant 3 : i32
      %mul3A_99 = arith.muli %scan3A_97, %mul3A_98 : i32
      %add3A_100 = arith.constant 1 : i32
      %add3A_101 = arith.addi %mul3A_99, %add3A_100 : i32
      %lt3A = arith.constant 90 : i32
      %lt3A_102 = arith.cmpi slt, %add3A_101, %lt3A : i32
      %convert_element_type3A_103 = arith.extui %lt3A_102 : i1 to i32
      %cond3A_104 = arith.constant 0 : i32
      %cond3A_105 = arith.cmpi ne, %convert_element_type3A_103, %cond3A_104 : i32
      scf.if %cond3A_105 {
        %add3A_239 = arith.constant 1 : i32
        %add3A_240 = arith.addi %mul3A_99, %add3A_239 : i32
        %mul3A_241 = arith.constant 112 : i32
        %mul3A_242 = arith.muli %add3A_240, %mul3A_241 : i32
        %min3A_243 = arith.constant 9888 : i32
        %min3A_244 = arith.minsi %mul3A_242, %min3A_243 : i32
        %add3A_245 = arith.addi %mul3A_2, %min3A_244 : i32
        %dma_wait3A_246 = arith.constant 0 : i32
        %dma_wait3A_247 = tpu.memref_slice %arg6[%add3A_245, %dma_wait3A_246] : memref<320000x128xf32, #tpu.memory_space<hbm>> -> memref<112x128xf32, #tpu.memory_space<hbm>>
        %dma_wait3A_248 = arith.constant 0 : i32
        %dma_wait3A_249 = tpu.memref_slice %arg6[%add3A_245, %dma_wait3A_248] : memref<320000x128xf32, #tpu.memory_space<hbm>> -> memref<112x128xf32, #tpu.memory_space<hbm>>
        tpu.wait_dma2 semaphore(%arg22 : memref<!tpu.dma_semaphore, #tpu.memory_space<semaphore_mem>>) src(%dma_wait3A_249 : memref<112x128xf32, #tpu.memory_space<hbm>>) dst(%arg19 : memref<112x128xf32, #tpu.memory_space<vmem>>)
        %add3A_250 = arith.constant 1 : i32
        %add3A_251 = arith.addi %mul3A_99, %add3A_250 : i32
        %dma_start3A_252 = arith.constant 0 : i32
        %dma_start3A_253 = arith.constant 0 : i32
        %dma_start3A_254 = tpu.memref_slice %arg36[%dma_start3A_252, %dma_start3A_253] : memref<10000x128xf32, #tpu.memory_space<vmem_shared>> -> memref<10000x128xf32, #tpu.memory_space<vmem_shared>>
        tpu.enqueue_indirect_dma source(%dma_start3A_254 : memref<10000x128xf32, #tpu.memory_space<vmem_shared>>) target(%arg19 : memref<112x128xf32, #tpu.memory_space<vmem>>) offsets(%arg17 : memref<112xi32, #tpu.memory_space<vmem>>) semaphore(%arg23 : memref<!tpu.dma_semaphore, #tpu.memory_space<semaphore_mem>>) {add = true}
        %dma_start3A_255 = arith.constant 0 : i32
        %dma_start3A_256 = arith.constant 0 : i32
        %dma_start3A_257 = tpu.memref_slice %arg3[%dma_start3A_255, %dma_start3A_256] : memref<10000x128xf32, #tpu.memory_space<hbm>> -> memref<10000x128xf32, #tpu.memory_space<hbm>>
        tpu.enqueue_indirect_dma source(%dma_start3A_257 : memref<10000x128xf32, #tpu.memory_space<hbm>>) target(%arg19 : memref<112x128xf32, #tpu.memory_space<vmem>>) offsets(%arg18 : memref<112xi32, #tpu.memory_space<vmem>>) semaphore(%arg24 : memref<!tpu.dma_semaphore, #tpu.memory_space<semaphore_mem>>) {add = true}
      } else {
      }
      %add3A_106 = arith.constant 2 : i32
      %add3A_107 = arith.addi %mul3A_99, %add3A_106 : i32
      %lt3A_108 = arith.constant 90 : i32
      %lt3A_109 = arith.cmpi slt, %add3A_107, %lt3A_108 : i32
      %convert_element_type3A_110 = arith.extui %lt3A_109 : i1 to i32
      %cond3A_111 = arith.constant 0 : i32
      %cond3A_112 = arith.cmpi ne, %convert_element_type3A_110, %cond3A_111 : i32
      scf.if %cond3A_112 {
        %add3A_239 = arith.constant 2 : i32
        %add3A_240 = arith.addi %mul3A_99, %add3A_239 : i32
        %mul3A_241 = arith.constant 112 : i32
        %mul3A_242 = arith.muli %add3A_240, %mul3A_241 : i32
        %min3A_243 = arith.constant 9888 : i32
        %min3A_244 = arith.minsi %mul3A_242, %min3A_243 : i32
        %add3A_245 = arith.addi %mul3A_2, %min3A_244 : i32
        %dma_wait3A_246 = tpu.memref_slice %arg4[%add3A_245] : memref<320000xi32, #tpu.memory_space<hbm>> -> memref<112xi32, #tpu.memory_space<hbm>>
        %dma_wait3A_247 = tpu.memref_slice %arg4[%add3A_245] : memref<320000xi32, #tpu.memory_space<hbm>> -> memref<112xi32, #tpu.memory_space<hbm>>
        tpu.wait_dma2 semaphore(%arg30 : memref<!tpu.dma_semaphore, #tpu.memory_space<semaphore_mem>>) src(%dma_wait3A_247 : memref<112xi32, #tpu.memory_space<hbm>>) dst(%arg26 : memref<112xi32, #tpu.memory_space<vmem>>)
        %dma_wait3A_248 = tpu.memref_slice %arg5[%add3A_245] : memref<320000xi32, #tpu.memory_space<hbm>> -> memref<112xi32, #tpu.memory_space<hbm>>
        %dma_wait3A_249 = tpu.memref_slice %arg5[%add3A_245] : memref<320000xi32, #tpu.memory_space<hbm>> -> memref<112xi32, #tpu.memory_space<hbm>>
        tpu.wait_dma2 semaphore(%arg30 : memref<!tpu.dma_semaphore, #tpu.memory_space<semaphore_mem>>) src(%dma_wait3A_249 : memref<112xi32, #tpu.memory_space<hbm>>) dst(%arg27 : memref<112xi32, #tpu.memory_space<vmem>>)
        %add3A_250 = arith.constant 2 : i32
        %add3A_251 = arith.addi %mul3A_99, %add3A_250 : i32
        %mul3A_252 = arith.constant 112 : i32
        %mul3A_253 = arith.muli %add3A_251, %mul3A_252 : i32
        %min3A_254 = arith.constant 9888 : i32
        %min3A_255 = arith.minsi %mul3A_253, %min3A_254 : i32
        %add3A_256 = arith.addi %mul3A_2, %min3A_255 : i32
        %dma_start3A_257 = arith.constant 0 : i32
        %dma_start3A_258 = tpu.memref_slice %arg6[%add3A_256, %dma_start3A_257] : memref<320000x128xf32, #tpu.memory_space<hbm>> -> memref<112x128xf32, #tpu.memory_space<hbm>>
        %dma_start3A_259 = arith.constant 0 : i32
        %dma_start3A_260 = tpu.memref_slice %arg6[%add3A_256, %dma_start3A_259] : memref<320000x128xf32, #tpu.memory_space<hbm>> -> memref<112x128xf32, #tpu.memory_space<hbm>>
        tpu.enqueue_dma source(%dma_start3A_260 : memref<112x128xf32, #tpu.memory_space<hbm>>) target(%arg28 : memref<112x128xf32, #tpu.memory_space<vmem>>) target_semaphore(%arg31 : memref<!tpu.dma_semaphore, #tpu.memory_space<semaphore_mem>>)
      } else {
      }
      %dma_wait3A_113 = arith.constant 0 : i32
      %dma_wait3A_114 = arith.constant 0 : i32
      %dma_wait3A_115 = tpu.memref_slice %arg36[%dma_wait3A_113, %dma_wait3A_114] : memref<10000x128xf32, #tpu.memory_space<vmem_shared>> -> memref<10000x128xf32, #tpu.memory_space<vmem_shared>>
      tpu.wait_indirect_dma semaphore(%arg14 : memref<!tpu.dma_semaphore, #tpu.memory_space<semaphore_mem>>) src(%dma_wait3A_115 : memref<10000x128xf32, #tpu.memory_space<vmem_shared>>) dst(%arg10 : memref<112x128xf32, #tpu.memory_space<vmem>>)
      %dma_wait3A_116 = arith.constant 0 : i32
      %dma_wait3A_117 = arith.constant 0 : i32
      %dma_wait3A_118 = tpu.memref_slice %arg3[%dma_wait3A_116, %dma_wait3A_117] : memref<10000x128xf32, #tpu.memory_space<hbm>> -> memref<10000x128xf32, #tpu.memory_space<hbm>>
      tpu.wait_indirect_dma semaphore(%arg15 : memref<!tpu.dma_semaphore, #tpu.memory_space<semaphore_mem>>) src(%dma_wait3A_118 : memref<10000x128xf32, #tpu.memory_space<hbm>>) dst(%arg10 : memref<112x128xf32, #tpu.memory_space<vmem>>)
      %add3A_119 = arith.constant 3 : i32
      %add3A_120 = arith.addi %mul3A_99, %add3A_119 : i32
      %lt3A_121 = arith.constant 90 : i32
      %lt3A_122 = arith.cmpi slt, %add3A_120, %lt3A_121 : i32
      %convert_element_type3A_123 = arith.extui %lt3A_122 : i1 to i32
      %cond3A_124 = arith.constant 0 : i32
      %cond3A_125 = arith.cmpi ne, %convert_element_type3A_123, %cond3A_124 : i32
      scf.if %cond3A_125 {
        %add3A_239 = arith.constant 3 : i32
        %add3A_240 = arith.addi %mul3A_99, %add3A_239 : i32
        %mul3A_241 = arith.constant 112 : i32
        %mul3A_242 = arith.muli %add3A_240, %mul3A_241 : i32
        %min3A_243 = arith.constant 9888 : i32
        %min3A_244 = arith.minsi %mul3A_242, %min3A_243 : i32
        %add3A_245 = arith.addi %mul3A_2, %min3A_244 : i32
        %dma_start3A_246 = tpu.memref_slice %arg4[%add3A_245] : memref<320000xi32, #tpu.memory_space<hbm>> -> memref<112xi32, #tpu.memory_space<hbm>>
        %dma_start3A_247 = tpu.memref_slice %arg4[%add3A_245] : memref<320000xi32, #tpu.memory_space<hbm>> -> memref<112xi32, #tpu.memory_space<hbm>>
        tpu.enqueue_dma source(%dma_start3A_247 : memref<112xi32, #tpu.memory_space<hbm>>) target(%arg8 : memref<112xi32, #tpu.memory_space<vmem>>) target_semaphore(%arg12 : memref<!tpu.dma_semaphore, #tpu.memory_space<semaphore_mem>>)
        %dma_start3A_248 = tpu.memref_slice %arg5[%add3A_245] : memref<320000xi32, #tpu.memory_space<hbm>> -> memref<112xi32, #tpu.memory_space<hbm>>
        %dma_start3A_249 = tpu.memref_slice %arg5[%add3A_245] : memref<320000xi32, #tpu.memory_space<hbm>> -> memref<112xi32, #tpu.memory_space<hbm>>
        tpu.enqueue_dma source(%dma_start3A_249 : memref<112xi32, #tpu.memory_space<hbm>>) target(%arg9 : memref<112xi32, #tpu.memory_space<vmem>>) target_semaphore(%arg12 : memref<!tpu.dma_semaphore, #tpu.memory_space<semaphore_mem>>)
      } else {
      }
      %ge3A = arith.constant 3 : i32
      %ge3A_126 = arith.cmpi sge, %mul3A_99, %ge3A : i32
      %convert_element_type3A_127 = arith.extui %ge3A_126 : i1 to i32
      %cond3A_128 = arith.constant 0 : i32
      %cond3A_129 = arith.cmpi ne, %convert_element_type3A_127, %cond3A_128 : i32
      scf.if %cond3A_129 {
        %sub3A = arith.constant 3 : i32
        %sub3A_239 = arith.subi %mul3A_99, %sub3A : i32
        %mul3A_240 = arith.constant 112 : i32
        %mul3A_241 = arith.muli %sub3A_239, %mul3A_240 : i32
        %min3A_242 = arith.constant 9888 : i32
        %min3A_243 = arith.minsi %mul3A_241, %min3A_242 : i32
        %add3A_244 = arith.addi %mul3A_2, %min3A_243 : i32
        %dma_wait3A_245 = tpu.memref_slice %arg7[%add3A_244] : memref<320000xf32, #tpu.memory_space<hbm>> -> memref<112xf32, #tpu.memory_space<hbm>>
        %dma_wait3A_246 = tpu.memref_slice %arg7[%add3A_244] : memref<320000xf32, #tpu.memory_space<hbm>> -> memref<112xf32, #tpu.memory_space<hbm>>
        tpu.wait_dma2 semaphore(%arg16 : memref<!tpu.dma_semaphore, #tpu.memory_space<semaphore_mem>>) src(%arg11 : memref<112xf32, #tpu.memory_space<vmem>>) dst(%dma_wait3A_246 : memref<112xf32, #tpu.memory_space<hbm>>)
      } else {
      }
      %iota3A = tpu.iota {dimensions = array<i32: 0>} : vector<16xi32>
      %scan3A_130 = arith.constant 0 : i32
      %scan3A_131 = arith.constant 0 : i32
      %scan3A_132 = arith.constant 7 : i32
      %scan3A_133 = arith.addi %scan3A_131, %scan3A_132 : i32
      %scan3A_134 = arith.constant 1 : i32
      scf.for %scan3A_239 = %scan3A_131 to %scan3A_133 step %scan3A_134  : i32 {
        %mul3A_240 = arith.constant 16 : i32
        %mul3A_241 = arith.muli %scan3A_239, %mul3A_240 : i32
        %add3A_242 = arith.constant 0 : i32
        %add3A_243 = arith.addi %mul3A_241, %add3A_242 : i32
        %get3A = arith.index_cast %add3A_243 : i32 to index
        %get3A_244 = arith.constant 0 : index
        %get3A_245 = tpu.vector_load %arg10[%get3A, %get3A_244] {strides = array<i32>} : memref<112x128xf32, #tpu.memory_space<vmem>>, vector<16xf32>,
        %abs3A = math.absf %get3A_245 : vector<16xf32>
        %get3A_246 = arith.index_cast %add3A_243 : i32 to index
        %get3A_247 = arith.constant 16 : index
        %get3A_248 = tpu.vector_load %arg10[%get3A_246, %get3A_247] {strides = array<i32>} : memref<112x128xf32, #tpu.memory_space<vmem>>, vector<16xf32>,
        %abs3A_249 = math.absf %get3A_248 : vector<16xf32>
        %get3A_250 = arith.index_cast %add3A_243 : i32 to index
        %get3A_251 = arith.constant 32 : index
        %get3A_252 = tpu.vector_load %arg10[%get3A_250, %get3A_251] {strides = array<i32>} : memref<112x128xf32, #tpu.memory_space<vmem>>, vector<16xf32>,
        %abs3A_253 = math.absf %get3A_252 : vector<16xf32>
        %get3A_254 = arith.index_cast %add3A_243 : i32 to index
        %get3A_255 = arith.constant 48 : index
        %get3A_256 = tpu.vector_load %arg10[%get3A_254, %get3A_255] {strides = array<i32>} : memref<112x128xf32, #tpu.memory_space<vmem>>, vector<16xf32>,
        %abs3A_257 = math.absf %get3A_256 : vector<16xf32>
        %get3A_258 = arith.index_cast %add3A_243 : i32 to index
        %get3A_259 = arith.constant 64 : index
        %get3A_260 = tpu.vector_load %arg10[%get3A_258, %get3A_259] {strides = array<i32>} : memref<112x128xf32, #tpu.memory_space<vmem>>, vector<16xf32>,
        %abs3A_261 = math.absf %get3A_260 : vector<16xf32>
        %get3A_262 = arith.index_cast %add3A_243 : i32 to index
        %get3A_263 = arith.constant 80 : index
        %get3A_264 = tpu.vector_load %arg10[%get3A_262, %get3A_263] {strides = array<i32>} : memref<112x128xf32, #tpu.memory_space<vmem>>, vector<16xf32>,
        %abs3A_265 = math.absf %get3A_264 : vector<16xf32>
        %get3A_266 = arith.index_cast %add3A_243 : i32 to index
        %get3A_267 = arith.constant 96 : index
        %get3A_268 = tpu.vector_load %arg10[%get3A_266, %get3A_267] {strides = array<i32>} : memref<112x128xf32, #tpu.memory_space<vmem>>, vector<16xf32>,
        %abs3A_269 = math.absf %get3A_268 : vector<16xf32>
        %get3A_270 = arith.index_cast %add3A_243 : i32 to index
        %get3A_271 = arith.constant 112 : index
        %get3A_272 = tpu.vector_load %arg10[%get3A_270, %get3A_271] {strides = array<i32>} : memref<112x128xf32, #tpu.memory_space<vmem>>, vector<16xf32>,
        %abs3A_273 = math.absf %get3A_272 : vector<16xf32>
        %add3A_274 = arith.addf %abs3A, %abs3A_249 : vector<16xf32>
        %add3A_275 = arith.addf %abs3A_253, %abs3A_257 : vector<16xf32>
        %add3A_276 = arith.addf %abs3A_261, %abs3A_265 : vector<16xf32>
        %add3A_277 = arith.addf %abs3A_269, %abs3A_273 : vector<16xf32>
        %add3A_278 = arith.addf %add3A_274, %add3A_275 : vector<16xf32>
        %add3A_279 = arith.addf %add3A_276, %add3A_277 : vector<16xf32>
        %add3A_280 = arith.addf %add3A_278, %add3A_279 : vector<16xf32>
        %swap3A = arith.constant 0 : i32
        %swap3A_281 = arith.index_cast %swap3A : i32 to index
        %swap3A_282 = arith.constant 0 : index
        %swap3A_283 = tpu.vector_load %arg35[%swap3A_281, %swap3A_282] {strides = array<i32>} : memref<16x16xf32, #tpu.memory_space<vmem>>, vector<16xf32>,
        tpu.vector_store %arg35[%swap3A_281, %swap3A_282], %add3A_280 {strides = array<i32>} : memref<16x16xf32, #tpu.memory_space<vmem>>, vector<16xf32>,
        %mul3A_284 = arith.constant 16 : i32
        %mul3A_285 = arith.muli %scan3A_239, %mul3A_284 : i32
        %add3A_286 = arith.constant 1 : i32
        %add3A_287 = arith.addi %mul3A_285, %add3A_286 : i32
        %get3A_288 = arith.index_cast %add3A_287 : i32 to index
        %get3A_289 = arith.constant 0 : index
        %get3A_290 = tpu.vector_load %arg10[%get3A_288, %get3A_289] {strides = array<i32>} : memref<112x128xf32, #tpu.memory_space<vmem>>, vector<16xf32>,
        %abs3A_291 = math.absf %get3A_290 : vector<16xf32>
        %get3A_292 = arith.index_cast %add3A_287 : i32 to index
        %get3A_293 = arith.constant 16 : index
        %get3A_294 = tpu.vector_load %arg10[%get3A_292, %get3A_293] {strides = array<i32>} : memref<112x128xf32, #tpu.memory_space<vmem>>, vector<16xf32>,
        %abs3A_295 = math.absf %get3A_294 : vector<16xf32>
        %get3A_296 = arith.index_cast %add3A_287 : i32 to index
        %get3A_297 = arith.constant 32 : index
        %get3A_298 = tpu.vector_load %arg10[%get3A_296, %get3A_297] {strides = array<i32>} : memref<112x128xf32, #tpu.memory_space<vmem>>, vector<16xf32>,
        %abs3A_299 = math.absf %get3A_298 : vector<16xf32>
        %get3A_300 = arith.index_cast %add3A_287 : i32 to index
        %get3A_301 = arith.constant 48 : index
        %get3A_302 = tpu.vector_load %arg10[%get3A_300, %get3A_301] {strides = array<i32>} : memref<112x128xf32, #tpu.memory_space<vmem>>, vector<16xf32>,
        %abs3A_303 = math.absf %get3A_302 : vector<16xf32>
        %get3A_304 = arith.index_cast %add3A_287 : i32 to index
        %get3A_305 = arith.constant 64 : index
        %get3A_306 = tpu.vector_load %arg10[%get3A_304, %get3A_305] {strides = array<i32>} : memref<112x128xf32, #tpu.memory_space<vmem>>, vector<16xf32>,
        %abs3A_307 = math.absf %get3A_306 : vector<16xf32>
        %get3A_308 = arith.index_cast %add3A_287 : i32 to index
        %get3A_309 = arith.constant 80 : index
        %get3A_310 = tpu.vector_load %arg10[%get3A_308, %get3A_309] {strides = array<i32>} : memref<112x128xf32, #tpu.memory_space<vmem>>, vector<16xf32>,
        %abs3A_311 = math.absf %get3A_310 : vector<16xf32>
        %get3A_312 = arith.index_cast %add3A_287 : i32 to index
        %get3A_313 = arith.constant 96 : index
        %get3A_314 = tpu.vector_load %arg10[%get3A_312, %get3A_313] {strides = array<i32>} : memref<112x128xf32, #tpu.memory_space<vmem>>, vector<16xf32>,
        %abs3A_315 = math.absf %get3A_314 : vector<16xf32>
        %get3A_316 = arith.index_cast %add3A_287 : i32 to index
        %get3A_317 = arith.constant 112 : index
        %get3A_318 = tpu.vector_load %arg10[%get3A_316, %get3A_317] {strides = array<i32>} : memref<112x128xf32, #tpu.memory_space<vmem>>, vector<16xf32>,
        %abs3A_319 = math.absf %get3A_318 : vector<16xf32>
        %add3A_320 = arith.addf %abs3A_291, %abs3A_295 : vector<16xf32>
        %add3A_321 = arith.addf %abs3A_299, %abs3A_303 : vector<16xf32>
        %add3A_322 = arith.addf %abs3A_307, %abs3A_311 : vector<16xf32>
        %add3A_323 = arith.addf %abs3A_315, %abs3A_319 : vector<16xf32>
        %add3A_324 = arith.addf %add3A_320, %add3A_321 : vector<16xf32>
        %add3A_325 = arith.addf %add3A_322, %add3A_323 : vector<16xf32>
        %add3A_326 = arith.addf %add3A_324, %add3A_325 : vector<16xf32>
        %swap3A_327 = arith.constant 1 : i32
        %swap3A_328 = arith.index_cast %swap3A_327 : i32 to index
        %swap3A_329 = arith.constant 0 : index
        %swap3A_330 = tpu.vector_load %arg35[%swap3A_328, %swap3A_329] {strides = array<i32>} : memref<16x16xf32, #tpu.memory_space<vmem>>, vector<16xf32>,
        tpu.vector_store %arg35[%swap3A_328, %swap3A_329], %add3A_326 {strides = array<i32>} : memref<16x16xf32, #tpu.memory_space<vmem>>, vector<16xf32>,
        %mul3A_331 = arith.constant 16 : i32
        %mul3A_332 = arith.muli %scan3A_239, %mul3A_331 : i32
        %add3A_333 = arith.constant 2 : i32
        %add3A_334 = arith.addi %mul3A_332, %add3A_333 : i32
        %get3A_335 = arith.index_cast %add3A_334 : i32 to index
        %get3A_336 = arith.constant 0 : index
        %get3A_337 = tpu.vector_load %arg10[%get3A_335, %get3A_336] {strides = array<i32>} : memref<112x128xf32, #tpu.memory_space<vmem>>, vector<16xf32>,
        %abs3A_338 = math.absf %get3A_337 : vector<16xf32>
        %get3A_339 = arith.index_cast %add3A_334 : i32 to index
        %get3A_340 = arith.constant 16 : index
        %get3A_341 = tpu.vector_load %arg10[%get3A_339, %get3A_340] {strides = array<i32>} : memref<112x128xf32, #tpu.memory_space<vmem>>, vector<16xf32>,
        %abs3A_342 = math.absf %get3A_341 : vector<16xf32>
        %get3A_343 = arith.index_cast %add3A_334 : i32 to index
        %get3A_344 = arith.constant 32 : index
        %get3A_345 = tpu.vector_load %arg10[%get3A_343, %get3A_344] {strides = array<i32>} : memref<112x128xf32, #tpu.memory_space<vmem>>, vector<16xf32>,
        %abs3A_346 = math.absf %get3A_345 : vector<16xf32>
        %get3A_347 = arith.index_cast %add3A_334 : i32 to index
        %get3A_348 = arith.constant 48 : index
        %get3A_349 = tpu.vector_load %arg10[%get3A_347, %get3A_348] {strides = array<i32>} : memref<112x128xf32, #tpu.memory_space<vmem>>, vector<16xf32>,
        %abs3A_350 = math.absf %get3A_349 : vector<16xf32>
        %get3A_351 = arith.index_cast %add3A_334 : i32 to index
        %get3A_352 = arith.constant 64 : index
        %get3A_353 = tpu.vector_load %arg10[%get3A_351, %get3A_352] {strides = array<i32>} : memref<112x128xf32, #tpu.memory_space<vmem>>, vector<16xf32>,
        %abs3A_354 = math.absf %get3A_353 : vector<16xf32>
        %get3A_355 = arith.index_cast %add3A_334 : i32 to index
        %get3A_356 = arith.constant 80 : index
        %get3A_357 = tpu.vector_load %arg10[%get3A_355, %get3A_356] {strides = array<i32>} : memref<112x128xf32, #tpu.memory_space<vmem>>, vector<16xf32>,
        %abs3A_358 = math.absf %get3A_357 : vector<16xf32>
        %get3A_359 = arith.index_cast %add3A_334 : i32 to index
        %get3A_360 = arith.constant 96 : index
        %get3A_361 = tpu.vector_load %arg10[%get3A_359, %get3A_360] {strides = array<i32>} : memref<112x128xf32, #tpu.memory_space<vmem>>, vector<16xf32>,
        %abs3A_362 = math.absf %get3A_361 : vector<16xf32>
        %get3A_363 = arith.index_cast %add3A_334 : i32 to index
        %get3A_364 = arith.constant 112 : index
        %get3A_365 = tpu.vector_load %arg10[%get3A_363, %get3A_364] {strides = array<i32>} : memref<112x128xf32, #tpu.memory_space<vmem>>, vector<16xf32>,
        %abs3A_366 = math.absf %get3A_365 : vector<16xf32>
        %add3A_367 = arith.addf %abs3A_338, %abs3A_342 : vector<16xf32>
        %add3A_368 = arith.addf %abs3A_346, %abs3A_350 : vector<16xf32>
        %add3A_369 = arith.addf %abs3A_354, %abs3A_358 : vector<16xf32>
        %add3A_370 = arith.addf %abs3A_362, %abs3A_366 : vector<16xf32>
        %add3A_371 = arith.addf %add3A_367, %add3A_368 : vector<16xf32>
        %add3A_372 = arith.addf %add3A_369, %add3A_370 : vector<16xf32>
        %add3A_373 = arith.addf %add3A_371, %add3A_372 : vector<16xf32>
        %swap3A_374 = arith.constant 2 : i32
        %swap3A_375 = arith.index_cast %swap3A_374 : i32 to index
        %swap3A_376 = arith.constant 0 : index
        %swap3A_377 = tpu.vector_load %arg35[%swap3A_375, %swap3A_376] {strides = array<i32>} : memref<16x16xf32, #tpu.memory_space<vmem>>, vector<16xf32>,
        tpu.vector_store %arg35[%swap3A_375, %swap3A_376], %add3A_373 {strides = array<i32>} : memref<16x16xf32, #tpu.memory_space<vmem>>, vector<16xf32>,
        %mul3A_378 = arith.constant 16 : i32
        %mul3A_379 = arith.muli %scan3A_239, %mul3A_378 : i32
        %add3A_380 = arith.constant 3 : i32
        %add3A_381 = arith.addi %mul3A_379, %add3A_380 : i32
        %get3A_382 = arith.index_cast %add3A_381 : i32 to index
        %get3A_383 = arith.constant 0 : index
        %get3A_384 = tpu.vector_load %arg10[%get3A_382, %get3A_383] {strides = array<i32>} : memref<112x128xf32, #tpu.memory_space<vmem>>, vector<16xf32>,
        %abs3A_385 = math.absf %get3A_384 : vector<16xf32>
        %get3A_386 = arith.index_cast %add3A_381 : i32 to index
        %get3A_387 = arith.constant 16 : index
        %get3A_388 = tpu.vector_load %arg10[%get3A_386, %get3A_387] {strides = array<i32>} : memref<112x128xf32, #tpu.memory_space<vmem>>, vector<16xf32>,
        %abs3A_389 = math.absf %get3A_388 : vector<16xf32>
        %get3A_390 = arith.index_cast %add3A_381 : i32 to index
        %get3A_391 = arith.constant 32 : index
        %get3A_392 = tpu.vector_load %arg10[%get3A_390, %get3A_391] {strides = array<i32>} : memref<112x128xf32, #tpu.memory_space<vmem>>, vector<16xf32>,
        %abs3A_393 = math.absf %get3A_392 : vector<16xf32>
        %get3A_394 = arith.index_cast %add3A_381 : i32 to index
        %get3A_395 = arith.constant 48 : index
        %get3A_396 = tpu.vector_load %arg10[%get3A_394, %get3A_395] {strides = array<i32>} : memref<112x128xf32, #tpu.memory_space<vmem>>, vector<16xf32>,
        %abs3A_397 = math.absf %get3A_396 : vector<16xf32>
        %get3A_398 = arith.index_cast %add3A_381 : i32 to index
        %get3A_399 = arith.constant 64 : index
        %get3A_400 = tpu.vector_load %arg10[%get3A_398, %get3A_399] {strides = array<i32>} : memref<112x128xf32, #tpu.memory_space<vmem>>, vector<16xf32>,
        %abs3A_401 = math.absf %get3A_400 : vector<16xf32>
        %get3A_402 = arith.index_cast %add3A_381 : i32 to index
        %get3A_403 = arith.constant 80 : index
        %get3A_404 = tpu.vector_load %arg10[%get3A_402, %get3A_403] {strides = array<i32>} : memref<112x128xf32, #tpu.memory_space<vmem>>, vector<16xf32>,
        %abs3A_405 = math.absf %get3A_404 : vector<16xf32>
        %get3A_406 = arith.index_cast %add3A_381 : i32 to index
        %get3A_407 = arith.constant 96 : index
        %get3A_408 = tpu.vector_load %arg10[%get3A_406, %get3A_407] {strides = array<i32>} : memref<112x128xf32, #tpu.memory_space<vmem>>, vector<16xf32>,
        %abs3A_409 = math.absf %get3A_408 : vector<16xf32>
        %get3A_410 = arith.index_cast %add3A_381 : i32 to index
        %get3A_411 = arith.constant 112 : index
        %get3A_412 = tpu.vector_load %arg10[%get3A_410, %get3A_411] {strides = array<i32>} : memref<112x128xf32, #tpu.memory_space<vmem>>, vector<16xf32>,
        %abs3A_413 = math.absf %get3A_412 : vector<16xf32>
        %add3A_414 = arith.addf %abs3A_385, %abs3A_389 : vector<16xf32>
        %add3A_415 = arith.addf %abs3A_393, %abs3A_397 : vector<16xf32>
        %add3A_416 = arith.addf %abs3A_401, %abs3A_405 : vector<16xf32>
        %add3A_417 = arith.addf %abs3A_409, %abs3A_413 : vector<16xf32>
        %add3A_418 = arith.addf %add3A_414, %add3A_415 : vector<16xf32>
        %add3A_419 = arith.addf %add3A_416, %add3A_417 : vector<16xf32>
        %add3A_420 = arith.addf %add3A_418, %add3A_419 : vector<16xf32>
        %swap3A_421 = arith.constant 3 : i32
        %swap3A_422 = arith.index_cast %swap3A_421 : i32 to index
        %swap3A_423 = arith.constant 0 : index
        %swap3A_424 = tpu.vector_load %arg35[%swap3A_422, %swap3A_423] {strides = array<i32>} : memref<16x16xf32, #tpu.memory_space<vmem>>, vector<16xf32>,
        tpu.vector_store %arg35[%swap3A_422, %swap3A_423], %add3A_420 {strides = array<i32>} : memref<16x16xf32, #tpu.memory_space<vmem>>, vector<16xf32>,
        %mul3A_425 = arith.constant 16 : i32
        %mul3A_426 = arith.muli %scan3A_239, %mul3A_425 : i32
        %add3A_427 = arith.constant 4 : i32
        %add3A_428 = arith.addi %mul3A_426, %add3A_427 : i32
        %get3A_429 = arith.index_cast %add3A_428 : i32 to index
        %get3A_430 = arith.constant 0 : index
        %get3A_431 = tpu.vector_load %arg10[%get3A_429, %get3A_430] {strides = array<i32>} : memref<112x128xf32, #tpu.memory_space<vmem>>, vector<16xf32>,
        %abs3A_432 = math.absf %get3A_431 : vector<16xf32>
        %get3A_433 = arith.index_cast %add3A_428 : i32 to index
        %get3A_434 = arith.constant 16 : index
        %get3A_435 = tpu.vector_load %arg10[%get3A_433, %get3A_434] {strides = array<i32>} : memref<112x128xf32, #tpu.memory_space<vmem>>, vector<16xf32>,
        %abs3A_436 = math.absf %get3A_435 : vector<16xf32>
        %get3A_437 = arith.index_cast %add3A_428 : i32 to index
        %get3A_438 = arith.constant 32 : index
        %get3A_439 = tpu.vector_load %arg10[%get3A_437, %get3A_438] {strides = array<i32>} : memref<112x128xf32, #tpu.memory_space<vmem>>, vector<16xf32>,
        %abs3A_440 = math.absf %get3A_439 : vector<16xf32>
        %get3A_441 = arith.index_cast %add3A_428 : i32 to index
        %get3A_442 = arith.constant 48 : index
        %get3A_443 = tpu.vector_load %arg10[%get3A_441, %get3A_442] {strides = array<i32>} : memref<112x128xf32, #tpu.memory_space<vmem>>, vector<16xf32>,
        %abs3A_444 = math.absf %get3A_443 : vector<16xf32>
        %get3A_445 = arith.index_cast %add3A_428 : i32 to index
        %get3A_446 = arith.constant 64 : index
        %get3A_447 = tpu.vector_load %arg10[%get3A_445, %get3A_446] {strides = array<i32>} : memref<112x128xf32, #tpu.memory_space<vmem>>, vector<16xf32>,
        %abs3A_448 = math.absf %get3A_447 : vector<16xf32>
        %get3A_449 = arith.index_cast %add3A_428 : i32 to index
        %get3A_450 = arith.constant 80 : index
        %get3A_451 = tpu.vector_load %arg10[%get3A_449, %get3A_450] {strides = array<i32>} : memref<112x128xf32, #tpu.memory_space<vmem>>, vector<16xf32>,
        %abs3A_452 = math.absf %get3A_451 : vector<16xf32>
        %get3A_453 = arith.index_cast %add3A_428 : i32 to index
        %get3A_454 = arith.constant 96 : index
        %get3A_455 = tpu.vector_load %arg10[%get3A_453, %get3A_454] {strides = array<i32>} : memref<112x128xf32, #tpu.memory_space<vmem>>, vector<16xf32>,
        %abs3A_456 = math.absf %get3A_455 : vector<16xf32>
        %get3A_457 = arith.index_cast %add3A_428 : i32 to index
        %get3A_458 = arith.constant 112 : index
        %get3A_459 = tpu.vector_load %arg10[%get3A_457, %get3A_458] {strides = array<i32>} : memref<112x128xf32, #tpu.memory_space<vmem>>, vector<16xf32>,
        %abs3A_460 = math.absf %get3A_459 : vector<16xf32>
        %add3A_461 = arith.addf %abs3A_432, %abs3A_436 : vector<16xf32>
        %add3A_462 = arith.addf %abs3A_440, %abs3A_444 : vector<16xf32>
        %add3A_463 = arith.addf %abs3A_448, %abs3A_452 : vector<16xf32>
        %add3A_464 = arith.addf %abs3A_456, %abs3A_460 : vector<16xf32>
        %add3A_465 = arith.addf %add3A_461, %add3A_462 : vector<16xf32>
        %add3A_466 = arith.addf %add3A_463, %add3A_464 : vector<16xf32>
        %add3A_467 = arith.addf %add3A_465, %add3A_466 : vector<16xf32>
        %swap3A_468 = arith.constant 4 : i32
        %swap3A_469 = arith.index_cast %swap3A_468 : i32 to index
        %swap3A_470 = arith.constant 0 : index
        %swap3A_471 = tpu.vector_load %arg35[%swap3A_469, %swap3A_470] {strides = array<i32>} : memref<16x16xf32, #tpu.memory_space<vmem>>, vector<16xf32>,
        tpu.vector_store %arg35[%swap3A_469, %swap3A_470], %add3A_467 {strides = array<i32>} : memref<16x16xf32, #tpu.memory_space<vmem>>, vector<16xf32>,
        %mul3A_472 = arith.constant 16 : i32
        %mul3A_473 = arith.muli %scan3A_239, %mul3A_472 : i32
        %add3A_474 = arith.constant 5 : i32
        %add3A_475 = arith.addi %mul3A_473, %add3A_474 : i32
        %get3A_476 = arith.index_cast %add3A_475 : i32 to index
        %get3A_477 = arith.constant 0 : index
        %get3A_478 = tpu.vector_load %arg10[%get3A_476, %get3A_477] {strides = array<i32>} : memref<112x128xf32, #tpu.memory_space<vmem>>, vector<16xf32>,
        %abs3A_479 = math.absf %get3A_478 : vector<16xf32>
        %get3A_480 = arith.index_cast %add3A_475 : i32 to index
        %get3A_481 = arith.constant 16 : index
        %get3A_482 = tpu.vector_load %arg10[%get3A_480, %get3A_481] {strides = array<i32>} : memref<112x128xf32, #tpu.memory_space<vmem>>, vector<16xf32>,
        %abs3A_483 = math.absf %get3A_482 : vector<16xf32>
        %get3A_484 = arith.index_cast %add3A_475 : i32 to index
        %get3A_485 = arith.constant 32 : index
        %get3A_486 = tpu.vector_load %arg10[%get3A_484, %get3A_485] {strides = array<i32>} : memref<112x128xf32, #tpu.memory_space<vmem>>, vector<16xf32>,
        %abs3A_487 = math.absf %get3A_486 : vector<16xf32>
        %get3A_488 = arith.index_cast %add3A_475 : i32 to index
        %get3A_489 = arith.constant 48 : index
        %get3A_490 = tpu.vector_load %arg10[%get3A_488, %get3A_489] {strides = array<i32>} : memref<112x128xf32, #tpu.memory_space<vmem>>, vector<16xf32>,
        %abs3A_491 = math.absf %get3A_490 : vector<16xf32>
        %get3A_492 = arith.index_cast %add3A_475 : i32 to index
        %get3A_493 = arith.constant 64 : index
        %get3A_494 = tpu.vector_load %arg10[%get3A_492, %get3A_493] {strides = array<i32>} : memref<112x128xf32, #tpu.memory_space<vmem>>, vector<16xf32>,
        %abs3A_495 = math.absf %get3A_494 : vector<16xf32>
        %get3A_496 = arith.index_cast %add3A_475 : i32 to index
        %get3A_497 = arith.constant 80 : index
        %get3A_498 = tpu.vector_load %arg10[%get3A_496, %get3A_497] {strides = array<i32>} : memref<112x128xf32, #tpu.memory_space<vmem>>, vector<16xf32>,
        %abs3A_499 = math.absf %get3A_498 : vector<16xf32>
        %get3A_500 = arith.index_cast %add3A_475 : i32 to index
        %get3A_501 = arith.constant 96 : index
        %get3A_502 = tpu.vector_load %arg10[%get3A_500, %get3A_501] {strides = array<i32>} : memref<112x128xf32, #tpu.memory_space<vmem>>, vector<16xf32>,
        %abs3A_503 = math.absf %get3A_502 : vector<16xf32>
        %get3A_504 = arith.index_cast %add3A_475 : i32 to index
        %get3A_505 = arith.constant 112 : index
        %get3A_506 = tpu.vector_load %arg10[%get3A_504, %get3A_505] {strides = array<i32>} : memref<112x128xf32, #tpu.memory_space<vmem>>, vector<16xf32>,
        %abs3A_507 = math.absf %get3A_506 : vector<16xf32>
        %add3A_508 = arith.addf %abs3A_479, %abs3A_483 : vector<16xf32>
        %add3A_509 = arith.addf %abs3A_487, %abs3A_491 : vector<16xf32>
        %add3A_510 = arith.addf %abs3A_495, %abs3A_499 : vector<16xf32>
        %add3A_511 = arith.addf %abs3A_503, %abs3A_507 : vector<16xf32>
        %add3A_512 = arith.addf %add3A_508, %add3A_509 : vector<16xf32>
        %add3A_513 = arith.addf %add3A_510, %add3A_511 : vector<16xf32>
        %add3A_514 = arith.addf %add3A_512, %add3A_513 : vector<16xf32>
        %swap3A_515 = arith.constant 5 : i32
        %swap3A_516 = arith.index_cast %swap3A_515 : i32 to index
        %swap3A_517 = arith.constant 0 : index
        %swap3A_518 = tpu.vector_load %arg35[%swap3A_516, %swap3A_517] {strides = array<i32>} : memref<16x16xf32, #tpu.memory_space<vmem>>, vector<16xf32>,
        tpu.vector_store %arg35[%swap3A_516, %swap3A_517], %add3A_514 {strides = array<i32>} : memref<16x16xf32, #tpu.memory_space<vmem>>, vector<16xf32>,
        %mul3A_519 = arith.constant 16 : i32
        %mul3A_520 = arith.muli %scan3A_239, %mul3A_519 : i32
        %add3A_521 = arith.constant 6 : i32
        %add3A_522 = arith.addi %mul3A_520, %add3A_521 : i32
        %get3A_523 = arith.index_cast %add3A_522 : i32 to index
        %get3A_524 = arith.constant 0 : index
        %get3A_525 = tpu.vector_load %arg10[%get3A_523, %get3A_524] {strides = array<i32>} : memref<112x128xf32, #tpu.memory_space<vmem>>, vector<16xf32>,
        %abs3A_526 = math.absf %get3A_525 : vector<16xf32>
        %get3A_527 = arith.index_cast %add3A_522 : i32 to index
        %get3A_528 = arith.constant 16 : index
        %get3A_529 = tpu.vector_load %arg10[%get3A_527, %get3A_528] {strides = array<i32>} : memref<112x128xf32, #tpu.memory_space<vmem>>, vector<16xf32>,
        %abs3A_530 = math.absf %get3A_529 : vector<16xf32>
        %get3A_531 = arith.index_cast %add3A_522 : i32 to index
        %get3A_532 = arith.constant 32 : index
        %get3A_533 = tpu.vector_load %arg10[%get3A_531, %get3A_532] {strides = array<i32>} : memref<112x128xf32, #tpu.memory_space<vmem>>, vector<16xf32>,
        %abs3A_534 = math.absf %get3A_533 : vector<16xf32>
        %get3A_535 = arith.index_cast %add3A_522 : i32 to index
        %get3A_536 = arith.constant 48 : index
        %get3A_537 = tpu.vector_load %arg10[%get3A_535, %get3A_536] {strides = array<i32>} : memref<112x128xf32, #tpu.memory_space<vmem>>, vector<16xf32>,
        %abs3A_538 = math.absf %get3A_537 : vector<16xf32>
        %get3A_539 = arith.index_cast %add3A_522 : i32 to index
        %get3A_540 = arith.constant 64 : index
        %get3A_541 = tpu.vector_load %arg10[%get3A_539, %get3A_540] {strides = array<i32>} : memref<112x128xf32, #tpu.memory_space<vmem>>, vector<16xf32>,
        %abs3A_542 = math.absf %get3A_541 : vector<16xf32>
        %get3A_543 = arith.index_cast %add3A_522 : i32 to index
        %get3A_544 = arith.constant 80 : index
        %get3A_545 = tpu.vector_load %arg10[%get3A_543, %get3A_544] {strides = array<i32>} : memref<112x128xf32, #tpu.memory_space<vmem>>, vector<16xf32>,
        %abs3A_546 = math.absf %get3A_545 : vector<16xf32>
        %get3A_547 = arith.index_cast %add3A_522 : i32 to index
        %get3A_548 = arith.constant 96 : index
        %get3A_549 = tpu.vector_load %arg10[%get3A_547, %get3A_548] {strides = array<i32>} : memref<112x128xf32, #tpu.memory_space<vmem>>, vector<16xf32>,
        %abs3A_550 = math.absf %get3A_549 : vector<16xf32>
        %get3A_551 = arith.index_cast %add3A_522 : i32 to index
        %get3A_552 = arith.constant 112 : index
        %get3A_553 = tpu.vector_load %arg10[%get3A_551, %get3A_552] {strides = array<i32>} : memref<112x128xf32, #tpu.memory_space<vmem>>, vector<16xf32>,
        %abs3A_554 = math.absf %get3A_553 : vector<16xf32>
        %add3A_555 = arith.addf %abs3A_526, %abs3A_530 : vector<16xf32>
        %add3A_556 = arith.addf %abs3A_534, %abs3A_538 : vector<16xf32>
        %add3A_557 = arith.addf %abs3A_542, %abs3A_546 : vector<16xf32>
        %add3A_558 = arith.addf %abs3A_550, %abs3A_554 : vector<16xf32>
        %add3A_559 = arith.addf %add3A_555, %add3A_556 : vector<16xf32>
        %add3A_560 = arith.addf %add3A_557, %add3A_558 : vector<16xf32>
        %add3A_561 = arith.addf %add3A_559, %add3A_560 : vector<16xf32>
        %swap3A_562 = arith.constant 6 : i32
        %swap3A_563 = arith.index_cast %swap3A_562 : i32 to index
        %swap3A_564 = arith.constant 0 : index
        %swap3A_565 = tpu.vector_load %arg35[%swap3A_563, %swap3A_564] {strides = array<i32>} : memref<16x16xf32, #tpu.memory_space<vmem>>, vector<16xf32>,
        tpu.vector_store %arg35[%swap3A_563, %swap3A_564], %add3A_561 {strides = array<i32>} : memref<16x16xf32, #tpu.memory_space<vmem>>, vector<16xf32>,
        %mul3A_566 = arith.constant 16 : i32
        %mul3A_567 = arith.muli %scan3A_239, %mul3A_566 : i32
        %add3A_568 = arith.constant 7 : i32
        %add3A_569 = arith.addi %mul3A_567, %add3A_568 : i32
        %get3A_570 = arith.index_cast %add3A_569 : i32 to index
        %get3A_571 = arith.constant 0 : index
        %get3A_572 = tpu.vector_load %arg10[%get3A_570, %get3A_571] {strides = array<i32>} : memref<112x128xf32, #tpu.memory_space<vmem>>, vector<16xf32>,
        %abs3A_573 = math.absf %get3A_572 : vector<16xf32>
        %get3A_574 = arith.index_cast %add3A_569 : i32 to index
        %get3A_575 = arith.constant 16 : index
        %get3A_576 = tpu.vector_load %arg10[%get3A_574, %get3A_575] {strides = array<i32>} : memref<112x128xf32, #tpu.memory_space<vmem>>, vector<16xf32>,
        %abs3A_577 = math.absf %get3A_576 : vector<16xf32>
        %get3A_578 = arith.index_cast %add3A_569 : i32 to index
        %get3A_579 = arith.constant 32 : index
        %get3A_580 = tpu.vector_load %arg10[%get3A_578, %get3A_579] {strides = array<i32>} : memref<112x128xf32, #tpu.memory_space<vmem>>, vector<16xf32>,
        %abs3A_581 = math.absf %get3A_580 : vector<16xf32>
        %get3A_582 = arith.index_cast %add3A_569 : i32 to index
        %get3A_583 = arith.constant 48 : index
        %get3A_584 = tpu.vector_load %arg10[%get3A_582, %get3A_583] {strides = array<i32>} : memref<112x128xf32, #tpu.memory_space<vmem>>, vector<16xf32>,
        %abs3A_585 = math.absf %get3A_584 : vector<16xf32>
        %get3A_586 = arith.index_cast %add3A_569 : i32 to index
        %get3A_587 = arith.constant 64 : index
        %get3A_588 = tpu.vector_load %arg10[%get3A_586, %get3A_587] {strides = array<i32>} : memref<112x128xf32, #tpu.memory_space<vmem>>, vector<16xf32>,
        %abs3A_589 = math.absf %get3A_588 : vector<16xf32>
        %get3A_590 = arith.index_cast %add3A_569 : i32 to index
        %get3A_591 = arith.constant 80 : index
        %get3A_592 = tpu.vector_load %arg10[%get3A_590, %get3A_591] {strides = array<i32>} : memref<112x128xf32, #tpu.memory_space<vmem>>, vector<16xf32>,
        %abs3A_593 = math.absf %get3A_592 : vector<16xf32>
        %get3A_594 = arith.index_cast %add3A_569 : i32 to index
        %get3A_595 = arith.constant 96 : index
        %get3A_596 = tpu.vector_load %arg10[%get3A_594, %get3A_595] {strides = array<i32>} : memref<112x128xf32, #tpu.memory_space<vmem>>, vector<16xf32>,
        %abs3A_597 = math.absf %get3A_596 : vector<16xf32>
        %get3A_598 = arith.index_cast %add3A_569 : i32 to index
        %get3A_599 = arith.constant 112 : index
        %get3A_600 = tpu.vector_load %arg10[%get3A_598, %get3A_599] {strides = array<i32>} : memref<112x128xf32, #tpu.memory_space<vmem>>, vector<16xf32>,
        %abs3A_601 = math.absf %get3A_600 : vector<16xf32>
        %add3A_602 = arith.addf %abs3A_573, %abs3A_577 : vector<16xf32>
        %add3A_603 = arith.addf %abs3A_581, %abs3A_585 : vector<16xf32>
        %add3A_604 = arith.addf %abs3A_589, %abs3A_593 : vector<16xf32>
        %add3A_605 = arith.addf %abs3A_597, %abs3A_601 : vector<16xf32>
        %add3A_606 = arith.addf %add3A_602, %add3A_603 : vector<16xf32>
        %add3A_607 = arith.addf %add3A_604, %add3A_605 : vector<16xf32>
        %add3A_608 = arith.addf %add3A_606, %add3A_607 : vector<16xf32>
        %swap3A_609 = arith.constant 7 : i32
        %swap3A_610 = arith.index_cast %swap3A_609 : i32 to index
        %swap3A_611 = arith.constant 0 : index
        %swap3A_612 = tpu.vector_load %arg35[%swap3A_610, %swap3A_611] {strides = array<i32>} : memref<16x16xf32, #tpu.memory_space<vmem>>, vector<16xf32>,
        tpu.vector_store %arg35[%swap3A_610, %swap3A_611], %add3A_608 {strides = array<i32>} : memref<16x16xf32, #tpu.memory_space<vmem>>, vector<16xf32>,
        %mul3A_613 = arith.constant 16 : i32
        %mul3A_614 = arith.muli %scan3A_239, %mul3A_613 : i32
        %add3A_615 = arith.constant 8 : i32
        %add3A_616 = arith.addi %mul3A_614, %add3A_615 : i32
        %get3A_617 = arith.index_cast %add3A_616 : i32 to index
        %get3A_618 = arith.constant 0 : index
        %get3A_619 = tpu.vector_load %arg10[%get3A_617, %get3A_618] {strides = array<i32>} : memref<112x128xf32, #tpu.memory_space<vmem>>, vector<16xf32>,
        %abs3A_620 = math.absf %get3A_619 : vector<16xf32>
        %get3A_621 = arith.index_cast %add3A_616 : i32 to index
        %get3A_622 = arith.constant 16 : index
        %get3A_623 = tpu.vector_load %arg10[%get3A_621, %get3A_622] {strides = array<i32>} : memref<112x128xf32, #tpu.memory_space<vmem>>, vector<16xf32>,
        %abs3A_624 = math.absf %get3A_623 : vector<16xf32>
        %get3A_625 = arith.index_cast %add3A_616 : i32 to index
        %get3A_626 = arith.constant 32 : index
        %get3A_627 = tpu.vector_load %arg10[%get3A_625, %get3A_626] {strides = array<i32>} : memref<112x128xf32, #tpu.memory_space<vmem>>, vector<16xf32>,
        %abs3A_628 = math.absf %get3A_627 : vector<16xf32>
        %get3A_629 = arith.index_cast %add3A_616 : i32 to index
        %get3A_630 = arith.constant 48 : index
        %get3A_631 = tpu.vector_load %arg10[%get3A_629, %get3A_630] {strides = array<i32>} : memref<112x128xf32, #tpu.memory_space<vmem>>, vector<16xf32>,
        %abs3A_632 = math.absf %get3A_631 : vector<16xf32>
        %get3A_633 = arith.index_cast %add3A_616 : i32 to index
        %get3A_634 = arith.constant 64 : index
        %get3A_635 = tpu.vector_load %arg10[%get3A_633, %get3A_634] {strides = array<i32>} : memref<112x128xf32, #tpu.memory_space<vmem>>, vector<16xf32>,
        %abs3A_636 = math.absf %get3A_635 : vector<16xf32>
        %get3A_637 = arith.index_cast %add3A_616 : i32 to index
        %get3A_638 = arith.constant 80 : index
        %get3A_639 = tpu.vector_load %arg10[%get3A_637, %get3A_638] {strides = array<i32>} : memref<112x128xf32, #tpu.memory_space<vmem>>, vector<16xf32>,
        %abs3A_640 = math.absf %get3A_639 : vector<16xf32>
        %get3A_641 = arith.index_cast %add3A_616 : i32 to index
        %get3A_642 = arith.constant 96 : index
        %get3A_643 = tpu.vector_load %arg10[%get3A_641, %get3A_642] {strides = array<i32>} : memref<112x128xf32, #tpu.memory_space<vmem>>, vector<16xf32>,
        %abs3A_644 = math.absf %get3A_643 : vector<16xf32>
        %get3A_645 = arith.index_cast %add3A_616 : i32 to index
        %get3A_646 = arith.constant 112 : index
        %get3A_647 = tpu.vector_load %arg10[%get3A_645, %get3A_646] {strides = array<i32>} : memref<112x128xf32, #tpu.memory_space<vmem>>, vector<16xf32>,
        %abs3A_648 = math.absf %get3A_647 : vector<16xf32>
        %add3A_649 = arith.addf %abs3A_620, %abs3A_624 : vector<16xf32>
        %add3A_650 = arith.addf %abs3A_628, %abs3A_632 : vector<16xf32>
        %add3A_651 = arith.addf %abs3A_636, %abs3A_640 : vector<16xf32>
        %add3A_652 = arith.addf %abs3A_644, %abs3A_648 : vector<16xf32>
        %add3A_653 = arith.addf %add3A_649, %add3A_650 : vector<16xf32>
        %add3A_654 = arith.addf %add3A_651, %add3A_652 : vector<16xf32>
        %add3A_655 = arith.addf %add3A_653, %add3A_654 : vector<16xf32>
        %swap3A_656 = arith.constant 8 : i32
        %swap3A_657 = arith.index_cast %swap3A_656 : i32 to index
        %swap3A_658 = arith.constant 0 : index
        %swap3A_659 = tpu.vector_load %arg35[%swap3A_657, %swap3A_658] {strides = array<i32>} : memref<16x16xf32, #tpu.memory_space<vmem>>, vector<16xf32>,
        tpu.vector_store %arg35[%swap3A_657, %swap3A_658], %add3A_655 {strides = array<i32>} : memref<16x16xf32, #tpu.memory_space<vmem>>, vector<16xf32>,
        %mul3A_660 = arith.constant 16 : i32
        %mul3A_661 = arith.muli %scan3A_239, %mul3A_660 : i32
        %add3A_662 = arith.constant 9 : i32
        %add3A_663 = arith.addi %mul3A_661, %add3A_662 : i32
        %get3A_664 = arith.index_cast %add3A_663 : i32 to index
        %get3A_665 = arith.constant 0 : index
        %get3A_666 = tpu.vector_load %arg10[%get3A_664, %get3A_665] {strides = array<i32>} : memref<112x128xf32, #tpu.memory_space<vmem>>, vector<16xf32>,
        %abs3A_667 = math.absf %get3A_666 : vector<16xf32>
        %get3A_668 = arith.index_cast %add3A_663 : i32 to index
        %get3A_669 = arith.constant 16 : index
        %get3A_670 = tpu.vector_load %arg10[%get3A_668, %get3A_669] {strides = array<i32>} : memref<112x128xf32, #tpu.memory_space<vmem>>, vector<16xf32>,
        %abs3A_671 = math.absf %get3A_670 : vector<16xf32>
        %get3A_672 = arith.index_cast %add3A_663 : i32 to index
        %get3A_673 = arith.constant 32 : index
        %get3A_674 = tpu.vector_load %arg10[%get3A_672, %get3A_673] {strides = array<i32>} : memref<112x128xf32, #tpu.memory_space<vmem>>, vector<16xf32>,
        %abs3A_675 = math.absf %get3A_674 : vector<16xf32>
        %get3A_676 = arith.index_cast %add3A_663 : i32 to index
        %get3A_677 = arith.constant 48 : index
        %get3A_678 = tpu.vector_load %arg10[%get3A_676, %get3A_677] {strides = array<i32>} : memref<112x128xf32, #tpu.memory_space<vmem>>, vector<16xf32>,
        %abs3A_679 = math.absf %get3A_678 : vector<16xf32>
        %get3A_680 = arith.index_cast %add3A_663 : i32 to index
        %get3A_681 = arith.constant 64 : index
        %get3A_682 = tpu.vector_load %arg10[%get3A_680, %get3A_681] {strides = array<i32>} : memref<112x128xf32, #tpu.memory_space<vmem>>, vector<16xf32>,
        %abs3A_683 = math.absf %get3A_682 : vector<16xf32>
        %get3A_684 = arith.index_cast %add3A_663 : i32 to index
        %get3A_685 = arith.constant 80 : index
        %get3A_686 = tpu.vector_load %arg10[%get3A_684, %get3A_685] {strides = array<i32>} : memref<112x128xf32, #tpu.memory_space<vmem>>, vector<16xf32>,
        %abs3A_687 = math.absf %get3A_686 : vector<16xf32>
        %get3A_688 = arith.index_cast %add3A_663 : i32 to index
        %get3A_689 = arith.constant 96 : index
        %get3A_690 = tpu.vector_load %arg10[%get3A_688, %get3A_689] {strides = array<i32>} : memref<112x128xf32, #tpu.memory_space<vmem>>, vector<16xf32>,
        %abs3A_691 = math.absf %get3A_690 : vector<16xf32>
        %get3A_692 = arith.index_cast %add3A_663 : i32 to index
        %get3A_693 = arith.constant 112 : index
        %get3A_694 = tpu.vector_load %arg10[%get3A_692, %get3A_693] {strides = array<i32>} : memref<112x128xf32, #tpu.memory_space<vmem>>, vector<16xf32>,
        %abs3A_695 = math.absf %get3A_694 : vector<16xf32>
        %add3A_696 = arith.addf %abs3A_667, %abs3A_671 : vector<16xf32>
        %add3A_697 = arith.addf %abs3A_675, %abs3A_679 : vector<16xf32>
        %add3A_698 = arith.addf %abs3A_683, %abs3A_687 : vector<16xf32>
        %add3A_699 = arith.addf %abs3A_691, %abs3A_695 : vector<16xf32>
        %add3A_700 = arith.addf %add3A_696, %add3A_697 : vector<16xf32>
        %add3A_701 = arith.addf %add3A_698, %add3A_699 : vector<16xf32>
        %add3A_702 = arith.addf %add3A_700, %add3A_701 : vector<16xf32>
        %swap3A_703 = arith.constant 9 : i32
        %swap3A_704 = arith.index_cast %swap3A_703 : i32 to index
        %swap3A_705 = arith.constant 0 : index
        %swap3A_706 = tpu.vector_load %arg35[%swap3A_704, %swap3A_705] {strides = array<i32>} : memref<16x16xf32, #tpu.memory_space<vmem>>, vector<16xf32>,
        tpu.vector_store %arg35[%swap3A_704, %swap3A_705], %add3A_702 {strides = array<i32>} : memref<16x16xf32, #tpu.memory_space<vmem>>, vector<16xf32>,
        %mul3A_707 = arith.constant 16 : i32
        %mul3A_708 = arith.muli %scan3A_239, %mul3A_707 : i32
        %add3A_709 = arith.constant 10 : i32
        %add3A_710 = arith.addi %mul3A_708, %add3A_709 : i32
        %get3A_711 = arith.index_cast %add3A_710 : i32 to index
        %get3A_712 = arith.constant 0 : index
        %get3A_713 = tpu.vector_load %arg10[%get3A_711, %get3A_712] {strides = array<i32>} : memref<112x128xf32, #tpu.memory_space<vmem>>, vector<16xf32>,
        %abs3A_714 = math.absf %get3A_713 : vector<16xf32>
        %get3A_715 = arith.index_cast %add3A_710 : i32 to index
        %get3A_716 = arith.constant 16 : index
        %get3A_717 = tpu.vector_load %arg10[%get3A_715, %get3A_716] {strides = array<i32>} : memref<112x128xf32, #tpu.memory_space<vmem>>, vector<16xf32>,
        %abs3A_718 = math.absf %get3A_717 : vector<16xf32>
        %get3A_719 = arith.index_cast %add3A_710 : i32 to index
        %get3A_720 = arith.constant 32 : index
        %get3A_721 = tpu.vector_load %arg10[%get3A_719, %get3A_720] {strides = array<i32>} : memref<112x128xf32, #tpu.memory_space<vmem>>, vector<16xf32>,
        %abs3A_722 = math.absf %get3A_721 : vector<16xf32>
        %get3A_723 = arith.index_cast %add3A_710 : i32 to index
        %get3A_724 = arith.constant 48 : index
        %get3A_725 = tpu.vector_load %arg10[%get3A_723, %get3A_724] {strides = array<i32>} : memref<112x128xf32, #tpu.memory_space<vmem>>, vector<16xf32>,
        %abs3A_726 = math.absf %get3A_725 : vector<16xf32>
        %get3A_727 = arith.index_cast %add3A_710 : i32 to index
        %get3A_728 = arith.constant 64 : index
        %get3A_729 = tpu.vector_load %arg10[%get3A_727, %get3A_728] {strides = array<i32>} : memref<112x128xf32, #tpu.memory_space<vmem>>, vector<16xf32>,
        %abs3A_730 = math.absf %get3A_729 : vector<16xf32>
        %get3A_731 = arith.index_cast %add3A_710 : i32 to index
        %get3A_732 = arith.constant 80 : index
        %get3A_733 = tpu.vector_load %arg10[%get3A_731, %get3A_732] {strides = array<i32>} : memref<112x128xf32, #tpu.memory_space<vmem>>, vector<16xf32>,
        %abs3A_734 = math.absf %get3A_733 : vector<16xf32>
        %get3A_735 = arith.index_cast %add3A_710 : i32 to index
        %get3A_736 = arith.constant 96 : index
        %get3A_737 = tpu.vector_load %arg10[%get3A_735, %get3A_736] {strides = array<i32>} : memref<112x128xf32, #tpu.memory_space<vmem>>, vector<16xf32>,
        %abs3A_738 = math.absf %get3A_737 : vector<16xf32>
        %get3A_739 = arith.index_cast %add3A_710 : i32 to index
        %get3A_740 = arith.constant 112 : index
        %get3A_741 = tpu.vector_load %arg10[%get3A_739, %get3A_740] {strides = array<i32>} : memref<112x128xf32, #tpu.memory_space<vmem>>, vector<16xf32>,
        %abs3A_742 = math.absf %get3A_741 : vector<16xf32>
        %add3A_743 = arith.addf %abs3A_714, %abs3A_718 : vector<16xf32>
        %add3A_744 = arith.addf %abs3A_722, %abs3A_726 : vector<16xf32>
        %add3A_745 = arith.addf %abs3A_730, %abs3A_734 : vector<16xf32>
        %add3A_746 = arith.addf %abs3A_738, %abs3A_742 : vector<16xf32>
        %add3A_747 = arith.addf %add3A_743, %add3A_744 : vector<16xf32>
        %add3A_748 = arith.addf %add3A_745, %add3A_746 : vector<16xf32>
        %add3A_749 = arith.addf %add3A_747, %add3A_748 : vector<16xf32>
        %swap3A_750 = arith.constant 10 : i32
        %swap3A_751 = arith.index_cast %swap3A_750 : i32 to index
        %swap3A_752 = arith.constant 0 : index
        %swap3A_753 = tpu.vector_load %arg35[%swap3A_751, %swap3A_752] {strides = array<i32>} : memref<16x16xf32, #tpu.memory_space<vmem>>, vector<16xf32>,
        tpu.vector_store %arg35[%swap3A_751, %swap3A_752], %add3A_749 {strides = array<i32>} : memref<16x16xf32, #tpu.memory_space<vmem>>, vector<16xf32>,
        %mul3A_754 = arith.constant 16 : i32
        %mul3A_755 = arith.muli %scan3A_239, %mul3A_754 : i32
        %add3A_756 = arith.constant 11 : i32
        %add3A_757 = arith.addi %mul3A_755, %add3A_756 : i32
        %get3A_758 = arith.index_cast %add3A_757 : i32 to index
        %get3A_759 = arith.constant 0 : index
        %get3A_760 = tpu.vector_load %arg10[%get3A_758, %get3A_759] {strides = array<i32>} : memref<112x128xf32, #tpu.memory_space<vmem>>, vector<16xf32>,
        %abs3A_761 = math.absf %get3A_760 : vector<16xf32>
        %get3A_762 = arith.index_cast %add3A_757 : i32 to index
        %get3A_763 = arith.constant 16 : index
        %get3A_764 = tpu.vector_load %arg10[%get3A_762, %get3A_763] {strides = array<i32>} : memref<112x128xf32, #tpu.memory_space<vmem>>, vector<16xf32>,
        %abs3A_765 = math.absf %get3A_764 : vector<16xf32>
        %get3A_766 = arith.index_cast %add3A_757 : i32 to index
        %get3A_767 = arith.constant 32 : index
        %get3A_768 = tpu.vector_load %arg10[%get3A_766, %get3A_767] {strides = array<i32>} : memref<112x128xf32, #tpu.memory_space<vmem>>, vector<16xf32>,
        %abs3A_769 = math.absf %get3A_768 : vector<16xf32>
        %get3A_770 = arith.index_cast %add3A_757 : i32 to index
        %get3A_771 = arith.constant 48 : index
        %get3A_772 = tpu.vector_load %arg10[%get3A_770, %get3A_771] {strides = array<i32>} : memref<112x128xf32, #tpu.memory_space<vmem>>, vector<16xf32>,
        %abs3A_773 = math.absf %get3A_772 : vector<16xf32>
        %get3A_774 = arith.index_cast %add3A_757 : i32 to index
        %get3A_775 = arith.constant 64 : index
        %get3A_776 = tpu.vector_load %arg10[%get3A_774, %get3A_775] {strides = array<i32>} : memref<112x128xf32, #tpu.memory_space<vmem>>, vector<16xf32>,
        %abs3A_777 = math.absf %get3A_776 : vector<16xf32>
        %get3A_778 = arith.index_cast %add3A_757 : i32 to index
        %get3A_779 = arith.constant 80 : index
        %get3A_780 = tpu.vector_load %arg10[%get3A_778, %get3A_779] {strides = array<i32>} : memref<112x128xf32, #tpu.memory_space<vmem>>, vector<16xf32>,
        %abs3A_781 = math.absf %get3A_780 : vector<16xf32>
        %get3A_782 = arith.index_cast %add3A_757 : i32 to index
        %get3A_783 = arith.constant 96 : index
        %get3A_784 = tpu.vector_load %arg10[%get3A_782, %get3A_783] {strides = array<i32>} : memref<112x128xf32, #tpu.memory_space<vmem>>, vector<16xf32>,
        %abs3A_785 = math.absf %get3A_784 : vector<16xf32>
        %get3A_786 = arith.index_cast %add3A_757 : i32 to index
        %get3A_787 = arith.constant 112 : index
        %get3A_788 = tpu.vector_load %arg10[%get3A_786, %get3A_787] {strides = array<i32>} : memref<112x128xf32, #tpu.memory_space<vmem>>, vector<16xf32>,
        %abs3A_789 = math.absf %get3A_788 : vector<16xf32>
        %add3A_790 = arith.addf %abs3A_761, %abs3A_765 : vector<16xf32>
        %add3A_791 = arith.addf %abs3A_769, %abs3A_773 : vector<16xf32>
        %add3A_792 = arith.addf %abs3A_777, %abs3A_781 : vector<16xf32>
        %add3A_793 = arith.addf %abs3A_785, %abs3A_789 : vector<16xf32>
        %add3A_794 = arith.addf %add3A_790, %add3A_791 : vector<16xf32>
        %add3A_795 = arith.addf %add3A_792, %add3A_793 : vector<16xf32>
        %add3A_796 = arith.addf %add3A_794, %add3A_795 : vector<16xf32>
        %swap3A_797 = arith.constant 11 : i32
        %swap3A_798 = arith.index_cast %swap3A_797 : i32 to index
        %swap3A_799 = arith.constant 0 : index
        %swap3A_800 = tpu.vector_load %arg35[%swap3A_798, %swap3A_799] {strides = array<i32>} : memref<16x16xf32, #tpu.memory_space<vmem>>, vector<16xf32>,
        tpu.vector_store %arg35[%swap3A_798, %swap3A_799], %add3A_796 {strides = array<i32>} : memref<16x16xf32, #tpu.memory_space<vmem>>, vector<16xf32>,
        %mul3A_801 = arith.constant 16 : i32
        %mul3A_802 = arith.muli %scan3A_239, %mul3A_801 : i32
        %add3A_803 = arith.constant 12 : i32
        %add3A_804 = arith.addi %mul3A_802, %add3A_803 : i32
        %get3A_805 = arith.index_cast %add3A_804 : i32 to index
        %get3A_806 = arith.constant 0 : index
        %get3A_807 = tpu.vector_load %arg10[%get3A_805, %get3A_806] {strides = array<i32>} : memref<112x128xf32, #tpu.memory_space<vmem>>, vector<16xf32>,
        %abs3A_808 = math.absf %get3A_807 : vector<16xf32>
        %get3A_809 = arith.index_cast %add3A_804 : i32 to index
        %get3A_810 = arith.constant 16 : index
        %get3A_811 = tpu.vector_load %arg10[%get3A_809, %get3A_810] {strides = array<i32>} : memref<112x128xf32, #tpu.memory_space<vmem>>, vector<16xf32>,
        %abs3A_812 = math.absf %get3A_811 : vector<16xf32>
        %get3A_813 = arith.index_cast %add3A_804 : i32 to index
        %get3A_814 = arith.constant 32 : index
        %get3A_815 = tpu.vector_load %arg10[%get3A_813, %get3A_814] {strides = array<i32>} : memref<112x128xf32, #tpu.memory_space<vmem>>, vector<16xf32>,
        %abs3A_816 = math.absf %get3A_815 : vector<16xf32>
        %get3A_817 = arith.index_cast %add3A_804 : i32 to index
        %get3A_818 = arith.constant 48 : index
        %get3A_819 = tpu.vector_load %arg10[%get3A_817, %get3A_818] {strides = array<i32>} : memref<112x128xf32, #tpu.memory_space<vmem>>, vector<16xf32>,
        %abs3A_820 = math.absf %get3A_819 : vector<16xf32>
        %get3A_821 = arith.index_cast %add3A_804 : i32 to index
        %get3A_822 = arith.constant 64 : index
        %get3A_823 = tpu.vector_load %arg10[%get3A_821, %get3A_822] {strides = array<i32>} : memref<112x128xf32, #tpu.memory_space<vmem>>, vector<16xf32>,
        %abs3A_824 = math.absf %get3A_823 : vector<16xf32>
        %get3A_825 = arith.index_cast %add3A_804 : i32 to index
        %get3A_826 = arith.constant 80 : index
        %get3A_827 = tpu.vector_load %arg10[%get3A_825, %get3A_826] {strides = array<i32>} : memref<112x128xf32, #tpu.memory_space<vmem>>, vector<16xf32>,
        %abs3A_828 = math.absf %get3A_827 : vector<16xf32>
        %get3A_829 = arith.index_cast %add3A_804 : i32 to index
        %get3A_830 = arith.constant 96 : index
        %get3A_831 = tpu.vector_load %arg10[%get3A_829, %get3A_830] {strides = array<i32>} : memref<112x128xf32, #tpu.memory_space<vmem>>, vector<16xf32>,
        %abs3A_832 = math.absf %get3A_831 : vector<16xf32>
        %get3A_833 = arith.index_cast %add3A_804 : i32 to index
        %get3A_834 = arith.constant 112 : index
        %get3A_835 = tpu.vector_load %arg10[%get3A_833, %get3A_834] {strides = array<i32>} : memref<112x128xf32, #tpu.memory_space<vmem>>, vector<16xf32>,
        %abs3A_836 = math.absf %get3A_835 : vector<16xf32>
        %add3A_837 = arith.addf %abs3A_808, %abs3A_812 : vector<16xf32>
        %add3A_838 = arith.addf %abs3A_816, %abs3A_820 : vector<16xf32>
        %add3A_839 = arith.addf %abs3A_824, %abs3A_828 : vector<16xf32>
        %add3A_840 = arith.addf %abs3A_832, %abs3A_836 : vector<16xf32>
        %add3A_841 = arith.addf %add3A_837, %add3A_838 : vector<16xf32>
        %add3A_842 = arith.addf %add3A_839, %add3A_840 : vector<16xf32>
        %add3A_843 = arith.addf %add3A_841, %add3A_842 : vector<16xf32>
        %swap3A_844 = arith.constant 12 : i32
        %swap3A_845 = arith.index_cast %swap3A_844 : i32 to index
        %swap3A_846 = arith.constant 0 : index
        %swap3A_847 = tpu.vector_load %arg35[%swap3A_845, %swap3A_846] {strides = array<i32>} : memref<16x16xf32, #tpu.memory_space<vmem>>, vector<16xf32>,
        tpu.vector_store %arg35[%swap3A_845, %swap3A_846], %add3A_843 {strides = array<i32>} : memref<16x16xf32, #tpu.memory_space<vmem>>, vector<16xf32>,
        %mul3A_848 = arith.constant 16 : i32
        %mul3A_849 = arith.muli %scan3A_239, %mul3A_848 : i32
        %add3A_850 = arith.constant 13 : i32
        %add3A_851 = arith.addi %mul3A_849, %add3A_850 : i32
        %get3A_852 = arith.index_cast %add3A_851 : i32 to index
        %get3A_853 = arith.constant 0 : index
        %get3A_854 = tpu.vector_load %arg10[%get3A_852, %get3A_853] {strides = array<i32>} : memref<112x128xf32, #tpu.memory_space<vmem>>, vector<16xf32>,
        %abs3A_855 = math.absf %get3A_854 : vector<16xf32>
        %get3A_856 = arith.index_cast %add3A_851 : i32 to index
        %get3A_857 = arith.constant 16 : index
        %get3A_858 = tpu.vector_load %arg10[%get3A_856, %get3A_857] {strides = array<i32>} : memref<112x128xf32, #tpu.memory_space<vmem>>, vector<16xf32>,
        %abs3A_859 = math.absf %get3A_858 : vector<16xf32>
        %get3A_860 = arith.index_cast %add3A_851 : i32 to index
        %get3A_861 = arith.constant 32 : index
        %get3A_862 = tpu.vector_load %arg10[%get3A_860, %get3A_861] {strides = array<i32>} : memref<112x128xf32, #tpu.memory_space<vmem>>, vector<16xf32>,
        %abs3A_863 = math.absf %get3A_862 : vector<16xf32>
        %get3A_864 = arith.index_cast %add3A_851 : i32 to index
        %get3A_865 = arith.constant 48 : index
        %get3A_866 = tpu.vector_load %arg10[%get3A_864, %get3A_865] {strides = array<i32>} : memref<112x128xf32, #tpu.memory_space<vmem>>, vector<16xf32>,
        %abs3A_867 = math.absf %get3A_866 : vector<16xf32>
        %get3A_868 = arith.index_cast %add3A_851 : i32 to index
        %get3A_869 = arith.constant 64 : index
        %get3A_870 = tpu.vector_load %arg10[%get3A_868, %get3A_869] {strides = array<i32>} : memref<112x128xf32, #tpu.memory_space<vmem>>, vector<16xf32>,
        %abs3A_871 = math.absf %get3A_870 : vector<16xf32>
        %get3A_872 = arith.index_cast %add3A_851 : i32 to index
        %get3A_873 = arith.constant 80 : index
        %get3A_874 = tpu.vector_load %arg10[%get3A_872, %get3A_873] {strides = array<i32>} : memref<112x128xf32, #tpu.memory_space<vmem>>, vector<16xf32>,
        %abs3A_875 = math.absf %get3A_874 : vector<16xf32>
        %get3A_876 = arith.index_cast %add3A_851 : i32 to index
        %get3A_877 = arith.constant 96 : index
        %get3A_878 = tpu.vector_load %arg10[%get3A_876, %get3A_877] {strides = array<i32>} : memref<112x128xf32, #tpu.memory_space<vmem>>, vector<16xf32>,
        %abs3A_879 = math.absf %get3A_878 : vector<16xf32>
        %get3A_880 = arith.index_cast %add3A_851 : i32 to index
        %get3A_881 = arith.constant 112 : index
        %get3A_882 = tpu.vector_load %arg10[%get3A_880, %get3A_881] {strides = array<i32>} : memref<112x128xf32, #tpu.memory_space<vmem>>, vector<16xf32>,
        %abs3A_883 = math.absf %get3A_882 : vector<16xf32>
        %add3A_884 = arith.addf %abs3A_855, %abs3A_859 : vector<16xf32>
        %add3A_885 = arith.addf %abs3A_863, %abs3A_867 : vector<16xf32>
        %add3A_886 = arith.addf %abs3A_871, %abs3A_875 : vector<16xf32>
        %add3A_887 = arith.addf %abs3A_879, %abs3A_883 : vector<16xf32>
        %add3A_888 = arith.addf %add3A_884, %add3A_885 : vector<16xf32>
        %add3A_889 = arith.addf %add3A_886, %add3A_887 : vector<16xf32>
        %add3A_890 = arith.addf %add3A_888, %add3A_889 : vector<16xf32>
        %swap3A_891 = arith.constant 13 : i32
        %swap3A_892 = arith.index_cast %swap3A_891 : i32 to index
        %swap3A_893 = arith.constant 0 : index
        %swap3A_894 = tpu.vector_load %arg35[%swap3A_892, %swap3A_893] {strides = array<i32>} : memref<16x16xf32, #tpu.memory_space<vmem>>, vector<16xf32>,
        tpu.vector_store %arg35[%swap3A_892, %swap3A_893], %add3A_890 {strides = array<i32>} : memref<16x16xf32, #tpu.memory_space<vmem>>, vector<16xf32>,
        %mul3A_895 = arith.constant 16 : i32
        %mul3A_896 = arith.muli %scan3A_239, %mul3A_895 : i32
        %add3A_897 = arith.constant 14 : i32
        %add3A_898 = arith.addi %mul3A_896, %add3A_897 : i32
        %get3A_899 = arith.index_cast %add3A_898 : i32 to index
        %get3A_900 = arith.constant 0 : index
        %get3A_901 = tpu.vector_load %arg10[%get3A_899, %get3A_900] {strides = array<i32>} : memref<112x128xf32, #tpu.memory_space<vmem>>, vector<16xf32>,
        %abs3A_902 = math.absf %get3A_901 : vector<16xf32>
        %get3A_903 = arith.index_cast %add3A_898 : i32 to index
        %get3A_904 = arith.constant 16 : index
        %get3A_905 = tpu.vector_load %arg10[%get3A_903, %get3A_904] {strides = array<i32>} : memref<112x128xf32, #tpu.memory_space<vmem>>, vector<16xf32>,
        %abs3A_906 = math.absf %get3A_905 : vector<16xf32>
        %get3A_907 = arith.index_cast %add3A_898 : i32 to index
        %get3A_908 = arith.constant 32 : index
        %get3A_909 = tpu.vector_load %arg10[%get3A_907, %get3A_908] {strides = array<i32>} : memref<112x128xf32, #tpu.memory_space<vmem>>, vector<16xf32>,
        %abs3A_910 = math.absf %get3A_909 : vector<16xf32>
        %get3A_911 = arith.index_cast %add3A_898 : i32 to index
        %get3A_912 = arith.constant 48 : index
        %get3A_913 = tpu.vector_load %arg10[%get3A_911, %get3A_912] {strides = array<i32>} : memref<112x128xf32, #tpu.memory_space<vmem>>, vector<16xf32>,
        %abs3A_914 = math.absf %get3A_913 : vector<16xf32>
        %get3A_915 = arith.index_cast %add3A_898 : i32 to index
        %get3A_916 = arith.constant 64 : index
        %get3A_917 = tpu.vector_load %arg10[%get3A_915, %get3A_916] {strides = array<i32>} : memref<112x128xf32, #tpu.memory_space<vmem>>, vector<16xf32>,
        %abs3A_918 = math.absf %get3A_917 : vector<16xf32>
        %get3A_919 = arith.index_cast %add3A_898 : i32 to index
        %get3A_920 = arith.constant 80 : index
        %get3A_921 = tpu.vector_load %arg10[%get3A_919, %get3A_920] {strides = array<i32>} : memref<112x128xf32, #tpu.memory_space<vmem>>, vector<16xf32>,
        %abs3A_922 = math.absf %get3A_921 : vector<16xf32>
        %get3A_923 = arith.index_cast %add3A_898 : i32 to index
        %get3A_924 = arith.constant 96 : index
        %get3A_925 = tpu.vector_load %arg10[%get3A_923, %get3A_924] {strides = array<i32>} : memref<112x128xf32, #tpu.memory_space<vmem>>, vector<16xf32>,
        %abs3A_926 = math.absf %get3A_925 : vector<16xf32>
        %get3A_927 = arith.index_cast %add3A_898 : i32 to index
        %get3A_928 = arith.constant 112 : index
        %get3A_929 = tpu.vector_load %arg10[%get3A_927, %get3A_928] {strides = array<i32>} : memref<112x128xf32, #tpu.memory_space<vmem>>, vector<16xf32>,
        %abs3A_930 = math.absf %get3A_929 : vector<16xf32>
        %add3A_931 = arith.addf %abs3A_902, %abs3A_906 : vector<16xf32>
        %add3A_932 = arith.addf %abs3A_910, %abs3A_914 : vector<16xf32>
        %add3A_933 = arith.addf %abs3A_918, %abs3A_922 : vector<16xf32>
        %add3A_934 = arith.addf %abs3A_926, %abs3A_930 : vector<16xf32>
        %add3A_935 = arith.addf %add3A_931, %add3A_932 : vector<16xf32>
        %add3A_936 = arith.addf %add3A_933, %add3A_934 : vector<16xf32>
        %add3A_937 = arith.addf %add3A_935, %add3A_936 : vector<16xf32>
        %swap3A_938 = arith.constant 14 : i32
        %swap3A_939 = arith.index_cast %swap3A_938 : i32 to index
        %swap3A_940 = arith.constant 0 : index
        %swap3A_941 = tpu.vector_load %arg35[%swap3A_939, %swap3A_940] {strides = array<i32>} : memref<16x16xf32, #tpu.memory_space<vmem>>, vector<16xf32>,
        tpu.vector_store %arg35[%swap3A_939, %swap3A_940], %add3A_937 {strides = array<i32>} : memref<16x16xf32, #tpu.memory_space<vmem>>, vector<16xf32>,
        %mul3A_942 = arith.constant 16 : i32
        %mul3A_943 = arith.muli %scan3A_239, %mul3A_942 : i32
        %add3A_944 = arith.constant 15 : i32
        %add3A_945 = arith.addi %mul3A_943, %add3A_944 : i32
        %get3A_946 = arith.index_cast %add3A_945 : i32 to index
        %get3A_947 = arith.constant 0 : index
        %get3A_948 = tpu.vector_load %arg10[%get3A_946, %get3A_947] {strides = array<i32>} : memref<112x128xf32, #tpu.memory_space<vmem>>, vector<16xf32>,
        %abs3A_949 = math.absf %get3A_948 : vector<16xf32>
        %get3A_950 = arith.index_cast %add3A_945 : i32 to index
        %get3A_951 = arith.constant 16 : index
        %get3A_952 = tpu.vector_load %arg10[%get3A_950, %get3A_951] {strides = array<i32>} : memref<112x128xf32, #tpu.memory_space<vmem>>, vector<16xf32>,
        %abs3A_953 = math.absf %get3A_952 : vector<16xf32>
        %get3A_954 = arith.index_cast %add3A_945 : i32 to index
        %get3A_955 = arith.constant 32 : index
        %get3A_956 = tpu.vector_load %arg10[%get3A_954, %get3A_955] {strides = array<i32>} : memref<112x128xf32, #tpu.memory_space<vmem>>, vector<16xf32>,
        %abs3A_957 = math.absf %get3A_956 : vector<16xf32>
        %get3A_958 = arith.index_cast %add3A_945 : i32 to index
        %get3A_959 = arith.constant 48 : index
        %get3A_960 = tpu.vector_load %arg10[%get3A_958, %get3A_959] {strides = array<i32>} : memref<112x128xf32, #tpu.memory_space<vmem>>, vector<16xf32>,
        %abs3A_961 = math.absf %get3A_960 : vector<16xf32>
        %get3A_962 = arith.index_cast %add3A_945 : i32 to index
        %get3A_963 = arith.constant 64 : index
        %get3A_964 = tpu.vector_load %arg10[%get3A_962, %get3A_963] {strides = array<i32>} : memref<112x128xf32, #tpu.memory_space<vmem>>, vector<16xf32>,
        %abs3A_965 = math.absf %get3A_964 : vector<16xf32>
        %get3A_966 = arith.index_cast %add3A_945 : i32 to index
        %get3A_967 = arith.constant 80 : index
        %get3A_968 = tpu.vector_load %arg10[%get3A_966, %get3A_967] {strides = array<i32>} : memref<112x128xf32, #tpu.memory_space<vmem>>, vector<16xf32>,
        %abs3A_969 = math.absf %get3A_968 : vector<16xf32>
        %get3A_970 = arith.index_cast %add3A_945 : i32 to index
        %get3A_971 = arith.constant 96 : index
        %get3A_972 = tpu.vector_load %arg10[%get3A_970, %get3A_971] {strides = array<i32>} : memref<112x128xf32, #tpu.memory_space<vmem>>, vector<16xf32>,
        %abs3A_973 = math.absf %get3A_972 : vector<16xf32>
        %get3A_974 = arith.index_cast %add3A_945 : i32 to index
        %get3A_975 = arith.constant 112 : index
        %get3A_976 = tpu.vector_load %arg10[%get3A_974, %get3A_975] {strides = array<i32>} : memref<112x128xf32, #tpu.memory_space<vmem>>, vector<16xf32>,
        %abs3A_977 = math.absf %get3A_976 : vector<16xf32>
        %add3A_978 = arith.addf %abs3A_949, %abs3A_953 : vector<16xf32>
        %add3A_979 = arith.addf %abs3A_957, %abs3A_961 : vector<16xf32>
        %add3A_980 = arith.addf %abs3A_965, %abs3A_969 : vector<16xf32>
        %add3A_981 = arith.addf %abs3A_973, %abs3A_977 : vector<16xf32>
        %add3A_982 = arith.addf %add3A_978, %add3A_979 : vector<16xf32>
        %add3A_983 = arith.addf %add3A_980, %add3A_981 : vector<16xf32>
        %add3A_984 = arith.addf %add3A_982, %add3A_983 : vector<16xf32>
        %swap3A_985 = arith.constant 15 : i32
        %swap3A_986 = arith.index_cast %swap3A_985 : i32 to index
        %swap3A_987 = arith.constant 0 : index
        %swap3A_988 = tpu.vector_load %arg35[%swap3A_986, %swap3A_987] {strides = array<i32>} : memref<16x16xf32, #tpu.memory_space<vmem>>, vector<16xf32>,
        tpu.vector_store %arg35[%swap3A_986, %swap3A_987], %add3A_984 {strides = array<i32>} : memref<16x16xf32, #tpu.memory_space<vmem>>, vector<16xf32>,
        %broadcast_in_dim3A = arith.constant 1.200000e+01 : f32
        %broadcast_in_dim3A_989 = vector.broadcast %broadcast_in_dim3A : f32 to vector<16xf32>
        %broadcast_in_dim3A_990 = arith.constant 0.000000e+00 : f32
        %broadcast_in_dim3A_991 = vector.broadcast %broadcast_in_dim3A_990 : f32 to vector<16xf32>
        %broadcast_in_dim3A_992 = arith.constant 0 : i32
        %broadcast_in_dim3A_993 = vector.broadcast %broadcast_in_dim3A_992 : i32 to vector<16xi32>
        %gather3A = tpu.vector_load_idx %arg35[%iota3A, %broadcast_in_dim3A_993] : memref<16x16xf32, #tpu.memory_space<vmem>>[vector<16xi32>, vector<16xi32>], vector<16xf32>,
        %sub3A = arith.subf %broadcast_in_dim3A_989, %gather3A : vector<16xf32>
        %broadcast_in_dim3A_994 = arith.constant 1 : i32
        %broadcast_in_dim3A_995 = vector.broadcast %broadcast_in_dim3A_994 : i32 to vector<16xi32>
        %gather3A_996 = tpu.vector_load_idx %arg35[%iota3A, %broadcast_in_dim3A_995] : memref<16x16xf32, #tpu.memory_space<vmem>>[vector<16xi32>, vector<16xi32>], vector<16xf32>,
        %add3A_997 = arith.addf %broadcast_in_dim3A_991, %gather3A_996 : vector<16xf32>
        %broadcast_in_dim3A_998 = arith.constant 2 : i32
        %broadcast_in_dim3A_999 = vector.broadcast %broadcast_in_dim3A_998 : i32 to vector<16xi32>
        %gather3A_1000 = tpu.vector_load_idx %arg35[%iota3A, %broadcast_in_dim3A_999] : memref<16x16xf32, #tpu.memory_space<vmem>>[vector<16xi32>, vector<16xi32>], vector<16xf32>,
        %sub3A_1001 = arith.subf %sub3A, %gather3A_1000 : vector<16xf32>
        %broadcast_in_dim3A_1002 = arith.constant 3 : i32
        %broadcast_in_dim3A_1003 = vector.broadcast %broadcast_in_dim3A_1002 : i32 to vector<16xi32>
        %gather3A_1004 = tpu.vector_load_idx %arg35[%iota3A, %broadcast_in_dim3A_1003] : memref<16x16xf32, #tpu.memory_space<vmem>>[vector<16xi32>, vector<16xi32>], vector<16xf32>,
        %add3A_1005 = arith.addf %add3A_997, %gather3A_1004 : vector<16xf32>
        %broadcast_in_dim3A_1006 = arith.constant 4 : i32
        %broadcast_in_dim3A_1007 = vector.broadcast %broadcast_in_dim3A_1006 : i32 to vector<16xi32>
        %gather3A_1008 = tpu.vector_load_idx %arg35[%iota3A, %broadcast_in_dim3A_1007] : memref<16x16xf32, #tpu.memory_space<vmem>>[vector<16xi32>, vector<16xi32>], vector<16xf32>,
        %sub3A_1009 = arith.subf %sub3A_1001, %gather3A_1008 : vector<16xf32>
        %broadcast_in_dim3A_1010 = arith.constant 5 : i32
        %broadcast_in_dim3A_1011 = vector.broadcast %broadcast_in_dim3A_1010 : i32 to vector<16xi32>
        %gather3A_1012 = tpu.vector_load_idx %arg35[%iota3A, %broadcast_in_dim3A_1011] : memref<16x16xf32, #tpu.memory_space<vmem>>[vector<16xi32>, vector<16xi32>], vector<16xf32>,
        %add3A_1013 = arith.addf %add3A_1005, %gather3A_1012 : vector<16xf32>
        %broadcast_in_dim3A_1014 = arith.constant 6 : i32
        %broadcast_in_dim3A_1015 = vector.broadcast %broadcast_in_dim3A_1014 : i32 to vector<16xi32>
        %gather3A_1016 = tpu.vector_load_idx %arg35[%iota3A, %broadcast_in_dim3A_1015] : memref<16x16xf32, #tpu.memory_space<vmem>>[vector<16xi32>, vector<16xi32>], vector<16xf32>,
        %sub3A_1017 = arith.subf %sub3A_1009, %gather3A_1016 : vector<16xf32>
        %broadcast_in_dim3A_1018 = arith.constant 7 : i32
        %broadcast_in_dim3A_1019 = vector.broadcast %broadcast_in_dim3A_1018 : i32 to vector<16xi32>
        %gather3A_1020 = tpu.vector_load_idx %arg35[%iota3A, %broadcast_in_dim3A_1019] : memref<16x16xf32, #tpu.memory_space<vmem>>[vector<16xi32>, vector<16xi32>], vector<16xf32>,
        %add3A_1021 = arith.addf %add3A_1013, %gather3A_1020 : vector<16xf32>
        %broadcast_in_dim3A_1022 = arith.constant 8 : i32
        %broadcast_in_dim3A_1023 = vector.broadcast %broadcast_in_dim3A_1022 : i32 to vector<16xi32>
        %gather3A_1024 = tpu.vector_load_idx %arg35[%iota3A, %broadcast_in_dim3A_1023] : memref<16x16xf32, #tpu.memory_space<vmem>>[vector<16xi32>, vector<16xi32>], vector<16xf32>,
        %sub3A_1025 = arith.subf %sub3A_1017, %gather3A_1024 : vector<16xf32>
        %broadcast_in_dim3A_1026 = arith.constant 9 : i32
        %broadcast_in_dim3A_1027 = vector.broadcast %broadcast_in_dim3A_1026 : i32 to vector<16xi32>
        %gather3A_1028 = tpu.vector_load_idx %arg35[%iota3A, %broadcast_in_dim3A_1027] : memref<16x16xf32, #tpu.memory_space<vmem>>[vector<16xi32>, vector<16xi32>], vector<16xf32>,
        %add3A_1029 = arith.addf %add3A_1021, %gather3A_1028 : vector<16xf32>
        %broadcast_in_dim3A_1030 = arith.constant 10 : i32
        %broadcast_in_dim3A_1031 = vector.broadcast %broadcast_in_dim3A_1030 : i32 to vector<16xi32>
        %gather3A_1032 = tpu.vector_load_idx %arg35[%iota3A, %broadcast_in_dim3A_1031] : memref<16x16xf32, #tpu.memory_space<vmem>>[vector<16xi32>, vector<16xi32>], vector<16xf32>,
        %sub3A_1033 = arith.subf %sub3A_1025, %gather3A_1032 : vector<16xf32>
        %broadcast_in_dim3A_1034 = arith.constant 11 : i32
        %broadcast_in_dim3A_1035 = vector.broadcast %broadcast_in_dim3A_1034 : i32 to vector<16xi32>
        %gather3A_1036 = tpu.vector_load_idx %arg35[%iota3A, %broadcast_in_dim3A_1035] : memref<16x16xf32, #tpu.memory_space<vmem>>[vector<16xi32>, vector<16xi32>], vector<16xf32>,
        %add3A_1037 = arith.addf %add3A_1029, %gather3A_1036 : vector<16xf32>
        %broadcast_in_dim3A_1038 = arith.constant 12 : i32
        %broadcast_in_dim3A_1039 = vector.broadcast %broadcast_in_dim3A_1038 : i32 to vector<16xi32>
        %gather3A_1040 = tpu.vector_load_idx %arg35[%iota3A, %broadcast_in_dim3A_1039] : memref<16x16xf32, #tpu.memory_space<vmem>>[vector<16xi32>, vector<16xi32>], vector<16xf32>,
        %sub3A_1041 = arith.subf %sub3A_1033, %gather3A_1040 : vector<16xf32>
        %broadcast_in_dim3A_1042 = arith.constant 13 : i32
        %broadcast_in_dim3A_1043 = vector.broadcast %broadcast_in_dim3A_1042 : i32 to vector<16xi32>
        %gather3A_1044 = tpu.vector_load_idx %arg35[%iota3A, %broadcast_in_dim3A_1043] : memref<16x16xf32, #tpu.memory_space<vmem>>[vector<16xi32>, vector<16xi32>], vector<16xf32>,
        %add3A_1045 = arith.addf %add3A_1037, %gather3A_1044 : vector<16xf32>
        %broadcast_in_dim3A_1046 = arith.constant 14 : i32
        %broadcast_in_dim3A_1047 = vector.broadcast %broadcast_in_dim3A_1046 : i32 to vector<16xi32>
        %gather3A_1048 = tpu.vector_load_idx %arg35[%iota3A, %broadcast_in_dim3A_1047] : memref<16x16xf32, #tpu.memory_space<vmem>>[vector<16xi32>, vector<16xi32>], vector<16xf32>,
        %sub3A_1049 = arith.subf %sub3A_1041, %gather3A_1048 : vector<16xf32>
        %broadcast_in_dim3A_1050 = arith.constant 15 : i32
        %broadcast_in_dim3A_1051 = vector.broadcast %broadcast_in_dim3A_1050 : i32 to vector<16xi32>
        %gather3A_1052 = tpu.vector_load_idx %arg35[%iota3A, %broadcast_in_dim3A_1051] : memref<16x16xf32, #tpu.memory_space<vmem>>[vector<16xi32>, vector<16xi32>], vector<16xf32>,
        %add3A_1053 = arith.addf %add3A_1045, %gather3A_1052 : vector<16xf32>
        %sub3A_1054 = arith.subf %sub3A_1049, %add3A_1053 : vector<16xf32>
        %mul3A_1055 = arith.constant 16 : i32
        %mul3A_1056 = arith.muli %scan3A_239, %mul3A_1055 : i32
        %swap3A_1057 = arith.index_cast %mul3A_1056 : i32 to index
        %swap3A_1058 = tpu.vector_load %arg11[%swap3A_1057] {strides = array<i32>} : memref<112xf32, #tpu.memory_space<vmem>>, vector<16xf32>,
        tpu.vector_store %arg11[%swap3A_1057], %sub3A_1054 {strides = array<i32>} : memref<112xf32, #tpu.memory_space<vmem>>, vector<16xf32>,
      }
      %scan3A_135 = arith.constant 7 : i32
      %mul3A_136 = arith.constant 112 : i32
      %mul3A_137 = arith.muli %mul3A_99, %mul3A_136 : i32
      %min3A_138 = arith.constant 9888 : i32
      %min3A_139 = arith.minsi %mul3A_137, %min3A_138 : i32
      %add3A_140 = arith.addi %mul3A_2, %min3A_139 : i32
      %dma_start3A_141 = tpu.memref_slice %arg7[%add3A_140] : memref<320000xf32, #tpu.memory_space<hbm>> -> memref<112xf32, #tpu.memory_space<hbm>>
      %dma_start3A_142 = tpu.memref_slice %arg7[%add3A_140] : memref<320000xf32, #tpu.memory_space<hbm>> -> memref<112xf32, #tpu.memory_space<hbm>>
      tpu.enqueue_dma source(%arg11 : memref<112xf32, #tpu.memory_space<vmem>>) target(%dma_start3A_142 : memref<112xf32, #tpu.memory_space<hbm>>) target_semaphore(%arg16 : memref<!tpu.dma_semaphore, #tpu.memory_space<semaphore_mem>>)
      %add3A_143 = arith.constant 1 : i32
      %add3A_144 = arith.addi %mul3A_99, %add3A_143 : i32
      %add3A_145 = arith.constant 1 : i32
      %add3A_146 = arith.addi %add3A_144, %add3A_145 : i32
      %lt3A_147 = arith.constant 90 : i32
      %lt3A_148 = arith.cmpi slt, %add3A_146, %lt3A_147 : i32
      %convert_element_type3A_149 = arith.extui %lt3A_148 : i1 to i32
      %cond3A_150 = arith.constant 0 : i32
      %cond3A_151 = arith.cmpi ne, %convert_element_type3A_149, %cond3A_150 : i32
      scf.if %cond3A_151 {
        %add3A_239 = arith.constant 1 : i32
        %add3A_240 = arith.addi %add3A_144, %add3A_239 : i32
        %mul3A_241 = arith.constant 112 : i32
        %mul3A_242 = arith.muli %add3A_240, %mul3A_241 : i32
        %min3A_243 = arith.constant 9888 : i32
        %min3A_244 = arith.minsi %mul3A_242, %min3A_243 : i32
        %add3A_245 = arith.addi %mul3A_2, %min3A_244 : i32
        %dma_wait3A_246 = arith.constant 0 : i32
        %dma_wait3A_247 = tpu.memref_slice %arg6[%add3A_245, %dma_wait3A_246] : memref<320000x128xf32, #tpu.memory_space<hbm>> -> memref<112x128xf32, #tpu.memory_space<hbm>>
        %dma_wait3A_248 = arith.constant 0 : i32
        %dma_wait3A_249 = tpu.memref_slice %arg6[%add3A_245, %dma_wait3A_248] : memref<320000x128xf32, #tpu.memory_space<hbm>> -> memref<112x128xf32, #tpu.memory_space<hbm>>
        tpu.wait_dma2 semaphore(%arg31 : memref<!tpu.dma_semaphore, #tpu.memory_space<semaphore_mem>>) src(%dma_wait3A_249 : memref<112x128xf32, #tpu.memory_space<hbm>>) dst(%arg28 : memref<112x128xf32, #tpu.memory_space<vmem>>)
        %add3A_250 = arith.constant 1 : i32
        %add3A_251 = arith.addi %add3A_144, %add3A_250 : i32
        %dma_start3A_252 = arith.constant 0 : i32
        %dma_start3A_253 = arith.constant 0 : i32
        %dma_start3A_254 = tpu.memref_slice %arg36[%dma_start3A_252, %dma_start3A_253] : memref<10000x128xf32, #tpu.memory_space<vmem_shared>> -> memref<10000x128xf32, #tpu.memory_space<vmem_shared>>
        tpu.enqueue_indirect_dma source(%dma_start3A_254 : memref<10000x128xf32, #tpu.memory_space<vmem_shared>>) target(%arg28 : memref<112x128xf32, #tpu.memory_space<vmem>>) offsets(%arg26 : memref<112xi32, #tpu.memory_space<vmem>>) semaphore(%arg32 : memref<!tpu.dma_semaphore, #tpu.memory_space<semaphore_mem>>) {add = true}
        %dma_start3A_255 = arith.constant 0 : i32
        %dma_start3A_256 = arith.constant 0 : i32
        %dma_start3A_257 = tpu.memref_slice %arg3[%dma_start3A_255, %dma_start3A_256] : memref<10000x128xf32, #tpu.memory_space<hbm>> -> memref<10000x128xf32, #tpu.memory_space<hbm>>
        tpu.enqueue_indirect_dma source(%dma_start3A_257 : memref<10000x128xf32, #tpu.memory_space<hbm>>) target(%arg28 : memref<112x128xf32, #tpu.memory_space<vmem>>) offsets(%arg27 : memref<112xi32, #tpu.memory_space<vmem>>) semaphore(%arg33 : memref<!tpu.dma_semaphore, #tpu.memory_space<semaphore_mem>>) {add = true}
      } else {
      }
      %add3A_152 = arith.constant 2 : i32
      %add3A_153 = arith.addi %add3A_144, %add3A_152 : i32
      %lt3A_154 = arith.constant 90 : i32
      %lt3A_155 = arith.cmpi slt, %add3A_153, %lt3A_154 : i32
      %convert_element_type3A_156 = arith.extui %lt3A_155 : i1 to i32
      %cond3A_157 = arith.constant 0 : i32
      %cond3A_158 = arith.cmpi ne, %convert_element_type3A_156, %cond3A_157 : i32
      scf.if %cond3A_158 {
        %add3A_239 = arith.constant 2 : i32
        %add3A_240 = arith.addi %add3A_144, %add3A_239 : i32
        %mul3A_241 = arith.constant 112 : i32
        %mul3A_242 = arith.muli %add3A_240, %mul3A_241 : i32
        %min3A_243 = arith.constant 9888 : i32
        %min3A_244 = arith.minsi %mul3A_242, %min3A_243 : i32
        %add3A_245 = arith.addi %mul3A_2, %min3A_244 : i32
        %dma_wait3A_246 = tpu.memref_slice %arg4[%add3A_245] : memref<320000xi32, #tpu.memory_space<hbm>> -> memref<112xi32, #tpu.memory_space<hbm>>
        %dma_wait3A_247 = tpu.memref_slice %arg4[%add3A_245] : memref<320000xi32, #tpu.memory_space<hbm>> -> memref<112xi32, #tpu.memory_space<hbm>>
        tpu.wait_dma2 semaphore(%arg12 : memref<!tpu.dma_semaphore, #tpu.memory_space<semaphore_mem>>) src(%dma_wait3A_247 : memref<112xi32, #tpu.memory_space<hbm>>) dst(%arg8 : memref<112xi32, #tpu.memory_space<vmem>>)
        %dma_wait3A_248 = tpu.memref_slice %arg5[%add3A_245] : memref<320000xi32, #tpu.memory_space<hbm>> -> memref<112xi32, #tpu.memory_space<hbm>>
        %dma_wait3A_249 = tpu.memref_slice %arg5[%add3A_245] : memref<320000xi32, #tpu.memory_space<hbm>> -> memref<112xi32, #tpu.memory_space<hbm>>
        tpu.wait_dma2 semaphore(%arg12 : memref<!tpu.dma_semaphore, #tpu.memory_space<semaphore_mem>>) src(%dma_wait3A_249 : memref<112xi32, #tpu.memory_space<hbm>>) dst(%arg9 : memref<112xi32, #tpu.memory_space<vmem>>)
        %add3A_250 = arith.constant 2 : i32
        %add3A_251 = arith.addi %add3A_144, %add3A_250 : i32
        %mul3A_252 = arith.constant 112 : i32
        %mul3A_253 = arith.muli %add3A_251, %mul3A_252 : i32
        %min3A_254 = arith.constant 9888 : i32
        %min3A_255 = arith.minsi %mul3A_253, %min3A_254 : i32
        %add3A_256 = arith.addi %mul3A_2, %min3A_255 : i32
        %dma_start3A_257 = arith.constant 0 : i32
        %dma_start3A_258 = tpu.memref_slice %arg6[%add3A_256, %dma_start3A_257] : memref<320000x128xf32, #tpu.memory_space<hbm>> -> memref<112x128xf32, #tpu.memory_space<hbm>>
        %dma_start3A_259 = arith.constant 0 : i32
        %dma_start3A_260 = tpu.memref_slice %arg6[%add3A_256, %dma_start3A_259] : memref<320000x128xf32, #tpu.memory_space<hbm>> -> memref<112x128xf32, #tpu.memory_space<hbm>>
        tpu.enqueue_dma source(%dma_start3A_260 : memref<112x128xf32, #tpu.memory_space<hbm>>) target(%arg10 : memref<112x128xf32, #tpu.memory_space<vmem>>) target_semaphore(%arg13 : memref<!tpu.dma_semaphore, #tpu.memory_space<semaphore_mem>>)
      } else {
      }
      %dma_wait3A_159 = arith.constant 0 : i32
      %dma_wait3A_160 = arith.constant 0 : i32
      %dma_wait3A_161 = tpu.memref_slice %arg36[%dma_wait3A_159, %dma_wait3A_160] : memref<10000x128xf32, #tpu.memory_space<vmem_shared>> -> memref<10000x128xf32, #tpu.memory_space<vmem_shared>>
      tpu.wait_indirect_dma semaphore(%arg23 : memref<!tpu.dma_semaphore, #tpu.memory_space<semaphore_mem>>) src(%dma_wait3A_161 : memref<10000x128xf32, #tpu.memory_space<vmem_shared>>) dst(%arg19 : memref<112x128xf32, #tpu.memory_space<vmem>>)
      %dma_wait3A_162 = arith.constant 0 : i32
      %dma_wait3A_163 = arith.constant 0 : i32
      %dma_wait3A_164 = tpu.memref_slice %arg3[%dma_wait3A_162, %dma_wait3A_163] : memref<10000x128xf32, #tpu.memory_space<hbm>> -> memref<10000x128xf32, #tpu.memory_space<hbm>>
      tpu.wait_indirect_dma semaphore(%arg24 : memref<!tpu.dma_semaphore, #tpu.memory_space<semaphore_mem>>) src(%dma_wait3A_164 : memref<10000x128xf32, #tpu.memory_space<hbm>>) dst(%arg19 : memref<112x128xf32, #tpu.memory_space<vmem>>)
      %add3A_165 = arith.constant 3 : i32
      %add3A_166 = arith.addi %add3A_144, %add3A_165 : i32
      %lt3A_167 = arith.constant 90 : i32
      %lt3A_168 = arith.cmpi slt, %add3A_166, %lt3A_167 : i32
      %convert_element_type3A_169 = arith.extui %lt3A_168 : i1 to i32
      %cond3A_170 = arith.constant 0 : i32
      %cond3A_171 = arith.cmpi ne, %convert_element_type3A_169, %cond3A_170 : i32
      scf.if %cond3A_171 {
        %add3A_239 = arith.constant 3 : i32
        %add3A_240 = arith.addi %add3A_144, %add3A_239 : i32
        %mul3A_241 = arith.constant 112 : i32
        %mul3A_242 = arith.muli %add3A_240, %mul3A_241 : i32
        %min3A_243 = arith.constant 9888 : i32
        %min3A_244 = arith.minsi %mul3A_242, %min3A_243 : i32
        %add3A_245 = arith.addi %mul3A_2, %min3A_244 : i32
        %dma_start3A_246 = tpu.memref_slice %arg4[%add3A_245] : memref<320000xi32, #tpu.memory_space<hbm>> -> memref<112xi32, #tpu.memory_space<hbm>>
        %dma_start3A_247 = tpu.memref_slice %arg4[%add3A_245] : memref<320000xi32, #tpu.memory_space<hbm>> -> memref<112xi32, #tpu.memory_space<hbm>>
        tpu.enqueue_dma source(%dma_start3A_247 : memref<112xi32, #tpu.memory_space<hbm>>) target(%arg17 : memref<112xi32, #tpu.memory_space<vmem>>) target_semaphore(%arg21 : memref<!tpu.dma_semaphore, #tpu.memory_space<semaphore_mem>>)
        %dma_start3A_248 = tpu.memref_slice %arg5[%add3A_245] : memref<320000xi32, #tpu.memory_space<hbm>> -> memref<112xi32, #tpu.memory_space<hbm>>
        %dma_start3A_249 = tpu.memref_slice %arg5[%add3A_245] : memref<320000xi32, #tpu.memory_space<hbm>> -> memref<112xi32, #tpu.memory_space<hbm>>
        tpu.enqueue_dma source(%dma_start3A_249 : memref<112xi32, #tpu.memory_space<hbm>>) target(%arg18 : memref<112xi32, #tpu.memory_space<vmem>>) target_semaphore(%arg21 : memref<!tpu.dma_semaphore, #tpu.memory_space<semaphore_mem>>)
      } else {
      }
      %ge3A_172 = arith.constant 3 : i32
      %ge3A_173 = arith.cmpi sge, %add3A_144, %ge3A_172 : i32
      %convert_element_type3A_174 = arith.extui %ge3A_173 : i1 to i32
      %cond3A_175 = arith.constant 0 : i32
      %cond3A_176 = arith.cmpi ne, %convert_element_type3A_174, %cond3A_175 : i32
      scf.if %cond3A_176 {
        %sub3A = arith.constant 3 : i32
        %sub3A_239 = arith.subi %add3A_144, %sub3A : i32
        %mul3A_240 = arith.constant 112 : i32
        %mul3A_241 = arith.muli %sub3A_239, %mul3A_240 : i32
        %min3A_242 = arith.constant 9888 : i32
        %min3A_243 = arith.minsi %mul3A_241, %min3A_242 : i32
        %add3A_244 = arith.addi %mul3A_2, %min3A_243 : i32
        %dma_wait3A_245 = tpu.memref_slice %arg7[%add3A_244] : memref<320000xf32, #tpu.memory_space<hbm>> -> memref<112xf32, #tpu.memory_space<hbm>>
        %dma_wait3A_246 = tpu.memref_slice %arg7[%add3A_244] : memref<320000xf32, #tpu.memory_space<hbm>> -> memref<112xf32, #tpu.memory_space<hbm>>
        tpu.wait_dma2 semaphore(%arg25 : memref<!tpu.dma_semaphore, #tpu.memory_space<semaphore_mem>>) src(%arg20 : memref<112xf32, #tpu.memory_space<vmem>>) dst(%dma_wait3A_246 : memref<112xf32, #tpu.memory_space<hbm>>)
      } else {
      }
      %iota3A_177 = tpu.iota {dimensions = array<i32: 0>} : vector<16xi32>
      %scan3A_178 = arith.constant 0 : i32
      %scan3A_179 = arith.constant 0 : i32
      %scan3A_180 = arith.constant 7 : i32
      %scan3A_181 = arith.addi %scan3A_179, %scan3A_180 : i32
      %scan3A_182 = arith.constant 1 : i32
      scf.for %scan3A_239 = %scan3A_179 to %scan3A_181 step %scan3A_182  : i32 {
        %mul3A_240 = arith.constant 16 : i32
        %mul3A_241 = arith.muli %scan3A_239, %mul3A_240 : i32
        %add3A_242 = arith.constant 0 : i32
        %add3A_243 = arith.addi %mul3A_241, %add3A_242 : i32
        %get3A = arith.index_cast %add3A_243 : i32 to index
        %get3A_244 = arith.constant 0 : index
        %get3A_245 = tpu.vector_load %arg19[%get3A, %get3A_244] {strides = array<i32>} : memref<112x128xf32, #tpu.memory_space<vmem>>, vector<16xf32>,
        %abs3A = math.absf %get3A_245 : vector<16xf32>
        %get3A_246 = arith.index_cast %add3A_243 : i32 to index
        %get3A_247 = arith.constant 16 : index
        %get3A_248 = tpu.vector_load %arg19[%get3A_246, %get3A_247] {strides = array<i32>} : memref<112x128xf32, #tpu.memory_space<vmem>>, vector<16xf32>,
        %abs3A_249 = math.absf %get3A_248 : vector<16xf32>
        %get3A_250 = arith.index_cast %add3A_243 : i32 to index
        %get3A_251 = arith.constant 32 : index
        %get3A_252 = tpu.vector_load %arg19[%get3A_250, %get3A_251] {strides = array<i32>} : memref<112x128xf32, #tpu.memory_space<vmem>>, vector<16xf32>,
        %abs3A_253 = math.absf %get3A_252 : vector<16xf32>
        %get3A_254 = arith.index_cast %add3A_243 : i32 to index
        %get3A_255 = arith.constant 48 : index
        %get3A_256 = tpu.vector_load %arg19[%get3A_254, %get3A_255] {strides = array<i32>} : memref<112x128xf32, #tpu.memory_space<vmem>>, vector<16xf32>,
        %abs3A_257 = math.absf %get3A_256 : vector<16xf32>
        %get3A_258 = arith.index_cast %add3A_243 : i32 to index
        %get3A_259 = arith.constant 64 : index
        %get3A_260 = tpu.vector_load %arg19[%get3A_258, %get3A_259] {strides = array<i32>} : memref<112x128xf32, #tpu.memory_space<vmem>>, vector<16xf32>,
        %abs3A_261 = math.absf %get3A_260 : vector<16xf32>
        %get3A_262 = arith.index_cast %add3A_243 : i32 to index
        %get3A_263 = arith.constant 80 : index
        %get3A_264 = tpu.vector_load %arg19[%get3A_262, %get3A_263] {strides = array<i32>} : memref<112x128xf32, #tpu.memory_space<vmem>>, vector<16xf32>,
        %abs3A_265 = math.absf %get3A_264 : vector<16xf32>
        %get3A_266 = arith.index_cast %add3A_243 : i32 to index
        %get3A_267 = arith.constant 96 : index
        %get3A_268 = tpu.vector_load %arg19[%get3A_266, %get3A_267] {strides = array<i32>} : memref<112x128xf32, #tpu.memory_space<vmem>>, vector<16xf32>,
        %abs3A_269 = math.absf %get3A_268 : vector<16xf32>
        %get3A_270 = arith.index_cast %add3A_243 : i32 to index
        %get3A_271 = arith.constant 112 : index
        %get3A_272 = tpu.vector_load %arg19[%get3A_270, %get3A_271] {strides = array<i32>} : memref<112x128xf32, #tpu.memory_space<vmem>>, vector<16xf32>,
        %abs3A_273 = math.absf %get3A_272 : vector<16xf32>
        %add3A_274 = arith.addf %abs3A, %abs3A_249 : vector<16xf32>
        %add3A_275 = arith.addf %abs3A_253, %abs3A_257 : vector<16xf32>
        %add3A_276 = arith.addf %abs3A_261, %abs3A_265 : vector<16xf32>
        %add3A_277 = arith.addf %abs3A_269, %abs3A_273 : vector<16xf32>
        %add3A_278 = arith.addf %add3A_274, %add3A_275 : vector<16xf32>
        %add3A_279 = arith.addf %add3A_276, %add3A_277 : vector<16xf32>
        %add3A_280 = arith.addf %add3A_278, %add3A_279 : vector<16xf32>
        %swap3A = arith.constant 0 : i32
        %swap3A_281 = arith.index_cast %swap3A : i32 to index
        %swap3A_282 = arith.constant 0 : index
        %swap3A_283 = tpu.vector_load %arg35[%swap3A_281, %swap3A_282] {strides = array<i32>} : memref<16x16xf32, #tpu.memory_space<vmem>>, vector<16xf32>,
        tpu.vector_store %arg35[%swap3A_281, %swap3A_282], %add3A_280 {strides = array<i32>} : memref<16x16xf32, #tpu.memory_space<vmem>>, vector<16xf32>,
        %mul3A_284 = arith.constant 16 : i32
        %mul3A_285 = arith.muli %scan3A_239, %mul3A_284 : i32
        %add3A_286 = arith.constant 1 : i32
        %add3A_287 = arith.addi %mul3A_285, %add3A_286 : i32
        %get3A_288 = arith.index_cast %add3A_287 : i32 to index
        %get3A_289 = arith.constant 0 : index
        %get3A_290 = tpu.vector_load %arg19[%get3A_288, %get3A_289] {strides = array<i32>} : memref<112x128xf32, #tpu.memory_space<vmem>>, vector<16xf32>,
        %abs3A_291 = math.absf %get3A_290 : vector<16xf32>
        %get3A_292 = arith.index_cast %add3A_287 : i32 to index
        %get3A_293 = arith.constant 16 : index
        %get3A_294 = tpu.vector_load %arg19[%get3A_292, %get3A_293] {strides = array<i32>} : memref<112x128xf32, #tpu.memory_space<vmem>>, vector<16xf32>,
        %abs3A_295 = math.absf %get3A_294 : vector<16xf32>
        %get3A_296 = arith.index_cast %add3A_287 : i32 to index
        %get3A_297 = arith.constant 32 : index
        %get3A_298 = tpu.vector_load %arg19[%get3A_296, %get3A_297] {strides = array<i32>} : memref<112x128xf32, #tpu.memory_space<vmem>>, vector<16xf32>,
        %abs3A_299 = math.absf %get3A_298 : vector<16xf32>
        %get3A_300 = arith.index_cast %add3A_287 : i32 to index
        %get3A_301 = arith.constant 48 : index
        %get3A_302 = tpu.vector_load %arg19[%get3A_300, %get3A_301] {strides = array<i32>} : memref<112x128xf32, #tpu.memory_space<vmem>>, vector<16xf32>,
        %abs3A_303 = math.absf %get3A_302 : vector<16xf32>
        %get3A_304 = arith.index_cast %add3A_287 : i32 to index
        %get3A_305 = arith.constant 64 : index
        %get3A_306 = tpu.vector_load %arg19[%get3A_304, %get3A_305] {strides = array<i32>} : memref<112x128xf32, #tpu.memory_space<vmem>>, vector<16xf32>,
        %abs3A_307 = math.absf %get3A_306 : vector<16xf32>
        %get3A_308 = arith.index_cast %add3A_287 : i32 to index
        %get3A_309 = arith.constant 80 : index
        %get3A_310 = tpu.vector_load %arg19[%get3A_308, %get3A_309] {strides = array<i32>} : memref<112x128xf32, #tpu.memory_space<vmem>>, vector<16xf32>,
        %abs3A_311 = math.absf %get3A_310 : vector<16xf32>
        %get3A_312 = arith.index_cast %add3A_287 : i32 to index
        %get3A_313 = arith.constant 96 : index
        %get3A_314 = tpu.vector_load %arg19[%get3A_312, %get3A_313] {strides = array<i32>} : memref<112x128xf32, #tpu.memory_space<vmem>>, vector<16xf32>,
        %abs3A_315 = math.absf %get3A_314 : vector<16xf32>
        %get3A_316 = arith.index_cast %add3A_287 : i32 to index
        %get3A_317 = arith.constant 112 : index
        %get3A_318 = tpu.vector_load %arg19[%get3A_316, %get3A_317] {strides = array<i32>} : memref<112x128xf32, #tpu.memory_space<vmem>>, vector<16xf32>,
        %abs3A_319 = math.absf %get3A_318 : vector<16xf32>
        %add3A_320 = arith.addf %abs3A_291, %abs3A_295 : vector<16xf32>
        %add3A_321 = arith.addf %abs3A_299, %abs3A_303 : vector<16xf32>
        %add3A_322 = arith.addf %abs3A_307, %abs3A_311 : vector<16xf32>
        %add3A_323 = arith.addf %abs3A_315, %abs3A_319 : vector<16xf32>
        %add3A_324 = arith.addf %add3A_320, %add3A_321 : vector<16xf32>
        %add3A_325 = arith.addf %add3A_322, %add3A_323 : vector<16xf32>
        %add3A_326 = arith.addf %add3A_324, %add3A_325 : vector<16xf32>
        %swap3A_327 = arith.constant 1 : i32
        %swap3A_328 = arith.index_cast %swap3A_327 : i32 to index
        %swap3A_329 = arith.constant 0 : index
        %swap3A_330 = tpu.vector_load %arg35[%swap3A_328, %swap3A_329] {strides = array<i32>} : memref<16x16xf32, #tpu.memory_space<vmem>>, vector<16xf32>,
        tpu.vector_store %arg35[%swap3A_328, %swap3A_329], %add3A_326 {strides = array<i32>} : memref<16x16xf32, #tpu.memory_space<vmem>>, vector<16xf32>,
        %mul3A_331 = arith.constant 16 : i32
        %mul3A_332 = arith.muli %scan3A_239, %mul3A_331 : i32
        %add3A_333 = arith.constant 2 : i32
        %add3A_334 = arith.addi %mul3A_332, %add3A_333 : i32
        %get3A_335 = arith.index_cast %add3A_334 : i32 to index
        %get3A_336 = arith.constant 0 : index
        %get3A_337 = tpu.vector_load %arg19[%get3A_335, %get3A_336] {strides = array<i32>} : memref<112x128xf32, #tpu.memory_space<vmem>>, vector<16xf32>,
        %abs3A_338 = math.absf %get3A_337 : vector<16xf32>
        %get3A_339 = arith.index_cast %add3A_334 : i32 to index
        %get3A_340 = arith.constant 16 : index
        %get3A_341 = tpu.vector_load %arg19[%get3A_339, %get3A_340] {strides = array<i32>} : memref<112x128xf32, #tpu.memory_space<vmem>>, vector<16xf32>,
        %abs3A_342 = math.absf %get3A_341 : vector<16xf32>
        %get3A_343 = arith.index_cast %add3A_334 : i32 to index
        %get3A_344 = arith.constant 32 : index
        %get3A_345 = tpu.vector_load %arg19[%get3A_343, %get3A_344] {strides = array<i32>} : memref<112x128xf32, #tpu.memory_space<vmem>>, vector<16xf32>,
        %abs3A_346 = math.absf %get3A_345 : vector<16xf32>
        %get3A_347 = arith.index_cast %add3A_334 : i32 to index
        %get3A_348 = arith.constant 48 : index
        %get3A_349 = tpu.vector_load %arg19[%get3A_347, %get3A_348] {strides = array<i32>} : memref<112x128xf32, #tpu.memory_space<vmem>>, vector<16xf32>,
        %abs3A_350 = math.absf %get3A_349 : vector<16xf32>
        %get3A_351 = arith.index_cast %add3A_334 : i32 to index
        %get3A_352 = arith.constant 64 : index
        %get3A_353 = tpu.vector_load %arg19[%get3A_351, %get3A_352] {strides = array<i32>} : memref<112x128xf32, #tpu.memory_space<vmem>>, vector<16xf32>,
        %abs3A_354 = math.absf %get3A_353 : vector<16xf32>
        %get3A_355 = arith.index_cast %add3A_334 : i32 to index
        %get3A_356 = arith.constant 80 : index
        %get3A_357 = tpu.vector_load %arg19[%get3A_355, %get3A_356] {strides = array<i32>} : memref<112x128xf32, #tpu.memory_space<vmem>>, vector<16xf32>,
        %abs3A_358 = math.absf %get3A_357 : vector<16xf32>
        %get3A_359 = arith.index_cast %add3A_334 : i32 to index
        %get3A_360 = arith.constant 96 : index
        %get3A_361 = tpu.vector_load %arg19[%get3A_359, %get3A_360] {strides = array<i32>} : memref<112x128xf32, #tpu.memory_space<vmem>>, vector<16xf32>,
        %abs3A_362 = math.absf %get3A_361 : vector<16xf32>
        %get3A_363 = arith.index_cast %add3A_334 : i32 to index
        %get3A_364 = arith.constant 112 : index
        %get3A_365 = tpu.vector_load %arg19[%get3A_363, %get3A_364] {strides = array<i32>} : memref<112x128xf32, #tpu.memory_space<vmem>>, vector<16xf32>,
        %abs3A_366 = math.absf %get3A_365 : vector<16xf32>
        %add3A_367 = arith.addf %abs3A_338, %abs3A_342 : vector<16xf32>
        %add3A_368 = arith.addf %abs3A_346, %abs3A_350 : vector<16xf32>
        %add3A_369 = arith.addf %abs3A_354, %abs3A_358 : vector<16xf32>
        %add3A_370 = arith.addf %abs3A_362, %abs3A_366 : vector<16xf32>
        %add3A_371 = arith.addf %add3A_367, %add3A_368 : vector<16xf32>
        %add3A_372 = arith.addf %add3A_369, %add3A_370 : vector<16xf32>
        %add3A_373 = arith.addf %add3A_371, %add3A_372 : vector<16xf32>
        %swap3A_374 = arith.constant 2 : i32
        %swap3A_375 = arith.index_cast %swap3A_374 : i32 to index
        %swap3A_376 = arith.constant 0 : index
        %swap3A_377 = tpu.vector_load %arg35[%swap3A_375, %swap3A_376] {strides = array<i32>} : memref<16x16xf32, #tpu.memory_space<vmem>>, vector<16xf32>,
        tpu.vector_store %arg35[%swap3A_375, %swap3A_376], %add3A_373 {strides = array<i32>} : memref<16x16xf32, #tpu.memory_space<vmem>>, vector<16xf32>,
        %mul3A_378 = arith.constant 16 : i32
        %mul3A_379 = arith.muli %scan3A_239, %mul3A_378 : i32
        %add3A_380 = arith.constant 3 : i32
        %add3A_381 = arith.addi %mul3A_379, %add3A_380 : i32
        %get3A_382 = arith.index_cast %add3A_381 : i32 to index
        %get3A_383 = arith.constant 0 : index
        %get3A_384 = tpu.vector_load %arg19[%get3A_382, %get3A_383] {strides = array<i32>} : memref<112x128xf32, #tpu.memory_space<vmem>>, vector<16xf32>,
        %abs3A_385 = math.absf %get3A_384 : vector<16xf32>
        %get3A_386 = arith.index_cast %add3A_381 : i32 to index
        %get3A_387 = arith.constant 16 : index
        %get3A_388 = tpu.vector_load %arg19[%get3A_386, %get3A_387] {strides = array<i32>} : memref<112x128xf32, #tpu.memory_space<vmem>>, vector<16xf32>,
        %abs3A_389 = math.absf %get3A_388 : vector<16xf32>
        %get3A_390 = arith.index_cast %add3A_381 : i32 to index
        %get3A_391 = arith.constant 32 : index
        %get3A_392 = tpu.vector_load %arg19[%get3A_390, %get3A_391] {strides = array<i32>} : memref<112x128xf32, #tpu.memory_space<vmem>>, vector<16xf32>,
        %abs3A_393 = math.absf %get3A_392 : vector<16xf32>
        %get3A_394 = arith.index_cast %add3A_381 : i32 to index
        %get3A_395 = arith.constant 48 : index
        %get3A_396 = tpu.vector_load %arg19[%get3A_394, %get3A_395] {strides = array<i32>} : memref<112x128xf32, #tpu.memory_space<vmem>>, vector<16xf32>,
        %abs3A_397 = math.absf %get3A_396 : vector<16xf32>
        %get3A_398 = arith.index_cast %add3A_381 : i32 to index
        %get3A_399 = arith.constant 64 : index
        %get3A_400 = tpu.vector_load %arg19[%get3A_398, %get3A_399] {strides = array<i32>} : memref<112x128xf32, #tpu.memory_space<vmem>>, vector<16xf32>,
        %abs3A_401 = math.absf %get3A_400 : vector<16xf32>
        %get3A_402 = arith.index_cast %add3A_381 : i32 to index
        %get3A_403 = arith.constant 80 : index
        %get3A_404 = tpu.vector_load %arg19[%get3A_402, %get3A_403] {strides = array<i32>} : memref<112x128xf32, #tpu.memory_space<vmem>>, vector<16xf32>,
        %abs3A_405 = math.absf %get3A_404 : vector<16xf32>
        %get3A_406 = arith.index_cast %add3A_381 : i32 to index
        %get3A_407 = arith.constant 96 : index
        %get3A_408 = tpu.vector_load %arg19[%get3A_406, %get3A_407] {strides = array<i32>} : memref<112x128xf32, #tpu.memory_space<vmem>>, vector<16xf32>,
        %abs3A_409 = math.absf %get3A_408 : vector<16xf32>
        %get3A_410 = arith.index_cast %add3A_381 : i32 to index
        %get3A_411 = arith.constant 112 : index
        %get3A_412 = tpu.vector_load %arg19[%get3A_410, %get3A_411] {strides = array<i32>} : memref<112x128xf32, #tpu.memory_space<vmem>>, vector<16xf32>,
        %abs3A_413 = math.absf %get3A_412 : vector<16xf32>
        %add3A_414 = arith.addf %abs3A_385, %abs3A_389 : vector<16xf32>
        %add3A_415 = arith.addf %abs3A_393, %abs3A_397 : vector<16xf32>
        %add3A_416 = arith.addf %abs3A_401, %abs3A_405 : vector<16xf32>
        %add3A_417 = arith.addf %abs3A_409, %abs3A_413 : vector<16xf32>
        %add3A_418 = arith.addf %add3A_414, %add3A_415 : vector<16xf32>
        %add3A_419 = arith.addf %add3A_416, %add3A_417 : vector<16xf32>
        %add3A_420 = arith.addf %add3A_418, %add3A_419 : vector<16xf32>
        %swap3A_421 = arith.constant 3 : i32
        %swap3A_422 = arith.index_cast %swap3A_421 : i32 to index
        %swap3A_423 = arith.constant 0 : index
        %swap3A_424 = tpu.vector_load %arg35[%swap3A_422, %swap3A_423] {strides = array<i32>} : memref<16x16xf32, #tpu.memory_space<vmem>>, vector<16xf32>,
        tpu.vector_store %arg35[%swap3A_422, %swap3A_423], %add3A_420 {strides = array<i32>} : memref<16x16xf32, #tpu.memory_space<vmem>>, vector<16xf32>,
        %mul3A_425 = arith.constant 16 : i32
        %mul3A_426 = arith.muli %scan3A_239, %mul3A_425 : i32
        %add3A_427 = arith.constant 4 : i32
        %add3A_428 = arith.addi %mul3A_426, %add3A_427 : i32
        %get3A_429 = arith.index_cast %add3A_428 : i32 to index
        %get3A_430 = arith.constant 0 : index
        %get3A_431 = tpu.vector_load %arg19[%get3A_429, %get3A_430] {strides = array<i32>} : memref<112x128xf32, #tpu.memory_space<vmem>>, vector<16xf32>,
        %abs3A_432 = math.absf %get3A_431 : vector<16xf32>
        %get3A_433 = arith.index_cast %add3A_428 : i32 to index
        %get3A_434 = arith.constant 16 : index
        %get3A_435 = tpu.vector_load %arg19[%get3A_433, %get3A_434] {strides = array<i32>} : memref<112x128xf32, #tpu.memory_space<vmem>>, vector<16xf32>,
        %abs3A_436 = math.absf %get3A_435 : vector<16xf32>
        %get3A_437 = arith.index_cast %add3A_428 : i32 to index
        %get3A_438 = arith.constant 32 : index
        %get3A_439 = tpu.vector_load %arg19[%get3A_437, %get3A_438] {strides = array<i32>} : memref<112x128xf32, #tpu.memory_space<vmem>>, vector<16xf32>,
        %abs3A_440 = math.absf %get3A_439 : vector<16xf32>
        %get3A_441 = arith.index_cast %add3A_428 : i32 to index
        %get3A_442 = arith.constant 48 : index
        %get3A_443 = tpu.vector_load %arg19[%get3A_441, %get3A_442] {strides = array<i32>} : memref<112x128xf32, #tpu.memory_space<vmem>>, vector<16xf32>,
        %abs3A_444 = math.absf %get3A_443 : vector<16xf32>
        %get3A_445 = arith.index_cast %add3A_428 : i32 to index
        %get3A_446 = arith.constant 64 : index
        %get3A_447 = tpu.vector_load %arg19[%get3A_445, %get3A_446] {strides = array<i32>} : memref<112x128xf32, #tpu.memory_space<vmem>>, vector<16xf32>,
        %abs3A_448 = math.absf %get3A_447 : vector<16xf32>
        %get3A_449 = arith.index_cast %add3A_428 : i32 to index
        %get3A_450 = arith.constant 80 : index
        %get3A_451 = tpu.vector_load %arg19[%get3A_449, %get3A_450] {strides = array<i32>} : memref<112x128xf32, #tpu.memory_space<vmem>>, vector<16xf32>,
        %abs3A_452 = math.absf %get3A_451 : vector<16xf32>
        %get3A_453 = arith.index_cast %add3A_428 : i32 to index
        %get3A_454 = arith.constant 96 : index
        %get3A_455 = tpu.vector_load %arg19[%get3A_453, %get3A_454] {strides = array<i32>} : memref<112x128xf32, #tpu.memory_space<vmem>>, vector<16xf32>,
        %abs3A_456 = math.absf %get3A_455 : vector<16xf32>
        %get3A_457 = arith.index_cast %add3A_428 : i32 to index
        %get3A_458 = arith.constant 112 : index
        %get3A_459 = tpu.vector_load %arg19[%get3A_457, %get3A_458] {strides = array<i32>} : memref<112x128xf32, #tpu.memory_space<vmem>>, vector<16xf32>,
        %abs3A_460 = math.absf %get3A_459 : vector<16xf32>
        %add3A_461 = arith.addf %abs3A_432, %abs3A_436 : vector<16xf32>
        %add3A_462 = arith.addf %abs3A_440, %abs3A_444 : vector<16xf32>
        %add3A_463 = arith.addf %abs3A_448, %abs3A_452 : vector<16xf32>
        %add3A_464 = arith.addf %abs3A_456, %abs3A_460 : vector<16xf32>
        %add3A_465 = arith.addf %add3A_461, %add3A_462 : vector<16xf32>
        %add3A_466 = arith.addf %add3A_463, %add3A_464 : vector<16xf32>
        %add3A_467 = arith.addf %add3A_465, %add3A_466 : vector<16xf32>
        %swap3A_468 = arith.constant 4 : i32
        %swap3A_469 = arith.index_cast %swap3A_468 : i32 to index
        %swap3A_470 = arith.constant 0 : index
        %swap3A_471 = tpu.vector_load %arg35[%swap3A_469, %swap3A_470] {strides = array<i32>} : memref<16x16xf32, #tpu.memory_space<vmem>>, vector<16xf32>,
        tpu.vector_store %arg35[%swap3A_469, %swap3A_470], %add3A_467 {strides = array<i32>} : memref<16x16xf32, #tpu.memory_space<vmem>>, vector<16xf32>,
        %mul3A_472 = arith.constant 16 : i32
        %mul3A_473 = arith.muli %scan3A_239, %mul3A_472 : i32
        %add3A_474 = arith.constant 5 : i32
        %add3A_475 = arith.addi %mul3A_473, %add3A_474 : i32
        %get3A_476 = arith.index_cast %add3A_475 : i32 to index
        %get3A_477 = arith.constant 0 : index
        %get3A_478 = tpu.vector_load %arg19[%get3A_476, %get3A_477] {strides = array<i32>} : memref<112x128xf32, #tpu.memory_space<vmem>>, vector<16xf32>,
        %abs3A_479 = math.absf %get3A_478 : vector<16xf32>
        %get3A_480 = arith.index_cast %add3A_475 : i32 to index
        %get3A_481 = arith.constant 16 : index
        %get3A_482 = tpu.vector_load %arg19[%get3A_480, %get3A_481] {strides = array<i32>} : memref<112x128xf32, #tpu.memory_space<vmem>>, vector<16xf32>,
        %abs3A_483 = math.absf %get3A_482 : vector<16xf32>
        %get3A_484 = arith.index_cast %add3A_475 : i32 to index
        %get3A_485 = arith.constant 32 : index
        %get3A_486 = tpu.vector_load %arg19[%get3A_484, %get3A_485] {strides = array<i32>} : memref<112x128xf32, #tpu.memory_space<vmem>>, vector<16xf32>,
        %abs3A_487 = math.absf %get3A_486 : vector<16xf32>
        %get3A_488 = arith.index_cast %add3A_475 : i32 to index
        %get3A_489 = arith.constant 48 : index
        %get3A_490 = tpu.vector_load %arg19[%get3A_488, %get3A_489] {strides = array<i32>} : memref<112x128xf32, #tpu.memory_space<vmem>>, vector<16xf32>,
        %abs3A_491 = math.absf %get3A_490 : vector<16xf32>
        %get3A_492 = arith.index_cast %add3A_475 : i32 to index
        %get3A_493 = arith.constant 64 : index
        %get3A_494 = tpu.vector_load %arg19[%get3A_492, %get3A_493] {strides = array<i32>} : memref<112x128xf32, #tpu.memory_space<vmem>>, vector<16xf32>,
        %abs3A_495 = math.absf %get3A_494 : vector<16xf32>
        %get3A_496 = arith.index_cast %add3A_475 : i32 to index
        %get3A_497 = arith.constant 80 : index
        %get3A_498 = tpu.vector_load %arg19[%get3A_496, %get3A_497] {strides = array<i32>} : memref<112x128xf32, #tpu.memory_space<vmem>>, vector<16xf32>,
        %abs3A_499 = math.absf %get3A_498 : vector<16xf32>
        %get3A_500 = arith.index_cast %add3A_475 : i32 to index
        %get3A_501 = arith.constant 96 : index
        %get3A_502 = tpu.vector_load %arg19[%get3A_500, %get3A_501] {strides = array<i32>} : memref<112x128xf32, #tpu.memory_space<vmem>>, vector<16xf32>,
        %abs3A_503 = math.absf %get3A_502 : vector<16xf32>
        %get3A_504 = arith.index_cast %add3A_475 : i32 to index
        %get3A_505 = arith.constant 112 : index
        %get3A_506 = tpu.vector_load %arg19[%get3A_504, %get3A_505] {strides = array<i32>} : memref<112x128xf32, #tpu.memory_space<vmem>>, vector<16xf32>,
        %abs3A_507 = math.absf %get3A_506 : vector<16xf32>
        %add3A_508 = arith.addf %abs3A_479, %abs3A_483 : vector<16xf32>
        %add3A_509 = arith.addf %abs3A_487, %abs3A_491 : vector<16xf32>
        %add3A_510 = arith.addf %abs3A_495, %abs3A_499 : vector<16xf32>
        %add3A_511 = arith.addf %abs3A_503, %abs3A_507 : vector<16xf32>
        %add3A_512 = arith.addf %add3A_508, %add3A_509 : vector<16xf32>
        %add3A_513 = arith.addf %add3A_510, %add3A_511 : vector<16xf32>
        %add3A_514 = arith.addf %add3A_512, %add3A_513 : vector<16xf32>
        %swap3A_515 = arith.constant 5 : i32
        %swap3A_516 = arith.index_cast %swap3A_515 : i32 to index
        %swap3A_517 = arith.constant 0 : index
        %swap3A_518 = tpu.vector_load %arg35[%swap3A_516, %swap3A_517] {strides = array<i32>} : memref<16x16xf32, #tpu.memory_space<vmem>>, vector<16xf32>,
        tpu.vector_store %arg35[%swap3A_516, %swap3A_517], %add3A_514 {strides = array<i32>} : memref<16x16xf32, #tpu.memory_space<vmem>>, vector<16xf32>,
        %mul3A_519 = arith.constant 16 : i32
        %mul3A_520 = arith.muli %scan3A_239, %mul3A_519 : i32
        %add3A_521 = arith.constant 6 : i32
        %add3A_522 = arith.addi %mul3A_520, %add3A_521 : i32
        %get3A_523 = arith.index_cast %add3A_522 : i32 to index
        %get3A_524 = arith.constant 0 : index
        %get3A_525 = tpu.vector_load %arg19[%get3A_523, %get3A_524] {strides = array<i32>} : memref<112x128xf32, #tpu.memory_space<vmem>>, vector<16xf32>,
        %abs3A_526 = math.absf %get3A_525 : vector<16xf32>
        %get3A_527 = arith.index_cast %add3A_522 : i32 to index
        %get3A_528 = arith.constant 16 : index
        %get3A_529 = tpu.vector_load %arg19[%get3A_527, %get3A_528] {strides = array<i32>} : memref<112x128xf32, #tpu.memory_space<vmem>>, vector<16xf32>,
        %abs3A_530 = math.absf %get3A_529 : vector<16xf32>
        %get3A_531 = arith.index_cast %add3A_522 : i32 to index
        %get3A_532 = arith.constant 32 : index
        %get3A_533 = tpu.vector_load %arg19[%get3A_531, %get3A_532] {strides = array<i32>} : memref<112x128xf32, #tpu.memory_space<vmem>>, vector<16xf32>,
        %abs3A_534 = math.absf %get3A_533 : vector<16xf32>
        %get3A_535 = arith.index_cast %add3A_522 : i32 to index
        %get3A_536 = arith.constant 48 : index
        %get3A_537 = tpu.vector_load %arg19[%get3A_535, %get3A_536] {strides = array<i32>} : memref<112x128xf32, #tpu.memory_space<vmem>>, vector<16xf32>,
        %abs3A_538 = math.absf %get3A_537 : vector<16xf32>
        %get3A_539 = arith.index_cast %add3A_522 : i32 to index
        %get3A_540 = arith.constant 64 : index
        %get3A_541 = tpu.vector_load %arg19[%get3A_539, %get3A_540] {strides = array<i32>} : memref<112x128xf32, #tpu.memory_space<vmem>>, vector<16xf32>,
        %abs3A_542 = math.absf %get3A_541 : vector<16xf32>
        %get3A_543 = arith.index_cast %add3A_522 : i32 to index
        %get3A_544 = arith.constant 80 : index
        %get3A_545 = tpu.vector_load %arg19[%get3A_543, %get3A_544] {strides = array<i32>} : memref<112x128xf32, #tpu.memory_space<vmem>>, vector<16xf32>,
        %abs3A_546 = math.absf %get3A_545 : vector<16xf32>
        %get3A_547 = arith.index_cast %add3A_522 : i32 to index
        %get3A_548 = arith.constant 96 : index
        %get3A_549 = tpu.vector_load %arg19[%get3A_547, %get3A_548] {strides = array<i32>} : memref<112x128xf32, #tpu.memory_space<vmem>>, vector<16xf32>,
        %abs3A_550 = math.absf %get3A_549 : vector<16xf32>
        %get3A_551 = arith.index_cast %add3A_522 : i32 to index
        %get3A_552 = arith.constant 112 : index
        %get3A_553 = tpu.vector_load %arg19[%get3A_551, %get3A_552] {strides = array<i32>} : memref<112x128xf32, #tpu.memory_space<vmem>>, vector<16xf32>,
        %abs3A_554 = math.absf %get3A_553 : vector<16xf32>
        %add3A_555 = arith.addf %abs3A_526, %abs3A_530 : vector<16xf32>
        %add3A_556 = arith.addf %abs3A_534, %abs3A_538 : vector<16xf32>
        %add3A_557 = arith.addf %abs3A_542, %abs3A_546 : vector<16xf32>
        %add3A_558 = arith.addf %abs3A_550, %abs3A_554 : vector<16xf32>
        %add3A_559 = arith.addf %add3A_555, %add3A_556 : vector<16xf32>
        %add3A_560 = arith.addf %add3A_557, %add3A_558 : vector<16xf32>
        %add3A_561 = arith.addf %add3A_559, %add3A_560 : vector<16xf32>
        %swap3A_562 = arith.constant 6 : i32
        %swap3A_563 = arith.index_cast %swap3A_562 : i32 to index
        %swap3A_564 = arith.constant 0 : index
        %swap3A_565 = tpu.vector_load %arg35[%swap3A_563, %swap3A_564] {strides = array<i32>} : memref<16x16xf32, #tpu.memory_space<vmem>>, vector<16xf32>,
        tpu.vector_store %arg35[%swap3A_563, %swap3A_564], %add3A_561 {strides = array<i32>} : memref<16x16xf32, #tpu.memory_space<vmem>>, vector<16xf32>,
        %mul3A_566 = arith.constant 16 : i32
        %mul3A_567 = arith.muli %scan3A_239, %mul3A_566 : i32
        %add3A_568 = arith.constant 7 : i32
        %add3A_569 = arith.addi %mul3A_567, %add3A_568 : i32
        %get3A_570 = arith.index_cast %add3A_569 : i32 to index
        %get3A_571 = arith.constant 0 : index
        %get3A_572 = tpu.vector_load %arg19[%get3A_570, %get3A_571] {strides = array<i32>} : memref<112x128xf32, #tpu.memory_space<vmem>>, vector<16xf32>,
        %abs3A_573 = math.absf %get3A_572 : vector<16xf32>
        %get3A_574 = arith.index_cast %add3A_569 : i32 to index
        %get3A_575 = arith.constant 16 : index
        %get3A_576 = tpu.vector_load %arg19[%get3A_574, %get3A_575] {strides = array<i32>} : memref<112x128xf32, #tpu.memory_space<vmem>>, vector<16xf32>,
        %abs3A_577 = math.absf %get3A_576 : vector<16xf32>
        %get3A_578 = arith.index_cast %add3A_569 : i32 to index
        %get3A_579 = arith.constant 32 : index
        %get3A_580 = tpu.vector_load %arg19[%get3A_578, %get3A_579] {strides = array<i32>} : memref<112x128xf32, #tpu.memory_space<vmem>>, vector<16xf32>,
        %abs3A_581 = math.absf %get3A_580 : vector<16xf32>
        %get3A_582 = arith.index_cast %add3A_569 : i32 to index
        %get3A_583 = arith.constant 48 : index
        %get3A_584 = tpu.vector_load %arg19[%get3A_582, %get3A_583] {strides = array<i32>} : memref<112x128xf32, #tpu.memory_space<vmem>>, vector<16xf32>,
        %abs3A_585 = math.absf %get3A_584 : vector<16xf32>
        %get3A_586 = arith.index_cast %add3A_569 : i32 to index
        %get3A_587 = arith.constant 64 : index
        %get3A_588 = tpu.vector_load %arg19[%get3A_586, %get3A_587] {strides = array<i32>} : memref<112x128xf32, #tpu.memory_space<vmem>>, vector<16xf32>,
        %abs3A_589 = math.absf %get3A_588 : vector<16xf32>
        %get3A_590 = arith.index_cast %add3A_569 : i32 to index
        %get3A_591 = arith.constant 80 : index
        %get3A_592 = tpu.vector_load %arg19[%get3A_590, %get3A_591] {strides = array<i32>} : memref<112x128xf32, #tpu.memory_space<vmem>>, vector<16xf32>,
        %abs3A_593 = math.absf %get3A_592 : vector<16xf32>
        %get3A_594 = arith.index_cast %add3A_569 : i32 to index
        %get3A_595 = arith.constant 96 : index
        %get3A_596 = tpu.vector_load %arg19[%get3A_594, %get3A_595] {strides = array<i32>} : memref<112x128xf32, #tpu.memory_space<vmem>>, vector<16xf32>,
        %abs3A_597 = math.absf %get3A_596 : vector<16xf32>
        %get3A_598 = arith.index_cast %add3A_569 : i32 to index
        %get3A_599 = arith.constant 112 : index
        %get3A_600 = tpu.vector_load %arg19[%get3A_598, %get3A_599] {strides = array<i32>} : memref<112x128xf32, #tpu.memory_space<vmem>>, vector<16xf32>,
        %abs3A_601 = math.absf %get3A_600 : vector<16xf32>
        %add3A_602 = arith.addf %abs3A_573, %abs3A_577 : vector<16xf32>
        %add3A_603 = arith.addf %abs3A_581, %abs3A_585 : vector<16xf32>
        %add3A_604 = arith.addf %abs3A_589, %abs3A_593 : vector<16xf32>
        %add3A_605 = arith.addf %abs3A_597, %abs3A_601 : vector<16xf32>
        %add3A_606 = arith.addf %add3A_602, %add3A_603 : vector<16xf32>
        %add3A_607 = arith.addf %add3A_604, %add3A_605 : vector<16xf32>
        %add3A_608 = arith.addf %add3A_606, %add3A_607 : vector<16xf32>
        %swap3A_609 = arith.constant 7 : i32
        %swap3A_610 = arith.index_cast %swap3A_609 : i32 to index
        %swap3A_611 = arith.constant 0 : index
        %swap3A_612 = tpu.vector_load %arg35[%swap3A_610, %swap3A_611] {strides = array<i32>} : memref<16x16xf32, #tpu.memory_space<vmem>>, vector<16xf32>,
        tpu.vector_store %arg35[%swap3A_610, %swap3A_611], %add3A_608 {strides = array<i32>} : memref<16x16xf32, #tpu.memory_space<vmem>>, vector<16xf32>,
        %mul3A_613 = arith.constant 16 : i32
        %mul3A_614 = arith.muli %scan3A_239, %mul3A_613 : i32
        %add3A_615 = arith.constant 8 : i32
        %add3A_616 = arith.addi %mul3A_614, %add3A_615 : i32
        %get3A_617 = arith.index_cast %add3A_616 : i32 to index
        %get3A_618 = arith.constant 0 : index
        %get3A_619 = tpu.vector_load %arg19[%get3A_617, %get3A_618] {strides = array<i32>} : memref<112x128xf32, #tpu.memory_space<vmem>>, vector<16xf32>,
        %abs3A_620 = math.absf %get3A_619 : vector<16xf32>
        %get3A_621 = arith.index_cast %add3A_616 : i32 to index
        %get3A_622 = arith.constant 16 : index
        %get3A_623 = tpu.vector_load %arg19[%get3A_621, %get3A_622] {strides = array<i32>} : memref<112x128xf32, #tpu.memory_space<vmem>>, vector<16xf32>,
        %abs3A_624 = math.absf %get3A_623 : vector<16xf32>
        %get3A_625 = arith.index_cast %add3A_616 : i32 to index
        %get3A_626 = arith.constant 32 : index
        %get3A_627 = tpu.vector_load %arg19[%get3A_625, %get3A_626] {strides = array<i32>} : memref<112x128xf32, #tpu.memory_space<vmem>>, vector<16xf32>,
        %abs3A_628 = math.absf %get3A_627 : vector<16xf32>
        %get3A_629 = arith.index_cast %add3A_616 : i32 to index
        %get3A_630 = arith.constant 48 : index
        %get3A_631 = tpu.vector_load %arg19[%get3A_629, %get3A_630] {strides = array<i32>} : memref<112x128xf32, #tpu.memory_space<vmem>>, vector<16xf32>,
        %abs3A_632 = math.absf %get3A_631 : vector<16xf32>
        %get3A_633 = arith.index_cast %add3A_616 : i32 to index
        %get3A_634 = arith.constant 64 : index
        %get3A_635 = tpu.vector_load %arg19[%get3A_633, %get3A_634] {strides = array<i32>} : memref<112x128xf32, #tpu.memory_space<vmem>>, vector<16xf32>,
        %abs3A_636 = math.absf %get3A_635 : vector<16xf32>
        %get3A_637 = arith.index_cast %add3A_616 : i32 to index
        %get3A_638 = arith.constant 80 : index
        %get3A_639 = tpu.vector_load %arg19[%get3A_637, %get3A_638] {strides = array<i32>} : memref<112x128xf32, #tpu.memory_space<vmem>>, vector<16xf32>,
        %abs3A_640 = math.absf %get3A_639 : vector<16xf32>
        %get3A_641 = arith.index_cast %add3A_616 : i32 to index
        %get3A_642 = arith.constant 96 : index
        %get3A_643 = tpu.vector_load %arg19[%get3A_641, %get3A_642] {strides = array<i32>} : memref<112x128xf32, #tpu.memory_space<vmem>>, vector<16xf32>,
        %abs3A_644 = math.absf %get3A_643 : vector<16xf32>
        %get3A_645 = arith.index_cast %add3A_616 : i32 to index
        %get3A_646 = arith.constant 112 : index
        %get3A_647 = tpu.vector_load %arg19[%get3A_645, %get3A_646] {strides = array<i32>} : memref<112x128xf32, #tpu.memory_space<vmem>>, vector<16xf32>,
        %abs3A_648 = math.absf %get3A_647 : vector<16xf32>
        %add3A_649 = arith.addf %abs3A_620, %abs3A_624 : vector<16xf32>
        %add3A_650 = arith.addf %abs3A_628, %abs3A_632 : vector<16xf32>
        %add3A_651 = arith.addf %abs3A_636, %abs3A_640 : vector<16xf32>
        %add3A_652 = arith.addf %abs3A_644, %abs3A_648 : vector<16xf32>
        %add3A_653 = arith.addf %add3A_649, %add3A_650 : vector<16xf32>
        %add3A_654 = arith.addf %add3A_651, %add3A_652 : vector<16xf32>
        %add3A_655 = arith.addf %add3A_653, %add3A_654 : vector<16xf32>
        %swap3A_656 = arith.constant 8 : i32
        %swap3A_657 = arith.index_cast %swap3A_656 : i32 to index
        %swap3A_658 = arith.constant 0 : index
        %swap3A_659 = tpu.vector_load %arg35[%swap3A_657, %swap3A_658] {strides = array<i32>} : memref<16x16xf32, #tpu.memory_space<vmem>>, vector<16xf32>,
        tpu.vector_store %arg35[%swap3A_657, %swap3A_658], %add3A_655 {strides = array<i32>} : memref<16x16xf32, #tpu.memory_space<vmem>>, vector<16xf32>,
        %mul3A_660 = arith.constant 16 : i32
        %mul3A_661 = arith.muli %scan3A_239, %mul3A_660 : i32
        %add3A_662 = arith.constant 9 : i32
        %add3A_663 = arith.addi %mul3A_661, %add3A_662 : i32
        %get3A_664 = arith.index_cast %add3A_663 : i32 to index
        %get3A_665 = arith.constant 0 : index
        %get3A_666 = tpu.vector_load %arg19[%get3A_664, %get3A_665] {strides = array<i32>} : memref<112x128xf32, #tpu.memory_space<vmem>>, vector<16xf32>,
        %abs3A_667 = math.absf %get3A_666 : vector<16xf32>
        %get3A_668 = arith.index_cast %add3A_663 : i32 to index
        %get3A_669 = arith.constant 16 : index
        %get3A_670 = tpu.vector_load %arg19[%get3A_668, %get3A_669] {strides = array<i32>} : memref<112x128xf32, #tpu.memory_space<vmem>>, vector<16xf32>,
        %abs3A_671 = math.absf %get3A_670 : vector<16xf32>
        %get3A_672 = arith.index_cast %add3A_663 : i32 to index
        %get3A_673 = arith.constant 32 : index
        %get3A_674 = tpu.vector_load %arg19[%get3A_672, %get3A_673] {strides = array<i32>} : memref<112x128xf32, #tpu.memory_space<vmem>>, vector<16xf32>,
        %abs3A_675 = math.absf %get3A_674 : vector<16xf32>
        %get3A_676 = arith.index_cast %add3A_663 : i32 to index
        %get3A_677 = arith.constant 48 : index
        %get3A_678 = tpu.vector_load %arg19[%get3A_676, %get3A_677] {strides = array<i32>} : memref<112x128xf32, #tpu.memory_space<vmem>>, vector<16xf32>,
        %abs3A_679 = math.absf %get3A_678 : vector<16xf32>
        %get3A_680 = arith.index_cast %add3A_663 : i32 to index
        %get3A_681 = arith.constant 64 : index
        %get3A_682 = tpu.vector_load %arg19[%get3A_680, %get3A_681] {strides = array<i32>} : memref<112x128xf32, #tpu.memory_space<vmem>>, vector<16xf32>,
        %abs3A_683 = math.absf %get3A_682 : vector<16xf32>
        %get3A_684 = arith.index_cast %add3A_663 : i32 to index
        %get3A_685 = arith.constant 80 : index
        %get3A_686 = tpu.vector_load %arg19[%get3A_684, %get3A_685] {strides = array<i32>} : memref<112x128xf32, #tpu.memory_space<vmem>>, vector<16xf32>,
        %abs3A_687 = math.absf %get3A_686 : vector<16xf32>
        %get3A_688 = arith.index_cast %add3A_663 : i32 to index
        %get3A_689 = arith.constant 96 : index
        %get3A_690 = tpu.vector_load %arg19[%get3A_688, %get3A_689] {strides = array<i32>} : memref<112x128xf32, #tpu.memory_space<vmem>>, vector<16xf32>,
        %abs3A_691 = math.absf %get3A_690 : vector<16xf32>
        %get3A_692 = arith.index_cast %add3A_663 : i32 to index
        %get3A_693 = arith.constant 112 : index
        %get3A_694 = tpu.vector_load %arg19[%get3A_692, %get3A_693] {strides = array<i32>} : memref<112x128xf32, #tpu.memory_space<vmem>>, vector<16xf32>,
        %abs3A_695 = math.absf %get3A_694 : vector<16xf32>
        %add3A_696 = arith.addf %abs3A_667, %abs3A_671 : vector<16xf32>
        %add3A_697 = arith.addf %abs3A_675, %abs3A_679 : vector<16xf32>
        %add3A_698 = arith.addf %abs3A_683, %abs3A_687 : vector<16xf32>
        %add3A_699 = arith.addf %abs3A_691, %abs3A_695 : vector<16xf32>
        %add3A_700 = arith.addf %add3A_696, %add3A_697 : vector<16xf32>
        %add3A_701 = arith.addf %add3A_698, %add3A_699 : vector<16xf32>
        %add3A_702 = arith.addf %add3A_700, %add3A_701 : vector<16xf32>
        %swap3A_703 = arith.constant 9 : i32
        %swap3A_704 = arith.index_cast %swap3A_703 : i32 to index
        %swap3A_705 = arith.constant 0 : index
        %swap3A_706 = tpu.vector_load %arg35[%swap3A_704, %swap3A_705] {strides = array<i32>} : memref<16x16xf32, #tpu.memory_space<vmem>>, vector<16xf32>,
        tpu.vector_store %arg35[%swap3A_704, %swap3A_705], %add3A_702 {strides = array<i32>} : memref<16x16xf32, #tpu.memory_space<vmem>>, vector<16xf32>,
        %mul3A_707 = arith.constant 16 : i32
        %mul3A_708 = arith.muli %scan3A_239, %mul3A_707 : i32
        %add3A_709 = arith.constant 10 : i32
        %add3A_710 = arith.addi %mul3A_708, %add3A_709 : i32
        %get3A_711 = arith.index_cast %add3A_710 : i32 to index
        %get3A_712 = arith.constant 0 : index
        %get3A_713 = tpu.vector_load %arg19[%get3A_711, %get3A_712] {strides = array<i32>} : memref<112x128xf32, #tpu.memory_space<vmem>>, vector<16xf32>,
        %abs3A_714 = math.absf %get3A_713 : vector<16xf32>
        %get3A_715 = arith.index_cast %add3A_710 : i32 to index
        %get3A_716 = arith.constant 16 : index
        %get3A_717 = tpu.vector_load %arg19[%get3A_715, %get3A_716] {strides = array<i32>} : memref<112x128xf32, #tpu.memory_space<vmem>>, vector<16xf32>,
        %abs3A_718 = math.absf %get3A_717 : vector<16xf32>
        %get3A_719 = arith.index_cast %add3A_710 : i32 to index
        %get3A_720 = arith.constant 32 : index
        %get3A_721 = tpu.vector_load %arg19[%get3A_719, %get3A_720] {strides = array<i32>} : memref<112x128xf32, #tpu.memory_space<vmem>>, vector<16xf32>,
        %abs3A_722 = math.absf %get3A_721 : vector<16xf32>
        %get3A_723 = arith.index_cast %add3A_710 : i32 to index
        %get3A_724 = arith.constant 48 : index
        %get3A_725 = tpu.vector_load %arg19[%get3A_723, %get3A_724] {strides = array<i32>} : memref<112x128xf32, #tpu.memory_space<vmem>>, vector<16xf32>,
        %abs3A_726 = math.absf %get3A_725 : vector<16xf32>
        %get3A_727 = arith.index_cast %add3A_710 : i32 to index
        %get3A_728 = arith.constant 64 : index
        %get3A_729 = tpu.vector_load %arg19[%get3A_727, %get3A_728] {strides = array<i32>} : memref<112x128xf32, #tpu.memory_space<vmem>>, vector<16xf32>,
        %abs3A_730 = math.absf %get3A_729 : vector<16xf32>
        %get3A_731 = arith.index_cast %add3A_710 : i32 to index
        %get3A_732 = arith.constant 80 : index
        %get3A_733 = tpu.vector_load %arg19[%get3A_731, %get3A_732] {strides = array<i32>} : memref<112x128xf32, #tpu.memory_space<vmem>>, vector<16xf32>,
        %abs3A_734 = math.absf %get3A_733 : vector<16xf32>
        %get3A_735 = arith.index_cast %add3A_710 : i32 to index
        %get3A_736 = arith.constant 96 : index
        %get3A_737 = tpu.vector_load %arg19[%get3A_735, %get3A_736] {strides = array<i32>} : memref<112x128xf32, #tpu.memory_space<vmem>>, vector<16xf32>,
        %abs3A_738 = math.absf %get3A_737 : vector<16xf32>
        %get3A_739 = arith.index_cast %add3A_710 : i32 to index
        %get3A_740 = arith.constant 112 : index
        %get3A_741 = tpu.vector_load %arg19[%get3A_739, %get3A_740] {strides = array<i32>} : memref<112x128xf32, #tpu.memory_space<vmem>>, vector<16xf32>,
        %abs3A_742 = math.absf %get3A_741 : vector<16xf32>
        %add3A_743 = arith.addf %abs3A_714, %abs3A_718 : vector<16xf32>
        %add3A_744 = arith.addf %abs3A_722, %abs3A_726 : vector<16xf32>
        %add3A_745 = arith.addf %abs3A_730, %abs3A_734 : vector<16xf32>
        %add3A_746 = arith.addf %abs3A_738, %abs3A_742 : vector<16xf32>
        %add3A_747 = arith.addf %add3A_743, %add3A_744 : vector<16xf32>
        %add3A_748 = arith.addf %add3A_745, %add3A_746 : vector<16xf32>
        %add3A_749 = arith.addf %add3A_747, %add3A_748 : vector<16xf32>
        %swap3A_750 = arith.constant 10 : i32
        %swap3A_751 = arith.index_cast %swap3A_750 : i32 to index
        %swap3A_752 = arith.constant 0 : index
        %swap3A_753 = tpu.vector_load %arg35[%swap3A_751, %swap3A_752] {strides = array<i32>} : memref<16x16xf32, #tpu.memory_space<vmem>>, vector<16xf32>,
        tpu.vector_store %arg35[%swap3A_751, %swap3A_752], %add3A_749 {strides = array<i32>} : memref<16x16xf32, #tpu.memory_space<vmem>>, vector<16xf32>,
        %mul3A_754 = arith.constant 16 : i32
        %mul3A_755 = arith.muli %scan3A_239, %mul3A_754 : i32
        %add3A_756 = arith.constant 11 : i32
        %add3A_757 = arith.addi %mul3A_755, %add3A_756 : i32
        %get3A_758 = arith.index_cast %add3A_757 : i32 to index
        %get3A_759 = arith.constant 0 : index
        %get3A_760 = tpu.vector_load %arg19[%get3A_758, %get3A_759] {strides = array<i32>} : memref<112x128xf32, #tpu.memory_space<vmem>>, vector<16xf32>,
        %abs3A_761 = math.absf %get3A_760 : vector<16xf32>
        %get3A_762 = arith.index_cast %add3A_757 : i32 to index
        %get3A_763 = arith.constant 16 : index
        %get3A_764 = tpu.vector_load %arg19[%get3A_762, %get3A_763] {strides = array<i32>} : memref<112x128xf32, #tpu.memory_space<vmem>>, vector<16xf32>,
        %abs3A_765 = math.absf %get3A_764 : vector<16xf32>
        %get3A_766 = arith.index_cast %add3A_757 : i32 to index
        %get3A_767 = arith.constant 32 : index
        %get3A_768 = tpu.vector_load %arg19[%get3A_766, %get3A_767] {strides = array<i32>} : memref<112x128xf32, #tpu.memory_space<vmem>>, vector<16xf32>,
        %abs3A_769 = math.absf %get3A_768 : vector<16xf32>
        %get3A_770 = arith.index_cast %add3A_757 : i32 to index
        %get3A_771 = arith.constant 48 : index
        %get3A_772 = tpu.vector_load %arg19[%get3A_770, %get3A_771] {strides = array<i32>} : memref<112x128xf32, #tpu.memory_space<vmem>>, vector<16xf32>,
        %abs3A_773 = math.absf %get3A_772 : vector<16xf32>
        %get3A_774 = arith.index_cast %add3A_757 : i32 to index
        %get3A_775 = arith.constant 64 : index
        %get3A_776 = tpu.vector_load %arg19[%get3A_774, %get3A_775] {strides = array<i32>} : memref<112x128xf32, #tpu.memory_space<vmem>>, vector<16xf32>,
        %abs3A_777 = math.absf %get3A_776 : vector<16xf32>
        %get3A_778 = arith.index_cast %add3A_757 : i32 to index
        %get3A_779 = arith.constant 80 : index
        %get3A_780 = tpu.vector_load %arg19[%get3A_778, %get3A_779] {strides = array<i32>} : memref<112x128xf32, #tpu.memory_space<vmem>>, vector<16xf32>,
        %abs3A_781 = math.absf %get3A_780 : vector<16xf32>
        %get3A_782 = arith.index_cast %add3A_757 : i32 to index
        %get3A_783 = arith.constant 96 : index
        %get3A_784 = tpu.vector_load %arg19[%get3A_782, %get3A_783] {strides = array<i32>} : memref<112x128xf32, #tpu.memory_space<vmem>>, vector<16xf32>,
        %abs3A_785 = math.absf %get3A_784 : vector<16xf32>
        %get3A_786 = arith.index_cast %add3A_757 : i32 to index
        %get3A_787 = arith.constant 112 : index
        %get3A_788 = tpu.vector_load %arg19[%get3A_786, %get3A_787] {strides = array<i32>} : memref<112x128xf32, #tpu.memory_space<vmem>>, vector<16xf32>,
        %abs3A_789 = math.absf %get3A_788 : vector<16xf32>
        %add3A_790 = arith.addf %abs3A_761, %abs3A_765 : vector<16xf32>
        %add3A_791 = arith.addf %abs3A_769, %abs3A_773 : vector<16xf32>
        %add3A_792 = arith.addf %abs3A_777, %abs3A_781 : vector<16xf32>
        %add3A_793 = arith.addf %abs3A_785, %abs3A_789 : vector<16xf32>
        %add3A_794 = arith.addf %add3A_790, %add3A_791 : vector<16xf32>
        %add3A_795 = arith.addf %add3A_792, %add3A_793 : vector<16xf32>
        %add3A_796 = arith.addf %add3A_794, %add3A_795 : vector<16xf32>
        %swap3A_797 = arith.constant 11 : i32
        %swap3A_798 = arith.index_cast %swap3A_797 : i32 to index
        %swap3A_799 = arith.constant 0 : index
        %swap3A_800 = tpu.vector_load %arg35[%swap3A_798, %swap3A_799] {strides = array<i32>} : memref<16x16xf32, #tpu.memory_space<vmem>>, vector<16xf32>,
        tpu.vector_store %arg35[%swap3A_798, %swap3A_799], %add3A_796 {strides = array<i32>} : memref<16x16xf32, #tpu.memory_space<vmem>>, vector<16xf32>,
        %mul3A_801 = arith.constant 16 : i32
        %mul3A_802 = arith.muli %scan3A_239, %mul3A_801 : i32
        %add3A_803 = arith.constant 12 : i32
        %add3A_804 = arith.addi %mul3A_802, %add3A_803 : i32
        %get3A_805 = arith.index_cast %add3A_804 : i32 to index
        %get3A_806 = arith.constant 0 : index
        %get3A_807 = tpu.vector_load %arg19[%get3A_805, %get3A_806] {strides = array<i32>} : memref<112x128xf32, #tpu.memory_space<vmem>>, vector<16xf32>,
        %abs3A_808 = math.absf %get3A_807 : vector<16xf32>
        %get3A_809 = arith.index_cast %add3A_804 : i32 to index
        %get3A_810 = arith.constant 16 : index
        %get3A_811 = tpu.vector_load %arg19[%get3A_809, %get3A_810] {strides = array<i32>} : memref<112x128xf32, #tpu.memory_space<vmem>>, vector<16xf32>,
        %abs3A_812 = math.absf %get3A_811 : vector<16xf32>
        %get3A_813 = arith.index_cast %add3A_804 : i32 to index
        %get3A_814 = arith.constant 32 : index
        %get3A_815 = tpu.vector_load %arg19[%get3A_813, %get3A_814] {strides = array<i32>} : memref<112x128xf32, #tpu.memory_space<vmem>>, vector<16xf32>,
        %abs3A_816 = math.absf %get3A_815 : vector<16xf32>
        %get3A_817 = arith.index_cast %add3A_804 : i32 to index
        %get3A_818 = arith.constant 48 : index
        %get3A_819 = tpu.vector_load %arg19[%get3A_817, %get3A_818] {strides = array<i32>} : memref<112x128xf32, #tpu.memory_space<vmem>>, vector<16xf32>,
        %abs3A_820 = math.absf %get3A_819 : vector<16xf32>
        %get3A_821 = arith.index_cast %add3A_804 : i32 to index
        %get3A_822 = arith.constant 64 : index
        %get3A_823 = tpu.vector_load %arg19[%get3A_821, %get3A_822] {strides = array<i32>} : memref<112x128xf32, #tpu.memory_space<vmem>>, vector<16xf32>,
        %abs3A_824 = math.absf %get3A_823 : vector<16xf32>
        %get3A_825 = arith.index_cast %add3A_804 : i32 to index
        %get3A_826 = arith.constant 80 : index
        %get3A_827 = tpu.vector_load %arg19[%get3A_825, %get3A_826] {strides = array<i32>} : memref<112x128xf32, #tpu.memory_space<vmem>>, vector<16xf32>,
        %abs3A_828 = math.absf %get3A_827 : vector<16xf32>
        %get3A_829 = arith.index_cast %add3A_804 : i32 to index
        %get3A_830 = arith.constant 96 : index
        %get3A_831 = tpu.vector_load %arg19[%get3A_829, %get3A_830] {strides = array<i32>} : memref<112x128xf32, #tpu.memory_space<vmem>>, vector<16xf32>,
        %abs3A_832 = math.absf %get3A_831 : vector<16xf32>
        %get3A_833 = arith.index_cast %add3A_804 : i32 to index
        %get3A_834 = arith.constant 112 : index
        %get3A_835 = tpu.vector_load %arg19[%get3A_833, %get3A_834] {strides = array<i32>} : memref<112x128xf32, #tpu.memory_space<vmem>>, vector<16xf32>,
        %abs3A_836 = math.absf %get3A_835 : vector<16xf32>
        %add3A_837 = arith.addf %abs3A_808, %abs3A_812 : vector<16xf32>
        %add3A_838 = arith.addf %abs3A_816, %abs3A_820 : vector<16xf32>
        %add3A_839 = arith.addf %abs3A_824, %abs3A_828 : vector<16xf32>
        %add3A_840 = arith.addf %abs3A_832, %abs3A_836 : vector<16xf32>
        %add3A_841 = arith.addf %add3A_837, %add3A_838 : vector<16xf32>
        %add3A_842 = arith.addf %add3A_839, %add3A_840 : vector<16xf32>
        %add3A_843 = arith.addf %add3A_841, %add3A_842 : vector<16xf32>
        %swap3A_844 = arith.constant 12 : i32
        %swap3A_845 = arith.index_cast %swap3A_844 : i32 to index
        %swap3A_846 = arith.constant 0 : index
        %swap3A_847 = tpu.vector_load %arg35[%swap3A_845, %swap3A_846] {strides = array<i32>} : memref<16x16xf32, #tpu.memory_space<vmem>>, vector<16xf32>,
        tpu.vector_store %arg35[%swap3A_845, %swap3A_846], %add3A_843 {strides = array<i32>} : memref<16x16xf32, #tpu.memory_space<vmem>>, vector<16xf32>,
        %mul3A_848 = arith.constant 16 : i32
        %mul3A_849 = arith.muli %scan3A_239, %mul3A_848 : i32
        %add3A_850 = arith.constant 13 : i32
        %add3A_851 = arith.addi %mul3A_849, %add3A_850 : i32
        %get3A_852 = arith.index_cast %add3A_851 : i32 to index
        %get3A_853 = arith.constant 0 : index
        %get3A_854 = tpu.vector_load %arg19[%get3A_852, %get3A_853] {strides = array<i32>} : memref<112x128xf32, #tpu.memory_space<vmem>>, vector<16xf32>,
        %abs3A_855 = math.absf %get3A_854 : vector<16xf32>
        %get3A_856 = arith.index_cast %add3A_851 : i32 to index
        %get3A_857 = arith.constant 16 : index
        %get3A_858 = tpu.vector_load %arg19[%get3A_856, %get3A_857] {strides = array<i32>} : memref<112x128xf32, #tpu.memory_space<vmem>>, vector<16xf32>,
        %abs3A_859 = math.absf %get3A_858 : vector<16xf32>
        %get3A_860 = arith.index_cast %add3A_851 : i32 to index
        %get3A_861 = arith.constant 32 : index
        %get3A_862 = tpu.vector_load %arg19[%get3A_860, %get3A_861] {strides = array<i32>} : memref<112x128xf32, #tpu.memory_space<vmem>>, vector<16xf32>,
        %abs3A_863 = math.absf %get3A_862 : vector<16xf32>
        %get3A_864 = arith.index_cast %add3A_851 : i32 to index
        %get3A_865 = arith.constant 48 : index
        %get3A_866 = tpu.vector_load %arg19[%get3A_864, %get3A_865] {strides = array<i32>} : memref<112x128xf32, #tpu.memory_space<vmem>>, vector<16xf32>,
        %abs3A_867 = math.absf %get3A_866 : vector<16xf32>
        %get3A_868 = arith.index_cast %add3A_851 : i32 to index
        %get3A_869 = arith.constant 64 : index
        %get3A_870 = tpu.vector_load %arg19[%get3A_868, %get3A_869] {strides = array<i32>} : memref<112x128xf32, #tpu.memory_space<vmem>>, vector<16xf32>,
        %abs3A_871 = math.absf %get3A_870 : vector<16xf32>
        %get3A_872 = arith.index_cast %add3A_851 : i32 to index
        %get3A_873 = arith.constant 80 : index
        %get3A_874 = tpu.vector_load %arg19[%get3A_872, %get3A_873] {strides = array<i32>} : memref<112x128xf32, #tpu.memory_space<vmem>>, vector<16xf32>,
        %abs3A_875 = math.absf %get3A_874 : vector<16xf32>
        %get3A_876 = arith.index_cast %add3A_851 : i32 to index
        %get3A_877 = arith.constant 96 : index
        %get3A_878 = tpu.vector_load %arg19[%get3A_876, %get3A_877] {strides = array<i32>} : memref<112x128xf32, #tpu.memory_space<vmem>>, vector<16xf32>,
        %abs3A_879 = math.absf %get3A_878 : vector<16xf32>
        %get3A_880 = arith.index_cast %add3A_851 : i32 to index
        %get3A_881 = arith.constant 112 : index
        %get3A_882 = tpu.vector_load %arg19[%get3A_880, %get3A_881] {strides = array<i32>} : memref<112x128xf32, #tpu.memory_space<vmem>>, vector<16xf32>,
        %abs3A_883 = math.absf %get3A_882 : vector<16xf32>
        %add3A_884 = arith.addf %abs3A_855, %abs3A_859 : vector<16xf32>
        %add3A_885 = arith.addf %abs3A_863, %abs3A_867 : vector<16xf32>
        %add3A_886 = arith.addf %abs3A_871, %abs3A_875 : vector<16xf32>
        %add3A_887 = arith.addf %abs3A_879, %abs3A_883 : vector<16xf32>
        %add3A_888 = arith.addf %add3A_884, %add3A_885 : vector<16xf32>
        %add3A_889 = arith.addf %add3A_886, %add3A_887 : vector<16xf32>
        %add3A_890 = arith.addf %add3A_888, %add3A_889 : vector<16xf32>
        %swap3A_891 = arith.constant 13 : i32
        %swap3A_892 = arith.index_cast %swap3A_891 : i32 to index
        %swap3A_893 = arith.constant 0 : index
        %swap3A_894 = tpu.vector_load %arg35[%swap3A_892, %swap3A_893] {strides = array<i32>} : memref<16x16xf32, #tpu.memory_space<vmem>>, vector<16xf32>,
        tpu.vector_store %arg35[%swap3A_892, %swap3A_893], %add3A_890 {strides = array<i32>} : memref<16x16xf32, #tpu.memory_space<vmem>>, vector<16xf32>,
        %mul3A_895 = arith.constant 16 : i32
        %mul3A_896 = arith.muli %scan3A_239, %mul3A_895 : i32
        %add3A_897 = arith.constant 14 : i32
        %add3A_898 = arith.addi %mul3A_896, %add3A_897 : i32
        %get3A_899 = arith.index_cast %add3A_898 : i32 to index
        %get3A_900 = arith.constant 0 : index
        %get3A_901 = tpu.vector_load %arg19[%get3A_899, %get3A_900] {strides = array<i32>} : memref<112x128xf32, #tpu.memory_space<vmem>>, vector<16xf32>,
        %abs3A_902 = math.absf %get3A_901 : vector<16xf32>
        %get3A_903 = arith.index_cast %add3A_898 : i32 to index
        %get3A_904 = arith.constant 16 : index
        %get3A_905 = tpu.vector_load %arg19[%get3A_903, %get3A_904] {strides = array<i32>} : memref<112x128xf32, #tpu.memory_space<vmem>>, vector<16xf32>,
        %abs3A_906 = math.absf %get3A_905 : vector<16xf32>
        %get3A_907 = arith.index_cast %add3A_898 : i32 to index
        %get3A_908 = arith.constant 32 : index
        %get3A_909 = tpu.vector_load %arg19[%get3A_907, %get3A_908] {strides = array<i32>} : memref<112x128xf32, #tpu.memory_space<vmem>>, vector<16xf32>,
        %abs3A_910 = math.absf %get3A_909 : vector<16xf32>
        %get3A_911 = arith.index_cast %add3A_898 : i32 to index
        %get3A_912 = arith.constant 48 : index
        %get3A_913 = tpu.vector_load %arg19[%get3A_911, %get3A_912] {strides = array<i32>} : memref<112x128xf32, #tpu.memory_space<vmem>>, vector<16xf32>,
        %abs3A_914 = math.absf %get3A_913 : vector<16xf32>
        %get3A_915 = arith.index_cast %add3A_898 : i32 to index
        %get3A_916 = arith.constant 64 : index
        %get3A_917 = tpu.vector_load %arg19[%get3A_915, %get3A_916] {strides = array<i32>} : memref<112x128xf32, #tpu.memory_space<vmem>>, vector<16xf32>,
        %abs3A_918 = math.absf %get3A_917 : vector<16xf32>
        %get3A_919 = arith.index_cast %add3A_898 : i32 to index
        %get3A_920 = arith.constant 80 : index
        %get3A_921 = tpu.vector_load %arg19[%get3A_919, %get3A_920] {strides = array<i32>} : memref<112x128xf32, #tpu.memory_space<vmem>>, vector<16xf32>,
        %abs3A_922 = math.absf %get3A_921 : vector<16xf32>
        %get3A_923 = arith.index_cast %add3A_898 : i32 to index
        %get3A_924 = arith.constant 96 : index
        %get3A_925 = tpu.vector_load %arg19[%get3A_923, %get3A_924] {strides = array<i32>} : memref<112x128xf32, #tpu.memory_space<vmem>>, vector<16xf32>,
        %abs3A_926 = math.absf %get3A_925 : vector<16xf32>
        %get3A_927 = arith.index_cast %add3A_898 : i32 to index
        %get3A_928 = arith.constant 112 : index
        %get3A_929 = tpu.vector_load %arg19[%get3A_927, %get3A_928] {strides = array<i32>} : memref<112x128xf32, #tpu.memory_space<vmem>>, vector<16xf32>,
        %abs3A_930 = math.absf %get3A_929 : vector<16xf32>
        %add3A_931 = arith.addf %abs3A_902, %abs3A_906 : vector<16xf32>
        %add3A_932 = arith.addf %abs3A_910, %abs3A_914 : vector<16xf32>
        %add3A_933 = arith.addf %abs3A_918, %abs3A_922 : vector<16xf32>
        %add3A_934 = arith.addf %abs3A_926, %abs3A_930 : vector<16xf32>
        %add3A_935 = arith.addf %add3A_931, %add3A_932 : vector<16xf32>
        %add3A_936 = arith.addf %add3A_933, %add3A_934 : vector<16xf32>
        %add3A_937 = arith.addf %add3A_935, %add3A_936 : vector<16xf32>
        %swap3A_938 = arith.constant 14 : i32
        %swap3A_939 = arith.index_cast %swap3A_938 : i32 to index
        %swap3A_940 = arith.constant 0 : index
        %swap3A_941 = tpu.vector_load %arg35[%swap3A_939, %swap3A_940] {strides = array<i32>} : memref<16x16xf32, #tpu.memory_space<vmem>>, vector<16xf32>,
        tpu.vector_store %arg35[%swap3A_939, %swap3A_940], %add3A_937 {strides = array<i32>} : memref<16x16xf32, #tpu.memory_space<vmem>>, vector<16xf32>,
        %mul3A_942 = arith.constant 16 : i32
        %mul3A_943 = arith.muli %scan3A_239, %mul3A_942 : i32
        %add3A_944 = arith.constant 15 : i32
        %add3A_945 = arith.addi %mul3A_943, %add3A_944 : i32
        %get3A_946 = arith.index_cast %add3A_945 : i32 to index
        %get3A_947 = arith.constant 0 : index
        %get3A_948 = tpu.vector_load %arg19[%get3A_946, %get3A_947] {strides = array<i32>} : memref<112x128xf32, #tpu.memory_space<vmem>>, vector<16xf32>,
        %abs3A_949 = math.absf %get3A_948 : vector<16xf32>
        %get3A_950 = arith.index_cast %add3A_945 : i32 to index
        %get3A_951 = arith.constant 16 : index
        %get3A_952 = tpu.vector_load %arg19[%get3A_950, %get3A_951] {strides = array<i32>} : memref<112x128xf32, #tpu.memory_space<vmem>>, vector<16xf32>,
        %abs3A_953 = math.absf %get3A_952 : vector<16xf32>
        %get3A_954 = arith.index_cast %add3A_945 : i32 to index
        %get3A_955 = arith.constant 32 : index
        %get3A_956 = tpu.vector_load %arg19[%get3A_954, %get3A_955] {strides = array<i32>} : memref<112x128xf32, #tpu.memory_space<vmem>>, vector<16xf32>,
        %abs3A_957 = math.absf %get3A_956 : vector<16xf32>
        %get3A_958 = arith.index_cast %add3A_945 : i32 to index
        %get3A_959 = arith.constant 48 : index
        %get3A_960 = tpu.vector_load %arg19[%get3A_958, %get3A_959] {strides = array<i32>} : memref<112x128xf32, #tpu.memory_space<vmem>>, vector<16xf32>,
        %abs3A_961 = math.absf %get3A_960 : vector<16xf32>
        %get3A_962 = arith.index_cast %add3A_945 : i32 to index
        %get3A_963 = arith.constant 64 : index
        %get3A_964 = tpu.vector_load %arg19[%get3A_962, %get3A_963] {strides = array<i32>} : memref<112x128xf32, #tpu.memory_space<vmem>>, vector<16xf32>,
        %abs3A_965 = math.absf %get3A_964 : vector<16xf32>
        %get3A_966 = arith.index_cast %add3A_945 : i32 to index
        %get3A_967 = arith.constant 80 : index
        %get3A_968 = tpu.vector_load %arg19[%get3A_966, %get3A_967] {strides = array<i32>} : memref<112x128xf32, #tpu.memory_space<vmem>>, vector<16xf32>,
        %abs3A_969 = math.absf %get3A_968 : vector<16xf32>
        %get3A_970 = arith.index_cast %add3A_945 : i32 to index
        %get3A_971 = arith.constant 96 : index
        %get3A_972 = tpu.vector_load %arg19[%get3A_970, %get3A_971] {strides = array<i32>} : memref<112x128xf32, #tpu.memory_space<vmem>>, vector<16xf32>,
        %abs3A_973 = math.absf %get3A_972 : vector<16xf32>
        %get3A_974 = arith.index_cast %add3A_945 : i32 to index
        %get3A_975 = arith.constant 112 : index
        %get3A_976 = tpu.vector_load %arg19[%get3A_974, %get3A_975] {strides = array<i32>} : memref<112x128xf32, #tpu.memory_space<vmem>>, vector<16xf32>,
        %abs3A_977 = math.absf %get3A_976 : vector<16xf32>
        %add3A_978 = arith.addf %abs3A_949, %abs3A_953 : vector<16xf32>
        %add3A_979 = arith.addf %abs3A_957, %abs3A_961 : vector<16xf32>
        %add3A_980 = arith.addf %abs3A_965, %abs3A_969 : vector<16xf32>
        %add3A_981 = arith.addf %abs3A_973, %abs3A_977 : vector<16xf32>
        %add3A_982 = arith.addf %add3A_978, %add3A_979 : vector<16xf32>
        %add3A_983 = arith.addf %add3A_980, %add3A_981 : vector<16xf32>
        %add3A_984 = arith.addf %add3A_982, %add3A_983 : vector<16xf32>
        %swap3A_985 = arith.constant 15 : i32
        %swap3A_986 = arith.index_cast %swap3A_985 : i32 to index
        %swap3A_987 = arith.constant 0 : index
        %swap3A_988 = tpu.vector_load %arg35[%swap3A_986, %swap3A_987] {strides = array<i32>} : memref<16x16xf32, #tpu.memory_space<vmem>>, vector<16xf32>,
        tpu.vector_store %arg35[%swap3A_986, %swap3A_987], %add3A_984 {strides = array<i32>} : memref<16x16xf32, #tpu.memory_space<vmem>>, vector<16xf32>,
        %broadcast_in_dim3A = arith.constant 1.200000e+01 : f32
        %broadcast_in_dim3A_989 = vector.broadcast %broadcast_in_dim3A : f32 to vector<16xf32>
        %broadcast_in_dim3A_990 = arith.constant 0.000000e+00 : f32
        %broadcast_in_dim3A_991 = vector.broadcast %broadcast_in_dim3A_990 : f32 to vector<16xf32>
        %broadcast_in_dim3A_992 = arith.constant 0 : i32
        %broadcast_in_dim3A_993 = vector.broadcast %broadcast_in_dim3A_992 : i32 to vector<16xi32>
        %gather3A = tpu.vector_load_idx %arg35[%iota3A_177, %broadcast_in_dim3A_993] : memref<16x16xf32, #tpu.memory_space<vmem>>[vector<16xi32>, vector<16xi32>], vector<16xf32>,
        %sub3A = arith.subf %broadcast_in_dim3A_989, %gather3A : vector<16xf32>
        %broadcast_in_dim3A_994 = arith.constant 1 : i32
        %broadcast_in_dim3A_995 = vector.broadcast %broadcast_in_dim3A_994 : i32 to vector<16xi32>
        %gather3A_996 = tpu.vector_load_idx %arg35[%iota3A_177, %broadcast_in_dim3A_995] : memref<16x16xf32, #tpu.memory_space<vmem>>[vector<16xi32>, vector<16xi32>], vector<16xf32>,
        %add3A_997 = arith.addf %broadcast_in_dim3A_991, %gather3A_996 : vector<16xf32>
        %broadcast_in_dim3A_998 = arith.constant 2 : i32
        %broadcast_in_dim3A_999 = vector.broadcast %broadcast_in_dim3A_998 : i32 to vector<16xi32>
        %gather3A_1000 = tpu.vector_load_idx %arg35[%iota3A_177, %broadcast_in_dim3A_999] : memref<16x16xf32, #tpu.memory_space<vmem>>[vector<16xi32>, vector<16xi32>], vector<16xf32>,
        %sub3A_1001 = arith.subf %sub3A, %gather3A_1000 : vector<16xf32>
        %broadcast_in_dim3A_1002 = arith.constant 3 : i32
        %broadcast_in_dim3A_1003 = vector.broadcast %broadcast_in_dim3A_1002 : i32 to vector<16xi32>
        %gather3A_1004 = tpu.vector_load_idx %arg35[%iota3A_177, %broadcast_in_dim3A_1003] : memref<16x16xf32, #tpu.memory_space<vmem>>[vector<16xi32>, vector<16xi32>], vector<16xf32>,
        %add3A_1005 = arith.addf %add3A_997, %gather3A_1004 : vector<16xf32>
        %broadcast_in_dim3A_1006 = arith.constant 4 : i32
        %broadcast_in_dim3A_1007 = vector.broadcast %broadcast_in_dim3A_1006 : i32 to vector<16xi32>
        %gather3A_1008 = tpu.vector_load_idx %arg35[%iota3A_177, %broadcast_in_dim3A_1007] : memref<16x16xf32, #tpu.memory_space<vmem>>[vector<16xi32>, vector<16xi32>], vector<16xf32>,
        %sub3A_1009 = arith.subf %sub3A_1001, %gather3A_1008 : vector<16xf32>
        %broadcast_in_dim3A_1010 = arith.constant 5 : i32
        %broadcast_in_dim3A_1011 = vector.broadcast %broadcast_in_dim3A_1010 : i32 to vector<16xi32>
        %gather3A_1012 = tpu.vector_load_idx %arg35[%iota3A_177, %broadcast_in_dim3A_1011] : memref<16x16xf32, #tpu.memory_space<vmem>>[vector<16xi32>, vector<16xi32>], vector<16xf32>,
        %add3A_1013 = arith.addf %add3A_1005, %gather3A_1012 : vector<16xf32>
        %broadcast_in_dim3A_1014 = arith.constant 6 : i32
        %broadcast_in_dim3A_1015 = vector.broadcast %broadcast_in_dim3A_1014 : i32 to vector<16xi32>
        %gather3A_1016 = tpu.vector_load_idx %arg35[%iota3A_177, %broadcast_in_dim3A_1015] : memref<16x16xf32, #tpu.memory_space<vmem>>[vector<16xi32>, vector<16xi32>], vector<16xf32>,
        %sub3A_1017 = arith.subf %sub3A_1009, %gather3A_1016 : vector<16xf32>
        %broadcast_in_dim3A_1018 = arith.constant 7 : i32
        %broadcast_in_dim3A_1019 = vector.broadcast %broadcast_in_dim3A_1018 : i32 to vector<16xi32>
        %gather3A_1020 = tpu.vector_load_idx %arg35[%iota3A_177, %broadcast_in_dim3A_1019] : memref<16x16xf32, #tpu.memory_space<vmem>>[vector<16xi32>, vector<16xi32>], vector<16xf32>,
        %add3A_1021 = arith.addf %add3A_1013, %gather3A_1020 : vector<16xf32>
        %broadcast_in_dim3A_1022 = arith.constant 8 : i32
        %broadcast_in_dim3A_1023 = vector.broadcast %broadcast_in_dim3A_1022 : i32 to vector<16xi32>
        %gather3A_1024 = tpu.vector_load_idx %arg35[%iota3A_177, %broadcast_in_dim3A_1023] : memref<16x16xf32, #tpu.memory_space<vmem>>[vector<16xi32>, vector<16xi32>], vector<16xf32>,
        %sub3A_1025 = arith.subf %sub3A_1017, %gather3A_1024 : vector<16xf32>
        %broadcast_in_dim3A_1026 = arith.constant 9 : i32
        %broadcast_in_dim3A_1027 = vector.broadcast %broadcast_in_dim3A_1026 : i32 to vector<16xi32>
        %gather3A_1028 = tpu.vector_load_idx %arg35[%iota3A_177, %broadcast_in_dim3A_1027] : memref<16x16xf32, #tpu.memory_space<vmem>>[vector<16xi32>, vector<16xi32>], vector<16xf32>,
        %add3A_1029 = arith.addf %add3A_1021, %gather3A_1028 : vector<16xf32>
        %broadcast_in_dim3A_1030 = arith.constant 10 : i32
        %broadcast_in_dim3A_1031 = vector.broadcast %broadcast_in_dim3A_1030 : i32 to vector<16xi32>
        %gather3A_1032 = tpu.vector_load_idx %arg35[%iota3A_177, %broadcast_in_dim3A_1031] : memref<16x16xf32, #tpu.memory_space<vmem>>[vector<16xi32>, vector<16xi32>], vector<16xf32>,
        %sub3A_1033 = arith.subf %sub3A_1025, %gather3A_1032 : vector<16xf32>
        %broadcast_in_dim3A_1034 = arith.constant 11 : i32
        %broadcast_in_dim3A_1035 = vector.broadcast %broadcast_in_dim3A_1034 : i32 to vector<16xi32>
        %gather3A_1036 = tpu.vector_load_idx %arg35[%iota3A_177, %broadcast_in_dim3A_1035] : memref<16x16xf32, #tpu.memory_space<vmem>>[vector<16xi32>, vector<16xi32>], vector<16xf32>,
        %add3A_1037 = arith.addf %add3A_1029, %gather3A_1036 : vector<16xf32>
        %broadcast_in_dim3A_1038 = arith.constant 12 : i32
        %broadcast_in_dim3A_1039 = vector.broadcast %broadcast_in_dim3A_1038 : i32 to vector<16xi32>
        %gather3A_1040 = tpu.vector_load_idx %arg35[%iota3A_177, %broadcast_in_dim3A_1039] : memref<16x16xf32, #tpu.memory_space<vmem>>[vector<16xi32>, vector<16xi32>], vector<16xf32>,
        %sub3A_1041 = arith.subf %sub3A_1033, %gather3A_1040 : vector<16xf32>
        %broadcast_in_dim3A_1042 = arith.constant 13 : i32
        %broadcast_in_dim3A_1043 = vector.broadcast %broadcast_in_dim3A_1042 : i32 to vector<16xi32>
        %gather3A_1044 = tpu.vector_load_idx %arg35[%iota3A_177, %broadcast_in_dim3A_1043] : memref<16x16xf32, #tpu.memory_space<vmem>>[vector<16xi32>, vector<16xi32>], vector<16xf32>,
        %add3A_1045 = arith.addf %add3A_1037, %gather3A_1044 : vector<16xf32>
        %broadcast_in_dim3A_1046 = arith.constant 14 : i32
        %broadcast_in_dim3A_1047 = vector.broadcast %broadcast_in_dim3A_1046 : i32 to vector<16xi32>
        %gather3A_1048 = tpu.vector_load_idx %arg35[%iota3A_177, %broadcast_in_dim3A_1047] : memref<16x16xf32, #tpu.memory_space<vmem>>[vector<16xi32>, vector<16xi32>], vector<16xf32>,
        %sub3A_1049 = arith.subf %sub3A_1041, %gather3A_1048 : vector<16xf32>
        %broadcast_in_dim3A_1050 = arith.constant 15 : i32
        %broadcast_in_dim3A_1051 = vector.broadcast %broadcast_in_dim3A_1050 : i32 to vector<16xi32>
        %gather3A_1052 = tpu.vector_load_idx %arg35[%iota3A_177, %broadcast_in_dim3A_1051] : memref<16x16xf32, #tpu.memory_space<vmem>>[vector<16xi32>, vector<16xi32>], vector<16xf32>,
        %add3A_1053 = arith.addf %add3A_1045, %gather3A_1052 : vector<16xf32>
        %sub3A_1054 = arith.subf %sub3A_1049, %add3A_1053 : vector<16xf32>
        %mul3A_1055 = arith.constant 16 : i32
        %mul3A_1056 = arith.muli %scan3A_239, %mul3A_1055 : i32
        %swap3A_1057 = arith.index_cast %mul3A_1056 : i32 to index
        %swap3A_1058 = tpu.vector_load %arg20[%swap3A_1057] {strides = array<i32>} : memref<112xf32, #tpu.memory_space<vmem>>, vector<16xf32>,
        tpu.vector_store %arg20[%swap3A_1057], %sub3A_1054 {strides = array<i32>} : memref<112xf32, #tpu.memory_space<vmem>>, vector<16xf32>,
      }
      %scan3A_183 = arith.constant 7 : i32
      %mul3A_184 = arith.constant 112 : i32
      %mul3A_185 = arith.muli %add3A_144, %mul3A_184 : i32
      %min3A_186 = arith.constant 9888 : i32
      %min3A_187 = arith.minsi %mul3A_185, %min3A_186 : i32
      %add3A_188 = arith.addi %mul3A_2, %min3A_187 : i32
      %dma_start3A_189 = tpu.memref_slice %arg7[%add3A_188] : memref<320000xf32, #tpu.memory_space<hbm>> -> memref<112xf32, #tpu.memory_space<hbm>>
      %dma_start3A_190 = tpu.memref_slice %arg7[%add3A_188] : memref<320000xf32, #tpu.memory_space<hbm>> -> memref<112xf32, #tpu.memory_space<hbm>>
      tpu.enqueue_dma source(%arg20 : memref<112xf32, #tpu.memory_space<vmem>>) target(%dma_start3A_190 : memref<112xf32, #tpu.memory_space<hbm>>) target_semaphore(%arg25 : memref<!tpu.dma_semaphore, #tpu.memory_space<semaphore_mem>>)
      %add3A_191 = arith.constant 2 : i32
      %add3A_192 = arith.addi %mul3A_99, %add3A_191 : i32
      %add3A_193 = arith.constant 1 : i32
      %add3A_194 = arith.addi %add3A_192, %add3A_193 : i32
      %lt3A_195 = arith.constant 90 : i32
      %lt3A_196 = arith.cmpi slt, %add3A_194, %lt3A_195 : i32
      %convert_element_type3A_197 = arith.extui %lt3A_196 : i1 to i32
      %cond3A_198 = arith.constant 0 : i32
      %cond3A_199 = arith.cmpi ne, %convert_element_type3A_197, %cond3A_198 : i32
      scf.if %cond3A_199 {
        %add3A_239 = arith.constant 1 : i32
        %add3A_240 = arith.addi %add3A_192, %add3A_239 : i32
        %mul3A_241 = arith.constant 112 : i32
        %mul3A_242 = arith.muli %add3A_240, %mul3A_241 : i32
        %min3A_243 = arith.constant 9888 : i32
        %min3A_244 = arith.minsi %mul3A_242, %min3A_243 : i32
        %add3A_245 = arith.addi %mul3A_2, %min3A_244 : i32
        %dma_wait3A_246 = arith.constant 0 : i32
        %dma_wait3A_247 = tpu.memref_slice %arg6[%add3A_245, %dma_wait3A_246] : memref<320000x128xf32, #tpu.memory_space<hbm>> -> memref<112x128xf32, #tpu.memory_space<hbm>>
        %dma_wait3A_248 = arith.constant 0 : i32
        %dma_wait3A_249 = tpu.memref_slice %arg6[%add3A_245, %dma_wait3A_248] : memref<320000x128xf32, #tpu.memory_space<hbm>> -> memref<112x128xf32, #tpu.memory_space<hbm>>
        tpu.wait_dma2 semaphore(%arg13 : memref<!tpu.dma_semaphore, #tpu.memory_space<semaphore_mem>>) src(%dma_wait3A_249 : memref<112x128xf32, #tpu.memory_space<hbm>>) dst(%arg10 : memref<112x128xf32, #tpu.memory_space<vmem>>)
        %add3A_250 = arith.constant 1 : i32
        %add3A_251 = arith.addi %add3A_192, %add3A_250 : i32
        %dma_start3A_252 = arith.constant 0 : i32
        %dma_start3A_253 = arith.constant 0 : i32
        %dma_start3A_254 = tpu.memref_slice %arg36[%dma_start3A_252, %dma_start3A_253] : memref<10000x128xf32, #tpu.memory_space<vmem_shared>> -> memref<10000x128xf32, #tpu.memory_space<vmem_shared>>
        tpu.enqueue_indirect_dma source(%dma_start3A_254 : memref<10000x128xf32, #tpu.memory_space<vmem_shared>>) target(%arg10 : memref<112x128xf32, #tpu.memory_space<vmem>>) offsets(%arg8 : memref<112xi32, #tpu.memory_space<vmem>>) semaphore(%arg14 : memref<!tpu.dma_semaphore, #tpu.memory_space<semaphore_mem>>) {add = true}
        %dma_start3A_255 = arith.constant 0 : i32
        %dma_start3A_256 = arith.constant 0 : i32
        %dma_start3A_257 = tpu.memref_slice %arg3[%dma_start3A_255, %dma_start3A_256] : memref<10000x128xf32, #tpu.memory_space<hbm>> -> memref<10000x128xf32, #tpu.memory_space<hbm>>
        tpu.enqueue_indirect_dma source(%dma_start3A_257 : memref<10000x128xf32, #tpu.memory_space<hbm>>) target(%arg10 : memref<112x128xf32, #tpu.memory_space<vmem>>) offsets(%arg9 : memref<112xi32, #tpu.memory_space<vmem>>) semaphore(%arg15 : memref<!tpu.dma_semaphore, #tpu.memory_space<semaphore_mem>>) {add = true}
      } else {
      }
      %add3A_200 = arith.constant 2 : i32
      %add3A_201 = arith.addi %add3A_192, %add3A_200 : i32
      %lt3A_202 = arith.constant 90 : i32
      %lt3A_203 = arith.cmpi slt, %add3A_201, %lt3A_202 : i32
      %convert_element_type3A_204 = arith.extui %lt3A_203 : i1 to i32
      %cond3A_205 = arith.constant 0 : i32
      %cond3A_206 = arith.cmpi ne, %convert_element_type3A_204, %cond3A_205 : i32
      scf.if %cond3A_206 {
        %add3A_239 = arith.constant 2 : i32
        %add3A_240 = arith.addi %add3A_192, %add3A_239 : i32
        %mul3A_241 = arith.constant 112 : i32
        %mul3A_242 = arith.muli %add3A_240, %mul3A_241 : i32
        %min3A_243 = arith.constant 9888 : i32
        %min3A_244 = arith.minsi %mul3A_242, %min3A_243 : i32
        %add3A_245 = arith.addi %mul3A_2, %min3A_244 : i32
        %dma_wait3A_246 = tpu.memref_slice %arg4[%add3A_245] : memref<320000xi32, #tpu.memory_space<hbm>> -> memref<112xi32, #tpu.memory_space<hbm>>
        %dma_wait3A_247 = tpu.memref_slice %arg4[%add3A_245] : memref<320000xi32, #tpu.memory_space<hbm>> -> memref<112xi32, #tpu.memory_space<hbm>>
        tpu.wait_dma2 semaphore(%arg21 : memref<!tpu.dma_semaphore, #tpu.memory_space<semaphore_mem>>) src(%dma_wait3A_247 : memref<112xi32, #tpu.memory_space<hbm>>) dst(%arg17 : memref<112xi32, #tpu.memory_space<vmem>>)
        %dma_wait3A_248 = tpu.memref_slice %arg5[%add3A_245] : memref<320000xi32, #tpu.memory_space<hbm>> -> memref<112xi32, #tpu.memory_space<hbm>>
        %dma_wait3A_249 = tpu.memref_slice %arg5[%add3A_245] : memref<320000xi32, #tpu.memory_space<hbm>> -> memref<112xi32, #tpu.memory_space<hbm>>
        tpu.wait_dma2 semaphore(%arg21 : memref<!tpu.dma_semaphore, #tpu.memory_space<semaphore_mem>>) src(%dma_wait3A_249 : memref<112xi32, #tpu.memory_space<hbm>>) dst(%arg18 : memref<112xi32, #tpu.memory_space<vmem>>)
        %add3A_250 = arith.constant 2 : i32
        %add3A_251 = arith.addi %add3A_192, %add3A_250 : i32
        %mul3A_252 = arith.constant 112 : i32
        %mul3A_253 = arith.muli %add3A_251, %mul3A_252 : i32
        %min3A_254 = arith.constant 9888 : i32
        %min3A_255 = arith.minsi %mul3A_253, %min3A_254 : i32
        %add3A_256 = arith.addi %mul3A_2, %min3A_255 : i32
        %dma_start3A_257 = arith.constant 0 : i32
        %dma_start3A_258 = tpu.memref_slice %arg6[%add3A_256, %dma_start3A_257] : memref<320000x128xf32, #tpu.memory_space<hbm>> -> memref<112x128xf32, #tpu.memory_space<hbm>>
        %dma_start3A_259 = arith.constant 0 : i32
        %dma_start3A_260 = tpu.memref_slice %arg6[%add3A_256, %dma_start3A_259] : memref<320000x128xf32, #tpu.memory_space<hbm>> -> memref<112x128xf32, #tpu.memory_space<hbm>>
        tpu.enqueue_dma source(%dma_start3A_260 : memref<112x128xf32, #tpu.memory_space<hbm>>) target(%arg19 : memref<112x128xf32, #tpu.memory_space<vmem>>) target_semaphore(%arg22 : memref<!tpu.dma_semaphore, #tpu.memory_space<semaphore_mem>>)
      } else {
      }
      %dma_wait3A_207 = arith.constant 0 : i32
      %dma_wait3A_208 = arith.constant 0 : i32
      %dma_wait3A_209 = tpu.memref_slice %arg36[%dma_wait3A_207, %dma_wait3A_208] : memref<10000x128xf32, #tpu.memory_space<vmem_shared>> -> memref<10000x128xf32, #tpu.memory_space<vmem_shared>>
      tpu.wait_indirect_dma semaphore(%arg32 : memref<!tpu.dma_semaphore, #tpu.memory_space<semaphore_mem>>) src(%dma_wait3A_209 : memref<10000x128xf32, #tpu.memory_space<vmem_shared>>) dst(%arg28 : memref<112x128xf32, #tpu.memory_space<vmem>>)
      %dma_wait3A_210 = arith.constant 0 : i32
      %dma_wait3A_211 = arith.constant 0 : i32
      %dma_wait3A_212 = tpu.memref_slice %arg3[%dma_wait3A_210, %dma_wait3A_211] : memref<10000x128xf32, #tpu.memory_space<hbm>> -> memref<10000x128xf32, #tpu.memory_space<hbm>>
      tpu.wait_indirect_dma semaphore(%arg33 : memref<!tpu.dma_semaphore, #tpu.memory_space<semaphore_mem>>) src(%dma_wait3A_212 : memref<10000x128xf32, #tpu.memory_space<hbm>>) dst(%arg28 : memref<112x128xf32, #tpu.memory_space<vmem>>)
      %add3A_213 = arith.constant 3 : i32
      %add3A_214 = arith.addi %add3A_192, %add3A_213 : i32
      %lt3A_215 = arith.constant 90 : i32
      %lt3A_216 = arith.cmpi slt, %add3A_214, %lt3A_215 : i32
      %convert_element_type3A_217 = arith.extui %lt3A_216 : i1 to i32
      %cond3A_218 = arith.constant 0 : i32
      %cond3A_219 = arith.cmpi ne, %convert_element_type3A_217, %cond3A_218 : i32
      scf.if %cond3A_219 {
        %add3A_239 = arith.constant 3 : i32
        %add3A_240 = arith.addi %add3A_192, %add3A_239 : i32
        %mul3A_241 = arith.constant 112 : i32
        %mul3A_242 = arith.muli %add3A_240, %mul3A_241 : i32
        %min3A_243 = arith.constant 9888 : i32
        %min3A_244 = arith.minsi %mul3A_242, %min3A_243 : i32
        %add3A_245 = arith.addi %mul3A_2, %min3A_244 : i32
        %dma_start3A_246 = tpu.memref_slice %arg4[%add3A_245] : memref<320000xi32, #tpu.memory_space<hbm>> -> memref<112xi32, #tpu.memory_space<hbm>>
        %dma_start3A_247 = tpu.memref_slice %arg4[%add3A_245] : memref<320000xi32, #tpu.memory_space<hbm>> -> memref<112xi32, #tpu.memory_space<hbm>>
        tpu.enqueue_dma source(%dma_start3A_247 : memref<112xi32, #tpu.memory_space<hbm>>) target(%arg26 : memref<112xi32, #tpu.memory_space<vmem>>) target_semaphore(%arg30 : memref<!tpu.dma_semaphore, #tpu.memory_space<semaphore_mem>>)
        %dma_start3A_248 = tpu.memref_slice %arg5[%add3A_245] : memref<320000xi32, #tpu.memory_space<hbm>> -> memref<112xi32, #tpu.memory_space<hbm>>
        %dma_start3A_249 = tpu.memref_slice %arg5[%add3A_245] : memref<320000xi32, #tpu.memory_space<hbm>> -> memref<112xi32, #tpu.memory_space<hbm>>
        tpu.enqueue_dma source(%dma_start3A_249 : memref<112xi32, #tpu.memory_space<hbm>>) target(%arg27 : memref<112xi32, #tpu.memory_space<vmem>>) target_semaphore(%arg30 : memref<!tpu.dma_semaphore, #tpu.memory_space<semaphore_mem>>)
      } else {
      }
      %ge3A_220 = arith.constant 3 : i32
      %ge3A_221 = arith.cmpi sge, %add3A_192, %ge3A_220 : i32
      %convert_element_type3A_222 = arith.extui %ge3A_221 : i1 to i32
      %cond3A_223 = arith.constant 0 : i32
      %cond3A_224 = arith.cmpi ne, %convert_element_type3A_222, %cond3A_223 : i32
      scf.if %cond3A_224 {
        %sub3A = arith.constant 3 : i32
        %sub3A_239 = arith.subi %add3A_192, %sub3A : i32
        %mul3A_240 = arith.constant 112 : i32
        %mul3A_241 = arith.muli %sub3A_239, %mul3A_240 : i32
        %min3A_242 = arith.constant 9888 : i32
        %min3A_243 = arith.minsi %mul3A_241, %min3A_242 : i32
        %add3A_244 = arith.addi %mul3A_2, %min3A_243 : i32
        %dma_wait3A_245 = tpu.memref_slice %arg7[%add3A_244] : memref<320000xf32, #tpu.memory_space<hbm>> -> memref<112xf32, #tpu.memory_space<hbm>>
        %dma_wait3A_246 = tpu.memref_slice %arg7[%add3A_244] : memref<320000xf32, #tpu.memory_space<hbm>> -> memref<112xf32, #tpu.memory_space<hbm>>
        tpu.wait_dma2 semaphore(%arg34 : memref<!tpu.dma_semaphore, #tpu.memory_space<semaphore_mem>>) src(%arg29 : memref<112xf32, #tpu.memory_space<vmem>>) dst(%dma_wait3A_246 : memref<112xf32, #tpu.memory_space<hbm>>)
      } else {
      }
      %iota3A_225 = tpu.iota {dimensions = array<i32: 0>} : vector<16xi32>
      %scan3A_226 = arith.constant 0 : i32
      %scan3A_227 = arith.constant 0 : i32
      %scan3A_228 = arith.constant 7 : i32
      %scan3A_229 = arith.addi %scan3A_227, %scan3A_228 : i32
      %scan3A_230 = arith.constant 1 : i32
      scf.for %scan3A_239 = %scan3A_227 to %scan3A_229 step %scan3A_230  : i32 {
        %mul3A_240 = arith.constant 16 : i32
        %mul3A_241 = arith.muli %scan3A_239, %mul3A_240 : i32
        %add3A_242 = arith.constant 0 : i32
        %add3A_243 = arith.addi %mul3A_241, %add3A_242 : i32
        %get3A = arith.index_cast %add3A_243 : i32 to index
        %get3A_244 = arith.constant 0 : index
        %get3A_245 = tpu.vector_load %arg28[%get3A, %get3A_244] {strides = array<i32>} : memref<112x128xf32, #tpu.memory_space<vmem>>, vector<16xf32>,
        %abs3A = math.absf %get3A_245 : vector<16xf32>
        %get3A_246 = arith.index_cast %add3A_243 : i32 to index
        %get3A_247 = arith.constant 16 : index
        %get3A_248 = tpu.vector_load %arg28[%get3A_246, %get3A_247] {strides = array<i32>} : memref<112x128xf32, #tpu.memory_space<vmem>>, vector<16xf32>,
        %abs3A_249 = math.absf %get3A_248 : vector<16xf32>
        %get3A_250 = arith.index_cast %add3A_243 : i32 to index
        %get3A_251 = arith.constant 32 : index
        %get3A_252 = tpu.vector_load %arg28[%get3A_250, %get3A_251] {strides = array<i32>} : memref<112x128xf32, #tpu.memory_space<vmem>>, vector<16xf32>,
        %abs3A_253 = math.absf %get3A_252 : vector<16xf32>
        %get3A_254 = arith.index_cast %add3A_243 : i32 to index
        %get3A_255 = arith.constant 48 : index
        %get3A_256 = tpu.vector_load %arg28[%get3A_254, %get3A_255] {strides = array<i32>} : memref<112x128xf32, #tpu.memory_space<vmem>>, vector<16xf32>,
        %abs3A_257 = math.absf %get3A_256 : vector<16xf32>
        %get3A_258 = arith.index_cast %add3A_243 : i32 to index
        %get3A_259 = arith.constant 64 : index
        %get3A_260 = tpu.vector_load %arg28[%get3A_258, %get3A_259] {strides = array<i32>} : memref<112x128xf32, #tpu.memory_space<vmem>>, vector<16xf32>,
        %abs3A_261 = math.absf %get3A_260 : vector<16xf32>
        %get3A_262 = arith.index_cast %add3A_243 : i32 to index
        %get3A_263 = arith.constant 80 : index
        %get3A_264 = tpu.vector_load %arg28[%get3A_262, %get3A_263] {strides = array<i32>} : memref<112x128xf32, #tpu.memory_space<vmem>>, vector<16xf32>,
        %abs3A_265 = math.absf %get3A_264 : vector<16xf32>
        %get3A_266 = arith.index_cast %add3A_243 : i32 to index
        %get3A_267 = arith.constant 96 : index
        %get3A_268 = tpu.vector_load %arg28[%get3A_266, %get3A_267] {strides = array<i32>} : memref<112x128xf32, #tpu.memory_space<vmem>>, vector<16xf32>,
        %abs3A_269 = math.absf %get3A_268 : vector<16xf32>
        %get3A_270 = arith.index_cast %add3A_243 : i32 to index
        %get3A_271 = arith.constant 112 : index
        %get3A_272 = tpu.vector_load %arg28[%get3A_270, %get3A_271] {strides = array<i32>} : memref<112x128xf32, #tpu.memory_space<vmem>>, vector<16xf32>,
        %abs3A_273 = math.absf %get3A_272 : vector<16xf32>
        %add3A_274 = arith.addf %abs3A, %abs3A_249 : vector<16xf32>
        %add3A_275 = arith.addf %abs3A_253, %abs3A_257 : vector<16xf32>
        %add3A_276 = arith.addf %abs3A_261, %abs3A_265 : vector<16xf32>
        %add3A_277 = arith.addf %abs3A_269, %abs3A_273 : vector<16xf32>
        %add3A_278 = arith.addf %add3A_274, %add3A_275 : vector<16xf32>
        %add3A_279 = arith.addf %add3A_276, %add3A_277 : vector<16xf32>
        %add3A_280 = arith.addf %add3A_278, %add3A_279 : vector<16xf32>
        %swap3A = arith.constant 0 : i32
        %swap3A_281 = arith.index_cast %swap3A : i32 to index
        %swap3A_282 = arith.constant 0 : index
        %swap3A_283 = tpu.vector_load %arg35[%swap3A_281, %swap3A_282] {strides = array<i32>} : memref<16x16xf32, #tpu.memory_space<vmem>>, vector<16xf32>,
        tpu.vector_store %arg35[%swap3A_281, %swap3A_282], %add3A_280 {strides = array<i32>} : memref<16x16xf32, #tpu.memory_space<vmem>>, vector<16xf32>,
        %mul3A_284 = arith.constant 16 : i32
        %mul3A_285 = arith.muli %scan3A_239, %mul3A_284 : i32
        %add3A_286 = arith.constant 1 : i32
        %add3A_287 = arith.addi %mul3A_285, %add3A_286 : i32
        %get3A_288 = arith.index_cast %add3A_287 : i32 to index
        %get3A_289 = arith.constant 0 : index
        %get3A_290 = tpu.vector_load %arg28[%get3A_288, %get3A_289] {strides = array<i32>} : memref<112x128xf32, #tpu.memory_space<vmem>>, vector<16xf32>,
        %abs3A_291 = math.absf %get3A_290 : vector<16xf32>
        %get3A_292 = arith.index_cast %add3A_287 : i32 to index
        %get3A_293 = arith.constant 16 : index
        %get3A_294 = tpu.vector_load %arg28[%get3A_292, %get3A_293] {strides = array<i32>} : memref<112x128xf32, #tpu.memory_space<vmem>>, vector<16xf32>,
        %abs3A_295 = math.absf %get3A_294 : vector<16xf32>
        %get3A_296 = arith.index_cast %add3A_287 : i32 to index
        %get3A_297 = arith.constant 32 : index
        %get3A_298 = tpu.vector_load %arg28[%get3A_296, %get3A_297] {strides = array<i32>} : memref<112x128xf32, #tpu.memory_space<vmem>>, vector<16xf32>,
        %abs3A_299 = math.absf %get3A_298 : vector<16xf32>
        %get3A_300 = arith.index_cast %add3A_287 : i32 to index
        %get3A_301 = arith.constant 48 : index
        %get3A_302 = tpu.vector_load %arg28[%get3A_300, %get3A_301] {strides = array<i32>} : memref<112x128xf32, #tpu.memory_space<vmem>>, vector<16xf32>,
        %abs3A_303 = math.absf %get3A_302 : vector<16xf32>
        %get3A_304 = arith.index_cast %add3A_287 : i32 to index
        %get3A_305 = arith.constant 64 : index
        %get3A_306 = tpu.vector_load %arg28[%get3A_304, %get3A_305] {strides = array<i32>} : memref<112x128xf32, #tpu.memory_space<vmem>>, vector<16xf32>,
        %abs3A_307 = math.absf %get3A_306 : vector<16xf32>
        %get3A_308 = arith.index_cast %add3A_287 : i32 to index
        %get3A_309 = arith.constant 80 : index
        %get3A_310 = tpu.vector_load %arg28[%get3A_308, %get3A_309] {strides = array<i32>} : memref<112x128xf32, #tpu.memory_space<vmem>>, vector<16xf32>,
        %abs3A_311 = math.absf %get3A_310 : vector<16xf32>
        %get3A_312 = arith.index_cast %add3A_287 : i32 to index
        %get3A_313 = arith.constant 96 : index
        %get3A_314 = tpu.vector_load %arg28[%get3A_312, %get3A_313] {strides = array<i32>} : memref<112x128xf32, #tpu.memory_space<vmem>>, vector<16xf32>,
        %abs3A_315 = math.absf %get3A_314 : vector<16xf32>
        %get3A_316 = arith.index_cast %add3A_287 : i32 to index
        %get3A_317 = arith.constant 112 : index
        %get3A_318 = tpu.vector_load %arg28[%get3A_316, %get3A_317] {strides = array<i32>} : memref<112x128xf32, #tpu.memory_space<vmem>>, vector<16xf32>,
        %abs3A_319 = math.absf %get3A_318 : vector<16xf32>
        %add3A_320 = arith.addf %abs3A_291, %abs3A_295 : vector<16xf32>
        %add3A_321 = arith.addf %abs3A_299, %abs3A_303 : vector<16xf32>
        %add3A_322 = arith.addf %abs3A_307, %abs3A_311 : vector<16xf32>
        %add3A_323 = arith.addf %abs3A_315, %abs3A_319 : vector<16xf32>
        %add3A_324 = arith.addf %add3A_320, %add3A_321 : vector<16xf32>
        %add3A_325 = arith.addf %add3A_322, %add3A_323 : vector<16xf32>
        %add3A_326 = arith.addf %add3A_324, %add3A_325 : vector<16xf32>
        %swap3A_327 = arith.constant 1 : i32
        %swap3A_328 = arith.index_cast %swap3A_327 : i32 to index
        %swap3A_329 = arith.constant 0 : index
        %swap3A_330 = tpu.vector_load %arg35[%swap3A_328, %swap3A_329] {strides = array<i32>} : memref<16x16xf32, #tpu.memory_space<vmem>>, vector<16xf32>,
        tpu.vector_store %arg35[%swap3A_328, %swap3A_329], %add3A_326 {strides = array<i32>} : memref<16x16xf32, #tpu.memory_space<vmem>>, vector<16xf32>,
        %mul3A_331 = arith.constant 16 : i32
        %mul3A_332 = arith.muli %scan3A_239, %mul3A_331 : i32
        %add3A_333 = arith.constant 2 : i32
        %add3A_334 = arith.addi %mul3A_332, %add3A_333 : i32
        %get3A_335 = arith.index_cast %add3A_334 : i32 to index
        %get3A_336 = arith.constant 0 : index
        %get3A_337 = tpu.vector_load %arg28[%get3A_335, %get3A_336] {strides = array<i32>} : memref<112x128xf32, #tpu.memory_space<vmem>>, vector<16xf32>,
        %abs3A_338 = math.absf %get3A_337 : vector<16xf32>
        %get3A_339 = arith.index_cast %add3A_334 : i32 to index
        %get3A_340 = arith.constant 16 : index
        %get3A_341 = tpu.vector_load %arg28[%get3A_339, %get3A_340] {strides = array<i32>} : memref<112x128xf32, #tpu.memory_space<vmem>>, vector<16xf32>,
        %abs3A_342 = math.absf %get3A_341 : vector<16xf32>
        %get3A_343 = arith.index_cast %add3A_334 : i32 to index
        %get3A_344 = arith.constant 32 : index
        %get3A_345 = tpu.vector_load %arg28[%get3A_343, %get3A_344] {strides = array<i32>} : memref<112x128xf32, #tpu.memory_space<vmem>>, vector<16xf32>,
        %abs3A_346 = math.absf %get3A_345 : vector<16xf32>
        %get3A_347 = arith.index_cast %add3A_334 : i32 to index
        %get3A_348 = arith.constant 48 : index
        %get3A_349 = tpu.vector_load %arg28[%get3A_347, %get3A_348] {strides = array<i32>} : memref<112x128xf32, #tpu.memory_space<vmem>>, vector<16xf32>,
        %abs3A_350 = math.absf %get3A_349 : vector<16xf32>
        %get3A_351 = arith.index_cast %add3A_334 : i32 to index
        %get3A_352 = arith.constant 64 : index
        %get3A_353 = tpu.vector_load %arg28[%get3A_351, %get3A_352] {strides = array<i32>} : memref<112x128xf32, #tpu.memory_space<vmem>>, vector<16xf32>,
        %abs3A_354 = math.absf %get3A_353 : vector<16xf32>
        %get3A_355 = arith.index_cast %add3A_334 : i32 to index
        %get3A_356 = arith.constant 80 : index
        %get3A_357 = tpu.vector_load %arg28[%get3A_355, %get3A_356] {strides = array<i32>} : memref<112x128xf32, #tpu.memory_space<vmem>>, vector<16xf32>,
        %abs3A_358 = math.absf %get3A_357 : vector<16xf32>
        %get3A_359 = arith.index_cast %add3A_334 : i32 to index
        %get3A_360 = arith.constant 96 : index
        %get3A_361 = tpu.vector_load %arg28[%get3A_359, %get3A_360] {strides = array<i32>} : memref<112x128xf32, #tpu.memory_space<vmem>>, vector<16xf32>,
        %abs3A_362 = math.absf %get3A_361 : vector<16xf32>
        %get3A_363 = arith.index_cast %add3A_334 : i32 to index
        %get3A_364 = arith.constant 112 : index
        %get3A_365 = tpu.vector_load %arg28[%get3A_363, %get3A_364] {strides = array<i32>} : memref<112x128xf32, #tpu.memory_space<vmem>>, vector<16xf32>,
        %abs3A_366 = math.absf %get3A_365 : vector<16xf32>
        %add3A_367 = arith.addf %abs3A_338, %abs3A_342 : vector<16xf32>
        %add3A_368 = arith.addf %abs3A_346, %abs3A_350 : vector<16xf32>
        %add3A_369 = arith.addf %abs3A_354, %abs3A_358 : vector<16xf32>
        %add3A_370 = arith.addf %abs3A_362, %abs3A_366 : vector<16xf32>
        %add3A_371 = arith.addf %add3A_367, %add3A_368 : vector<16xf32>
        %add3A_372 = arith.addf %add3A_369, %add3A_370 : vector<16xf32>
        %add3A_373 = arith.addf %add3A_371, %add3A_372 : vector<16xf32>
        %swap3A_374 = arith.constant 2 : i32
        %swap3A_375 = arith.index_cast %swap3A_374 : i32 to index
        %swap3A_376 = arith.constant 0 : index
        %swap3A_377 = tpu.vector_load %arg35[%swap3A_375, %swap3A_376] {strides = array<i32>} : memref<16x16xf32, #tpu.memory_space<vmem>>, vector<16xf32>,
        tpu.vector_store %arg35[%swap3A_375, %swap3A_376], %add3A_373 {strides = array<i32>} : memref<16x16xf32, #tpu.memory_space<vmem>>, vector<16xf32>,
        %mul3A_378 = arith.constant 16 : i32
        %mul3A_379 = arith.muli %scan3A_239, %mul3A_378 : i32
        %add3A_380 = arith.constant 3 : i32
        %add3A_381 = arith.addi %mul3A_379, %add3A_380 : i32
        %get3A_382 = arith.index_cast %add3A_381 : i32 to index
        %get3A_383 = arith.constant 0 : index
        %get3A_384 = tpu.vector_load %arg28[%get3A_382, %get3A_383] {strides = array<i32>} : memref<112x128xf32, #tpu.memory_space<vmem>>, vector<16xf32>,
        %abs3A_385 = math.absf %get3A_384 : vector<16xf32>
        %get3A_386 = arith.index_cast %add3A_381 : i32 to index
        %get3A_387 = arith.constant 16 : index
        %get3A_388 = tpu.vector_load %arg28[%get3A_386, %get3A_387] {strides = array<i32>} : memref<112x128xf32, #tpu.memory_space<vmem>>, vector<16xf32>,
        %abs3A_389 = math.absf %get3A_388 : vector<16xf32>
        %get3A_390 = arith.index_cast %add3A_381 : i32 to index
        %get3A_391 = arith.constant 32 : index
        %get3A_392 = tpu.vector_load %arg28[%get3A_390, %get3A_391] {strides = array<i32>} : memref<112x128xf32, #tpu.memory_space<vmem>>, vector<16xf32>,
        %abs3A_393 = math.absf %get3A_392 : vector<16xf32>
        %get3A_394 = arith.index_cast %add3A_381 : i32 to index
        %get3A_395 = arith.constant 48 : index
        %get3A_396 = tpu.vector_load %arg28[%get3A_394, %get3A_395] {strides = array<i32>} : memref<112x128xf32, #tpu.memory_space<vmem>>, vector<16xf32>,
        %abs3A_397 = math.absf %get3A_396 : vector<16xf32>
        %get3A_398 = arith.index_cast %add3A_381 : i32 to index
        %get3A_399 = arith.constant 64 : index
        %get3A_400 = tpu.vector_load %arg28[%get3A_398, %get3A_399] {strides = array<i32>} : memref<112x128xf32, #tpu.memory_space<vmem>>, vector<16xf32>,
        %abs3A_401 = math.absf %get3A_400 : vector<16xf32>
        %get3A_402 = arith.index_cast %add3A_381 : i32 to index
        %get3A_403 = arith.constant 80 : index
        %get3A_404 = tpu.vector_load %arg28[%get3A_402, %get3A_403] {strides = array<i32>} : memref<112x128xf32, #tpu.memory_space<vmem>>, vector<16xf32>,
        %abs3A_405 = math.absf %get3A_404 : vector<16xf32>
        %get3A_406 = arith.index_cast %add3A_381 : i32 to index
        %get3A_407 = arith.constant 96 : index
        %get3A_408 = tpu.vector_load %arg28[%get3A_406, %get3A_407] {strides = array<i32>} : memref<112x128xf32, #tpu.memory_space<vmem>>, vector<16xf32>,
        %abs3A_409 = math.absf %get3A_408 : vector<16xf32>
        %get3A_410 = arith.index_cast %add3A_381 : i32 to index
        %get3A_411 = arith.constant 112 : index
        %get3A_412 = tpu.vector_load %arg28[%get3A_410, %get3A_411] {strides = array<i32>} : memref<112x128xf32, #tpu.memory_space<vmem>>, vector<16xf32>,
        %abs3A_413 = math.absf %get3A_412 : vector<16xf32>
        %add3A_414 = arith.addf %abs3A_385, %abs3A_389 : vector<16xf32>
        %add3A_415 = arith.addf %abs3A_393, %abs3A_397 : vector<16xf32>
        %add3A_416 = arith.addf %abs3A_401, %abs3A_405 : vector<16xf32>
        %add3A_417 = arith.addf %abs3A_409, %abs3A_413 : vector<16xf32>
        %add3A_418 = arith.addf %add3A_414, %add3A_415 : vector<16xf32>
        %add3A_419 = arith.addf %add3A_416, %add3A_417 : vector<16xf32>
        %add3A_420 = arith.addf %add3A_418, %add3A_419 : vector<16xf32>
        %swap3A_421 = arith.constant 3 : i32
        %swap3A_422 = arith.index_cast %swap3A_421 : i32 to index
        %swap3A_423 = arith.constant 0 : index
        %swap3A_424 = tpu.vector_load %arg35[%swap3A_422, %swap3A_423] {strides = array<i32>} : memref<16x16xf32, #tpu.memory_space<vmem>>, vector<16xf32>,
        tpu.vector_store %arg35[%swap3A_422, %swap3A_423], %add3A_420 {strides = array<i32>} : memref<16x16xf32, #tpu.memory_space<vmem>>, vector<16xf32>,
        %mul3A_425 = arith.constant 16 : i32
        %mul3A_426 = arith.muli %scan3A_239, %mul3A_425 : i32
        %add3A_427 = arith.constant 4 : i32
        %add3A_428 = arith.addi %mul3A_426, %add3A_427 : i32
        %get3A_429 = arith.index_cast %add3A_428 : i32 to index
        %get3A_430 = arith.constant 0 : index
        %get3A_431 = tpu.vector_load %arg28[%get3A_429, %get3A_430] {strides = array<i32>} : memref<112x128xf32, #tpu.memory_space<vmem>>, vector<16xf32>,
        %abs3A_432 = math.absf %get3A_431 : vector<16xf32>
        %get3A_433 = arith.index_cast %add3A_428 : i32 to index
        %get3A_434 = arith.constant 16 : index
        %get3A_435 = tpu.vector_load %arg28[%get3A_433, %get3A_434] {strides = array<i32>} : memref<112x128xf32, #tpu.memory_space<vmem>>, vector<16xf32>,
        %abs3A_436 = math.absf %get3A_435 : vector<16xf32>
        %get3A_437 = arith.index_cast %add3A_428 : i32 to index
        %get3A_438 = arith.constant 32 : index
        %get3A_439 = tpu.vector_load %arg28[%get3A_437, %get3A_438] {strides = array<i32>} : memref<112x128xf32, #tpu.memory_space<vmem>>, vector<16xf32>,
        %abs3A_440 = math.absf %get3A_439 : vector<16xf32>
        %get3A_441 = arith.index_cast %add3A_428 : i32 to index
        %get3A_442 = arith.constant 48 : index
        %get3A_443 = tpu.vector_load %arg28[%get3A_441, %get3A_442] {strides = array<i32>} : memref<112x128xf32, #tpu.memory_space<vmem>>, vector<16xf32>,
        %abs3A_444 = math.absf %get3A_443 : vector<16xf32>
        %get3A_445 = arith.index_cast %add3A_428 : i32 to index
        %get3A_446 = arith.constant 64 : index
        %get3A_447 = tpu.vector_load %arg28[%get3A_445, %get3A_446] {strides = array<i32>} : memref<112x128xf32, #tpu.memory_space<vmem>>, vector<16xf32>,
        %abs3A_448 = math.absf %get3A_447 : vector<16xf32>
        %get3A_449 = arith.index_cast %add3A_428 : i32 to index
        %get3A_450 = arith.constant 80 : index
        %get3A_451 = tpu.vector_load %arg28[%get3A_449, %get3A_450] {strides = array<i32>} : memref<112x128xf32, #tpu.memory_space<vmem>>, vector<16xf32>,
        %abs3A_452 = math.absf %get3A_451 : vector<16xf32>
        %get3A_453 = arith.index_cast %add3A_428 : i32 to index
        %get3A_454 = arith.constant 96 : index
        %get3A_455 = tpu.vector_load %arg28[%get3A_453, %get3A_454] {strides = array<i32>} : memref<112x128xf32, #tpu.memory_space<vmem>>, vector<16xf32>,
        %abs3A_456 = math.absf %get3A_455 : vector<16xf32>
        %get3A_457 = arith.index_cast %add3A_428 : i32 to index
        %get3A_458 = arith.constant 112 : index
        %get3A_459 = tpu.vector_load %arg28[%get3A_457, %get3A_458] {strides = array<i32>} : memref<112x128xf32, #tpu.memory_space<vmem>>, vector<16xf32>,
        %abs3A_460 = math.absf %get3A_459 : vector<16xf32>
        %add3A_461 = arith.addf %abs3A_432, %abs3A_436 : vector<16xf32>
        %add3A_462 = arith.addf %abs3A_440, %abs3A_444 : vector<16xf32>
        %add3A_463 = arith.addf %abs3A_448, %abs3A_452 : vector<16xf32>
        %add3A_464 = arith.addf %abs3A_456, %abs3A_460 : vector<16xf32>
        %add3A_465 = arith.addf %add3A_461, %add3A_462 : vector<16xf32>
        %add3A_466 = arith.addf %add3A_463, %add3A_464 : vector<16xf32>
        %add3A_467 = arith.addf %add3A_465, %add3A_466 : vector<16xf32>
        %swap3A_468 = arith.constant 4 : i32
        %swap3A_469 = arith.index_cast %swap3A_468 : i32 to index
        %swap3A_470 = arith.constant 0 : index
        %swap3A_471 = tpu.vector_load %arg35[%swap3A_469, %swap3A_470] {strides = array<i32>} : memref<16x16xf32, #tpu.memory_space<vmem>>, vector<16xf32>,
        tpu.vector_store %arg35[%swap3A_469, %swap3A_470], %add3A_467 {strides = array<i32>} : memref<16x16xf32, #tpu.memory_space<vmem>>, vector<16xf32>,
        %mul3A_472 = arith.constant 16 : i32
        %mul3A_473 = arith.muli %scan3A_239, %mul3A_472 : i32
        %add3A_474 = arith.constant 5 : i32
        %add3A_475 = arith.addi %mul3A_473, %add3A_474 : i32
        %get3A_476 = arith.index_cast %add3A_475 : i32 to index
        %get3A_477 = arith.constant 0 : index
        %get3A_478 = tpu.vector_load %arg28[%get3A_476, %get3A_477] {strides = array<i32>} : memref<112x128xf32, #tpu.memory_space<vmem>>, vector<16xf32>,
        %abs3A_479 = math.absf %get3A_478 : vector<16xf32>
        %get3A_480 = arith.index_cast %add3A_475 : i32 to index
        %get3A_481 = arith.constant 16 : index
        %get3A_482 = tpu.vector_load %arg28[%get3A_480, %get3A_481] {strides = array<i32>} : memref<112x128xf32, #tpu.memory_space<vmem>>, vector<16xf32>,
        %abs3A_483 = math.absf %get3A_482 : vector<16xf32>
        %get3A_484 = arith.index_cast %add3A_475 : i32 to index
        %get3A_485 = arith.constant 32 : index
        %get3A_486 = tpu.vector_load %arg28[%get3A_484, %get3A_485] {strides = array<i32>} : memref<112x128xf32, #tpu.memory_space<vmem>>, vector<16xf32>,
        %abs3A_487 = math.absf %get3A_486 : vector<16xf32>
        %get3A_488 = arith.index_cast %add3A_475 : i32 to index
        %get3A_489 = arith.constant 48 : index
        %get3A_490 = tpu.vector_load %arg28[%get3A_488, %get3A_489] {strides = array<i32>} : memref<112x128xf32, #tpu.memory_space<vmem>>, vector<16xf32>,
        %abs3A_491 = math.absf %get3A_490 : vector<16xf32>
        %get3A_492 = arith.index_cast %add3A_475 : i32 to index
        %get3A_493 = arith.constant 64 : index
        %get3A_494 = tpu.vector_load %arg28[%get3A_492, %get3A_493] {strides = array<i32>} : memref<112x128xf32, #tpu.memory_space<vmem>>, vector<16xf32>,
        %abs3A_495 = math.absf %get3A_494 : vector<16xf32>
        %get3A_496 = arith.index_cast %add3A_475 : i32 to index
        %get3A_497 = arith.constant 80 : index
        %get3A_498 = tpu.vector_load %arg28[%get3A_496, %get3A_497] {strides = array<i32>} : memref<112x128xf32, #tpu.memory_space<vmem>>, vector<16xf32>,
        %abs3A_499 = math.absf %get3A_498 : vector<16xf32>
        %get3A_500 = arith.index_cast %add3A_475 : i32 to index
        %get3A_501 = arith.constant 96 : index
        %get3A_502 = tpu.vector_load %arg28[%get3A_500, %get3A_501] {strides = array<i32>} : memref<112x128xf32, #tpu.memory_space<vmem>>, vector<16xf32>,
        %abs3A_503 = math.absf %get3A_502 : vector<16xf32>
        %get3A_504 = arith.index_cast %add3A_475 : i32 to index
        %get3A_505 = arith.constant 112 : index
        %get3A_506 = tpu.vector_load %arg28[%get3A_504, %get3A_505] {strides = array<i32>} : memref<112x128xf32, #tpu.memory_space<vmem>>, vector<16xf32>,
        %abs3A_507 = math.absf %get3A_506 : vector<16xf32>
        %add3A_508 = arith.addf %abs3A_479, %abs3A_483 : vector<16xf32>
        %add3A_509 = arith.addf %abs3A_487, %abs3A_491 : vector<16xf32>
        %add3A_510 = arith.addf %abs3A_495, %abs3A_499 : vector<16xf32>
        %add3A_511 = arith.addf %abs3A_503, %abs3A_507 : vector<16xf32>
        %add3A_512 = arith.addf %add3A_508, %add3A_509 : vector<16xf32>
        %add3A_513 = arith.addf %add3A_510, %add3A_511 : vector<16xf32>
        %add3A_514 = arith.addf %add3A_512, %add3A_513 : vector<16xf32>
        %swap3A_515 = arith.constant 5 : i32
        %swap3A_516 = arith.index_cast %swap3A_515 : i32 to index
        %swap3A_517 = arith.constant 0 : index
        %swap3A_518 = tpu.vector_load %arg35[%swap3A_516, %swap3A_517] {strides = array<i32>} : memref<16x16xf32, #tpu.memory_space<vmem>>, vector<16xf32>,
        tpu.vector_store %arg35[%swap3A_516, %swap3A_517], %add3A_514 {strides = array<i32>} : memref<16x16xf32, #tpu.memory_space<vmem>>, vector<16xf32>,
        %mul3A_519 = arith.constant 16 : i32
        %mul3A_520 = arith.muli %scan3A_239, %mul3A_519 : i32
        %add3A_521 = arith.constant 6 : i32
        %add3A_522 = arith.addi %mul3A_520, %add3A_521 : i32
        %get3A_523 = arith.index_cast %add3A_522 : i32 to index
        %get3A_524 = arith.constant 0 : index
        %get3A_525 = tpu.vector_load %arg28[%get3A_523, %get3A_524] {strides = array<i32>} : memref<112x128xf32, #tpu.memory_space<vmem>>, vector<16xf32>,
        %abs3A_526 = math.absf %get3A_525 : vector<16xf32>
        %get3A_527 = arith.index_cast %add3A_522 : i32 to index
        %get3A_528 = arith.constant 16 : index
        %get3A_529 = tpu.vector_load %arg28[%get3A_527, %get3A_528] {strides = array<i32>} : memref<112x128xf32, #tpu.memory_space<vmem>>, vector<16xf32>,
        %abs3A_530 = math.absf %get3A_529 : vector<16xf32>
        %get3A_531 = arith.index_cast %add3A_522 : i32 to index
        %get3A_532 = arith.constant 32 : index
        %get3A_533 = tpu.vector_load %arg28[%get3A_531, %get3A_532] {strides = array<i32>} : memref<112x128xf32, #tpu.memory_space<vmem>>, vector<16xf32>,
        %abs3A_534 = math.absf %get3A_533 : vector<16xf32>
        %get3A_535 = arith.index_cast %add3A_522 : i32 to index
        %get3A_536 = arith.constant 48 : index
        %get3A_537 = tpu.vector_load %arg28[%get3A_535, %get3A_536] {strides = array<i32>} : memref<112x128xf32, #tpu.memory_space<vmem>>, vector<16xf32>,
        %abs3A_538 = math.absf %get3A_537 : vector<16xf32>
        %get3A_539 = arith.index_cast %add3A_522 : i32 to index
        %get3A_540 = arith.constant 64 : index
        %get3A_541 = tpu.vector_load %arg28[%get3A_539, %get3A_540] {strides = array<i32>} : memref<112x128xf32, #tpu.memory_space<vmem>>, vector<16xf32>,
        %abs3A_542 = math.absf %get3A_541 : vector<16xf32>
        %get3A_543 = arith.index_cast %add3A_522 : i32 to index
        %get3A_544 = arith.constant 80 : index
        %get3A_545 = tpu.vector_load %arg28[%get3A_543, %get3A_544] {strides = array<i32>} : memref<112x128xf32, #tpu.memory_space<vmem>>, vector<16xf32>,
        %abs3A_546 = math.absf %get3A_545 : vector<16xf32>
        %get3A_547 = arith.index_cast %add3A_522 : i32 to index
        %get3A_548 = arith.constant 96 : index
        %get3A_549 = tpu.vector_load %arg28[%get3A_547, %get3A_548] {strides = array<i32>} : memref<112x128xf32, #tpu.memory_space<vmem>>, vector<16xf32>,
        %abs3A_550 = math.absf %get3A_549 : vector<16xf32>
        %get3A_551 = arith.index_cast %add3A_522 : i32 to index
        %get3A_552 = arith.constant 112 : index
        %get3A_553 = tpu.vector_load %arg28[%get3A_551, %get3A_552] {strides = array<i32>} : memref<112x128xf32, #tpu.memory_space<vmem>>, vector<16xf32>,
        %abs3A_554 = math.absf %get3A_553 : vector<16xf32>
        %add3A_555 = arith.addf %abs3A_526, %abs3A_530 : vector<16xf32>
        %add3A_556 = arith.addf %abs3A_534, %abs3A_538 : vector<16xf32>
        %add3A_557 = arith.addf %abs3A_542, %abs3A_546 : vector<16xf32>
        %add3A_558 = arith.addf %abs3A_550, %abs3A_554 : vector<16xf32>
        %add3A_559 = arith.addf %add3A_555, %add3A_556 : vector<16xf32>
        %add3A_560 = arith.addf %add3A_557, %add3A_558 : vector<16xf32>
        %add3A_561 = arith.addf %add3A_559, %add3A_560 : vector<16xf32>
        %swap3A_562 = arith.constant 6 : i32
        %swap3A_563 = arith.index_cast %swap3A_562 : i32 to index
        %swap3A_564 = arith.constant 0 : index
        %swap3A_565 = tpu.vector_load %arg35[%swap3A_563, %swap3A_564] {strides = array<i32>} : memref<16x16xf32, #tpu.memory_space<vmem>>, vector<16xf32>,
        tpu.vector_store %arg35[%swap3A_563, %swap3A_564], %add3A_561 {strides = array<i32>} : memref<16x16xf32, #tpu.memory_space<vmem>>, vector<16xf32>,
        %mul3A_566 = arith.constant 16 : i32
        %mul3A_567 = arith.muli %scan3A_239, %mul3A_566 : i32
        %add3A_568 = arith.constant 7 : i32
        %add3A_569 = arith.addi %mul3A_567, %add3A_568 : i32
        %get3A_570 = arith.index_cast %add3A_569 : i32 to index
        %get3A_571 = arith.constant 0 : index
        %get3A_572 = tpu.vector_load %arg28[%get3A_570, %get3A_571] {strides = array<i32>} : memref<112x128xf32, #tpu.memory_space<vmem>>, vector<16xf32>,
        %abs3A_573 = math.absf %get3A_572 : vector<16xf32>
        %get3A_574 = arith.index_cast %add3A_569 : i32 to index
        %get3A_575 = arith.constant 16 : index
        %get3A_576 = tpu.vector_load %arg28[%get3A_574, %get3A_575] {strides = array<i32>} : memref<112x128xf32, #tpu.memory_space<vmem>>, vector<16xf32>,
        %abs3A_577 = math.absf %get3A_576 : vector<16xf32>
        %get3A_578 = arith.index_cast %add3A_569 : i32 to index
        %get3A_579 = arith.constant 32 : index
        %get3A_580 = tpu.vector_load %arg28[%get3A_578, %get3A_579] {strides = array<i32>} : memref<112x128xf32, #tpu.memory_space<vmem>>, vector<16xf32>,
        %abs3A_581 = math.absf %get3A_580 : vector<16xf32>
        %get3A_582 = arith.index_cast %add3A_569 : i32 to index
        %get3A_583 = arith.constant 48 : index
        %get3A_584 = tpu.vector_load %arg28[%get3A_582, %get3A_583] {strides = array<i32>} : memref<112x128xf32, #tpu.memory_space<vmem>>, vector<16xf32>,
        %abs3A_585 = math.absf %get3A_584 : vector<16xf32>
        %get3A_586 = arith.index_cast %add3A_569 : i32 to index
        %get3A_587 = arith.constant 64 : index
        %get3A_588 = tpu.vector_load %arg28[%get3A_586, %get3A_587] {strides = array<i32>} : memref<112x128xf32, #tpu.memory_space<vmem>>, vector<16xf32>,
        %abs3A_589 = math.absf %get3A_588 : vector<16xf32>
        %get3A_590 = arith.index_cast %add3A_569 : i32 to index
        %get3A_591 = arith.constant 80 : index
        %get3A_592 = tpu.vector_load %arg28[%get3A_590, %get3A_591] {strides = array<i32>} : memref<112x128xf32, #tpu.memory_space<vmem>>, vector<16xf32>,
        %abs3A_593 = math.absf %get3A_592 : vector<16xf32>
        %get3A_594 = arith.index_cast %add3A_569 : i32 to index
        %get3A_595 = arith.constant 96 : index
        %get3A_596 = tpu.vector_load %arg28[%get3A_594, %get3A_595] {strides = array<i32>} : memref<112x128xf32, #tpu.memory_space<vmem>>, vector<16xf32>,
        %abs3A_597 = math.absf %get3A_596 : vector<16xf32>
        %get3A_598 = arith.index_cast %add3A_569 : i32 to index
        %get3A_599 = arith.constant 112 : index
        %get3A_600 = tpu.vector_load %arg28[%get3A_598, %get3A_599] {strides = array<i32>} : memref<112x128xf32, #tpu.memory_space<vmem>>, vector<16xf32>,
        %abs3A_601 = math.absf %get3A_600 : vector<16xf32>
        %add3A_602 = arith.addf %abs3A_573, %abs3A_577 : vector<16xf32>
        %add3A_603 = arith.addf %abs3A_581, %abs3A_585 : vector<16xf32>
        %add3A_604 = arith.addf %abs3A_589, %abs3A_593 : vector<16xf32>
        %add3A_605 = arith.addf %abs3A_597, %abs3A_601 : vector<16xf32>
        %add3A_606 = arith.addf %add3A_602, %add3A_603 : vector<16xf32>
        %add3A_607 = arith.addf %add3A_604, %add3A_605 : vector<16xf32>
        %add3A_608 = arith.addf %add3A_606, %add3A_607 : vector<16xf32>
        %swap3A_609 = arith.constant 7 : i32
        %swap3A_610 = arith.index_cast %swap3A_609 : i32 to index
        %swap3A_611 = arith.constant 0 : index
        %swap3A_612 = tpu.vector_load %arg35[%swap3A_610, %swap3A_611] {strides = array<i32>} : memref<16x16xf32, #tpu.memory_space<vmem>>, vector<16xf32>,
        tpu.vector_store %arg35[%swap3A_610, %swap3A_611], %add3A_608 {strides = array<i32>} : memref<16x16xf32, #tpu.memory_space<vmem>>, vector<16xf32>,
        %mul3A_613 = arith.constant 16 : i32
        %mul3A_614 = arith.muli %scan3A_239, %mul3A_613 : i32
        %add3A_615 = arith.constant 8 : i32
        %add3A_616 = arith.addi %mul3A_614, %add3A_615 : i32
        %get3A_617 = arith.index_cast %add3A_616 : i32 to index
        %get3A_618 = arith.constant 0 : index
        %get3A_619 = tpu.vector_load %arg28[%get3A_617, %get3A_618] {strides = array<i32>} : memref<112x128xf32, #tpu.memory_space<vmem>>, vector<16xf32>,
        %abs3A_620 = math.absf %get3A_619 : vector<16xf32>
        %get3A_621 = arith.index_cast %add3A_616 : i32 to index
        %get3A_622 = arith.constant 16 : index
        %get3A_623 = tpu.vector_load %arg28[%get3A_621, %get3A_622] {strides = array<i32>} : memref<112x128xf32, #tpu.memory_space<vmem>>, vector<16xf32>,
        %abs3A_624 = math.absf %get3A_623 : vector<16xf32>
        %get3A_625 = arith.index_cast %add3A_616 : i32 to index
        %get3A_626 = arith.constant 32 : index
        %get3A_627 = tpu.vector_load %arg28[%get3A_625, %get3A_626] {strides = array<i32>} : memref<112x128xf32, #tpu.memory_space<vmem>>, vector<16xf32>,
        %abs3A_628 = math.absf %get3A_627 : vector<16xf32>
        %get3A_629 = arith.index_cast %add3A_616 : i32 to index
        %get3A_630 = arith.constant 48 : index
        %get3A_631 = tpu.vector_load %arg28[%get3A_629, %get3A_630] {strides = array<i32>} : memref<112x128xf32, #tpu.memory_space<vmem>>, vector<16xf32>,
        %abs3A_632 = math.absf %get3A_631 : vector<16xf32>
        %get3A_633 = arith.index_cast %add3A_616 : i32 to index
        %get3A_634 = arith.constant 64 : index
        %get3A_635 = tpu.vector_load %arg28[%get3A_633, %get3A_634] {strides = array<i32>} : memref<112x128xf32, #tpu.memory_space<vmem>>, vector<16xf32>,
        %abs3A_636 = math.absf %get3A_635 : vector<16xf32>
        %get3A_637 = arith.index_cast %add3A_616 : i32 to index
        %get3A_638 = arith.constant 80 : index
        %get3A_639 = tpu.vector_load %arg28[%get3A_637, %get3A_638] {strides = array<i32>} : memref<112x128xf32, #tpu.memory_space<vmem>>, vector<16xf32>,
        %abs3A_640 = math.absf %get3A_639 : vector<16xf32>
        %get3A_641 = arith.index_cast %add3A_616 : i32 to index
        %get3A_642 = arith.constant 96 : index
        %get3A_643 = tpu.vector_load %arg28[%get3A_641, %get3A_642] {strides = array<i32>} : memref<112x128xf32, #tpu.memory_space<vmem>>, vector<16xf32>,
        %abs3A_644 = math.absf %get3A_643 : vector<16xf32>
        %get3A_645 = arith.index_cast %add3A_616 : i32 to index
        %get3A_646 = arith.constant 112 : index
        %get3A_647 = tpu.vector_load %arg28[%get3A_645, %get3A_646] {strides = array<i32>} : memref<112x128xf32, #tpu.memory_space<vmem>>, vector<16xf32>,
        %abs3A_648 = math.absf %get3A_647 : vector<16xf32>
        %add3A_649 = arith.addf %abs3A_620, %abs3A_624 : vector<16xf32>
        %add3A_650 = arith.addf %abs3A_628, %abs3A_632 : vector<16xf32>
        %add3A_651 = arith.addf %abs3A_636, %abs3A_640 : vector<16xf32>
        %add3A_652 = arith.addf %abs3A_644, %abs3A_648 : vector<16xf32>
        %add3A_653 = arith.addf %add3A_649, %add3A_650 : vector<16xf32>
        %add3A_654 = arith.addf %add3A_651, %add3A_652 : vector<16xf32>
        %add3A_655 = arith.addf %add3A_653, %add3A_654 : vector<16xf32>
        %swap3A_656 = arith.constant 8 : i32
        %swap3A_657 = arith.index_cast %swap3A_656 : i32 to index
        %swap3A_658 = arith.constant 0 : index
        %swap3A_659 = tpu.vector_load %arg35[%swap3A_657, %swap3A_658] {strides = array<i32>} : memref<16x16xf32, #tpu.memory_space<vmem>>, vector<16xf32>,
        tpu.vector_store %arg35[%swap3A_657, %swap3A_658], %add3A_655 {strides = array<i32>} : memref<16x16xf32, #tpu.memory_space<vmem>>, vector<16xf32>,
        %mul3A_660 = arith.constant 16 : i32
        %mul3A_661 = arith.muli %scan3A_239, %mul3A_660 : i32
        %add3A_662 = arith.constant 9 : i32
        %add3A_663 = arith.addi %mul3A_661, %add3A_662 : i32
        %get3A_664 = arith.index_cast %add3A_663 : i32 to index
        %get3A_665 = arith.constant 0 : index
        %get3A_666 = tpu.vector_load %arg28[%get3A_664, %get3A_665] {strides = array<i32>} : memref<112x128xf32, #tpu.memory_space<vmem>>, vector<16xf32>,
        %abs3A_667 = math.absf %get3A_666 : vector<16xf32>
        %get3A_668 = arith.index_cast %add3A_663 : i32 to index
        %get3A_669 = arith.constant 16 : index
        %get3A_670 = tpu.vector_load %arg28[%get3A_668, %get3A_669] {strides = array<i32>} : memref<112x128xf32, #tpu.memory_space<vmem>>, vector<16xf32>,
        %abs3A_671 = math.absf %get3A_670 : vector<16xf32>
        %get3A_672 = arith.index_cast %add3A_663 : i32 to index
        %get3A_673 = arith.constant 32 : index
        %get3A_674 = tpu.vector_load %arg28[%get3A_672, %get3A_673] {strides = array<i32>} : memref<112x128xf32, #tpu.memory_space<vmem>>, vector<16xf32>,
        %abs3A_675 = math.absf %get3A_674 : vector<16xf32>
        %get3A_676 = arith.index_cast %add3A_663 : i32 to index
        %get3A_677 = arith.constant 48 : index
        %get3A_678 = tpu.vector_load %arg28[%get3A_676, %get3A_677] {strides = array<i32>} : memref<112x128xf32, #tpu.memory_space<vmem>>, vector<16xf32>,
        %abs3A_679 = math.absf %get3A_678 : vector<16xf32>
        %get3A_680 = arith.index_cast %add3A_663 : i32 to index
        %get3A_681 = arith.constant 64 : index
        %get3A_682 = tpu.vector_load %arg28[%get3A_680, %get3A_681] {strides = array<i32>} : memref<112x128xf32, #tpu.memory_space<vmem>>, vector<16xf32>,
        %abs3A_683 = math.absf %get3A_682 : vector<16xf32>
        %get3A_684 = arith.index_cast %add3A_663 : i32 to index
        %get3A_685 = arith.constant 80 : index
        %get3A_686 = tpu.vector_load %arg28[%get3A_684, %get3A_685] {strides = array<i32>} : memref<112x128xf32, #tpu.memory_space<vmem>>, vector<16xf32>,
        %abs3A_687 = math.absf %get3A_686 : vector<16xf32>
        %get3A_688 = arith.index_cast %add3A_663 : i32 to index
        %get3A_689 = arith.constant 96 : index
        %get3A_690 = tpu.vector_load %arg28[%get3A_688, %get3A_689] {strides = array<i32>} : memref<112x128xf32, #tpu.memory_space<vmem>>, vector<16xf32>,
        %abs3A_691 = math.absf %get3A_690 : vector<16xf32>
        %get3A_692 = arith.index_cast %add3A_663 : i32 to index
        %get3A_693 = arith.constant 112 : index
        %get3A_694 = tpu.vector_load %arg28[%get3A_692, %get3A_693] {strides = array<i32>} : memref<112x128xf32, #tpu.memory_space<vmem>>, vector<16xf32>,
        %abs3A_695 = math.absf %get3A_694 : vector<16xf32>
        %add3A_696 = arith.addf %abs3A_667, %abs3A_671 : vector<16xf32>
        %add3A_697 = arith.addf %abs3A_675, %abs3A_679 : vector<16xf32>
        %add3A_698 = arith.addf %abs3A_683, %abs3A_687 : vector<16xf32>
        %add3A_699 = arith.addf %abs3A_691, %abs3A_695 : vector<16xf32>
        %add3A_700 = arith.addf %add3A_696, %add3A_697 : vector<16xf32>
        %add3A_701 = arith.addf %add3A_698, %add3A_699 : vector<16xf32>
        %add3A_702 = arith.addf %add3A_700, %add3A_701 : vector<16xf32>
        %swap3A_703 = arith.constant 9 : i32
        %swap3A_704 = arith.index_cast %swap3A_703 : i32 to index
        %swap3A_705 = arith.constant 0 : index
        %swap3A_706 = tpu.vector_load %arg35[%swap3A_704, %swap3A_705] {strides = array<i32>} : memref<16x16xf32, #tpu.memory_space<vmem>>, vector<16xf32>,
        tpu.vector_store %arg35[%swap3A_704, %swap3A_705], %add3A_702 {strides = array<i32>} : memref<16x16xf32, #tpu.memory_space<vmem>>, vector<16xf32>,
        %mul3A_707 = arith.constant 16 : i32
        %mul3A_708 = arith.muli %scan3A_239, %mul3A_707 : i32
        %add3A_709 = arith.constant 10 : i32
        %add3A_710 = arith.addi %mul3A_708, %add3A_709 : i32
        %get3A_711 = arith.index_cast %add3A_710 : i32 to index
        %get3A_712 = arith.constant 0 : index
        %get3A_713 = tpu.vector_load %arg28[%get3A_711, %get3A_712] {strides = array<i32>} : memref<112x128xf32, #tpu.memory_space<vmem>>, vector<16xf32>,
        %abs3A_714 = math.absf %get3A_713 : vector<16xf32>
        %get3A_715 = arith.index_cast %add3A_710 : i32 to index
        %get3A_716 = arith.constant 16 : index
        %get3A_717 = tpu.vector_load %arg28[%get3A_715, %get3A_716] {strides = array<i32>} : memref<112x128xf32, #tpu.memory_space<vmem>>, vector<16xf32>,
        %abs3A_718 = math.absf %get3A_717 : vector<16xf32>
        %get3A_719 = arith.index_cast %add3A_710 : i32 to index
        %get3A_720 = arith.constant 32 : index
        %get3A_721 = tpu.vector_load %arg28[%get3A_719, %get3A_720] {strides = array<i32>} : memref<112x128xf32, #tpu.memory_space<vmem>>, vector<16xf32>,
        %abs3A_722 = math.absf %get3A_721 : vector<16xf32>
        %get3A_723 = arith.index_cast %add3A_710 : i32 to index
        %get3A_724 = arith.constant 48 : index
        %get3A_725 = tpu.vector_load %arg28[%get3A_723, %get3A_724] {strides = array<i32>} : memref<112x128xf32, #tpu.memory_space<vmem>>, vector<16xf32>,
        %abs3A_726 = math.absf %get3A_725 : vector<16xf32>
        %get3A_727 = arith.index_cast %add3A_710 : i32 to index
        %get3A_728 = arith.constant 64 : index
        %get3A_729 = tpu.vector_load %arg28[%get3A_727, %get3A_728] {strides = array<i32>} : memref<112x128xf32, #tpu.memory_space<vmem>>, vector<16xf32>,
        %abs3A_730 = math.absf %get3A_729 : vector<16xf32>
        %get3A_731 = arith.index_cast %add3A_710 : i32 to index
        %get3A_732 = arith.constant 80 : index
        %get3A_733 = tpu.vector_load %arg28[%get3A_731, %get3A_732] {strides = array<i32>} : memref<112x128xf32, #tpu.memory_space<vmem>>, vector<16xf32>,
        %abs3A_734 = math.absf %get3A_733 : vector<16xf32>
        %get3A_735 = arith.index_cast %add3A_710 : i32 to index
        %get3A_736 = arith.constant 96 : index
        %get3A_737 = tpu.vector_load %arg28[%get3A_735, %get3A_736] {strides = array<i32>} : memref<112x128xf32, #tpu.memory_space<vmem>>, vector<16xf32>,
        %abs3A_738 = math.absf %get3A_737 : vector<16xf32>
        %get3A_739 = arith.index_cast %add3A_710 : i32 to index
        %get3A_740 = arith.constant 112 : index
        %get3A_741 = tpu.vector_load %arg28[%get3A_739, %get3A_740] {strides = array<i32>} : memref<112x128xf32, #tpu.memory_space<vmem>>, vector<16xf32>,
        %abs3A_742 = math.absf %get3A_741 : vector<16xf32>
        %add3A_743 = arith.addf %abs3A_714, %abs3A_718 : vector<16xf32>
        %add3A_744 = arith.addf %abs3A_722, %abs3A_726 : vector<16xf32>
        %add3A_745 = arith.addf %abs3A_730, %abs3A_734 : vector<16xf32>
        %add3A_746 = arith.addf %abs3A_738, %abs3A_742 : vector<16xf32>
        %add3A_747 = arith.addf %add3A_743, %add3A_744 : vector<16xf32>
        %add3A_748 = arith.addf %add3A_745, %add3A_746 : vector<16xf32>
        %add3A_749 = arith.addf %add3A_747, %add3A_748 : vector<16xf32>
        %swap3A_750 = arith.constant 10 : i32
        %swap3A_751 = arith.index_cast %swap3A_750 : i32 to index
        %swap3A_752 = arith.constant 0 : index
        %swap3A_753 = tpu.vector_load %arg35[%swap3A_751, %swap3A_752] {strides = array<i32>} : memref<16x16xf32, #tpu.memory_space<vmem>>, vector<16xf32>,
        tpu.vector_store %arg35[%swap3A_751, %swap3A_752], %add3A_749 {strides = array<i32>} : memref<16x16xf32, #tpu.memory_space<vmem>>, vector<16xf32>,
        %mul3A_754 = arith.constant 16 : i32
        %mul3A_755 = arith.muli %scan3A_239, %mul3A_754 : i32
        %add3A_756 = arith.constant 11 : i32
        %add3A_757 = arith.addi %mul3A_755, %add3A_756 : i32
        %get3A_758 = arith.index_cast %add3A_757 : i32 to index
        %get3A_759 = arith.constant 0 : index
        %get3A_760 = tpu.vector_load %arg28[%get3A_758, %get3A_759] {strides = array<i32>} : memref<112x128xf32, #tpu.memory_space<vmem>>, vector<16xf32>,
        %abs3A_761 = math.absf %get3A_760 : vector<16xf32>
        %get3A_762 = arith.index_cast %add3A_757 : i32 to index
        %get3A_763 = arith.constant 16 : index
        %get3A_764 = tpu.vector_load %arg28[%get3A_762, %get3A_763] {strides = array<i32>} : memref<112x128xf32, #tpu.memory_space<vmem>>, vector<16xf32>,
        %abs3A_765 = math.absf %get3A_764 : vector<16xf32>
        %get3A_766 = arith.index_cast %add3A_757 : i32 to index
        %get3A_767 = arith.constant 32 : index
        %get3A_768 = tpu.vector_load %arg28[%get3A_766, %get3A_767] {strides = array<i32>} : memref<112x128xf32, #tpu.memory_space<vmem>>, vector<16xf32>,
        %abs3A_769 = math.absf %get3A_768 : vector<16xf32>
        %get3A_770 = arith.index_cast %add3A_757 : i32 to index
        %get3A_771 = arith.constant 48 : index
        %get3A_772 = tpu.vector_load %arg28[%get3A_770, %get3A_771] {strides = array<i32>} : memref<112x128xf32, #tpu.memory_space<vmem>>, vector<16xf32>,
        %abs3A_773 = math.absf %get3A_772 : vector<16xf32>
        %get3A_774 = arith.index_cast %add3A_757 : i32 to index
        %get3A_775 = arith.constant 64 : index
        %get3A_776 = tpu.vector_load %arg28[%get3A_774, %get3A_775] {strides = array<i32>} : memref<112x128xf32, #tpu.memory_space<vmem>>, vector<16xf32>,
        %abs3A_777 = math.absf %get3A_776 : vector<16xf32>
        %get3A_778 = arith.index_cast %add3A_757 : i32 to index
        %get3A_779 = arith.constant 80 : index
        %get3A_780 = tpu.vector_load %arg28[%get3A_778, %get3A_779] {strides = array<i32>} : memref<112x128xf32, #tpu.memory_space<vmem>>, vector<16xf32>,
        %abs3A_781 = math.absf %get3A_780 : vector<16xf32>
        %get3A_782 = arith.index_cast %add3A_757 : i32 to index
        %get3A_783 = arith.constant 96 : index
        %get3A_784 = tpu.vector_load %arg28[%get3A_782, %get3A_783] {strides = array<i32>} : memref<112x128xf32, #tpu.memory_space<vmem>>, vector<16xf32>,
        %abs3A_785 = math.absf %get3A_784 : vector<16xf32>
        %get3A_786 = arith.index_cast %add3A_757 : i32 to index
        %get3A_787 = arith.constant 112 : index
        %get3A_788 = tpu.vector_load %arg28[%get3A_786, %get3A_787] {strides = array<i32>} : memref<112x128xf32, #tpu.memory_space<vmem>>, vector<16xf32>,
        %abs3A_789 = math.absf %get3A_788 : vector<16xf32>
        %add3A_790 = arith.addf %abs3A_761, %abs3A_765 : vector<16xf32>
        %add3A_791 = arith.addf %abs3A_769, %abs3A_773 : vector<16xf32>
        %add3A_792 = arith.addf %abs3A_777, %abs3A_781 : vector<16xf32>
        %add3A_793 = arith.addf %abs3A_785, %abs3A_789 : vector<16xf32>
        %add3A_794 = arith.addf %add3A_790, %add3A_791 : vector<16xf32>
        %add3A_795 = arith.addf %add3A_792, %add3A_793 : vector<16xf32>
        %add3A_796 = arith.addf %add3A_794, %add3A_795 : vector<16xf32>
        %swap3A_797 = arith.constant 11 : i32
        %swap3A_798 = arith.index_cast %swap3A_797 : i32 to index
        %swap3A_799 = arith.constant 0 : index
        %swap3A_800 = tpu.vector_load %arg35[%swap3A_798, %swap3A_799] {strides = array<i32>} : memref<16x16xf32, #tpu.memory_space<vmem>>, vector<16xf32>,
        tpu.vector_store %arg35[%swap3A_798, %swap3A_799], %add3A_796 {strides = array<i32>} : memref<16x16xf32, #tpu.memory_space<vmem>>, vector<16xf32>,
        %mul3A_801 = arith.constant 16 : i32
        %mul3A_802 = arith.muli %scan3A_239, %mul3A_801 : i32
        %add3A_803 = arith.constant 12 : i32
        %add3A_804 = arith.addi %mul3A_802, %add3A_803 : i32
        %get3A_805 = arith.index_cast %add3A_804 : i32 to index
        %get3A_806 = arith.constant 0 : index
        %get3A_807 = tpu.vector_load %arg28[%get3A_805, %get3A_806] {strides = array<i32>} : memref<112x128xf32, #tpu.memory_space<vmem>>, vector<16xf32>,
        %abs3A_808 = math.absf %get3A_807 : vector<16xf32>
        %get3A_809 = arith.index_cast %add3A_804 : i32 to index
        %get3A_810 = arith.constant 16 : index
        %get3A_811 = tpu.vector_load %arg28[%get3A_809, %get3A_810] {strides = array<i32>} : memref<112x128xf32, #tpu.memory_space<vmem>>, vector<16xf32>,
        %abs3A_812 = math.absf %get3A_811 : vector<16xf32>
        %get3A_813 = arith.index_cast %add3A_804 : i32 to index
        %get3A_814 = arith.constant 32 : index
        %get3A_815 = tpu.vector_load %arg28[%get3A_813, %get3A_814] {strides = array<i32>} : memref<112x128xf32, #tpu.memory_space<vmem>>, vector<16xf32>,
        %abs3A_816 = math.absf %get3A_815 : vector<16xf32>
        %get3A_817 = arith.index_cast %add3A_804 : i32 to index
        %get3A_818 = arith.constant 48 : index
        %get3A_819 = tpu.vector_load %arg28[%get3A_817, %get3A_818] {strides = array<i32>} : memref<112x128xf32, #tpu.memory_space<vmem>>, vector<16xf32>,
        %abs3A_820 = math.absf %get3A_819 : vector<16xf32>
        %get3A_821 = arith.index_cast %add3A_804 : i32 to index
        %get3A_822 = arith.constant 64 : index
        %get3A_823 = tpu.vector_load %arg28[%get3A_821, %get3A_822] {strides = array<i32>} : memref<112x128xf32, #tpu.memory_space<vmem>>, vector<16xf32>,
        %abs3A_824 = math.absf %get3A_823 : vector<16xf32>
        %get3A_825 = arith.index_cast %add3A_804 : i32 to index
        %get3A_826 = arith.constant 80 : index
        %get3A_827 = tpu.vector_load %arg28[%get3A_825, %get3A_826] {strides = array<i32>} : memref<112x128xf32, #tpu.memory_space<vmem>>, vector<16xf32>,
        %abs3A_828 = math.absf %get3A_827 : vector<16xf32>
        %get3A_829 = arith.index_cast %add3A_804 : i32 to index
        %get3A_830 = arith.constant 96 : index
        %get3A_831 = tpu.vector_load %arg28[%get3A_829, %get3A_830] {strides = array<i32>} : memref<112x128xf32, #tpu.memory_space<vmem>>, vector<16xf32>,
        %abs3A_832 = math.absf %get3A_831 : vector<16xf32>
        %get3A_833 = arith.index_cast %add3A_804 : i32 to index
        %get3A_834 = arith.constant 112 : index
        %get3A_835 = tpu.vector_load %arg28[%get3A_833, %get3A_834] {strides = array<i32>} : memref<112x128xf32, #tpu.memory_space<vmem>>, vector<16xf32>,
        %abs3A_836 = math.absf %get3A_835 : vector<16xf32>
        %add3A_837 = arith.addf %abs3A_808, %abs3A_812 : vector<16xf32>
        %add3A_838 = arith.addf %abs3A_816, %abs3A_820 : vector<16xf32>
        %add3A_839 = arith.addf %abs3A_824, %abs3A_828 : vector<16xf32>
        %add3A_840 = arith.addf %abs3A_832, %abs3A_836 : vector<16xf32>
        %add3A_841 = arith.addf %add3A_837, %add3A_838 : vector<16xf32>
        %add3A_842 = arith.addf %add3A_839, %add3A_840 : vector<16xf32>
        %add3A_843 = arith.addf %add3A_841, %add3A_842 : vector<16xf32>
        %swap3A_844 = arith.constant 12 : i32
        %swap3A_845 = arith.index_cast %swap3A_844 : i32 to index
        %swap3A_846 = arith.constant 0 : index
        %swap3A_847 = tpu.vector_load %arg35[%swap3A_845, %swap3A_846] {strides = array<i32>} : memref<16x16xf32, #tpu.memory_space<vmem>>, vector<16xf32>,
        tpu.vector_store %arg35[%swap3A_845, %swap3A_846], %add3A_843 {strides = array<i32>} : memref<16x16xf32, #tpu.memory_space<vmem>>, vector<16xf32>,
        %mul3A_848 = arith.constant 16 : i32
        %mul3A_849 = arith.muli %scan3A_239, %mul3A_848 : i32
        %add3A_850 = arith.constant 13 : i32
        %add3A_851 = arith.addi %mul3A_849, %add3A_850 : i32
        %get3A_852 = arith.index_cast %add3A_851 : i32 to index
        %get3A_853 = arith.constant 0 : index
        %get3A_854 = tpu.vector_load %arg28[%get3A_852, %get3A_853] {strides = array<i32>} : memref<112x128xf32, #tpu.memory_space<vmem>>, vector<16xf32>,
        %abs3A_855 = math.absf %get3A_854 : vector<16xf32>
        %get3A_856 = arith.index_cast %add3A_851 : i32 to index
        %get3A_857 = arith.constant 16 : index
        %get3A_858 = tpu.vector_load %arg28[%get3A_856, %get3A_857] {strides = array<i32>} : memref<112x128xf32, #tpu.memory_space<vmem>>, vector<16xf32>,
        %abs3A_859 = math.absf %get3A_858 : vector<16xf32>
        %get3A_860 = arith.index_cast %add3A_851 : i32 to index
        %get3A_861 = arith.constant 32 : index
        %get3A_862 = tpu.vector_load %arg28[%get3A_860, %get3A_861] {strides = array<i32>} : memref<112x128xf32, #tpu.memory_space<vmem>>, vector<16xf32>,
        %abs3A_863 = math.absf %get3A_862 : vector<16xf32>
        %get3A_864 = arith.index_cast %add3A_851 : i32 to index
        %get3A_865 = arith.constant 48 : index
        %get3A_866 = tpu.vector_load %arg28[%get3A_864, %get3A_865] {strides = array<i32>} : memref<112x128xf32, #tpu.memory_space<vmem>>, vector<16xf32>,
        %abs3A_867 = math.absf %get3A_866 : vector<16xf32>
        %get3A_868 = arith.index_cast %add3A_851 : i32 to index
        %get3A_869 = arith.constant 64 : index
        %get3A_870 = tpu.vector_load %arg28[%get3A_868, %get3A_869] {strides = array<i32>} : memref<112x128xf32, #tpu.memory_space<vmem>>, vector<16xf32>,
        %abs3A_871 = math.absf %get3A_870 : vector<16xf32>
        %get3A_872 = arith.index_cast %add3A_851 : i32 to index
        %get3A_873 = arith.constant 80 : index
        %get3A_874 = tpu.vector_load %arg28[%get3A_872, %get3A_873] {strides = array<i32>} : memref<112x128xf32, #tpu.memory_space<vmem>>, vector<16xf32>,
        %abs3A_875 = math.absf %get3A_874 : vector<16xf32>
        %get3A_876 = arith.index_cast %add3A_851 : i32 to index
        %get3A_877 = arith.constant 96 : index
        %get3A_878 = tpu.vector_load %arg28[%get3A_876, %get3A_877] {strides = array<i32>} : memref<112x128xf32, #tpu.memory_space<vmem>>, vector<16xf32>,
        %abs3A_879 = math.absf %get3A_878 : vector<16xf32>
        %get3A_880 = arith.index_cast %add3A_851 : i32 to index
        %get3A_881 = arith.constant 112 : index
        %get3A_882 = tpu.vector_load %arg28[%get3A_880, %get3A_881] {strides = array<i32>} : memref<112x128xf32, #tpu.memory_space<vmem>>, vector<16xf32>,
        %abs3A_883 = math.absf %get3A_882 : vector<16xf32>
        %add3A_884 = arith.addf %abs3A_855, %abs3A_859 : vector<16xf32>
        %add3A_885 = arith.addf %abs3A_863, %abs3A_867 : vector<16xf32>
        %add3A_886 = arith.addf %abs3A_871, %abs3A_875 : vector<16xf32>
        %add3A_887 = arith.addf %abs3A_879, %abs3A_883 : vector<16xf32>
        %add3A_888 = arith.addf %add3A_884, %add3A_885 : vector<16xf32>
        %add3A_889 = arith.addf %add3A_886, %add3A_887 : vector<16xf32>
        %add3A_890 = arith.addf %add3A_888, %add3A_889 : vector<16xf32>
        %swap3A_891 = arith.constant 13 : i32
        %swap3A_892 = arith.index_cast %swap3A_891 : i32 to index
        %swap3A_893 = arith.constant 0 : index
        %swap3A_894 = tpu.vector_load %arg35[%swap3A_892, %swap3A_893] {strides = array<i32>} : memref<16x16xf32, #tpu.memory_space<vmem>>, vector<16xf32>,
        tpu.vector_store %arg35[%swap3A_892, %swap3A_893], %add3A_890 {strides = array<i32>} : memref<16x16xf32, #tpu.memory_space<vmem>>, vector<16xf32>,
        %mul3A_895 = arith.constant 16 : i32
        %mul3A_896 = arith.muli %scan3A_239, %mul3A_895 : i32
        %add3A_897 = arith.constant 14 : i32
        %add3A_898 = arith.addi %mul3A_896, %add3A_897 : i32
        %get3A_899 = arith.index_cast %add3A_898 : i32 to index
        %get3A_900 = arith.constant 0 : index
        %get3A_901 = tpu.vector_load %arg28[%get3A_899, %get3A_900] {strides = array<i32>} : memref<112x128xf32, #tpu.memory_space<vmem>>, vector<16xf32>,
        %abs3A_902 = math.absf %get3A_901 : vector<16xf32>
        %get3A_903 = arith.index_cast %add3A_898 : i32 to index
        %get3A_904 = arith.constant 16 : index
        %get3A_905 = tpu.vector_load %arg28[%get3A_903, %get3A_904] {strides = array<i32>} : memref<112x128xf32, #tpu.memory_space<vmem>>, vector<16xf32>,
        %abs3A_906 = math.absf %get3A_905 : vector<16xf32>
        %get3A_907 = arith.index_cast %add3A_898 : i32 to index
        %get3A_908 = arith.constant 32 : index
        %get3A_909 = tpu.vector_load %arg28[%get3A_907, %get3A_908] {strides = array<i32>} : memref<112x128xf32, #tpu.memory_space<vmem>>, vector<16xf32>,
        %abs3A_910 = math.absf %get3A_909 : vector<16xf32>
        %get3A_911 = arith.index_cast %add3A_898 : i32 to index
        %get3A_912 = arith.constant 48 : index
        %get3A_913 = tpu.vector_load %arg28[%get3A_911, %get3A_912] {strides = array<i32>} : memref<112x128xf32, #tpu.memory_space<vmem>>, vector<16xf32>,
        %abs3A_914 = math.absf %get3A_913 : vector<16xf32>
        %get3A_915 = arith.index_cast %add3A_898 : i32 to index
        %get3A_916 = arith.constant 64 : index
        %get3A_917 = tpu.vector_load %arg28[%get3A_915, %get3A_916] {strides = array<i32>} : memref<112x128xf32, #tpu.memory_space<vmem>>, vector<16xf32>,
        %abs3A_918 = math.absf %get3A_917 : vector<16xf32>
        %get3A_919 = arith.index_cast %add3A_898 : i32 to index
        %get3A_920 = arith.constant 80 : index
        %get3A_921 = tpu.vector_load %arg28[%get3A_919, %get3A_920] {strides = array<i32>} : memref<112x128xf32, #tpu.memory_space<vmem>>, vector<16xf32>,
        %abs3A_922 = math.absf %get3A_921 : vector<16xf32>
        %get3A_923 = arith.index_cast %add3A_898 : i32 to index
        %get3A_924 = arith.constant 96 : index
        %get3A_925 = tpu.vector_load %arg28[%get3A_923, %get3A_924] {strides = array<i32>} : memref<112x128xf32, #tpu.memory_space<vmem>>, vector<16xf32>,
        %abs3A_926 = math.absf %get3A_925 : vector<16xf32>
        %get3A_927 = arith.index_cast %add3A_898 : i32 to index
        %get3A_928 = arith.constant 112 : index
        %get3A_929 = tpu.vector_load %arg28[%get3A_927, %get3A_928] {strides = array<i32>} : memref<112x128xf32, #tpu.memory_space<vmem>>, vector<16xf32>,
        %abs3A_930 = math.absf %get3A_929 : vector<16xf32>
        %add3A_931 = arith.addf %abs3A_902, %abs3A_906 : vector<16xf32>
        %add3A_932 = arith.addf %abs3A_910, %abs3A_914 : vector<16xf32>
        %add3A_933 = arith.addf %abs3A_918, %abs3A_922 : vector<16xf32>
        %add3A_934 = arith.addf %abs3A_926, %abs3A_930 : vector<16xf32>
        %add3A_935 = arith.addf %add3A_931, %add3A_932 : vector<16xf32>
        %add3A_936 = arith.addf %add3A_933, %add3A_934 : vector<16xf32>
        %add3A_937 = arith.addf %add3A_935, %add3A_936 : vector<16xf32>
        %swap3A_938 = arith.constant 14 : i32
        %swap3A_939 = arith.index_cast %swap3A_938 : i32 to index
        %swap3A_940 = arith.constant 0 : index
        %swap3A_941 = tpu.vector_load %arg35[%swap3A_939, %swap3A_940] {strides = array<i32>} : memref<16x16xf32, #tpu.memory_space<vmem>>, vector<16xf32>,
        tpu.vector_store %arg35[%swap3A_939, %swap3A_940], %add3A_937 {strides = array<i32>} : memref<16x16xf32, #tpu.memory_space<vmem>>, vector<16xf32>,
        %mul3A_942 = arith.constant 16 : i32
        %mul3A_943 = arith.muli %scan3A_239, %mul3A_942 : i32
        %add3A_944 = arith.constant 15 : i32
        %add3A_945 = arith.addi %mul3A_943, %add3A_944 : i32
        %get3A_946 = arith.index_cast %add3A_945 : i32 to index
        %get3A_947 = arith.constant 0 : index
        %get3A_948 = tpu.vector_load %arg28[%get3A_946, %get3A_947] {strides = array<i32>} : memref<112x128xf32, #tpu.memory_space<vmem>>, vector<16xf32>,
        %abs3A_949 = math.absf %get3A_948 : vector<16xf32>
        %get3A_950 = arith.index_cast %add3A_945 : i32 to index
        %get3A_951 = arith.constant 16 : index
        %get3A_952 = tpu.vector_load %arg28[%get3A_950, %get3A_951] {strides = array<i32>} : memref<112x128xf32, #tpu.memory_space<vmem>>, vector<16xf32>,
        %abs3A_953 = math.absf %get3A_952 : vector<16xf32>
        %get3A_954 = arith.index_cast %add3A_945 : i32 to index
        %get3A_955 = arith.constant 32 : index
        %get3A_956 = tpu.vector_load %arg28[%get3A_954, %get3A_955] {strides = array<i32>} : memref<112x128xf32, #tpu.memory_space<vmem>>, vector<16xf32>,
        %abs3A_957 = math.absf %get3A_956 : vector<16xf32>
        %get3A_958 = arith.index_cast %add3A_945 : i32 to index
        %get3A_959 = arith.constant 48 : index
        %get3A_960 = tpu.vector_load %arg28[%get3A_958, %get3A_959] {strides = array<i32>} : memref<112x128xf32, #tpu.memory_space<vmem>>, vector<16xf32>,
        %abs3A_961 = math.absf %get3A_960 : vector<16xf32>
        %get3A_962 = arith.index_cast %add3A_945 : i32 to index
        %get3A_963 = arith.constant 64 : index
        %get3A_964 = tpu.vector_load %arg28[%get3A_962, %get3A_963] {strides = array<i32>} : memref<112x128xf32, #tpu.memory_space<vmem>>, vector<16xf32>,
        %abs3A_965 = math.absf %get3A_964 : vector<16xf32>
        %get3A_966 = arith.index_cast %add3A_945 : i32 to index
        %get3A_967 = arith.constant 80 : index
        %get3A_968 = tpu.vector_load %arg28[%get3A_966, %get3A_967] {strides = array<i32>} : memref<112x128xf32, #tpu.memory_space<vmem>>, vector<16xf32>,
        %abs3A_969 = math.absf %get3A_968 : vector<16xf32>
        %get3A_970 = arith.index_cast %add3A_945 : i32 to index
        %get3A_971 = arith.constant 96 : index
        %get3A_972 = tpu.vector_load %arg28[%get3A_970, %get3A_971] {strides = array<i32>} : memref<112x128xf32, #tpu.memory_space<vmem>>, vector<16xf32>,
        %abs3A_973 = math.absf %get3A_972 : vector<16xf32>
        %get3A_974 = arith.index_cast %add3A_945 : i32 to index
        %get3A_975 = arith.constant 112 : index
        %get3A_976 = tpu.vector_load %arg28[%get3A_974, %get3A_975] {strides = array<i32>} : memref<112x128xf32, #tpu.memory_space<vmem>>, vector<16xf32>,
        %abs3A_977 = math.absf %get3A_976 : vector<16xf32>
        %add3A_978 = arith.addf %abs3A_949, %abs3A_953 : vector<16xf32>
        %add3A_979 = arith.addf %abs3A_957, %abs3A_961 : vector<16xf32>
        %add3A_980 = arith.addf %abs3A_965, %abs3A_969 : vector<16xf32>
        %add3A_981 = arith.addf %abs3A_973, %abs3A_977 : vector<16xf32>
        %add3A_982 = arith.addf %add3A_978, %add3A_979 : vector<16xf32>
        %add3A_983 = arith.addf %add3A_980, %add3A_981 : vector<16xf32>
        %add3A_984 = arith.addf %add3A_982, %add3A_983 : vector<16xf32>
        %swap3A_985 = arith.constant 15 : i32
        %swap3A_986 = arith.index_cast %swap3A_985 : i32 to index
        %swap3A_987 = arith.constant 0 : index
        %swap3A_988 = tpu.vector_load %arg35[%swap3A_986, %swap3A_987] {strides = array<i32>} : memref<16x16xf32, #tpu.memory_space<vmem>>, vector<16xf32>,
        tpu.vector_store %arg35[%swap3A_986, %swap3A_987], %add3A_984 {strides = array<i32>} : memref<16x16xf32, #tpu.memory_space<vmem>>, vector<16xf32>,
        %broadcast_in_dim3A = arith.constant 1.200000e+01 : f32
        %broadcast_in_dim3A_989 = vector.broadcast %broadcast_in_dim3A : f32 to vector<16xf32>
        %broadcast_in_dim3A_990 = arith.constant 0.000000e+00 : f32
        %broadcast_in_dim3A_991 = vector.broadcast %broadcast_in_dim3A_990 : f32 to vector<16xf32>
        %broadcast_in_dim3A_992 = arith.constant 0 : i32
        %broadcast_in_dim3A_993 = vector.broadcast %broadcast_in_dim3A_992 : i32 to vector<16xi32>
        %gather3A = tpu.vector_load_idx %arg35[%iota3A_225, %broadcast_in_dim3A_993] : memref<16x16xf32, #tpu.memory_space<vmem>>[vector<16xi32>, vector<16xi32>], vector<16xf32>,
        %sub3A = arith.subf %broadcast_in_dim3A_989, %gather3A : vector<16xf32>
        %broadcast_in_dim3A_994 = arith.constant 1 : i32
        %broadcast_in_dim3A_995 = vector.broadcast %broadcast_in_dim3A_994 : i32 to vector<16xi32>
        %gather3A_996 = tpu.vector_load_idx %arg35[%iota3A_225, %broadcast_in_dim3A_995] : memref<16x16xf32, #tpu.memory_space<vmem>>[vector<16xi32>, vector<16xi32>], vector<16xf32>,
        %add3A_997 = arith.addf %broadcast_in_dim3A_991, %gather3A_996 : vector<16xf32>
        %broadcast_in_dim3A_998 = arith.constant 2 : i32
        %broadcast_in_dim3A_999 = vector.broadcast %broadcast_in_dim3A_998 : i32 to vector<16xi32>
        %gather3A_1000 = tpu.vector_load_idx %arg35[%iota3A_225, %broadcast_in_dim3A_999] : memref<16x16xf32, #tpu.memory_space<vmem>>[vector<16xi32>, vector<16xi32>], vector<16xf32>,
        %sub3A_1001 = arith.subf %sub3A, %gather3A_1000 : vector<16xf32>
        %broadcast_in_dim3A_1002 = arith.constant 3 : i32
        %broadcast_in_dim3A_1003 = vector.broadcast %broadcast_in_dim3A_1002 : i32 to vector<16xi32>
        %gather3A_1004 = tpu.vector_load_idx %arg35[%iota3A_225, %broadcast_in_dim3A_1003] : memref<16x16xf32, #tpu.memory_space<vmem>>[vector<16xi32>, vector<16xi32>], vector<16xf32>,
        %add3A_1005 = arith.addf %add3A_997, %gather3A_1004 : vector<16xf32>
        %broadcast_in_dim3A_1006 = arith.constant 4 : i32
        %broadcast_in_dim3A_1007 = vector.broadcast %broadcast_in_dim3A_1006 : i32 to vector<16xi32>
        %gather3A_1008 = tpu.vector_load_idx %arg35[%iota3A_225, %broadcast_in_dim3A_1007] : memref<16x16xf32, #tpu.memory_space<vmem>>[vector<16xi32>, vector<16xi32>], vector<16xf32>,
        %sub3A_1009 = arith.subf %sub3A_1001, %gather3A_1008 : vector<16xf32>
        %broadcast_in_dim3A_1010 = arith.constant 5 : i32
        %broadcast_in_dim3A_1011 = vector.broadcast %broadcast_in_dim3A_1010 : i32 to vector<16xi32>
        %gather3A_1012 = tpu.vector_load_idx %arg35[%iota3A_225, %broadcast_in_dim3A_1011] : memref<16x16xf32, #tpu.memory_space<vmem>>[vector<16xi32>, vector<16xi32>], vector<16xf32>,
        %add3A_1013 = arith.addf %add3A_1005, %gather3A_1012 : vector<16xf32>
        %broadcast_in_dim3A_1014 = arith.constant 6 : i32
        %broadcast_in_dim3A_1015 = vector.broadcast %broadcast_in_dim3A_1014 : i32 to vector<16xi32>
        %gather3A_1016 = tpu.vector_load_idx %arg35[%iota3A_225, %broadcast_in_dim3A_1015] : memref<16x16xf32, #tpu.memory_space<vmem>>[vector<16xi32>, vector<16xi32>], vector<16xf32>,
        %sub3A_1017 = arith.subf %sub3A_1009, %gather3A_1016 : vector<16xf32>
        %broadcast_in_dim3A_1018 = arith.constant 7 : i32
        %broadcast_in_dim3A_1019 = vector.broadcast %broadcast_in_dim3A_1018 : i32 to vector<16xi32>
        %gather3A_1020 = tpu.vector_load_idx %arg35[%iota3A_225, %broadcast_in_dim3A_1019] : memref<16x16xf32, #tpu.memory_space<vmem>>[vector<16xi32>, vector<16xi32>], vector<16xf32>,
        %add3A_1021 = arith.addf %add3A_1013, %gather3A_1020 : vector<16xf32>
        %broadcast_in_dim3A_1022 = arith.constant 8 : i32
        %broadcast_in_dim3A_1023 = vector.broadcast %broadcast_in_dim3A_1022 : i32 to vector<16xi32>
        %gather3A_1024 = tpu.vector_load_idx %arg35[%iota3A_225, %broadcast_in_dim3A_1023] : memref<16x16xf32, #tpu.memory_space<vmem>>[vector<16xi32>, vector<16xi32>], vector<16xf32>,
        %sub3A_1025 = arith.subf %sub3A_1017, %gather3A_1024 : vector<16xf32>
        %broadcast_in_dim3A_1026 = arith.constant 9 : i32
        %broadcast_in_dim3A_1027 = vector.broadcast %broadcast_in_dim3A_1026 : i32 to vector<16xi32>
        %gather3A_1028 = tpu.vector_load_idx %arg35[%iota3A_225, %broadcast_in_dim3A_1027] : memref<16x16xf32, #tpu.memory_space<vmem>>[vector<16xi32>, vector<16xi32>], vector<16xf32>,
        %add3A_1029 = arith.addf %add3A_1021, %gather3A_1028 : vector<16xf32>
        %broadcast_in_dim3A_1030 = arith.constant 10 : i32
        %broadcast_in_dim3A_1031 = vector.broadcast %broadcast_in_dim3A_1030 : i32 to vector<16xi32>
        %gather3A_1032 = tpu.vector_load_idx %arg35[%iota3A_225, %broadcast_in_dim3A_1031] : memref<16x16xf32, #tpu.memory_space<vmem>>[vector<16xi32>, vector<16xi32>], vector<16xf32>,
        %sub3A_1033 = arith.subf %sub3A_1025, %gather3A_1032 : vector<16xf32>
        %broadcast_in_dim3A_1034 = arith.constant 11 : i32
        %broadcast_in_dim3A_1035 = vector.broadcast %broadcast_in_dim3A_1034 : i32 to vector<16xi32>
        %gather3A_1036 = tpu.vector_load_idx %arg35[%iota3A_225, %broadcast_in_dim3A_1035] : memref<16x16xf32, #tpu.memory_space<vmem>>[vector<16xi32>, vector<16xi32>], vector<16xf32>,
        %add3A_1037 = arith.addf %add3A_1029, %gather3A_1036 : vector<16xf32>
        %broadcast_in_dim3A_1038 = arith.constant 12 : i32
        %broadcast_in_dim3A_1039 = vector.broadcast %broadcast_in_dim3A_1038 : i32 to vector<16xi32>
        %gather3A_1040 = tpu.vector_load_idx %arg35[%iota3A_225, %broadcast_in_dim3A_1039] : memref<16x16xf32, #tpu.memory_space<vmem>>[vector<16xi32>, vector<16xi32>], vector<16xf32>,
        %sub3A_1041 = arith.subf %sub3A_1033, %gather3A_1040 : vector<16xf32>
        %broadcast_in_dim3A_1042 = arith.constant 13 : i32
        %broadcast_in_dim3A_1043 = vector.broadcast %broadcast_in_dim3A_1042 : i32 to vector<16xi32>
        %gather3A_1044 = tpu.vector_load_idx %arg35[%iota3A_225, %broadcast_in_dim3A_1043] : memref<16x16xf32, #tpu.memory_space<vmem>>[vector<16xi32>, vector<16xi32>], vector<16xf32>,
        %add3A_1045 = arith.addf %add3A_1037, %gather3A_1044 : vector<16xf32>
        %broadcast_in_dim3A_1046 = arith.constant 14 : i32
        %broadcast_in_dim3A_1047 = vector.broadcast %broadcast_in_dim3A_1046 : i32 to vector<16xi32>
        %gather3A_1048 = tpu.vector_load_idx %arg35[%iota3A_225, %broadcast_in_dim3A_1047] : memref<16x16xf32, #tpu.memory_space<vmem>>[vector<16xi32>, vector<16xi32>], vector<16xf32>,
        %sub3A_1049 = arith.subf %sub3A_1041, %gather3A_1048 : vector<16xf32>
        %broadcast_in_dim3A_1050 = arith.constant 15 : i32
        %broadcast_in_dim3A_1051 = vector.broadcast %broadcast_in_dim3A_1050 : i32 to vector<16xi32>
        %gather3A_1052 = tpu.vector_load_idx %arg35[%iota3A_225, %broadcast_in_dim3A_1051] : memref<16x16xf32, #tpu.memory_space<vmem>>[vector<16xi32>, vector<16xi32>], vector<16xf32>,
        %add3A_1053 = arith.addf %add3A_1045, %gather3A_1052 : vector<16xf32>
        %sub3A_1054 = arith.subf %sub3A_1049, %add3A_1053 : vector<16xf32>
        %mul3A_1055 = arith.constant 16 : i32
        %mul3A_1056 = arith.muli %scan3A_239, %mul3A_1055 : i32
        %swap3A_1057 = arith.index_cast %mul3A_1056 : i32 to index
        %swap3A_1058 = tpu.vector_load %arg29[%swap3A_1057] {strides = array<i32>} : memref<112xf32, #tpu.memory_space<vmem>>, vector<16xf32>,
        tpu.vector_store %arg29[%swap3A_1057], %sub3A_1054 {strides = array<i32>} : memref<112xf32, #tpu.memory_space<vmem>>, vector<16xf32>,
      }
      %scan3A_231 = arith.constant 7 : i32
      %mul3A_232 = arith.constant 112 : i32
      %mul3A_233 = arith.muli %add3A_192, %mul3A_232 : i32
      %min3A_234 = arith.constant 9888 : i32
      %min3A_235 = arith.minsi %mul3A_233, %min3A_234 : i32
      %add3A_236 = arith.addi %mul3A_2, %min3A_235 : i32
      %dma_start3A_237 = tpu.memref_slice %arg7[%add3A_236] : memref<320000xf32, #tpu.memory_space<hbm>> -> memref<112xf32, #tpu.memory_space<hbm>>
      %dma_start3A_238 = tpu.memref_slice %arg7[%add3A_236] : memref<320000xf32, #tpu.memory_space<hbm>> -> memref<112xf32, #tpu.memory_space<hbm>>
      tpu.enqueue_dma source(%arg29 : memref<112xf32, #tpu.memory_space<vmem>>) target(%dma_start3A_238 : memref<112xf32, #tpu.memory_space<hbm>>) target_semaphore(%arg34 : memref<!tpu.dma_semaphore, #tpu.memory_space<semaphore_mem>>)
    }
    %scan3A_78 = arith.constant 30 : i32
    %min3A_79 = arith.constant 9744 : i32
    %min3A_80 = arith.constant 9888 : i32
    %min3A_81 = arith.minsi %min3A_79, %min3A_80 : i32
    %add3A_82 = arith.addi %mul3A_2, %min3A_81 : i32
    %dma_wait3A_83 = tpu.memref_slice %arg7[%add3A_82] : memref<320000xf32, #tpu.memory_space<hbm>> -> memref<112xf32, #tpu.memory_space<hbm>>
    %dma_wait3A_84 = tpu.memref_slice %arg7[%add3A_82] : memref<320000xf32, #tpu.memory_space<hbm>> -> memref<112xf32, #tpu.memory_space<hbm>>
    tpu.wait_dma2 semaphore(%arg16 : memref<!tpu.dma_semaphore, #tpu.memory_space<semaphore_mem>>) src(%arg11 : memref<112xf32, #tpu.memory_space<vmem>>) dst(%dma_wait3A_84 : memref<112xf32, #tpu.memory_space<hbm>>)
    %min3A_85 = arith.constant 9856 : i32
    %min3A_86 = arith.constant 9888 : i32
    %min3A_87 = arith.minsi %min3A_85, %min3A_86 : i32
    %add3A_88 = arith.addi %mul3A_2, %min3A_87 : i32
    %dma_wait3A_89 = tpu.memref_slice %arg7[%add3A_88] : memref<320000xf32, #tpu.memory_space<hbm>> -> memref<112xf32, #tpu.memory_space<hbm>>
    %dma_wait3A_90 = tpu.memref_slice %arg7[%add3A_88] : memref<320000xf32, #tpu.memory_space<hbm>> -> memref<112xf32, #tpu.memory_space<hbm>>
    tpu.wait_dma2 semaphore(%arg25 : memref<!tpu.dma_semaphore, #tpu.memory_space<semaphore_mem>>) src(%arg20 : memref<112xf32, #tpu.memory_space<vmem>>) dst(%dma_wait3A_90 : memref<112xf32, #tpu.memory_space<hbm>>)
    %min3A_91 = arith.constant 9968 : i32
    %min3A_92 = arith.constant 9888 : i32
    %min3A_93 = arith.minsi %min3A_91, %min3A_92 : i32
    %add3A_94 = arith.addi %mul3A_2, %min3A_93 : i32
    %dma_wait3A_95 = tpu.memref_slice %arg7[%add3A_94] : memref<320000xf32, #tpu.memory_space<hbm>> -> memref<112xf32, #tpu.memory_space<hbm>>
    %dma_wait3A_96 = tpu.memref_slice %arg7[%add3A_94] : memref<320000xf32, #tpu.memory_space<hbm>> -> memref<112xf32, #tpu.memory_space<hbm>>
    tpu.wait_dma2 semaphore(%arg34 : memref<!tpu.dma_semaphore, #tpu.memory_space<semaphore_mem>>) src(%arg29 : memref<112xf32, #tpu.memory_space<vmem>>) dst(%dma_wait3A_96 : memref<112xf32, #tpu.memory_space<hbm>>)
    return
  }
}

module attributes {stable_mosaic.version = 14 : i64} {
  func.func @body(%arg0: memref<10000x128xf32, #tpu.memory_space<vmem>>, %arg1: memref<10000x128xf32, #tpu.memory_space<vmem>>) attributes {dimension_semantics = [], scalar_prefetch = 0 : i64, scratch_operands = 0 : i64, tpu.core_type = #tpu.core_type<tc>} {
    %get3A = arith.constant 0 : index
    %get3A_0 = arith.constant 0 : index
    %get3A_1 = vector.load %arg0[%get3A, %get3A_0] : memref<10000x128xf32, #tpu.memory_space<vmem>>, vector<10000x128xf32>
    %neg3A = arith.constant 0.000000e+00 : f32
    %neg3A_2 = vector.broadcast %neg3A : f32 to vector<10000x128xf32>
    %neg3A_3 = arith.subf %neg3A_2, %get3A_1 : vector<10000x128xf32>
    %swap3A = arith.constant 0 : index
    %swap3A_4 = arith.constant 0 : index
    %swap3A_5 = vector.load %arg1[%swap3A, %swap3A_4] : memref<10000x128xf32, #tpu.memory_space<vmem>>, vector<10000x128xf32>
    tpu.vector_store %arg1[%swap3A, %swap3A_4], %neg3A_3 {strides = array<i32>} : memref<10000x128xf32, #tpu.memory_space<vmem>>, vector<10000x128xf32>,
    return
  }
}

</mosaic_0001>

<sc_bundles>
// kernel: kernel.4.cloned.1.call-start
scs
__scs_entry_jumppad:
0x0: {  	(pc) =	sbr.rel $0x88, $3  }
0x1: {  	(tag) =	ssettag $0x0;
	lr =	simm.s32 $0x1  }
0x2: {  	[smem:$0x3F9E] =	sst lr;
	_ =	strace $0xD0000000  }
0x3: {  	_ = 	snop  }
0x4: {  	_ = 	snop  }
0x5: {  	_ = 	snop  }
0x6: {  	_ = 	snop  }
0x7: {  	_ = 	snop  }
__scs_overlays_trampoline_lowered:
0x8: {  	[smem:$0x3FAD] =	sst s0  }
0x9: {  	[smem:$0x3FAE] =	sst s1  }
0xa: {  	[smem:$0x3FAF] =	sst s2  }
0xb: {  	[smem:$0x3FB0] =	sst s3  }
0xc: {  	[smem:$0x3FB1] =	sst s4  }
0xd: {  	[smem:$0x3FB2] =	sst s5  }
0xe: {  	[smem:$0x3FB3] =	sst s6  }
0xf: {  	[smem:$0x3FB4] =	sst s7  }
0x10: {  	[smem:$0x3FB5] =	sst s8  }
0x11: {  	[smem:$0x3FB6] =	sst s9;
	s0 =	simm.s32 @!p0 $0x0  }
0x12: {  	s1 =	sld [smem:$0x3F9C];
	s0 =	simm.s32 @p0 $0x1  }
0x13: {  	[smem:$0x3FB7] =	sst s0;
	s0 =	simm.s32 @!p1 $0x0  }
0x14: {  	s2 =	sld [smem:$0x3F9B];
	s0 =	simm.s32 @p1 $0x1  }
0x15: {  	[smem:$0x3FB8] =	sst s0;
	s0 =	simm.s32 @!p2 $0x0  }
0x16: {  	s3 =	sld [smem:$0x3FDB];
	s0 =	simm.s32 @p2 $0x1  }
0x17: {  	s4 =	simm.s32 $0x1BF5;
	[smem:$0x3FBA] =	sst s0  }
0x18: {  	s0 =	sld [smem:$0x3F9D];
	_ =	swait.ge [sflag:s4], $0x0  }
0x19: {  	s7 =	sld [smem:$0x3F9E]  }
0x1a: {  	s8 =	sadd.s32 $0xFFFFE003, lr  }
0x1b: {  	s9 =	sadd.s32 $0xFFFFFEF7, lr;
	s5 =	simm.s32 $0xFFFFFFFF;
	p2 =	slt.u32 s8, $0xFFFFF086  }
0x1c: {  	p1 =	slt.u32 s9, $0xF7A;
	s5 =	simm.s32 @!p2 $0x0  }
0x1d: {  	s5 =	simm.s32 @p1 $0x1;
	p0 =	seq.s32 s7, s2  }
0x1e: {  	s7 =	smul.u32 @!p0 $0xF7A, s2;
	p2 =	seq.s32 @!p0 s5, $0x0  }
0x1f: {  	s9 =	smul.u32 $0xF7A, s1;
	s8 =	simm.s32 @!p0 $0x1BF5;
	p2 =	por !p2, p0  }
0x20: {  	[sflag:s8] =	ssyncset.s32 @!p0 $0xFFFFF086;
	s6 =	sadd.s32 @!p0 s3, s7;
	s7 =	simm.s32 @!p0 $0x108  }
0x21: {  	s3 =	sadd.s32 s3, s9;
	s6 =	sadd.s32 @!p0 $0x88, s6;
	s7 =	simm.s32 @p2 $0x1082  }
0x22: {  	[simem:s7], [sflag:s8] =	dma.local @!p0 [hbm:s6], $0xF7A  }
0x23: {  	s9 =	sor.u32 $0xD0000000, s2;
	s6 =	simm.s32 $0x108;
	_ =	swait.ge @!p0 [sflag:s8], $0x0  }
0x24: {  	s3 =	sadd.s32 $0x88, s3;
	s6 =	simm.s32 @!p1 $0x1082;
	[sflag:s4] =	ssyncset.s32 $0xFFFFF086  }
0x25: {  	[simem:s6], [sflag:s4] =	dma.local [hbm:s3], $0xF7A  }
0x26: {  	[smem:$0x3F9E] =	sst s1;
	(tag) =	ssettag s2;
	_ =	strace s9  }
0x27: {  	s1 =	sld [smem:$0x3FAE]  }
0x28: {  	s2 =	sld [smem:$0x3FAF]  }
0x29: {  	s4 =	sld [smem:$0x3FB1]  }
0x2a: {  	p0 =	seq.s32 s5, $0x0;
	s5 =	sld [smem:$0x3FB2]  }
0x2b: {  	s6 =	sld [smem:$0x3FB3]  }
0x2c: {  	s7 =	sld [smem:$0x3FB4]  }
0x2d: {  	s3 =	simm.s32 $0x108;
	s8 =	sld [smem:$0x3FB5]  }
0x2e: {  	s3 =	simm.s32 @!p0 $0x1082;
	s9 =	sld [smem:$0x3FB6]  }
0x2f: {  	lr =	sadd.s32 s0, s3;
	s0 =	sld [smem:$0x3FAD]  }
0x30: {  	s3 =	sld [smem:$0x3FB0]  }
0x31: {  	[smem:$0x3FB9] =	sst s10  }
0x32: {  	s10 =	sld [smem:$0x3FB7];
	_ =	sdelay $0x3  }
0x33: {  	p0 =	seq.s32 s10, $0x1;
	s10 =	sld [smem:$0x3FB9];
	_ =	sdelay $0x3  }
0x34: {  	[smem:$0x3FB9] =	sst s10  }
0x35: {  	s10 =	sld [smem:$0x3FB8];
	_ =	sdelay $0x3  }
0x36: {  	p1 =	seq.s32 s10, $0x1;
	s10 =	sld [smem:$0x3FB9];
	_ =	sdelay $0x3  }
0x37: {  	[smem:$0x3FB9] =	sst s10  }
0x38: {  	s10 =	sld [smem:$0x3FBA]  }
0x39: {  	_ = 	snop;
	(pc) =	sbr.ind lr, $3  }
0x3a: {  	_ = 	snop  }
0x3b: {  	_ = 	snop  }
0x3c: {  	p2 =	seq.s32 s10, $0x1;
	s10 =	sld [smem:$0x3FB9]  }
0x3d: {  	_ =	shalt  }
0x3e: {  	_ =	shalt  }
0x3f: {  	_ =	shalt  }
0x40: {  	_ =	shalt  }
0x41: {  	_ =	shalt  }
0x42: {  	_ =	shalt  }
0x43: {  	_ =	shalt  }
0x44: {  	_ =	shalt  }
0x45: {  	_ =	shalt  }
0x46: {  	_ =	shalt  }
0x47: {  	_ =	shalt  }
0x48: {  	_ =	shalt  }
0x49: {  	_ =	shalt  }
0x4a: {  	_ =	shalt  }
0x4b: {  	_ =	shalt  }
0x4c: {  	_ =	shalt  }
0x4d: {  	_ =	shalt  }
0x4e: {  	_ =	shalt  }
0x4f: {  	_ =	shalt  }
0x50: {  	_ =	shalt  }
0x51: {  	_ =	shalt  }
0x52: {  	_ =	shalt  }
0x53: {  	_ =	shalt  }
0x54: {  	_ =	shalt  }
0x55: {  	_ =	shalt  }
0x56: {  	_ =	shalt  }
0x57: {  	_ =	shalt  }
0x58: {  	_ =	shalt  }
0x59: {  	_ =	shalt  }
0x5a: {  	_ =	shalt  }
0x5b: {  	_ =	shalt  }
0x5c: {  	_ =	shalt  }
0x5d: {  	_ =	shalt  }
0x5e: {  	_ =	shalt  }
0x5f: {  	_ =	shalt  }
0x60: {  	_ =	shalt  }
0x61: {  	_ =	shalt  }
0x62: {  	_ =	shalt  }
0x63: {  	_ =	shalt  }
0x64: {  	_ =	shalt  }
0x65: {  	_ =	shalt  }
0x66: {  	_ =	shalt  }
0x67: {  	_ =	shalt  }
0x68: {  	_ =	shalt  }
0x69: {  	_ =	shalt  }
0x6a: {  	_ =	shalt  }
0x6b: {  	_ =	shalt  }
0x6c: {  	_ =	shalt  }
0x6d: {  	_ =	shalt  }
0x6e: {  	_ =	shalt  }
0x6f: {  	_ =	shalt  }
0x70: {  	_ =	shalt  }
0x71: {  	_ =	shalt  }
0x72: {  	_ =	shalt  }
0x73: {  	_ =	shalt  }
0x74: {  	_ =	shalt  }
0x75: {  	_ =	shalt  }
0x76: {  	_ =	shalt  }
0x77: {  	_ =	shalt  }
0x78: {  	_ =	shalt  }
0x79: {  	_ =	shalt  }
0x7a: {  	_ =	shalt  }
0x7b: {  	_ =	shalt  }
0x7c: {  	_ =	shalt  }
0x7d: {  	_ =	shalt  }
0x7e: {  	_ =	shalt  }
0x7f: {  	_ =	shalt  }
0x80: {  	_ =	shalt  }
0x81: {  	_ =	shalt  }
0x82: {  	_ =	shalt  }
0x83: {  	_ =	shalt  }
0x84: {  	_ =	shalt  }
0x85: {  	_ =	shalt  }
0x86: {  	_ =	shalt  }
0x87: {  	_ =	shalt  }
.Lfunc_end0:
.L_simem_size_0:
called_computation_lowered:
.L_overlay_start_0:
0x88: {  	s2 =	sld [smem:$0x3FD9]  }
0x89: {  	s3 =	sld [smem:$0x3FFE];
	_ =	sdelay $0x1  }
0x8a: {  	s1 =	srdreg.scid  }
0x8b: {  	s0 =	sand.u32 $0x1, s1  }
0x8c: {  	s17 =	sshll.u32 s0, $0xA;
	s2 =	sadd.s32 s3, s2  }
0x8d: {  	s2 =	sadd.s32 s2, s17  }
0x8e: {  	[smem:$0x3FC5] =	sst s2  }
0x8f: {  	_ = 	snop  }
0x90: {  	s2 =	sld [smem:$0x3FC9]  }
0x91: {  	s18 =	sld [smem:$0x3FC7]  }
0x92: {  	s4 =	sld [smem:$0x3FD0];
	(tm) =	ssettm $0x1  }
0x93: {  	s5 =	sld [smem:$0x3FFB];
	_ =	sdelay $0x3  }
0x94: {  	_ =	strace s5  }
0x95: {  	s5 =	sld [smem:$0x3FFC];
	_ =	sdelay $0x3  }
0x96: {  	_ =	strace s5  }
0x97: {  	s5 =	sld [smem:$0x3FFD];
	_ =	sdelay $0x3  }
0x98: {  	_ =	strace s5  }
0x99: {  	_ =	strace $0x8FFFFFFF  }
0x9a: {  	s19 =	sld [smem:$0x3FDB];
	_ =	sdelay $0x1  }
0x9b: {  	s6 =	simm.s32 $_scs_section_size  }
0x9c: {  	s7 =	simm.s32 $_size__tile_overlayer_lowered;
	s8 =	simm.s32 $_tile_overlayer_lowered  }
0x9d: {  	s22 =	simm.s32 $0x1BFF;
	s21 =	sshll.u32 s8, $0x1;
	s5 =	sadd.s32 s6, s19  }
0x9e: {  	s9 =	simm.s32 $0x0;
	s20 =	sshll.u32 s7, $0x1;
	s7 =	sadd.s32 s21, s5  }
0x9f: {  	[timem:s9], [sflag:s22] =	dma.local [hbm:s7], s20  }
0xa0: {  	_ =	swait.ge [sflag:s22], s20  }
0xa1: {  	s6 =	ssub.s32 $0x0, s20;
	[sflag:s22] =	ssyncset.done $0x0  }
0xa2: {  	[sflag:s22] =	ssyncadd.s32 s6;
	_ =	sdelay $0x1  }
0xa3: {  	s23 =	simm.s32 $0x1B8B  }
0xa4: {  	_ =	swait.ge [sflag:s23], $0x1  }
0xa5: {  	[sflag:s23] =	ssyncset.done $0x0  }
0xa6: {  	s25 =	simm.s32 $0x1B8E;
	s24 =	sld [smem:$0x3FFE];
	[sflag:s23] =	ssyncadd.s32 $0xFFFFFFFF  }
0xa7: {  	s26 =	simm.s32 $execute0_lowered;
	[smem:$0x3FD2] =	sst s25  }
0xa8: {  	s7 =	sshll.u32 s26, $0x1;
	_ =	strace $0x80000046;
	[dreg:$0x1] =	wrdreg $0xFFFFFFFF  }
0xa9: {  	s28 =	simm.s32 $_size_execute0_lowered;
	s5 =	sadd.s32 s5, s7;
	[dreg:$0x0] =	wrdreg $0x0  }
0xaa: {  	s7 =	sshll.u32 s28, $0x1;
	[dreg:$0x2] =	wrdreg s5  }
0xab: {  	[dreg:$0x3] =	wrdreg s7  }
0xac: {  	[dreg:$0x4] =	wrdreg $0xC0  }
0xad: {  	_ =	task [dreg:s9], $0x5FFFF  }
0xae: {  	[dreg:$0x1] =	wrdreg $0xFFFFFFFF  }
0xaf: {  	[dreg:$0x0] =	wrdreg $0x60  }
0xb0: {  	[dreg:$0x2] =	wrdreg s2  }
0xb1: {  	[dreg:$0x3] =	wrdreg s24  }
0xb2: {  	[dreg:$0x4] =	wrdreg s18  }
0xb3: {  	[dreg:$0x5] =	wrdreg s4  }
0xb4: {  	[dreg:$0x6] =	wrdreg $0xB4800  }
0xb5: {  	[dreg:$0x7] =	wrdreg $0x9  }
0xb6: {  	_ =	task.clear_ibuf [dreg:s9], $0x8FFFF;
	_ =	strace $0x90000046  }
0xb7: {  	s29 =	simm.s32 $0x9;
	_ =	strace $0x80000048  }
0xb8: {  	_ =	swait.ge [sflag:s29], $0x1  }
0xb9: {  	[sflag:s29] =	ssyncadd.s32 $0xFFFFFFFF  }
0xba: {  	_ =	strace $0x90000048  }
0xbb: {  	_ =	sfence  }
0xbc: {  	s30 =	sld [smem:$0x0];
	_ =	sdelay $0x2  }
0xbd: {  	s31 =	sshll.u32 s1, $0xD;
	s1 =	sshrl.u32 s1, $0x2  }
0xbe: {  	s3 =	sand.u32 $0x4000, s31;
	s1 =	sadd.s32 s1, s30  }
0xbf: {  	s0 =	sor.u32 s3, s0;
	s1 =	sshll.u32 s1, $0x11  }
0xc0: {  	s0 =	sor.u32 s1, s0  }
0xc1: {  	s0 =	sadd.s32 $0x8F2B, s0  }
0xc2: {  	[sflag:s0] =	ssyncadd.remote.s32 $0x1  }
0xc3: {  	_ =	sfence.sel $0xFFFF  }
0xc4: {  	[dreg:$0x0] =	wrdreg $0xFFFFFFFF;
	(pc) =	sbr.abs _section_cstart, $3  }
0xc5: {  	[dreg:$0x1] =	wrdreg $0xFFFFFFFF  }
0xc6: {  	_ =	task.clear_ibuf [dreg:s9], $0x2FFFF;
	_ =	strace $0x9FFFFFFF  }
0xc7: {  	(tm) =	ssettm $0x7FFFFFFF  }
tec
execute0_lowered:
.L_overlay_start_1:
0x0: {  	(tag) =	ssettag $0x1  }
0x1: {  	s0 =	rddreg [dreg:$0x0]  }
0x2: {  	s1 =	rddreg [dreg:$0x1]  }
0x3: {  	s2 =	rddreg [dreg:$0x2]  }
0x4: {  	s3 =	rddreg [dreg:$0x3]  }
0x5: {  	s4 =	rddreg [dreg:$0x4];
	s5 =	simm.s32 $0x0  }
0x6: {  	s6 =	srdreg.scid;
	s14 =	stileid.u32;
	s16 =	simm.s32 $0x6  }
0x7: {  	s28 =	simm.s32 $0xC;
	s29 =	simm.s32 $0xF;
	[smem:$0x7FF] =	sst s5  }
0x8: {  	s6 =	sand.u32 $0x1, s6;
	s7 =	sadd.s32 $0x13C00, s1;
	s11 =	smul.u32 $0x4E000, s14  }
0x9: {  	s8 =	sadd.s32 $0x9E00, s1;
	s17 =	sshll.u32 s14, $0x1;
	s12 =	smul.u32 $0x2700, s14  }
0xa: {  	s13 =	sshll.u32 s14, $0x6;
	p0 =	sne.s32 s14, $0xF;
	_ =	strace $0x80000047  }
0xb: {  	s9 =	ssub.s32 $0x2, s6;
	s6 =	sor.u32 s6, s17;
	s18 =	sor.u32 $0x1C10, s13  }
0xc: {  	s10 =	sshrl.u32 s9, $0x1;
	s11 =	sshrl.u32 s11, $0x2;
	s12 =	sadd.s32 s0, s12  }
0xd: {  	[dreg:$0x7] =	wrdreg s18;
	s0 =	sadd.s32 $0x27000, s0;
	s18 =	simm.s32 $0x3A80  }
0xe: {  	s10 =	ssub.s32 s9, s10;
	s9 =	smul.u32 $0x2710, s6;
	[dreg:$0x6] =	wrdreg s12  }
0xf: {  	s11 =	sadd.s32 s11, s4;
	s12 =	sadd.s32 $0x138000, s4;
	[dreg:$0x8] =	wrdreg s0  }
0x10: {  	s6 =	smul.u32 $0x27100, s6;
	s26 =	smax.u32 s10, $0x1;
	s30 =	sshrl.u32 s11, $0x3  }
0x11: {  	s11 =	simm.s32 $0x8;
	s10 =	simm.s32 $0x0;
	[dreg:$0x13] =	wrdreg s26  }
0x12: {  	s19 =	sshrl.u32 s9, $0x3;
	s6 =	sadd.s32 s2, s6;
	[dreg:$0x14] =	wrdreg s30  }
0x13: {  	s15 =	sadd.s32 $0x70, s9;
	s23 =	sadd.s32 $0xE0, s9;
	[dreg:$0xf] =	wrdreg s6  }
0x14: {  	s31 =	sadd.s32 $0x230, s9;
	s26 =	simm.s32 $0xD;
	[dreg:$0xd] =	wrdreg s23  }
0x15: {  	s20 =	sadd.s32 s8, s19;
	s21 =	sshrl.u32 s15, $0x3;
	[dreg:$0x9] =	wrdreg s15  }
0x16: {  	s0 =	sadd.s32 s1, s19;
	s25 =	sshll.u32 s15, $0x4;
	[dreg:$0x16] =	wrdreg s31  }
0x17: {  	v0 =	vlaneseq.u32;
	s15 =	simm.s32 $0x70;
	s19 =	simm.s32 $0x7;
	[dreg:$0xa] =	wrdreg s20  }
0x18: {  	v0 =	vmul.u32 $0x80, v0;
	[dreg:$0xb] =	wrdreg s0;
	s22 =	sadd.s32 s8, s21;
	s13 =	sadd.s32 s1, s21  }
0x19: {  	s0 =	sshrl.u32 s23, $0x3;
	s20 =	simm.s32 $0xB;
	[dreg:$0xc] =	wrdreg s22  }
0x1a: {  	v1 =	vor.u32 $0x1, v0;
	v2 =	vor.u32 $0x2, v0;
	v3 =	vor.u32 $0x3, v0;
	s21 =	simm.s32 $0x7400;
	[dreg:$0xe] =	wrdreg s13;
	s24 =	sadd.s32 s8, s0  }
0x1b: {  	v4 =	vor.u32 $0x4, v0;
	v5 =	vor.u32 $0x5, v0;
	v6 =	vor.u32 $0x6, v0;
	s23 =	simm.s32 $0x4;
	s0 =	sadd.s32 s1, s0;
	[dreg:$0x10] =	wrdreg s24  }
0x1c: {  	v7 =	vor.u32 $0x7, v0;
	v8 =	vor.u32 $0x8, v0;
	v9 =	vor.u32 $0x9, v0;
	s22 =	simm.s32 $0x3;
	[dreg:$0x11] =	wrdreg s0;
	s0 =	sadd.s32 s2, s25  }
0x1d: {  	v10 =	vor.u32 $0xA, v0;
	v11 =	vor.u32 $0xB, v0;
	v12 =	vor.u32 $0xC, v0;
	s24 =	simm.s32 $0xAC80;
	[dreg:$0x12] =	wrdreg s0;
	s0 =	sshrl.u32 @!p0 s12, $0x3  }
0x1e: {  	v13 =	vor.u32 $0xD, v0;
	v14 =	vor.u32 $0xE, v0;
	v15 =	vor.u32 $0xF, v0;
	s25 =	simm.s32 $0xE;
	[dreg:$0x15] =	wrdreg s0;
	s0 =	simm.s32 $0x9  }
.LBB2_1:
0x1f: {  	[dreg:$0x17] =	wrdreg s10  }
0x20: {  	s6 =	rddreg [dreg:$0x6]  }
0x21: {  	s10 =	rddreg [dreg:$0x7]  }
0x22: {  	s12 =	rddreg [dreg:$0x14]  }
0x23: {  	[spmem:s12], [sflag:s10] =	dma.local [hbm:s6], $0x2700  }
0x24: {  	s12 =	simm.s32 $0x10  }
0x25: {  	_ =	swait.ge [sflag:s12], $0x2700  }
0x26: {  	[sflag:s12] =	ssyncset.done $0x0;
	s6 =	rddreg [dreg:$0x8]  }
0x27: {  	[sflag:s12] =	ssyncadd.s32 $0xFFFFD900;
	s12 =	rddreg [dreg:$0x15]  }
0x28: {  	[spmem:s12], [sflag:s10] =	dma.local @!p0 [hbm:s6], $0x100  }
0x29: {  	s6 =	simm.s32 @!p0 $0x10  }
0x2a: {  	_ =	swait.ge @!p0 [sflag:s6], $0x100  }
0x2b: {  	[sflag:s6] =	ssyncset.done @!p0 $0x0  }
0x2c: {  	[sflag:s6] =	ssyncadd.s32 @!p0 $0xFFFFFF00  }
0x2d: {  	[bflag:$0x0] =	sbarrier.arrive $0xFFFF  }
0x2e: {  	s13 =	rddreg [dreg:$0xa]  }
0x2f: {  	[tilespmem:s5], [sflag:$0x1] =	stream.linear.gather [hbm4b:s13+s5], $0x70, $0x38;
	[tilespmem:$0x1ED00] =	vst v63  }
0x30: {  	s10 =	simm.s32 $0x80;
	s14 =	rddreg [dreg:$0xb]  }
0x31: {  	[tilespmem:s10], [sflag:$0x1] =	stream.linear.gather [hbm4b:s14+s5], $0x70, $0x38;
	[tilespmem:$0x1ED00] =	vst v63  }
0x32: {  	s30 =	simm.s32 $0x3980;
	s17 =	rddreg [dreg:$0xc]  }
0x33: {  	[tilespmem:s30], [sflag:$0x6] =	stream.linear.gather [hbm4b:s17+s5], $0x70, $0x38;
	[tilespmem:$0x1ED00] =	vst v63  }
0x34: {  	s12 =	rddreg [dreg:$0xe];
	s13 =	simm.s32 $0x3A00;
	s14 =	simm.s32 $0x1  }
0x35: {  	[tilespmem:s13], [sflag:$0x6] =	stream.linear.gather [hbm4b:s12+s5], $0x70, $0x38;
	[tilespmem:$0x1ED00] =	vst v63  }
0x36: {  	_ =	swait.ge [sflag:s14], $0x70  }
0x37: {  	[sflag:s14] =	ssyncset.done $0x0  }
0x38: {  	[sflag:s14] =	ssyncadd.s32 $0xFFFFFF90  }
0x39: {  	_ =	swait.ge [sflag:s14], $0x70  }
0x3a: {  	[sflag:s14] =	ssyncset.done $0x0  }
0x3b: {  	s12 =	simm.s32 $0x100;
	s17 =	rddreg [dreg:$0xf];
	[sflag:s14] =	ssyncadd.s32 $0xFFFFFF90  }
0x3c: {  	[tilespmem:s12], [sflag:$0x2] =	stream.linear.gather [hbm4b:s17+s5], $0x3800, $0x38;
	[tilespmem:$0x1ED00] =	vst v63  }
0x3d: {  	s13 =	simm.s32 $0x7300;
	s30 =	rddreg [dreg:$0x10]  }
0x3e: {  	[tilespmem:s13], [sflag:$0xB] =	stream.linear.gather [hbm4b:s30+s5], $0x70, $0x38;
	[tilespmem:$0x1ED00] =	vst v63  }
0x3f: {  	s14 =	simm.s32 $0x7380;
	s17 =	simm.s32 $0x2;
	s13 =	rddreg [dreg:$0x11]  }
0x40: {  	[tilespmem:s14], [sflag:$0xB] =	stream.linear.gather [hbm4b:s13+s5], $0x70, $0x38;
	[tilespmem:$0x1ED00] =	vst v63  }
0x41: {  	_ =	swait.ge [sflag:s17], $0x3800  }
0x42: {  	[sflag:s17] =	ssyncset.done $0x0  }
0x43: {  	[sflag:s17] =	ssyncadd.s32 $0xFFFFC800  }
0x44: {  	[tilespmem:s12], [sflag:$0x3] =	stream.indirect.gather.add.f32 [spmem:s4], $0x80, s5, s15, $0xb8;
	[tilespmem:$0x1ED00] =	vst v63  }
0x45: {  	_ = 	snop  }
0x46: {  	[tilespmem:s12], [sflag:$0x4] =	stream.indirect.gather.add.f32 [hbm:s7], $0x80, s10, s15, $0xb8;
	[tilespmem:$0x1ED00] =	vst v63  }
0x47: {  	_ =	swait.ge [sflag:s16], $0x70  }
0x48: {  	[sflag:s16] =	ssyncset.done $0x0  }
0x49: {  	[sflag:s16] =	ssyncadd.s32 $0xFFFFFF90  }
0x4a: {  	_ =	swait.ge [sflag:s16], $0x70  }
0x4b: {  	[sflag:s16] =	ssyncset.done $0x0  }
0x4c: {  	s31 =	simm.s32 $0x0;
	s30 =	rddreg [dreg:$0x12];
	[sflag:s16] =	ssyncadd.s32 $0xFFFFFF90  }
0x4d: {  	[tilespmem:s18], [sflag:$0x7] =	stream.linear.gather [hbm4b:s30+s5], $0x3800, $0x38;
	[tilespmem:$0x1ED00] =	vst v63  }
.LBB2_2:
0x4e: {  	_ =	swait.ge [sflag:s19], $0x3800  }
0x4f: {  	[sflag:s19] =	ssyncset.done $0x0  }
0x50: {  	s6 =	simm.s32 $0x3980;
	[sflag:s19] =	ssyncadd.s32 $0xFFFFC800  }
0x51: {  	[tilespmem:s18], [sflag:$0x8] =	stream.indirect.gather.add.f32 [spmem:s4], $0x80, s6, s15, $0xb8;
	[tilespmem:$0x1ED00] =	vst v63  }
0x52: {  	s17 =	simm.s32 $0x3A00  }
0x53: {  	[tilespmem:s18], [sflag:$0x9] =	stream.indirect.gather.add.f32 [hbm:s7], $0x80, s17, s15, $0xb8;
	[tilespmem:$0x1ED00] =	vst v63  }
0x54: {  	_ =	swait.ge [sflag:s20], $0x70  }
0x55: {  	[sflag:s20] =	ssyncset.done $0x0  }
0x56: {  	s10 =	smul.u32 $0x150, s31;
	[sflag:s20] =	ssyncadd.s32 $0xFFFFFF90  }
0x57: {  	_ =	swait.ge [sflag:s20], $0x70  }
0x58: {  	s30 =	smin.u32 s10, $0x25C0;
	s12 =	rddreg [dreg:$0xd]  }
0x59: {  	s6 =	sadd.s32 s30, s12  }
0x5a: {  	[sflag:s20] =	ssyncset.done $0x0;
	s13 =	sshll.u32 s6, $0x4  }
0x5b: {  	s12 =	smul.u32 $0x3, s31;
	[sflag:s20] =	ssyncadd.s32 $0xFFFFFF90;
	s13 =	sadd.s32 s2, s13  }
0x5c: {  	[tilespmem:s21], [sflag:$0xC] =	stream.linear.gather [hbm4b:s13+s5], $0x3800, $0x38;
	[tilespmem:$0x1ED00] =	vst v63  }
0x5d: {  	p2 =	seq.s32 s31, $0x1D;
	s13 =	sadd.s32 $0x3, s12  }
0x5e: {  	_ =	swait.ge [sflag:s22], $0x3800;
	s13 =	smul.u32 @!p2 $0x70, s13  }
0x5f: {  	[sflag:s22] =	ssyncset.done $0x0  }
0x60: {  	p1 =	seq.s32 @!p2 s31, $0x0;
	[sflag:s22] =	ssyncadd.s32 $0xFFFFC800;
	s13 =	smin.u32 @!p2 s13, $0x26A0  }
0x61: {  	p1 =	por p2, !p1;
	_ =	swait.ge [sflag:s23], $0x3800;
	s14 =	sadd.s32 @!p2 s9, s13  }
.Ltmp0:
0x62: {  	[sflag:s23] =	ssyncset.done $0x0;
	s13 =	sshrl.u32 @!p2 s14, $0x3;
	(pc) =	sbr.rel @!p1 .LBB2_3-.Ltmp0, $4  }
0x63: {  	s30 =	simm.s32 @!p2 $0x0;
	[sflag:s23] =	ssyncadd.s32 $0xFFFFC800;
	s17 =	sadd.s32 @!p2 s8, s13  }
0x64: {  	[tilespmem:s30], [sflag:$0x1] =	stream.linear.gather @!p2 [hbm4b:s17+s30], $0x70, $0x38;
	[tilespmem:$0x1ED00] =	vst v63  }
0x65: {  	s13 =	sadd.s32 @!p2 s1, s13;
	s17 =	simm.s32 @!p2 $0x80  }
0x66: {  	[tilespmem:s17], [sflag:$0x1] =	stream.linear.gather @!p2 [hbm4b:s13+s30], $0x70, $0x38;
	[tilespmem:$0x1ED00] =	vst v63  }
.Ltmp1:
0x67: {  	(pc) =	sbr.rel .LBB2_5-.Ltmp1, $4  }
0x68: {  	s13 =	simm.s32 $0x5  }
0x69: {  	_ =	swait.ge [sflag:s13], $0x70  }
0x6a: {  	[sflag:s13] =	ssyncset.done $0x0  }
0x6b: {  	p1 =	por $0x0, $0x0;
	[sflag:s13] =	ssyncadd.s32 $0xFFFFFF90  }
.LBB2_3:
0x6c: {  	p1 =	por @!p2 $0x1, $0x1  }
.LBB2_5:
0x6d: {  	s13 =	simm.s32 $0x0;
	s17 =	simm.s32 $0x500  }
.LBB2_6:
0x6e: {  	v16 =	vld [tilespmem:s17+$0xFFFFFC00]  }
0x6f: {  	v17 =	vld [tilespmem:s17+$0xFFFFFC10]  }
0x70: {  	v18 =	vld [tilespmem:s17+$0xFFFFFC20]  }
0x71: {  	v19 =	vld [tilespmem:s17+$0xFFFFFC30]  }
0x72: {  	v20 =	vld [tilespmem:s17+$0xFFFFFC40]  }
0x73: {  	v21 =	vld [tilespmem:s17+$0xFFFFFC50]  }
0x74: {  	v22 =	vld [tilespmem:s17+$0xFFFFFC60]  }
0x75: {  	v23 =	vld [tilespmem:s17+$0xFFFFFC70];
	_ =	sdelay $0x1  }
0x76: {  	v16 =	vand.u32 $0x7FFFFFFF, v16  }
0x77: {  	v17 =	vand.u32 $0x7FFFFFFF, v17;
	v18 =	vand.u32 $0x7FFFFFFF, v18;
	v19 =	vand.u32 $0x7FFFFFFF, v19  }
0x78: {  	v20 =	vand.u32 $0x7FFFFFFF, v20;
	v21 =	vand.u32 $0x7FFFFFFF, v21;
	v22 =	vand.u32 $0x7FFFFFFF, v22  }
0x79: {  	v23 =	vand.u32 $0x7FFFFFFF, v23;
	v16 =	vadd.f32 v17, v16;
	v17 =	vadd.f32 v19, v18  }
0x7a: {  	v48 =	vadd.f32 v21, v20;
	v49 =	vadd.f32 v23, v22;
	_ =	sdelay $0x1  }
0x7b: {  	v16 =	vadd.f32 v17, v16;
	v17 =	vadd.f32 v49, v48;
	_ =	sdelay $0x1  }
0x7c: {  	v16 =	vadd.f32 v17, v16;
	_ =	sdelay $0x1  }
0x7d: {  	[tilespmem:$0xAC80] =	vst v16  }
0x7e: {  	v16 =	vld [tilespmem:s17+$0xFFFFFC80]  }
0x7f: {  	v17 =	vld [tilespmem:s17+$0xFFFFFC90]  }
0x80: {  	v50 =	vld [tilespmem:s17+$0xFFFFFCA0]  }
0x81: {  	v51 =	vld [tilespmem:s17+$0xFFFFFCB0]  }
0x82: {  	v52 =	vld [tilespmem:s17+$0xFFFFFCC0]  }
0x83: {  	v53 =	vld [tilespmem:s17+$0xFFFFFCD0]  }
0x84: {  	v54 =	vld [tilespmem:s17+$0xFFFFFCE0]  }
0x85: {  	v55 =	vld [tilespmem:s17+$0xFFFFFCF0];
	_ =	sdelay $0x1  }
0x86: {  	v16 =	vand.u32 $0x7FFFFFFF, v16  }
0x87: {  	v17 =	vand.u32 $0x7FFFFFFF, v17;
	v18 =	vand.u32 $0x7FFFFFFF, v50;
	v19 =	vand.u32 $0x7FFFFFFF, v51  }
0x88: {  	v20 =	vand.u32 $0x7FFFFFFF, v52;
	v21 =	vand.u32 $0x7FFFFFFF, v53;
	v22 =	vand.u32 $0x7FFFFFFF, v54  }
0x89: {  	v23 =	vand.u32 $0x7FFFFFFF, v55;
	v16 =	vadd.f32 v17, v16;
	v17 =	vadd.f32 v19, v18  }
0x8a: {  	v56 =	vadd.f32 v21, v20;
	v57 =	vadd.f32 v23, v22;
	_ =	sdelay $0x1  }
0x8b: {  	v16 =	vadd.f32 v17, v16;
	v17 =	vadd.f32 v57, v56;
	_ =	sdelay $0x1  }
0x8c: {  	v16 =	vadd.f32 v17, v16;
	_ =	sdelay $0x1  }
0x8d: {  	[tilespmem:$0xAD00] =	vst v16  }
0x8e: {  	v16 =	vld [tilespmem:s17+$0xFFFFFD00]  }
0x8f: {  	v17 =	vld [tilespmem:s17+$0xFFFFFD10]  }
0x90: {  	v58 =	vld [tilespmem:s17+$0xFFFFFD20]  }
0x91: {  	v59 =	vld [tilespmem:s17+$0xFFFFFD30]  }
0x92: {  	v60 =	vld [tilespmem:s17+$0xFFFFFD40]  }
0x93: {  	v61 =	vld [tilespmem:s17+$0xFFFFFD50]  }
0x94: {  	v62 =	vld [tilespmem:s17+$0xFFFFFD60]  }
0x95: {  	v63 =	vld [tilespmem:s17+$0xFFFFFD70];
	_ =	sdelay $0x1  }
0x96: {  	v16 =	vand.u32 $0x7FFFFFFF, v16  }
0x97: {  	v17 =	vand.u32 $0x7FFFFFFF, v17;
	v18 =	vand.u32 $0x7FFFFFFF, v58;
	v19 =	vand.u32 $0x7FFFFFFF, v59  }
0x98: {  	v20 =	vand.u32 $0x7FFFFFFF, v60;
	v21 =	vand.u32 $0x7FFFFFFF, v61;
	v22 =	vand.u32 $0x7FFFFFFF, v62  }
0x99: {  	v23 =	vand.u32 $0x7FFFFFFF, v63;
	v16 =	vadd.f32 v17, v16;
	v17 =	vadd.f32 v19, v18  }
0x9a: {  	v24 =	vadd.f32 v21, v20;
	v25 =	vadd.f32 v23, v22;
	_ =	sdelay $0x1  }
0x9b: {  	v16 =	vadd.f32 v17, v16;
	v17 =	vadd.f32 v25, v24;
	_ =	sdelay $0x1  }
0x9c: {  	v16 =	vadd.f32 v17, v16;
	_ =	sdelay $0x1  }
0x9d: {  	[tilespmem:$0xAD80] =	vst v16  }
0x9e: {  	v16 =	vld [tilespmem:s17+$0xFFFFFD80]  }
0x9f: {  	v17 =	vld [tilespmem:s17+$0xFFFFFD90]  }
0xa0: {  	v26 =	vld [tilespmem:s17+$0xFFFFFDA0]  }
0xa1: {  	v27 =	vld [tilespmem:s17+$0xFFFFFDB0]  }
0xa2: {  	v28 =	vld [tilespmem:s17+$0xFFFFFDC0]  }
0xa3: {  	v29 =	vld [tilespmem:s17+$0xFFFFFDD0]  }
0xa4: {  	v30 =	vld [tilespmem:s17+$0xFFFFFDE0]  }
0xa5: {  	v31 =	vld [tilespmem:s17+$0xFFFFFDF0];
	_ =	sdelay $0x1  }
0xa6: {  	v16 =	vand.u32 $0x7FFFFFFF, v16  }
0xa7: {  	v17 =	vand.u32 $0x7FFFFFFF, v17;
	v18 =	vand.u32 $0x7FFFFFFF, v26;
	v19 =	vand.u32 $0x7FFFFFFF, v27  }
0xa8: {  	v20 =	vand.u32 $0x7FFFFFFF, v28;
	v21 =	vand.u32 $0x7FFFFFFF, v29;
	v22 =	vand.u32 $0x7FFFFFFF, v30  }
0xa9: {  	v23 =	vand.u32 $0x7FFFFFFF, v31;
	v16 =	vadd.f32 v17, v16;
	v17 =	vadd.f32 v19, v18  }
0xaa: {  	v32 =	vadd.f32 v21, v20;
	v33 =	vadd.f32 v23, v22;
	_ =	sdelay $0x1  }
0xab: {  	v16 =	vadd.f32 v17, v16;
	v17 =	vadd.f32 v33, v32;
	_ =	sdelay $0x1  }
0xac: {  	v16 =	vadd.f32 v17, v16;
	_ =	sdelay $0x1  }
0xad: {  	[tilespmem:$0xAE00] =	vst v16  }
0xae: {  	v16 =	vld [tilespmem:s17+$0xFFFFFE00]  }
0xaf: {  	v17 =	vld [tilespmem:s17+$0xFFFFFE10]  }
0xb0: {  	v34 =	vld [tilespmem:s17+$0xFFFFFE20]  }
0xb1: {  	v35 =	vld [tilespmem:s17+$0xFFFFFE30]  }
0xb2: {  	v36 =	vld [tilespmem:s17+$0xFFFFFE40]  }
0xb3: {  	v37 =	vld [tilespmem:s17+$0xFFFFFE50]  }
0xb4: {  	v38 =	vld [tilespmem:s17+$0xFFFFFE60]  }
0xb5: {  	v39 =	vld [tilespmem:s17+$0xFFFFFE70];
	_ =	sdelay $0x1  }
0xb6: {  	v16 =	vand.u32 $0x7FFFFFFF, v16  }
0xb7: {  	v17 =	vand.u32 $0x7FFFFFFF, v17;
	v18 =	vand.u32 $0x7FFFFFFF, v34;
	v19 =	vand.u32 $0x7FFFFFFF, v35  }
0xb8: {  	v20 =	vand.u32 $0x7FFFFFFF, v36;
	v21 =	vand.u32 $0x7FFFFFFF, v37;
	v22 =	vand.u32 $0x7FFFFFFF, v38  }
0xb9: {  	v23 =	vand.u32 $0x7FFFFFFF, v39;
	v16 =	vadd.f32 v17, v16;
	v17 =	vadd.f32 v19, v18  }
0xba: {  	v40 =	vadd.f32 v21, v20;
	v41 =	vadd.f32 v23, v22;
	_ =	sdelay $0x1  }
0xbb: {  	v16 =	vadd.f32 v17, v16;
	v17 =	vadd.f32 v41, v40;
	_ =	sdelay $0x1  }
0xbc: {  	v16 =	vadd.f32 v17, v16;
	_ =	sdelay $0x1  }
0xbd: {  	[tilespmem:$0xAE80] =	vst v16  }
0xbe: {  	v16 =	vld [tilespmem:s17+$0xFFFFFE80]  }
0xbf: {  	v17 =	vld [tilespmem:s17+$0xFFFFFE90]  }
0xc0: {  	v42 =	vld [tilespmem:s17+$0xFFFFFEA0]  }
0xc1: {  	v43 =	vld [tilespmem:s17+$0xFFFFFEB0]  }
0xc2: {  	v44 =	vld [tilespmem:s17+$0xFFFFFEC0]  }
0xc3: {  	v45 =	vld [tilespmem:s17+$0xFFFFFED0]  }
0xc4: {  	v46 =	vld [tilespmem:s17+$0xFFFFFEE0]  }
0xc5: {  	v47 =	vld [tilespmem:s17+$0xFFFFFEF0];
	_ =	sdelay $0x1  }
0xc6: {  	v16 =	vand.u32 $0x7FFFFFFF, v16  }
0xc7: {  	v17 =	vand.u32 $0x7FFFFFFF, v17;
	v18 =	vand.u32 $0x7FFFFFFF, v42;
	v19 =	vand.u32 $0x7FFFFFFF, v43  }
0xc8: {  	v20 =	vand.u32 $0x7FFFFFFF, v44;
	v21 =	vand.u32 $0x7FFFFFFF, v45;
	v22 =	vand.u32 $0x7FFFFFFF, v46  }
0xc9: {  	v23 =	vand.u32 $0x7FFFFFFF, v47;
	v16 =	vadd.f32 v17, v16;
	v17 =	vadd.f32 v19, v18  }
0xca: {  	v48 =	vadd.f32 v21, v20;
	v49 =	vadd.f32 v23, v22;
	_ =	sdelay $0x1  }
0xcb: {  	v16 =	vadd.f32 v17, v16;
	v17 =	vadd.f32 v49, v48;
	_ =	sdelay $0x1  }
0xcc: {  	v16 =	vadd.f32 v17, v16;
	_ =	sdelay $0x1  }
0xcd: {  	[tilespmem:$0xAF00] =	vst v16  }
0xce: {  	v16 =	vld [tilespmem:s17+$0xFFFFFF00]  }
0xcf: {  	v17 =	vld [tilespmem:s17+$0xFFFFFF10]  }
0xd0: {  	v50 =	vld [tilespmem:s17+$0xFFFFFF20]  }
0xd1: {  	v51 =	vld [tilespmem:s17+$0xFFFFFF30]  }
0xd2: {  	v52 =	vld [tilespmem:s17+$0xFFFFFF40]  }
0xd3: {  	v53 =	vld [tilespmem:s17+$0xFFFFFF50]  }
0xd4: {  	v54 =	vld [tilespmem:s17+$0xFFFFFF60]  }
0xd5: {  	v55 =	vld [tilespmem:s17+$0xFFFFFF70];
	_ =	sdelay $0x1  }
0xd6: {  	v16 =	vand.u32 $0x7FFFFFFF, v16  }
0xd7: {  	v17 =	vand.u32 $0x7FFFFFFF, v17;
	v18 =	vand.u32 $0x7FFFFFFF, v50;
	v19 =	vand.u32 $0x7FFFFFFF, v51  }
0xd8: {  	v20 =	vand.u32 $0x7FFFFFFF, v52;
	v21 =	vand.u32 $0x7FFFFFFF, v53;
	v22 =	vand.u32 $0x7FFFFFFF, v54  }
0xd9: {  	v23 =	vand.u32 $0x7FFFFFFF, v55;
	v16 =	vadd.f32 v17, v16;
	v17 =	vadd.f32 v19, v18  }
0xda: {  	v56 =	vadd.f32 v21, v20;
	v57 =	vadd.f32 v23, v22;
	_ =	sdelay $0x1  }
0xdb: {  	v16 =	vadd.f32 v17, v16;
	v17 =	vadd.f32 v57, v56;
	_ =	sdelay $0x1  }
0xdc: {  	v16 =	vadd.f32 v17, v16;
	_ =	sdelay $0x1  }
0xdd: {  	[tilespmem:$0xAF80] =	vst v16  }
0xde: {  	v16 =	vld [tilespmem:s17+$0xFFFFFF80]  }
0xdf: {  	v17 =	vld [tilespmem:s17+$0xFFFFFF90]  }
0xe0: {  	v58 =	vld [tilespmem:s17+$0xFFFFFFA0]  }
0xe1: {  	v59 =	vld [tilespmem:s17+$0xFFFFFFB0]  }
0xe2: {  	v60 =	vld [tilespmem:s17+$0xFFFFFFC0]  }
0xe3: {  	v61 =	vld [tilespmem:s17+$0xFFFFFFD0]  }
0xe4: {  	v62 =	vld [tilespmem:s17+$0xFFFFFFE0]  }
0xe5: {  	v63 =	vld [tilespmem:s17+$0xFFFFFFF0];
	_ =	sdelay $0x1  }
0xe6: {  	v16 =	vand.u32 $0x7FFFFFFF, v16  }
0xe7: {  	v17 =	vand.u32 $0x7FFFFFFF, v17;
	v18 =	vand.u32 $0x7FFFFFFF, v58;
	v19 =	vand.u32 $0x7FFFFFFF, v59  }
0xe8: {  	v20 =	vand.u32 $0x7FFFFFFF, v60;
	v21 =	vand.u32 $0x7FFFFFFF, v61;
	v22 =	vand.u32 $0x7FFFFFFF, v62  }
0xe9: {  	v23 =	vand.u32 $0x7FFFFFFF, v63;
	v16 =	vadd.f32 v17, v16;
	v17 =	vadd.f32 v19, v18  }
0xea: {  	v24 =	vadd.f32 v21, v20;
	v25 =	vadd.f32 v23, v22;
	_ =	sdelay $0x1  }
0xeb: {  	v16 =	vadd.f32 v17, v16;
	v17 =	vadd.f32 v25, v24;
	_ =	sdelay $0x1  }
0xec: {  	v16 =	vadd.f32 v17, v16;
	_ =	sdelay $0x1  }
0xed: {  	[tilespmem:$0xB000] =	vst v16  }
0xee: {  	v16 =	vld [tilespmem:s17+$0x0]  }
0xef: {  	v17 =	vld [tilespmem:s17+$0x10]  }
0xf0: {  	v26 =	vld [tilespmem:s17+$0x20]  }
0xf1: {  	v27 =	vld [tilespmem:s17+$0x30]  }
0xf2: {  	v28 =	vld [tilespmem:s17+$0x40]  }
0xf3: {  	v29 =	vld [tilespmem:s17+$0x50]  }
0xf4: {  	v30 =	vld [tilespmem:s17+$0x60]  }
0xf5: {  	v31 =	vld [tilespmem:s17+$0x70];
	_ =	sdelay $0x1  }
0xf6: {  	v16 =	vand.u32 $0x7FFFFFFF, v16  }
0xf7: {  	v17 =	vand.u32 $0x7FFFFFFF, v17;
	v18 =	vand.u32 $0x7FFFFFFF, v26;
	v19 =	vand.u32 $0x7FFFFFFF, v27  }
0xf8: {  	v20 =	vand.u32 $0x7FFFFFFF, v28;
	v21 =	vand.u32 $0x7FFFFFFF, v29;
	v22 =	vand.u32 $0x7FFFFFFF, v30  }
0xf9: {  	v23 =	vand.u32 $0x7FFFFFFF, v31;
	v16 =	vadd.f32 v17, v16;
	v17 =	vadd.f32 v19, v18  }
0xfa: {  	v32 =	vadd.f32 v21, v20;
	v33 =	vadd.f32 v23, v22;
	_ =	sdelay $0x1  }
0xfb: {  	v16 =	vadd.f32 v17, v16;
	v17 =	vadd.f32 v33, v32;
	_ =	sdelay $0x1  }
0xfc: {  	v16 =	vadd.f32 v17, v16;
	_ =	sdelay $0x1  }
0xfd: {  	[tilespmem:$0xB080] =	vst v16  }
0xfe: {  	v16 =	vld [tilespmem:s17+$0x80]  }
0xff: {  	v17 =	vld [tilespmem:s17+$0x90]  }
0x100: {  	v34 =	vld [tilespmem:s17+$0xA0]  }
0x101: {  	v35 =	vld [tilespmem:s17+$0xB0]  }
0x102: {  	v36 =	vld [tilespmem:s17+$0xC0]  }
0x103: {  	v37 =	vld [tilespmem:s17+$0xD0]  }
0x104: {  	v38 =	vld [tilespmem:s17+$0xE0]  }
0x105: {  	v39 =	vld [tilespmem:s17+$0xF0];
	_ =	sdelay $0x1  }
0x106: {  	v16 =	vand.u32 $0x7FFFFFFF, v16  }
0x107: {  	v17 =	vand.u32 $0x7FFFFFFF, v17;
	v18 =	vand.u32 $0x7FFFFFFF, v34;
	v19 =	vand.u32 $0x7FFFFFFF, v35  }
0x108: {  	v20 =	vand.u32 $0x7FFFFFFF, v36;
	v21 =	vand.u32 $0x7FFFFFFF, v37;
	v22 =	vand.u32 $0x7FFFFFFF, v38  }
0x109: {  	v23 =	vand.u32 $0x7FFFFFFF, v39;
	v16 =	vadd.f32 v17, v16;
	v17 =	vadd.f32 v19, v18  }
0x10a: {  	v40 =	vadd.f32 v21, v20;
	v41 =	vadd.f32 v23, v22;
	_ =	sdelay $0x1  }
0x10b: {  	v16 =	vadd.f32 v17, v16;
	v17 =	vadd.f32 v41, v40;
	_ =	sdelay $0x1  }
0x10c: {  	v16 =	vadd.f32 v17, v16;
	_ =	sdelay $0x1  }
0x10d: {  	[tilespmem:$0xB100] =	vst v16  }
0x10e: {  	v16 =	vld [tilespmem:s17+$0x100]  }
0x10f: {  	v17 =	vld [tilespmem:s17+$0x110]  }
0x110: {  	v42 =	vld [tilespmem:s17+$0x120]  }
0x111: {  	v43 =	vld [tilespmem:s17+$0x130]  }
0x112: {  	v44 =	vld [tilespmem:s17+$0x140]  }
0x113: {  	v45 =	vld [tilespmem:s17+$0x150]  }
0x114: {  	v46 =	vld [tilespmem:s17+$0x160]  }
0x115: {  	v47 =	vld [tilespmem:s17+$0x170];
	_ =	sdelay $0x1  }
0x116: {  	v16 =	vand.u32 $0x7FFFFFFF, v16  }
0x117: {  	v17 =	vand.u32 $0x7FFFFFFF, v17;
	v18 =	vand.u32 $0x7FFFFFFF, v42;
	v19 =	vand.u32 $0x7FFFFFFF, v43  }
0x118: {  	v20 =	vand.u32 $0x7FFFFFFF, v44;
	v21 =	vand.u32 $0x7FFFFFFF, v45;
	v22 =	vand.u32 $0x7FFFFFFF, v46  }
0x119: {  	v23 =	vand.u32 $0x7FFFFFFF, v47;
	v16 =	vadd.f32 v17, v16;
	v17 =	vadd.f32 v19, v18  }
0x11a: {  	v48 =	vadd.f32 v21, v20;
	v49 =	vadd.f32 v23, v22;
	_ =	sdelay $0x1  }
0x11b: {  	v16 =	vadd.f32 v17, v16;
	v17 =	vadd.f32 v49, v48;
	_ =	sdelay $0x1  }
0x11c: {  	v16 =	vadd.f32 v17, v16;
	_ =	sdelay $0x1  }
0x11d: {  	[tilespmem:$0xB180] =	vst v16  }
0x11e: {  	v16 =	vld [tilespmem:s17+$0x180]  }
0x11f: {  	v17 =	vld [tilespmem:s17+$0x190]  }
0x120: {  	v50 =	vld [tilespmem:s17+$0x1A0]  }
0x121: {  	v51 =	vld [tilespmem:s17+$0x1B0]  }
0x122: {  	v52 =	vld [tilespmem:s17+$0x1C0]  }
0x123: {  	v53 =	vld [tilespmem:s17+$0x1D0]  }
0x124: {  	v54 =	vld [tilespmem:s17+$0x1E0]  }
0x125: {  	v55 =	vld [tilespmem:s17+$0x1F0];
	_ =	sdelay $0x1  }
0x126: {  	v16 =	vand.u32 $0x7FFFFFFF, v16  }
0x127: {  	v17 =	vand.u32 $0x7FFFFFFF, v17;
	v18 =	vand.u32 $0x7FFFFFFF, v50;
	v19 =	vand.u32 $0x7FFFFFFF, v51  }
0x128: {  	v20 =	vand.u32 $0x7FFFFFFF, v52;
	v21 =	vand.u32 $0x7FFFFFFF, v53;
	v22 =	vand.u32 $0x7FFFFFFF, v54  }
0x129: {  	v23 =	vand.u32 $0x7FFFFFFF, v55;
	v16 =	vadd.f32 v17, v16;
	v17 =	vadd.f32 v19, v18  }
0x12a: {  	v56 =	vadd.f32 v21, v20;
	v57 =	vadd.f32 v23, v22;
	_ =	sdelay $0x1  }
0x12b: {  	v16 =	vadd.f32 v17, v16;
	v17 =	vadd.f32 v57, v56;
	_ =	sdelay $0x1  }
0x12c: {  	v16 =	vadd.f32 v17, v16;
	_ =	sdelay $0x1  }
0x12d: {  	[tilespmem:$0xB200] =	vst v16  }
0x12e: {  	v16 =	vld [tilespmem:s17+$0x200]  }
0x12f: {  	v17 =	vld [tilespmem:s17+$0x210]  }
0x130: {  	v58 =	vld [tilespmem:s17+$0x220]  }
0x131: {  	v59 =	vld [tilespmem:s17+$0x230]  }
0x132: {  	v60 =	vld [tilespmem:s17+$0x240]  }
0x133: {  	v61 =	vld [tilespmem:s17+$0x250]  }
0x134: {  	v62 =	vld [tilespmem:s17+$0x260]  }
0x135: {  	v63 =	vld [tilespmem:s17+$0x270];
	_ =	sdelay $0x1  }
0x136: {  	v16 =	vand.u32 $0x7FFFFFFF, v16  }
0x137: {  	v17 =	vand.u32 $0x7FFFFFFF, v17;
	v18 =	vand.u32 $0x7FFFFFFF, v58;
	v19 =	vand.u32 $0x7FFFFFFF, v59  }
0x138: {  	v20 =	vand.u32 $0x7FFFFFFF, v60;
	v21 =	vand.u32 $0x7FFFFFFF, v61;
	v22 =	vand.u32 $0x7FFFFFFF, v62  }
0x139: {  	v23 =	vand.u32 $0x7FFFFFFF, v63;
	v16 =	vadd.f32 v17, v16;
	v17 =	vadd.f32 v19, v18  }
0x13a: {  	v24 =	vadd.f32 v21, v20;
	v25 =	vadd.f32 v23, v22;
	_ =	sdelay $0x1  }
0x13b: {  	v16 =	vadd.f32 v17, v16;
	v17 =	vadd.f32 v25, v24;
	_ =	sdelay $0x1  }
0x13c: {  	v16 =	vadd.f32 v17, v16;
	_ =	sdelay $0x1  }
0x13d: {  	[tilespmem:$0xB280] =	vst v16  }
0x13e: {  	v16 =	vld [tilespmem:s17+$0x280]  }
0x13f: {  	v17 =	vld [tilespmem:s17+$0x290]  }
0x140: {  	v26 =	vld [tilespmem:s17+$0x2A0]  }
0x141: {  	v27 =	vld [tilespmem:s17+$0x2B0]  }
0x142: {  	v28 =	vld [tilespmem:s17+$0x2C0]  }
0x143: {  	v29 =	vld [tilespmem:s17+$0x2D0]  }
0x144: {  	v30 =	vld [tilespmem:s17+$0x2E0]  }
0x145: {  	v31 =	vld [tilespmem:s17+$0x2F0];
	_ =	sdelay $0x1  }
0x146: {  	v16 =	vand.u32 $0x7FFFFFFF, v16  }
0x147: {  	v17 =	vand.u32 $0x7FFFFFFF, v17;
	v18 =	vand.u32 $0x7FFFFFFF, v26;
	v19 =	vand.u32 $0x7FFFFFFF, v27  }
0x148: {  	v20 =	vand.u32 $0x7FFFFFFF, v28;
	v21 =	vand.u32 $0x7FFFFFFF, v29;
	v22 =	vand.u32 $0x7FFFFFFF, v30  }
0x149: {  	v23 =	vand.u32 $0x7FFFFFFF, v31;
	v16 =	vadd.f32 v17, v16;
	v17 =	vadd.f32 v19, v18  }
0x14a: {  	v32 =	vadd.f32 v21, v20;
	v33 =	vadd.f32 v23, v22;
	_ =	sdelay $0x1  }
0x14b: {  	v16 =	vadd.f32 v17, v16;
	v17 =	vadd.f32 v33, v32;
	_ =	sdelay $0x1  }
0x14c: {  	v16 =	vadd.f32 v17, v16;
	_ =	sdelay $0x1  }
0x14d: {  	[tilespmem:$0xB300] =	vst v16  }
0x14e: {  	v16 =	vld [tilespmem:s17+$0x300]  }
0x14f: {  	v17 =	vld [tilespmem:s17+$0x310]  }
0x150: {  	v34 =	vld [tilespmem:s17+$0x320]  }
0x151: {  	v35 =	vld [tilespmem:s17+$0x330]  }
0x152: {  	v36 =	vld [tilespmem:s17+$0x340]  }
0x153: {  	v37 =	vld [tilespmem:s17+$0x350]  }
0x154: {  	v38 =	vld [tilespmem:s17+$0x360]  }
0x155: {  	v39 =	vld [tilespmem:s17+$0x370];
	_ =	sdelay $0x1  }
0x156: {  	v16 =	vand.u32 $0x7FFFFFFF, v16  }
0x157: {  	v17 =	vand.u32 $0x7FFFFFFF, v17;
	v18 =	vand.u32 $0x7FFFFFFF, v34;
	v19 =	vand.u32 $0x7FFFFFFF, v35  }
0x158: {  	v20 =	vand.u32 $0x7FFFFFFF, v36;
	v21 =	vand.u32 $0x7FFFFFFF, v37;
	v22 =	vand.u32 $0x7FFFFFFF, v38  }
0x159: {  	v23 =	vand.u32 $0x7FFFFFFF, v39;
	v16 =	vadd.f32 v17, v16;
	v17 =	vadd.f32 v19, v18  }
0x15a: {  	v40 =	vadd.f32 v21, v20;
	v41 =	vadd.f32 v23, v22;
	_ =	sdelay $0x1  }
0x15b: {  	v16 =	vadd.f32 v17, v16;
	v17 =	vadd.f32 v41, v40;
	_ =	sdelay $0x1  }
0x15c: {  	v16 =	vadd.f32 v17, v16;
	_ =	sdelay $0x1  }
0x15d: {  	[tilespmem:$0xB380] =	vst v16  }
0x15e: {  	v16 =	vld [tilespmem:s17+$0x380]  }
0x15f: {  	v17 =	vld [tilespmem:s17+$0x390]  }
0x160: {  	v42 =	vld [tilespmem:s17+$0x3A0]  }
0x161: {  	v43 =	vld [tilespmem:s17+$0x3B0]  }
0x162: {  	v44 =	vld [tilespmem:s17+$0x3C0]  }
0x163: {  	v45 =	vld [tilespmem:s17+$0x3D0]  }
0x164: {  	v46 =	vld [tilespmem:s17+$0x3E0]  }
0x165: {  	v47 =	vld [tilespmem:s17+$0x3F0];
	_ =	sdelay $0x1  }
0x166: {  	v16 =	vand.u32 $0x7FFFFFFF, v16  }
0x167: {  	v17 =	vand.u32 $0x7FFFFFFF, v17;
	v18 =	vand.u32 $0x7FFFFFFF, v42;
	v19 =	vand.u32 $0x7FFFFFFF, v43  }
0x168: {  	v20 =	vand.u32 $0x7FFFFFFF, v44;
	v21 =	vand.u32 $0x7FFFFFFF, v45;
	v22 =	vand.u32 $0x7FFFFFFF, v46  }
0x169: {  	v23 =	vand.u32 $0x7FFFFFFF, v47;
	v16 =	vadd.f32 v17, v16;
	v17 =	vadd.f32 v19, v18  }
0x16a: {  	v48 =	vadd.f32 v21, v20;
	v49 =	vadd.f32 v23, v22;
	_ =	sdelay $0x1  }
0x16b: {  	v16 =	vadd.f32 v17, v16;
	v17 =	vadd.f32 v49, v48;
	_ =	sdelay $0x1  }
0x16c: {  	v16 =	vadd.f32 v17, v16;
	_ =	sdelay $0x1  }
0x16d: {  	[tilespmem:$0xB400] =	vst v16  }
0x16e: {  	v16 =	vld.idx.msk [tilespmem:v0+s24+$0x0], $0xffff  }
0x16f: {  	v17 =	vld.idx.msk [tilespmem:v1+s24+$0x0], $0xffff  }
0x170: {  	v50 =	vld.idx.msk [tilespmem:v2+s24+$0x0], $0xffff  }
0x171: {  	v51 =	vld.idx.msk [tilespmem:v3+s24+$0x0], $0xffff  }
0x172: {  	v52 =	vld.idx.msk [tilespmem:v4+s24+$0x0], $0xffff  }
0x173: {  	v53 =	vld.idx.msk [tilespmem:v5+s24+$0x0], $0xffff  }
0x174: {  	v54 =	vld.idx.msk [tilespmem:v6+s24+$0x0], $0xffff;
	v16 =	vsub.f32 $1.200000000e+01, v16;
	v17 =	vadd.f32 $0.0e+00, v17  }
0x175: {  	v55 =	vld.idx.msk [tilespmem:v7+s24+$0x0], $0xffff  }
0x176: {  	v56 =	vld.idx.msk [tilespmem:v8+s24+$0x0], $0xffff;
	v16 =	vsub.f32 v16, v50;
	v17 =	vadd.f32 v51, v17  }
0x177: {  	v57 =	vld.idx.msk [tilespmem:v9+s24+$0x0], $0xffff  }
0x178: {  	v58 =	vld.idx.msk [tilespmem:v10+s24+$0x0], $0xffff;
	v16 =	vsub.f32 v16, v52;
	v17 =	vadd.f32 v53, v17  }
0x179: {  	v59 =	vld.idx.msk [tilespmem:v11+s24+$0x0], $0xffff  }
0x17a: {  	v60 =	vld.idx.msk [tilespmem:v12+s24+$0x0], $0xffff;
	v16 =	vsub.f32 v16, v54;
	v17 =	vadd.f32 v55, v17  }
0x17b: {  	v61 =	vld.idx.msk [tilespmem:v13+s24+$0x0], $0xffff  }
0x17c: {  	v62 =	vld.idx.msk [tilespmem:v14+s24+$0x0], $0xffff;
	v16 =	vsub.f32 v16, v56;
	v17 =	vadd.f32 v57, v17  }
0x17d: {  	v63 =	vld.idx.msk [tilespmem:v15+s24+$0x0], $0xffff  }
0x17e: {  	v16 =	vsub.f32 v16, v58;
	v17 =	vadd.f32 v59, v17;
	_ =	sdelay $0x1  }
0x17f: {  	v16 =	vsub.f32 v16, v60;
	v17 =	vadd.f32 v61, v17  }
0x180: {  	p3 =	sne.s32 s13, $0x180  }
.Ltmp2:
0x181: {  	v16 =	vsub.f32 v16, v62;
	v17 =	vadd.f32 v63, v17;
	(pc) =	sbr.rel @p3 .LBB2_6-.Ltmp2, $4  }
0x182: {  	_ = 	snop  }
0x183: {  	v16 =	vsub.f32 v16, v17  }
0x184: {  	s30 =	sshra.s32 s13, $0x2  }
0x185: {  	s13 =	sadd.s32 $0x40, s13;
	s17 =	sadd.s32 $0x800, s17;
	[tilespmem:s30+$0x3900] =	vst v16  }
0x186: {  	s13 =	sadd.s32 s9, s10  }
0x187: {  	s13 =	sshrl.u32 s13, $0x3  }
0x188: {  	s17 =	simm.s32 $0x3900;
	s13 =	sadd.s32 s3, s13  }
0x189: {  	[hbm4b:s13+s5] =	stream.linear.scatter [tilespmem:s17], [sflag:$0x5], $0x70, $0x38;
	[tilespmem:$0x1ED00] =	vst v63  }
0x18a: {  	_ =	swait.ge [sflag:s28], $0x3800  }
0x18b: {  	[sflag:s28] =	ssyncset.done $0x0  }
0x18c: {  	s17 =	simm.s32 $0x7300;
	[sflag:s28] =	ssyncadd.s32 $0xFFFFC800  }
0x18d: {  	[tilespmem:s21], [sflag:$0xD] =	stream.indirect.gather.add.f32 [spmem:s4], $0x80, s17, s15, $0xb8;
	[tilespmem:$0x1ED00] =	vst v63  }
0x18e: {  	s30 =	simm.s32 $0x7380;
	s13 =	simm.s32 @!p2 $0x1  }
0x18f: {  	[tilespmem:s21], [sflag:$0xE] =	stream.indirect.gather.add.f32 [hbm:s7], $0x80, s30, s15, $0xb8;
	[tilespmem:$0x1ED00] =	vst v63  }
0x190: {  	_ =	swait.ge @!p2 [sflag:s13], $0x70  }
0x191: {  	[sflag:s13] =	ssyncset.done @!p2 $0x0  }
0x192: {  	[sflag:s13] =	ssyncadd.s32 @!p2 $0xFFFFFF90  }
0x193: {  	_ =	swait.ge @!p2 [sflag:s13], $0x70  }
0x194: {  	[sflag:s13] =	ssyncset.done @!p2 $0x0  }
0x195: {  	s12 =	sadd.s32 $0x4, s12;
	[sflag:s13] =	ssyncadd.s32 @!p2 $0xFFFFFF90;
	s13 =	sshll.u32 @!p2 s14, $0x4  }
0x196: {  	s17 =	simm.s32 @!p2 $0x100;
	s14 =	simm.s32 @!p2 $0x0;
	s13 =	sadd.s32 @!p2 s2, s13  }
0x197: {  	[tilespmem:s17], [sflag:$0x2] =	stream.linear.gather @!p2 [hbm4b:s13+s14], $0x3800, $0x38;
	[tilespmem:$0x1ED00] =	vst v63  }
0x198: {  	s13 =	smul.u32 @!p2 $0x70, s12;
	_ =	swait.ge [sflag:s11], $0x3800  }
0x199: {  	[sflag:s11] =	ssyncset.done $0x0  }
0x19a: {  	s13 =	smin.u32 @!p2 s13, $0x26A0;
	[sflag:s11] =	ssyncadd.s32 $0xFFFFC800  }
0x19b: {  	s13 =	sadd.s32 @!p2 s9, s13;
	_ =	swait.ge [sflag:s0], $0x3800  }
0x19c: {  	s13 =	sshrl.u32 @!p2 s13, $0x3;
	[sflag:s0] =	ssyncset.done $0x0  }
0x19d: {  	s30 =	simm.s32 @!p2 $0x3980;
	s17 =	sadd.s32 @!p2 s8, s13;
	[sflag:s0] =	ssyncadd.s32 $0xFFFFC800  }
0x19e: {  	[tilespmem:s30], [sflag:$0x6] =	stream.linear.gather @!p2 [hbm4b:s17+s14], $0x70, $0x38;
	[tilespmem:$0x1ED00] =	vst v63  }
0x19f: {  	s13 =	sadd.s32 @!p2 s1, s13;
	s17 =	simm.s32 @!p2 $0x3A00  }
0x1a0: {  	[tilespmem:s17], [sflag:$0x6] =	stream.linear.gather @!p2 [hbm4b:s13+s14], $0x70, $0x38;
	[tilespmem:$0x1ED00] =	vst v63  }
0x1a1: {  	s13 =	simm.s32 @!p1 $0xA  }
0x1a2: {  	_ =	swait.ge @!p1 [sflag:s13], $0x70  }
0x1a3: {  	[sflag:s13] =	ssyncset.done @!p1 $0x0  }
0x1a4: {  	s14 =	simm.s32 $0x3E80;
	[sflag:s13] =	ssyncadd.s32 @!p1 $0xFFFFFF90;
	s13 =	simm.s32 $0x0  }
.LBB2_8:
0x1a5: {  	v16 =	vld [tilespmem:s14+$0xFFFFFC00]  }
0x1a6: {  	v17 =	vld [tilespmem:s14+$0xFFFFFC10]  }
0x1a7: {  	v18 =	vld [tilespmem:s14+$0xFFFFFC20]  }
0x1a8: {  	v19 =	vld [tilespmem:s14+$0xFFFFFC30]  }
0x1a9: {  	v20 =	vld [tilespmem:s14+$0xFFFFFC40]  }
0x1aa: {  	v21 =	vld [tilespmem:s14+$0xFFFFFC50]  }
0x1ab: {  	v22 =	vld [tilespmem:s14+$0xFFFFFC60]  }
0x1ac: {  	v23 =	vld [tilespmem:s14+$0xFFFFFC70];
	_ =	sdelay $0x1  }
0x1ad: {  	v16 =	vand.u32 $0x7FFFFFFF, v16  }
0x1ae: {  	v17 =	vand.u32 $0x7FFFFFFF, v17;
	v18 =	vand.u32 $0x7FFFFFFF, v18;
	v19 =	vand.u32 $0x7FFFFFFF, v19  }
0x1af: {  	v20 =	vand.u32 $0x7FFFFFFF, v20;
	v21 =	vand.u32 $0x7FFFFFFF, v21;
	v22 =	vand.u32 $0x7FFFFFFF, v22  }
0x1b0: {  	v23 =	vand.u32 $0x7FFFFFFF, v23;
	v16 =	vadd.f32 v17, v16;
	v17 =	vadd.f32 v19, v18  }
0x1b1: {  	v48 =	vadd.f32 v21, v20;
	v49 =	vadd.f32 v23, v22;
	_ =	sdelay $0x1  }
0x1b2: {  	v16 =	vadd.f32 v17, v16;
	v17 =	vadd.f32 v49, v48;
	_ =	sdelay $0x1  }
0x1b3: {  	v16 =	vadd.f32 v17, v16;
	_ =	sdelay $0x1  }
0x1b4: {  	[tilespmem:$0xAC80] =	vst v16  }
0x1b5: {  	v16 =	vld [tilespmem:s14+$0xFFFFFC80]  }
0x1b6: {  	v17 =	vld [tilespmem:s14+$0xFFFFFC90]  }
0x1b7: {  	v50 =	vld [tilespmem:s14+$0xFFFFFCA0]  }
0x1b8: {  	v51 =	vld [tilespmem:s14+$0xFFFFFCB0]  }
0x1b9: {  	v52 =	vld [tilespmem:s14+$0xFFFFFCC0]  }
0x1ba: {  	v53 =	vld [tilespmem:s14+$0xFFFFFCD0]  }
0x1bb: {  	v54 =	vld [tilespmem:s14+$0xFFFFFCE0]  }
0x1bc: {  	v55 =	vld [tilespmem:s14+$0xFFFFFCF0];
	_ =	sdelay $0x1  }
0x1bd: {  	v16 =	vand.u32 $0x7FFFFFFF, v16  }
0x1be: {  	v17 =	vand.u32 $0x7FFFFFFF, v17;
	v18 =	vand.u32 $0x7FFFFFFF, v50;
	v19 =	vand.u32 $0x7FFFFFFF, v51  }
0x1bf: {  	v20 =	vand.u32 $0x7FFFFFFF, v52;
	v21 =	vand.u32 $0x7FFFFFFF, v53;
	v22 =	vand.u32 $0x7FFFFFFF, v54  }
0x1c0: {  	v23 =	vand.u32 $0x7FFFFFFF, v55;
	v16 =	vadd.f32 v17, v16;
	v17 =	vadd.f32 v19, v18  }
0x1c1: {  	v56 =	vadd.f32 v21, v20;
	v57 =	vadd.f32 v23, v22;
	_ =	sdelay $0x1  }
0x1c2: {  	v16 =	vadd.f32 v17, v16;
	v17 =	vadd.f32 v57, v56;
	_ =	sdelay $0x1  }
0x1c3: {  	v16 =	vadd.f32 v17, v16;
	_ =	sdelay $0x1  }
0x1c4: {  	[tilespmem:$0xAD00] =	vst v16  }
0x1c5: {  	v16 =	vld [tilespmem:s14+$0xFFFFFD00]  }
0x1c6: {  	v17 =	vld [tilespmem:s14+$0xFFFFFD10]  }
0x1c7: {  	v58 =	vld [tilespmem:s14+$0xFFFFFD20]  }
0x1c8: {  	v59 =	vld [tilespmem:s14+$0xFFFFFD30]  }
0x1c9: {  	v60 =	vld [tilespmem:s14+$0xFFFFFD40]  }
0x1ca: {  	v61 =	vld [tilespmem:s14+$0xFFFFFD50]  }
0x1cb: {  	v62 =	vld [tilespmem:s14+$0xFFFFFD60]  }
0x1cc: {  	v63 =	vld [tilespmem:s14+$0xFFFFFD70];
	_ =	sdelay $0x1  }
0x1cd: {  	v16 =	vand.u32 $0x7FFFFFFF, v16  }
0x1ce: {  	v17 =	vand.u32 $0x7FFFFFFF, v17;
	v18 =	vand.u32 $0x7FFFFFFF, v58;
	v19 =	vand.u32 $0x7FFFFFFF, v59  }
0x1cf: {  	v20 =	vand.u32 $0x7FFFFFFF, v60;
	v21 =	vand.u32 $0x7FFFFFFF, v61;
	v22 =	vand.u32 $0x7FFFFFFF, v62  }
0x1d0: {  	v23 =	vand.u32 $0x7FFFFFFF, v63;
	v16 =	vadd.f32 v17, v16;
	v17 =	vadd.f32 v19, v18  }
0x1d1: {  	v24 =	vadd.f32 v21, v20;
	v25 =	vadd.f32 v23, v22;
	_ =	sdelay $0x1  }
0x1d2: {  	v16 =	vadd.f32 v17, v16;
	v17 =	vadd.f32 v25, v24;
	_ =	sdelay $0x1  }
0x1d3: {  	v16 =	vadd.f32 v17, v16;
	_ =	sdelay $0x1  }
0x1d4: {  	[tilespmem:$0xAD80] =	vst v16  }
0x1d5: {  	v16 =	vld [tilespmem:s14+$0xFFFFFD80]  }
0x1d6: {  	v17 =	vld [tilespmem:s14+$0xFFFFFD90]  }
0x1d7: {  	v26 =	vld [tilespmem:s14+$0xFFFFFDA0]  }
0x1d8: {  	v27 =	vld [tilespmem:s14+$0xFFFFFDB0]  }
0x1d9: {  	v28 =	vld [tilespmem:s14+$0xFFFFFDC0]  }
0x1da: {  	v29 =	vld [tilespmem:s14+$0xFFFFFDD0]  }
0x1db: {  	v30 =	vld [tilespmem:s14+$0xFFFFFDE0]  }
0x1dc: {  	v31 =	vld [tilespmem:s14+$0xFFFFFDF0];
	_ =	sdelay $0x1  }
0x1dd: {  	v16 =	vand.u32 $0x7FFFFFFF, v16  }
0x1de: {  	v17 =	vand.u32 $0x7FFFFFFF, v17;
	v18 =	vand.u32 $0x7FFFFFFF, v26;
	v19 =	vand.u32 $0x7FFFFFFF, v27  }
0x1df: {  	v20 =	vand.u32 $0x7FFFFFFF, v28;
	v21 =	vand.u32 $0x7FFFFFFF, v29;
	v22 =	vand.u32 $0x7FFFFFFF, v30  }
0x1e0: {  	v23 =	vand.u32 $0x7FFFFFFF, v31;
	v16 =	vadd.f32 v17, v16;
	v17 =	vadd.f32 v19, v18  }
0x1e1: {  	v32 =	vadd.f32 v21, v20;
	v33 =	vadd.f32 v23, v22;
	_ =	sdelay $0x1  }
0x1e2: {  	v16 =	vadd.f32 v17, v16;
	v17 =	vadd.f32 v33, v32;
	_ =	sdelay $0x1  }
0x1e3: {  	v16 =	vadd.f32 v17, v16;
	_ =	sdelay $0x1  }
0x1e4: {  	[tilespmem:$0xAE00] =	vst v16  }
0x1e5: {  	v16 =	vld [tilespmem:s14+$0xFFFFFE00]  }
0x1e6: {  	v17 =	vld [tilespmem:s14+$0xFFFFFE10]  }
0x1e7: {  	v34 =	vld [tilespmem:s14+$0xFFFFFE20]  }
0x1e8: {  	v35 =	vld [tilespmem:s14+$0xFFFFFE30]  }
0x1e9: {  	v36 =	vld [tilespmem:s14+$0xFFFFFE40]  }
0x1ea: {  	v37 =	vld [tilespmem:s14+$0xFFFFFE50]  }
0x1eb: {  	v38 =	vld [tilespmem:s14+$0xFFFFFE60]  }
0x1ec: {  	v39 =	vld [tilespmem:s14+$0xFFFFFE70];
	_ =	sdelay $0x1  }
0x1ed: {  	v16 =	vand.u32 $0x7FFFFFFF, v16  }
0x1ee: {  	v17 =	vand.u32 $0x7FFFFFFF, v17;
	v18 =	vand.u32 $0x7FFFFFFF, v34;
	v19 =	vand.u32 $0x7FFFFFFF, v35  }
0x1ef: {  	v20 =	vand.u32 $0x7FFFFFFF, v36;
	v21 =	vand.u32 $0x7FFFFFFF, v37;
	v22 =	vand.u32 $0x7FFFFFFF, v38  }
0x1f0: {  	v23 =	vand.u32 $0x7FFFFFFF, v39;
	v16 =	vadd.f32 v17, v16;
	v17 =	vadd.f32 v19, v18  }
0x1f1: {  	v40 =	vadd.f32 v21, v20;
	v41 =	vadd.f32 v23, v22;
	_ =	sdelay $0x1  }
0x1f2: {  	v16 =	vadd.f32 v17, v16;
	v17 =	vadd.f32 v41, v40;
	_ =	sdelay $0x1  }
0x1f3: {  	v16 =	vadd.f32 v17, v16;
	_ =	sdelay $0x1  }
0x1f4: {  	[tilespmem:$0xAE80] =	vst v16  }
0x1f5: {  	v16 =	vld [tilespmem:s14+$0xFFFFFE80]  }
0x1f6: {  	v17 =	vld [tilespmem:s14+$0xFFFFFE90]  }
0x1f7: {  	v42 =	vld [tilespmem:s14+$0xFFFFFEA0]  }
0x1f8: {  	v43 =	vld [tilespmem:s14+$0xFFFFFEB0]  }
0x1f9: {  	v44 =	vld [tilespmem:s14+$0xFFFFFEC0]  }
0x1fa: {  	v45 =	vld [tilespmem:s14+$0xFFFFFED0]  }
0x1fb: {  	v46 =	vld [tilespmem:s14+$0xFFFFFEE0]  }
0x1fc: {  	v47 =	vld [tilespmem:s14+$0xFFFFFEF0];
	_ =	sdelay $0x1  }
0x1fd: {  	v16 =	vand.u32 $0x7FFFFFFF, v16  }
0x1fe: {  	v17 =	vand.u32 $0x7FFFFFFF, v17;
	v18 =	vand.u32 $0x7FFFFFFF, v42;
	v19 =	vand.u32 $0x7FFFFFFF, v43  }
0x1ff: {  	v20 =	vand.u32 $0x7FFFFFFF, v44;
	v21 =	vand.u32 $0x7FFFFFFF, v45;
	v22 =	vand.u32 $0x7FFFFFFF, v46  }
0x200: {  	v23 =	vand.u32 $0x7FFFFFFF, v47;
	v16 =	vadd.f32 v17, v16;
	v17 =	vadd.f32 v19, v18  }
0x201: {  	v48 =	vadd.f32 v21, v20;
	v49 =	vadd.f32 v23, v22;
	_ =	sdelay $0x1  }
0x202: {  	v16 =	vadd.f32 v17, v16;
	v17 =	vadd.f32 v49, v48;
	_ =	sdelay $0x1  }
0x203: {  	v16 =	vadd.f32 v17, v16;
	_ =	sdelay $0x1  }
0x204: {  	[tilespmem:$0xAF00] =	vst v16  }
0x205: {  	v16 =	vld [tilespmem:s14+$0xFFFFFF00]  }
0x206: {  	v17 =	vld [tilespmem:s14+$0xFFFFFF10]  }
0x207: {  	v50 =	vld [tilespmem:s14+$0xFFFFFF20]  }
0x208: {  	v51 =	vld [tilespmem:s14+$0xFFFFFF30]  }
0x209: {  	v52 =	vld [tilespmem:s14+$0xFFFFFF40]  }
0x20a: {  	v53 =	vld [tilespmem:s14+$0xFFFFFF50]  }
0x20b: {  	v54 =	vld [tilespmem:s14+$0xFFFFFF60]  }
0x20c: {  	v55 =	vld [tilespmem:s14+$0xFFFFFF70];
	_ =	sdelay $0x1  }
0x20d: {  	v16 =	vand.u32 $0x7FFFFFFF, v16  }
0x20e: {  	v17 =	vand.u32 $0x7FFFFFFF, v17;
	v18 =	vand.u32 $0x7FFFFFFF, v50;
	v19 =	vand.u32 $0x7FFFFFFF, v51  }
0x20f: {  	v20 =	vand.u32 $0x7FFFFFFF, v52;
	v21 =	vand.u32 $0x7FFFFFFF, v53;
	v22 =	vand.u32 $0x7FFFFFFF, v54  }
0x210: {  	v23 =	vand.u32 $0x7FFFFFFF, v55;
	v16 =	vadd.f32 v17, v16;
	v17 =	vadd.f32 v19, v18  }
0x211: {  	v56 =	vadd.f32 v21, v20;
	v57 =	vadd.f32 v23, v22;
	_ =	sdelay $0x1  }
0x212: {  	v16 =	vadd.f32 v17, v16;
	v17 =	vadd.f32 v57, v56;
	_ =	sdelay $0x1  }
0x213: {  	v16 =	vadd.f32 v17, v16;
	_ =	sdelay $0x1  }
0x214: {  	[tilespmem:$0xAF80] =	vst v16  }
0x215: {  	v16 =	vld [tilespmem:s14+$0xFFFFFF80]  }
0x216: {  	v17 =	vld [tilespmem:s14+$0xFFFFFF90]  }
0x217: {  	v58 =	vld [tilespmem:s14+$0xFFFFFFA0]  }
0x218: {  	v59 =	vld [tilespmem:s14+$0xFFFFFFB0]  }
0x219: {  	v60 =	vld [tilespmem:s14+$0xFFFFFFC0]  }
0x21a: {  	v61 =	vld [tilespmem:s14+$0xFFFFFFD0]  }
0x21b: {  	v62 =	vld [tilespmem:s14+$0xFFFFFFE0]  }
0x21c: {  	v63 =	vld [tilespmem:s14+$0xFFFFFFF0];
	_ =	sdelay $0x1  }
0x21d: {  	v16 =	vand.u32 $0x7FFFFFFF, v16  }
0x21e: {  	v17 =	vand.u32 $0x7FFFFFFF, v17;
	v18 =	vand.u32 $0x7FFFFFFF, v58;
	v19 =	vand.u32 $0x7FFFFFFF, v59  }
0x21f: {  	v20 =	vand.u32 $0x7FFFFFFF, v60;
	v21 =	vand.u32 $0x7FFFFFFF, v61;
	v22 =	vand.u32 $0x7FFFFFFF, v62  }
0x220: {  	v23 =	vand.u32 $0x7FFFFFFF, v63;
	v16 =	vadd.f32 v17, v16;
	v17 =	vadd.f32 v19, v18  }
0x221: {  	v24 =	vadd.f32 v21, v20;
	v25 =	vadd.f32 v23, v22;
	_ =	sdelay $0x1  }
0x222: {  	v16 =	vadd.f32 v17, v16;
	v17 =	vadd.f32 v25, v24;
	_ =	sdelay $0x1  }
0x223: {  	v16 =	vadd.f32 v17, v16;
	_ =	sdelay $0x1  }
0x224: {  	[tilespmem:$0xB000] =	vst v16  }
0x225: {  	v16 =	vld [tilespmem:s14+$0x0]  }
0x226: {  	v17 =	vld [tilespmem:s14+$0x10]  }
0x227: {  	v26 =	vld [tilespmem:s14+$0x20]  }
0x228: {  	v27 =	vld [tilespmem:s14+$0x30]  }
0x229: {  	v28 =	vld [tilespmem:s14+$0x40]  }
0x22a: {  	v29 =	vld [tilespmem:s14+$0x50]  }
0x22b: {  	v30 =	vld [tilespmem:s14+$0x60]  }
0x22c: {  	v31 =	vld [tilespmem:s14+$0x70];
	_ =	sdelay $0x1  }
0x22d: {  	v16 =	vand.u32 $0x7FFFFFFF, v16  }
0x22e: {  	v17 =	vand.u32 $0x7FFFFFFF, v17;
	v18 =	vand.u32 $0x7FFFFFFF, v26;
	v19 =	vand.u32 $0x7FFFFFFF, v27  }
0x22f: {  	v20 =	vand.u32 $0x7FFFFFFF, v28;
	v21 =	vand.u32 $0x7FFFFFFF, v29;
	v22 =	vand.u32 $0x7FFFFFFF, v30  }
0x230: {  	v23 =	vand.u32 $0x7FFFFFFF, v31;
	v16 =	vadd.f32 v17, v16;
	v17 =	vadd.f32 v19, v18  }
0x231: {  	v32 =	vadd.f32 v21, v20;
	v33 =	vadd.f32 v23, v22;
	_ =	sdelay $0x1  }
0x232: {  	v16 =	vadd.f32 v17, v16;
	v17 =	vadd.f32 v33, v32;
	_ =	sdelay $0x1  }
0x233: {  	v16 =	vadd.f32 v17, v16;
	_ =	sdelay $0x1  }
0x234: {  	[tilespmem:$0xB080] =	vst v16  }
0x235: {  	v16 =	vld [tilespmem:s14+$0x80]  }
0x236: {  	v17 =	vld [tilespmem:s14+$0x90]  }
0x237: {  	v34 =	vld [tilespmem:s14+$0xA0]  }
0x238: {  	v35 =	vld [tilespmem:s14+$0xB0]  }
0x239: {  	v36 =	vld [tilespmem:s14+$0xC0]  }
0x23a: {  	v37 =	vld [tilespmem:s14+$0xD0]  }
0x23b: {  	v38 =	vld [tilespmem:s14+$0xE0]  }
0x23c: {  	v39 =	vld [tilespmem:s14+$0xF0];
	_ =	sdelay $0x1  }
0x23d: {  	v16 =	vand.u32 $0x7FFFFFFF, v16  }
0x23e: {  	v17 =	vand.u32 $0x7FFFFFFF, v17;
	v18 =	vand.u32 $0x7FFFFFFF, v34;
	v19 =	vand.u32 $0x7FFFFFFF, v35  }
0x23f: {  	v20 =	vand.u32 $0x7FFFFFFF, v36;
	v21 =	vand.u32 $0x7FFFFFFF, v37;
	v22 =	vand.u32 $0x7FFFFFFF, v38  }
0x240: {  	v23 =	vand.u32 $0x7FFFFFFF, v39;
	v16 =	vadd.f32 v17, v16;
	v17 =	vadd.f32 v19, v18  }
0x241: {  	v40 =	vadd.f32 v21, v20;
	v41 =	vadd.f32 v23, v22;
	_ =	sdelay $0x1  }
0x242: {  	v16 =	vadd.f32 v17, v16;
	v17 =	vadd.f32 v41, v40;
	_ =	sdelay $0x1  }
0x243: {  	v16 =	vadd.f32 v17, v16;
	_ =	sdelay $0x1  }
0x244: {  	[tilespmem:$0xB100] =	vst v16  }
0x245: {  	v16 =	vld [tilespmem:s14+$0x100]  }
0x246: {  	v17 =	vld [tilespmem:s14+$0x110]  }
0x247: {  	v42 =	vld [tilespmem:s14+$0x120]  }
0x248: {  	v43 =	vld [tilespmem:s14+$0x130]  }
0x249: {  	v44 =	vld [tilespmem:s14+$0x140]  }
0x24a: {  	v45 =	vld [tilespmem:s14+$0x150]  }
0x24b: {  	v46 =	vld [tilespmem:s14+$0x160]  }
0x24c: {  	v47 =	vld [tilespmem:s14+$0x170];
	_ =	sdelay $0x1  }
0x24d: {  	v16 =	vand.u32 $0x7FFFFFFF, v16  }
0x24e: {  	v17 =	vand.u32 $0x7FFFFFFF, v17;
	v18 =	vand.u32 $0x7FFFFFFF, v42;
	v19 =	vand.u32 $0x7FFFFFFF, v43  }
0x24f: {  	v20 =	vand.u32 $0x7FFFFFFF, v44;
	v21 =	vand.u32 $0x7FFFFFFF, v45;
	v22 =	vand.u32 $0x7FFFFFFF, v46  }
0x250: {  	v23 =	vand.u32 $0x7FFFFFFF, v47;
	v16 =	vadd.f32 v17, v16;
	v17 =	vadd.f32 v19, v18  }
0x251: {  	v48 =	vadd.f32 v21, v20;
	v49 =	vadd.f32 v23, v22;
	_ =	sdelay $0x1  }
0x252: {  	v16 =	vadd.f32 v17, v16;
	v17 =	vadd.f32 v49, v48;
	_ =	sdelay $0x1  }
0x253: {  	v16 =	vadd.f32 v17, v16;
	_ =	sdelay $0x1  }
0x254: {  	[tilespmem:$0xB180] =	vst v16  }
0x255: {  	v16 =	vld [tilespmem:s14+$0x180]  }
0x256: {  	v17 =	vld [tilespmem:s14+$0x190]  }
0x257: {  	v50 =	vld [tilespmem:s14+$0x1A0]  }
0x258: {  	v51 =	vld [tilespmem:s14+$0x1B0]  }
0x259: {  	v52 =	vld [tilespmem:s14+$0x1C0]  }
0x25a: {  	v53 =	vld [tilespmem:s14+$0x1D0]  }
0x25b: {  	v54 =	vld [tilespmem:s14+$0x1E0]  }
0x25c: {  	v55 =	vld [tilespmem:s14+$0x1F0];
	_ =	sdelay $0x1  }
0x25d: {  	v16 =	vand.u32 $0x7FFFFFFF, v16  }
0x25e: {  	v17 =	vand.u32 $0x7FFFFFFF, v17;
	v18 =	vand.u32 $0x7FFFFFFF, v50;
	v19 =	vand.u32 $0x7FFFFFFF, v51  }
0x25f: {  	v20 =	vand.u32 $0x7FFFFFFF, v52;
	v21 =	vand.u32 $0x7FFFFFFF, v53;
	v22 =	vand.u32 $0x7FFFFFFF, v54  }
0x260: {  	v23 =	vand.u32 $0x7FFFFFFF, v55;
	v16 =	vadd.f32 v17, v16;
	v17 =	vadd.f32 v19, v18  }
0x261: {  	v56 =	vadd.f32 v21, v20;
	v57 =	vadd.f32 v23, v22;
	_ =	sdelay $0x1  }
0x262: {  	v16 =	vadd.f32 v17, v16;
	v17 =	vadd.f32 v57, v56;
	_ =	sdelay $0x1  }
0x263: {  	v16 =	vadd.f32 v17, v16;
	_ =	sdelay $0x1  }
0x264: {  	[tilespmem:$0xB200] =	vst v16  }
0x265: {  	v16 =	vld [tilespmem:s14+$0x200]  }
0x266: {  	v17 =	vld [tilespmem:s14+$0x210]  }
0x267: {  	v58 =	vld [tilespmem:s14+$0x220]  }
0x268: {  	v59 =	vld [tilespmem:s14+$0x230]  }
0x269: {  	v60 =	vld [tilespmem:s14+$0x240]  }
0x26a: {  	v61 =	vld [tilespmem:s14+$0x250]  }
0x26b: {  	v62 =	vld [tilespmem:s14+$0x260]  }
0x26c: {  	v63 =	vld [tilespmem:s14+$0x270];
	_ =	sdelay $0x1  }
0x26d: {  	v16 =	vand.u32 $0x7FFFFFFF, v16  }
0x26e: {  	v17 =	vand.u32 $0x7FFFFFFF, v17;
	v18 =	vand.u32 $0x7FFFFFFF, v58;
	v19 =	vand.u32 $0x7FFFFFFF, v59  }
0x26f: {  	v20 =	vand.u32 $0x7FFFFFFF, v60;
	v21 =	vand.u32 $0x7FFFFFFF, v61;
	v22 =	vand.u32 $0x7FFFFFFF, v62  }
0x270: {  	v23 =	vand.u32 $0x7FFFFFFF, v63;
	v16 =	vadd.f32 v17, v16;
	v17 =	vadd.f32 v19, v18  }
0x271: {  	v24 =	vadd.f32 v21, v20;
	v25 =	vadd.f32 v23, v22;
	_ =	sdelay $0x1  }
0x272: {  	v16 =	vadd.f32 v17, v16;
	v17 =	vadd.f32 v25, v24;
	_ =	sdelay $0x1  }
0x273: {  	v16 =	vadd.f32 v17, v16;
	_ =	sdelay $0x1  }
0x274: {  	[tilespmem:$0xB280] =	vst v16  }
0x275: {  	v16 =	vld [tilespmem:s14+$0x280]  }
0x276: {  	v17 =	vld [tilespmem:s14+$0x290]  }
0x277: {  	v26 =	vld [tilespmem:s14+$0x2A0]  }
0x278: {  	v27 =	vld [tilespmem:s14+$0x2B0]  }
0x279: {  	v28 =	vld [tilespmem:s14+$0x2C0]  }
0x27a: {  	v29 =	vld [tilespmem:s14+$0x2D0]  }
0x27b: {  	v30 =	vld [tilespmem:s14+$0x2E0]  }
0x27c: {  	v31 =	vld [tilespmem:s14+$0x2F0];
	_ =	sdelay $0x1  }
0x27d: {  	v16 =	vand.u32 $0x7FFFFFFF, v16  }
0x27e: {  	v17 =	vand.u32 $0x7FFFFFFF, v17;
	v18 =	vand.u32 $0x7FFFFFFF, v26;
	v19 =	vand.u32 $0x7FFFFFFF, v27  }
0x27f: {  	v20 =	vand.u32 $0x7FFFFFFF, v28;
	v21 =	vand.u32 $0x7FFFFFFF, v29;
	v22 =	vand.u32 $0x7FFFFFFF, v30  }
0x280: {  	v23 =	vand.u32 $0x7FFFFFFF, v31;
	v16 =	vadd.f32 v17, v16;
	v17 =	vadd.f32 v19, v18  }
0x281: {  	v32 =	vadd.f32 v21, v20;
	v33 =	vadd.f32 v23, v22;
	_ =	sdelay $0x1  }
0x282: {  	v16 =	vadd.f32 v17, v16;
	v17 =	vadd.f32 v33, v32;
	_ =	sdelay $0x1  }
0x283: {  	v16 =	vadd.f32 v17, v16;
	_ =	sdelay $0x1  }
0x284: {  	[tilespmem:$0xB300] =	vst v16  }
0x285: {  	v16 =	vld [tilespmem:s14+$0x300]  }
0x286: {  	v17 =	vld [tilespmem:s14+$0x310]  }
0x287: {  	v34 =	vld [tilespmem:s14+$0x320]  }
0x288: {  	v35 =	vld [tilespmem:s14+$0x330]  }
0x289: {  	v36 =	vld [tilespmem:s14+$0x340]  }
0x28a: {  	v37 =	vld [tilespmem:s14+$0x350]  }
0x28b: {  	v38 =	vld [tilespmem:s14+$0x360]  }
0x28c: {  	v39 =	vld [tilespmem:s14+$0x370];
	_ =	sdelay $0x1  }
0x28d: {  	v16 =	vand.u32 $0x7FFFFFFF, v16  }
0x28e: {  	v17 =	vand.u32 $0x7FFFFFFF, v17;
	v18 =	vand.u32 $0x7FFFFFFF, v34;
	v19 =	vand.u32 $0x7FFFFFFF, v35  }
0x28f: {  	v20 =	vand.u32 $0x7FFFFFFF, v36;
	v21 =	vand.u32 $0x7FFFFFFF, v37;
	v22 =	vand.u32 $0x7FFFFFFF, v38  }
0x290: {  	v23 =	vand.u32 $0x7FFFFFFF, v39;
	v16 =	vadd.f32 v17, v16;
	v17 =	vadd.f32 v19, v18  }
0x291: {  	v40 =	vadd.f32 v21, v20;
	v41 =	vadd.f32 v23, v22;
	_ =	sdelay $0x1  }
0x292: {  	v16 =	vadd.f32 v17, v16;
	v17 =	vadd.f32 v41, v40;
	_ =	sdelay $0x1  }
0x293: {  	v16 =	vadd.f32 v17, v16;
	_ =	sdelay $0x1  }
0x294: {  	[tilespmem:$0xB380] =	vst v16  }
0x295: {  	v16 =	vld [tilespmem:s14+$0x380]  }
0x296: {  	v17 =	vld [tilespmem:s14+$0x390]  }
0x297: {  	v42 =	vld [tilespmem:s14+$0x3A0]  }
0x298: {  	v43 =	vld [tilespmem:s14+$0x3B0]  }
0x299: {  	v44 =	vld [tilespmem:s14+$0x3C0]  }
0x29a: {  	v45 =	vld [tilespmem:s14+$0x3D0]  }
0x29b: {  	v46 =	vld [tilespmem:s14+$0x3E0]  }
0x29c: {  	v47 =	vld [tilespmem:s14+$0x3F0];
	_ =	sdelay $0x1  }
0x29d: {  	v16 =	vand.u32 $0x7FFFFFFF, v16  }
0x29e: {  	v17 =	vand.u32 $0x7FFFFFFF, v17;
	v18 =	vand.u32 $0x7FFFFFFF, v42;
	v19 =	vand.u32 $0x7FFFFFFF, v43  }
0x29f: {  	v20 =	vand.u32 $0x7FFFFFFF, v44;
	v21 =	vand.u32 $0x7FFFFFFF, v45;
	v22 =	vand.u32 $0x7FFFFFFF, v46  }
0x2a0: {  	v23 =	vand.u32 $0x7FFFFFFF, v47;
	v16 =	vadd.f32 v17, v16;
	v17 =	vadd.f32 v19, v18  }
0x2a1: {  	v48 =	vadd.f32 v21, v20;
	v49 =	vadd.f32 v23, v22;
	_ =	sdelay $0x1  }
0x2a2: {  	v16 =	vadd.f32 v17, v16;
	v17 =	vadd.f32 v49, v48;
	_ =	sdelay $0x1  }
0x2a3: {  	v16 =	vadd.f32 v17, v16;
	_ =	sdelay $0x1  }
0x2a4: {  	[tilespmem:$0xB400] =	vst v16  }
0x2a5: {  	v16 =	vld.idx.msk [tilespmem:v0+s24+$0x0], $0xffff  }
0x2a6: {  	v17 =	vld.idx.msk [tilespmem:v1+s24+$0x0], $0xffff  }
0x2a7: {  	v50 =	vld.idx.msk [tilespmem:v2+s24+$0x0], $0xffff  }
0x2a8: {  	v51 =	vld.idx.msk [tilespmem:v3+s24+$0x0], $0xffff  }
0x2a9: {  	v52 =	vld.idx.msk [tilespmem:v4+s24+$0x0], $0xffff  }
0x2aa: {  	v53 =	vld.idx.msk [tilespmem:v5+s24+$0x0], $0xffff  }
0x2ab: {  	v54 =	vld.idx.msk [tilespmem:v6+s24+$0x0], $0xffff;
	v16 =	vsub.f32 $1.200000000e+01, v16;
	v17 =	vadd.f32 $0.0e+00, v17  }
0x2ac: {  	v55 =	vld.idx.msk [tilespmem:v7+s24+$0x0], $0xffff  }
0x2ad: {  	v56 =	vld.idx.msk [tilespmem:v8+s24+$0x0], $0xffff;
	v16 =	vsub.f32 v16, v50;
	v17 =	vadd.f32 v51, v17  }
0x2ae: {  	v57 =	vld.idx.msk [tilespmem:v9+s24+$0x0], $0xffff  }
0x2af: {  	v58 =	vld.idx.msk [tilespmem:v10+s24+$0x0], $0xffff;
	v16 =	vsub.f32 v16, v52;
	v17 =	vadd.f32 v53, v17  }
0x2b0: {  	v59 =	vld.idx.msk [tilespmem:v11+s24+$0x0], $0xffff  }
0x2b1: {  	v60 =	vld.idx.msk [tilespmem:v12+s24+$0x0], $0xffff;
	v16 =	vsub.f32 v16, v54;
	v17 =	vadd.f32 v55, v17  }
0x2b2: {  	v61 =	vld.idx.msk [tilespmem:v13+s24+$0x0], $0xffff  }
0x2b3: {  	v62 =	vld.idx.msk [tilespmem:v14+s24+$0x0], $0xffff;
	v16 =	vsub.f32 v16, v56;
	v17 =	vadd.f32 v57, v17  }
0x2b4: {  	v63 =	vld.idx.msk [tilespmem:v15+s24+$0x0], $0xffff  }
0x2b5: {  	v16 =	vsub.f32 v16, v58;
	v17 =	vadd.f32 v59, v17;
	_ =	sdelay $0x1  }
0x2b6: {  	v16 =	vsub.f32 v16, v60;
	v17 =	vadd.f32 v61, v17  }
0x2b7: {  	p3 =	sne.s32 s13, $0x180  }
.Ltmp3:
0x2b8: {  	v16 =	vsub.f32 v16, v62;
	v17 =	vadd.f32 v63, v17;
	(pc) =	sbr.rel @p3 .LBB2_8-.Ltmp3, $4  }
0x2b9: {  	_ = 	snop  }
0x2ba: {  	v16 =	vsub.f32 v16, v17  }
0x2bb: {  	s17 =	sshra.s32 s13, $0x2  }
0x2bc: {  	s13 =	sadd.s32 $0x40, s13;
	s14 =	sadd.s32 $0x800, s14;
	[tilespmem:s17+$0x7280] =	vst v16  }
.Ltmp4:
0x2bd: {  	s13 =	rddreg [dreg:$0x9];
	(pc) =	sbr.rel @!p2 .LBB2_10-.Ltmp4, $4  }
0x2be: {  	s13 =	sadd.s32 s10, s13  }
0x2bf: {  	s13 =	sshrl.u32 s13, $0x3  }
0x2c0: {  	s14 =	simm.s32 $0x7280;
	s13 =	sadd.s32 s3, s13  }
0x2c1: {  	[hbm4b:s13+s5] =	stream.linear.scatter [tilespmem:s14], [sflag:$0xA], $0x70, $0x38;
	[tilespmem:$0x1ED00] =	vst v63  }
0x2c2: {  	_ =	swait.ge [sflag:s26], $0x3800  }
.Ltmp5:
0x2c3: {  	[sflag:s26] =	ssyncset.done $0x0;
	(pc) =	sbr.rel .LBB2_12-.Ltmp5, $4  }
0x2c4: {  	[sflag:s26] =	ssyncadd.s32 $0xFFFFC800  }
0x2c5: {  	_ =	swait.ge [sflag:s25], $0x3800  }
0x2c6: {  	[sflag:s25] =	ssyncset.done $0x0  }
0x2c7: {  	[sflag:s25] =	ssyncadd.s32 $0xFFFFC800  }
.LBB2_10:
0x2c8: {  	s13 =	simm.s32 $0x2  }
0x2c9: {  	_ =	swait.ge [sflag:s13], $0x3800  }
0x2ca: {  	[sflag:s13] =	ssyncset.done $0x0  }
0x2cb: {  	s14 =	simm.s32 $0x100;
	[sflag:s13] =	ssyncadd.s32 $0xFFFFC800  }
0x2cc: {  	[tilespmem:s14], [sflag:$0x3] =	stream.indirect.gather.add.f32 [spmem:s4], $0x80, s5, s15, $0xb8;
	[tilespmem:$0x1ED00] =	vst v63  }
0x2cd: {  	s30 =	simm.s32 $0x80  }
0x2ce: {  	[tilespmem:s14], [sflag:$0x4] =	stream.indirect.gather.add.f32 [hbm:s7], $0x80, s30, s15, $0xb8;
	[tilespmem:$0x1ED00] =	vst v63  }
0x2cf: {  	s12 =	smul.u32 $0x70, s12;
	_ =	swait.ge [sflag:s16], $0x70  }
0x2d0: {  	[sflag:s16] =	ssyncset.done $0x0  }
0x2d1: {  	s12 =	smin.u32 s12, $0x26A0;
	[sflag:s16] =	ssyncadd.s32 $0xFFFFFF90  }
0x2d2: {  	s12 =	sadd.s32 s9, s12;
	_ =	swait.ge [sflag:s16], $0x70  }
0x2d3: {  	s12 =	sshll.u32 s12, $0x4;
	[sflag:s16] =	ssyncset.done $0x0  }
0x2d4: {  	s12 =	sadd.s32 s2, s12;
	[sflag:s16] =	ssyncadd.s32 $0xFFFFFF90  }
0x2d5: {  	[tilespmem:s18], [sflag:$0x7] =	stream.linear.gather [hbm4b:s12+s5], $0x3800, $0x38;
	[tilespmem:$0x1ED00] =	vst v63  }
0x2d6: {  	_ =	swait.ge [sflag:s26], $0x3800  }
0x2d7: {  	[sflag:s26] =	ssyncset.done $0x0  }
0x2d8: {  	[sflag:s26] =	ssyncadd.s32 $0xFFFFC800  }
0x2d9: {  	_ =	swait.ge [sflag:s25], $0x3800  }
0x2da: {  	s10 =	smin.u32 s10, $0x2470;
	s13 =	rddreg [dreg:$0x16]  }
0x2db: {  	s10 =	sadd.s32 s10, s13  }
.Ltmp6:
0x2dc: {  	[sflag:s25] =	ssyncset.done $0x0;
	s10 =	sshrl.u32 s10, $0x3;
	(pc) =	sbr.rel @p1 .LBB2_13-.Ltmp6, $4  }
0x2dd: {  	s17 =	simm.s32 $0x7300;
	[sflag:s25] =	ssyncadd.s32 $0xFFFFC800;
	s14 =	sadd.s32 s8, s10  }
0x2de: {  	[tilespmem:s17], [sflag:$0xB] =	stream.linear.gather [hbm4b:s14+s5], $0x70, $0x38;
	[tilespmem:$0x1ED00] =	vst v63  }
0x2df: {  	s30 =	simm.s32 $0x7380;
	s10 =	sadd.s32 s1, s10  }
0x2e0: {  	[tilespmem:s30], [sflag:$0xB] =	stream.linear.gather [hbm4b:s10+s5], $0x70, $0x38;
	[tilespmem:$0x1ED00] =	vst v63  }
.LBB2_12:
0x2e1: {  	_ =	swait.ge [sflag:s29], $0x70  }
0x2e2: {  	[sflag:s29] =	ssyncset.done $0x0  }
0x2e3: {  	[sflag:s29] =	ssyncadd.s32 $0xFFFFFF90  }
.LBB2_13:
0x2e4: {  	s10 =	simm.s32 $0x0;
	s12 =	simm.s32 $0x7800  }
.LBB2_14:
0x2e5: {  	v16 =	vld [tilespmem:s12+$0xFFFFFC00]  }
0x2e6: {  	v17 =	vld [tilespmem:s12+$0xFFFFFC10]  }
0x2e7: {  	v18 =	vld [tilespmem:s12+$0xFFFFFC20]  }
0x2e8: {  	v19 =	vld [tilespmem:s12+$0xFFFFFC30]  }
0x2e9: {  	v20 =	vld [tilespmem:s12+$0xFFFFFC40]  }
0x2ea: {  	v21 =	vld [tilespmem:s12+$0xFFFFFC50]  }
0x2eb: {  	v22 =	vld [tilespmem:s12+$0xFFFFFC60]  }
0x2ec: {  	v23 =	vld [tilespmem:s12+$0xFFFFFC70];
	_ =	sdelay $0x1  }
0x2ed: {  	v16 =	vand.u32 $0x7FFFFFFF, v16  }
0x2ee: {  	v17 =	vand.u32 $0x7FFFFFFF, v17;
	v18 =	vand.u32 $0x7FFFFFFF, v18;
	v19 =	vand.u32 $0x7FFFFFFF, v19  }
0x2ef: {  	v20 =	vand.u32 $0x7FFFFFFF, v20;
	v21 =	vand.u32 $0x7FFFFFFF, v21;
	v22 =	vand.u32 $0x7FFFFFFF, v22  }
0x2f0: {  	v23 =	vand.u32 $0x7FFFFFFF, v23;
	v16 =	vadd.f32 v17, v16;
	v17 =	vadd.f32 v19, v18  }
0x2f1: {  	v48 =	vadd.f32 v21, v20;
	v49 =	vadd.f32 v23, v22;
	_ =	sdelay $0x1  }
0x2f2: {  	v16 =	vadd.f32 v17, v16;
	v17 =	vadd.f32 v49, v48;
	_ =	sdelay $0x1  }
0x2f3: {  	v16 =	vadd.f32 v17, v16;
	_ =	sdelay $0x1  }
0x2f4: {  	[tilespmem:$0xAC80] =	vst v16  }
0x2f5: {  	v16 =	vld [tilespmem:s12+$0xFFFFFC80]  }
0x2f6: {  	v17 =	vld [tilespmem:s12+$0xFFFFFC90]  }
0x2f7: {  	v50 =	vld [tilespmem:s12+$0xFFFFFCA0]  }
0x2f8: {  	v51 =	vld [tilespmem:s12+$0xFFFFFCB0]  }
0x2f9: {  	v52 =	vld [tilespmem:s12+$0xFFFFFCC0]  }
0x2fa: {  	v53 =	vld [tilespmem:s12+$0xFFFFFCD0]  }
0x2fb: {  	v54 =	vld [tilespmem:s12+$0xFFFFFCE0]  }
0x2fc: {  	v55 =	vld [tilespmem:s12+$0xFFFFFCF0];
	_ =	sdelay $0x1  }
0x2fd: {  	v16 =	vand.u32 $0x7FFFFFFF, v16  }
0x2fe: {  	v17 =	vand.u32 $0x7FFFFFFF, v17;
	v18 =	vand.u32 $0x7FFFFFFF, v50;
	v19 =	vand.u32 $0x7FFFFFFF, v51  }
0x2ff: {  	v20 =	vand.u32 $0x7FFFFFFF, v52;
	v21 =	vand.u32 $0x7FFFFFFF, v53;
	v22 =	vand.u32 $0x7FFFFFFF, v54  }
0x300: {  	v23 =	vand.u32 $0x7FFFFFFF, v55;
	v16 =	vadd.f32 v17, v16;
	v17 =	vadd.f32 v19, v18  }
0x301: {  	v56 =	vadd.f32 v21, v20;
	v57 =	vadd.f32 v23, v22;
	_ =	sdelay $0x1  }
0x302: {  	v16 =	vadd.f32 v17, v16;
	v17 =	vadd.f32 v57, v56;
	_ =	sdelay $0x1  }
0x303: {  	v16 =	vadd.f32 v17, v16;
	_ =	sdelay $0x1  }
0x304: {  	[tilespmem:$0xAD00] =	vst v16  }
0x305: {  	v16 =	vld [tilespmem:s12+$0xFFFFFD00]  }
0x306: {  	v17 =	vld [tilespmem:s12+$0xFFFFFD10]  }
0x307: {  	v58 =	vld [tilespmem:s12+$0xFFFFFD20]  }
0x308: {  	v59 =	vld [tilespmem:s12+$0xFFFFFD30]  }
0x309: {  	v60 =	vld [tilespmem:s12+$0xFFFFFD40]  }
0x30a: {  	v61 =	vld [tilespmem:s12+$0xFFFFFD50]  }
0x30b: {  	v62 =	vld [tilespmem:s12+$0xFFFFFD60]  }
0x30c: {  	v63 =	vld [tilespmem:s12+$0xFFFFFD70];
	_ =	sdelay $0x1  }
0x30d: {  	v16 =	vand.u32 $0x7FFFFFFF, v16  }
0x30e: {  	v17 =	vand.u32 $0x7FFFFFFF, v17;
	v18 =	vand.u32 $0x7FFFFFFF, v58;
	v19 =	vand.u32 $0x7FFFFFFF, v59  }
0x30f: {  	v20 =	vand.u32 $0x7FFFFFFF, v60;
	v21 =	vand.u32 $0x7FFFFFFF, v61;
	v22 =	vand.u32 $0x7FFFFFFF, v62  }
0x310: {  	v23 =	vand.u32 $0x7FFFFFFF, v63;
	v16 =	vadd.f32 v17, v16;
	v17 =	vadd.f32 v19, v18  }
0x311: {  	v24 =	vadd.f32 v21, v20;
	v25 =	vadd.f32 v23, v22;
	_ =	sdelay $0x1  }
0x312: {  	v16 =	vadd.f32 v17, v16;
	v17 =	vadd.f32 v25, v24;
	_ =	sdelay $0x1  }
0x313: {  	v16 =	vadd.f32 v17, v16;
	_ =	sdelay $0x1  }
0x314: {  	[tilespmem:$0xAD80] =	vst v16  }
0x315: {  	v16 =	vld [tilespmem:s12+$0xFFFFFD80]  }
0x316: {  	v17 =	vld [tilespmem:s12+$0xFFFFFD90]  }
0x317: {  	v26 =	vld [tilespmem:s12+$0xFFFFFDA0]  }
0x318: {  	v27 =	vld [tilespmem:s12+$0xFFFFFDB0]  }
0x319: {  	v28 =	vld [tilespmem:s12+$0xFFFFFDC0]  }
0x31a: {  	v29 =	vld [tilespmem:s12+$0xFFFFFDD0]  }
0x31b: {  	v30 =	vld [tilespmem:s12+$0xFFFFFDE0]  }
0x31c: {  	v31 =	vld [tilespmem:s12+$0xFFFFFDF0];
	_ =	sdelay $0x1  }
0x31d: {  	v16 =	vand.u32 $0x7FFFFFFF, v16  }
0x31e: {  	v17 =	vand.u32 $0x7FFFFFFF, v17;
	v18 =	vand.u32 $0x7FFFFFFF, v26;
	v19 =	vand.u32 $0x7FFFFFFF, v27  }
0x31f: {  	v20 =	vand.u32 $0x7FFFFFFF, v28;
	v21 =	vand.u32 $0x7FFFFFFF, v29;
	v22 =	vand.u32 $0x7FFFFFFF, v30  }
0x320: {  	v23 =	vand.u32 $0x7FFFFFFF, v31;
	v16 =	vadd.f32 v17, v16;
	v17 =	vadd.f32 v19, v18  }
0x321: {  	v32 =	vadd.f32 v21, v20;
	v33 =	vadd.f32 v23, v22;
	_ =	sdelay $0x1  }
0x322: {  	v16 =	vadd.f32 v17, v16;
	v17 =	vadd.f32 v33, v32;
	_ =	sdelay $0x1  }
0x323: {  	v16 =	vadd.f32 v17, v16;
	_ =	sdelay $0x1  }
0x324: {  	[tilespmem:$0xAE00] =	vst v16  }
0x325: {  	v16 =	vld [tilespmem:s12+$0xFFFFFE00]  }
0x326: {  	v17 =	vld [tilespmem:s12+$0xFFFFFE10]  }
0x327: {  	v34 =	vld [tilespmem:s12+$0xFFFFFE20]  }
0x328: {  	v35 =	vld [tilespmem:s12+$0xFFFFFE30]  }
0x329: {  	v36 =	vld [tilespmem:s12+$0xFFFFFE40]  }
0x32a: {  	v37 =	vld [tilespmem:s12+$0xFFFFFE50]  }
0x32b: {  	v38 =	vld [tilespmem:s12+$0xFFFFFE60]  }
0x32c: {  	v39 =	vld [tilespmem:s12+$0xFFFFFE70];
	_ =	sdelay $0x1  }
0x32d: {  	v16 =	vand.u32 $0x7FFFFFFF, v16  }
0x32e: {  	v17 =	vand.u32 $0x7FFFFFFF, v17;
	v18 =	vand.u32 $0x7FFFFFFF, v34;
	v19 =	vand.u32 $0x7FFFFFFF, v35  }
0x32f: {  	v20 =	vand.u32 $0x7FFFFFFF, v36;
	v21 =	vand.u32 $0x7FFFFFFF, v37;
	v22 =	vand.u32 $0x7FFFFFFF, v38  }
0x330: {  	v23 =	vand.u32 $0x7FFFFFFF, v39;
	v16 =	vadd.f32 v17, v16;
	v17 =	vadd.f32 v19, v18  }
0x331: {  	v40 =	vadd.f32 v21, v20;
	v41 =	vadd.f32 v23, v22;
	_ =	sdelay $0x1  }
0x332: {  	v16 =	vadd.f32 v17, v16;
	v17 =	vadd.f32 v41, v40;
	_ =	sdelay $0x1  }
0x333: {  	v16 =	vadd.f32 v17, v16;
	_ =	sdelay $0x1  }
0x334: {  	[tilespmem:$0xAE80] =	vst v16  }
0x335: {  	v16 =	vld [tilespmem:s12+$0xFFFFFE80]  }
0x336: {  	v17 =	vld [tilespmem:s12+$0xFFFFFE90]  }
0x337: {  	v42 =	vld [tilespmem:s12+$0xFFFFFEA0]  }
0x338: {  	v43 =	vld [tilespmem:s12+$0xFFFFFEB0]  }
0x339: {  	v44 =	vld [tilespmem:s12+$0xFFFFFEC0]  }
0x33a: {  	v45 =	vld [tilespmem:s12+$0xFFFFFED0]  }
0x33b: {  	v46 =	vld [tilespmem:s12+$0xFFFFFEE0]  }
0x33c: {  	v47 =	vld [tilespmem:s12+$0xFFFFFEF0];
	_ =	sdelay $0x1  }
0x33d: {  	v16 =	vand.u32 $0x7FFFFFFF, v16  }
0x33e: {  	v17 =	vand.u32 $0x7FFFFFFF, v17;
	v18 =	vand.u32 $0x7FFFFFFF, v42;
	v19 =	vand.u32 $0x7FFFFFFF, v43  }
0x33f: {  	v20 =	vand.u32 $0x7FFFFFFF, v44;
	v21 =	vand.u32 $0x7FFFFFFF, v45;
	v22 =	vand.u32 $0x7FFFFFFF, v46  }
0x340: {  	v23 =	vand.u32 $0x7FFFFFFF, v47;
	v16 =	vadd.f32 v17, v16;
	v17 =	vadd.f32 v19, v18  }
0x341: {  	v48 =	vadd.f32 v21, v20;
	v49 =	vadd.f32 v23, v22;
	_ =	sdelay $0x1  }
0x342: {  	v16 =	vadd.f32 v17, v16;
	v17 =	vadd.f32 v49, v48;
	_ =	sdelay $0x1  }
0x343: {  	v16 =	vadd.f32 v17, v16;
	_ =	sdelay $0x1  }
0x344: {  	[tilespmem:$0xAF00] =	vst v16  }
0x345: {  	v16 =	vld [tilespmem:s12+$0xFFFFFF00]  }
0x346: {  	v17 =	vld [tilespmem:s12+$0xFFFFFF10]  }
0x347: {  	v50 =	vld [tilespmem:s12+$0xFFFFFF20]  }
0x348: {  	v51 =	vld [tilespmem:s12+$0xFFFFFF30]  }
0x349: {  	v52 =	vld [tilespmem:s12+$0xFFFFFF40]  }
0x34a: {  	v53 =	vld [tilespmem:s12+$0xFFFFFF50]  }
0x34b: {  	v54 =	vld [tilespmem:s12+$0xFFFFFF60]  }
0x34c: {  	v55 =	vld [tilespmem:s12+$0xFFFFFF70];
	_ =	sdelay $0x1  }
0x34d: {  	v16 =	vand.u32 $0x7FFFFFFF, v16  }
0x34e: {  	v17 =	vand.u32 $0x7FFFFFFF, v17;
	v18 =	vand.u32 $0x7FFFFFFF, v50;
	v19 =	vand.u32 $0x7FFFFFFF, v51  }
0x34f: {  	v20 =	vand.u32 $0x7FFFFFFF, v52;
	v21 =	vand.u32 $0x7FFFFFFF, v53;
	v22 =	vand.u32 $0x7FFFFFFF, v54  }
0x350: {  	v23 =	vand.u32 $0x7FFFFFFF, v55;
	v16 =	vadd.f32 v17, v16;
	v17 =	vadd.f32 v19, v18  }
0x351: {  	v56 =	vadd.f32 v21, v20;
	v57 =	vadd.f32 v23, v22;
	_ =	sdelay $0x1  }
0x352: {  	v16 =	vadd.f32 v17, v16;
	v17 =	vadd.f32 v57, v56;
	_ =	sdelay $0x1  }
0x353: {  	v16 =	vadd.f32 v17, v16;
	_ =	sdelay $0x1  }
0x354: {  	[tilespmem:$0xAF80] =	vst v16  }
0x355: {  	v16 =	vld [tilespmem:s12+$0xFFFFFF80]  }
0x356: {  	v17 =	vld [tilespmem:s12+$0xFFFFFF90]  }
0x357: {  	v58 =	vld [tilespmem:s12+$0xFFFFFFA0]  }
0x358: {  	v59 =	vld [tilespmem:s12+$0xFFFFFFB0]  }
0x359: {  	v60 =	vld [tilespmem:s12+$0xFFFFFFC0]  }
0x35a: {  	v61 =	vld [tilespmem:s12+$0xFFFFFFD0]  }
0x35b: {  	v62 =	vld [tilespmem:s12+$0xFFFFFFE0]  }
0x35c: {  	v63 =	vld [tilespmem:s12+$0xFFFFFFF0];
	_ =	sdelay $0x1  }
0x35d: {  	v16 =	vand.u32 $0x7FFFFFFF, v16  }
0x35e: {  	v17 =	vand.u32 $0x7FFFFFFF, v17;
	v18 =	vand.u32 $0x7FFFFFFF, v58;
	v19 =	vand.u32 $0x7FFFFFFF, v59  }
0x35f: {  	v20 =	vand.u32 $0x7FFFFFFF, v60;
	v21 =	vand.u32 $0x7FFFFFFF, v61;
	v22 =	vand.u32 $0x7FFFFFFF, v62  }
0x360: {  	v23 =	vand.u32 $0x7FFFFFFF, v63;
	v16 =	vadd.f32 v17, v16;
	v17 =	vadd.f32 v19, v18  }
0x361: {  	v24 =	vadd.f32 v21, v20;
	v25 =	vadd.f32 v23, v22;
	_ =	sdelay $0x1  }
0x362: {  	v16 =	vadd.f32 v17, v16;
	v17 =	vadd.f32 v25, v24;
	_ =	sdelay $0x1  }
0x363: {  	v16 =	vadd.f32 v17, v16;
	_ =	sdelay $0x1  }
0x364: {  	[tilespmem:$0xB000] =	vst v16  }
0x365: {  	v16 =	vld [tilespmem:s12+$0x0]  }
0x366: {  	v17 =	vld [tilespmem:s12+$0x10]  }
0x367: {  	v26 =	vld [tilespmem:s12+$0x20]  }
0x368: {  	v27 =	vld [tilespmem:s12+$0x30]  }
0x369: {  	v28 =	vld [tilespmem:s12+$0x40]  }
0x36a: {  	v29 =	vld [tilespmem:s12+$0x50]  }
0x36b: {  	v30 =	vld [tilespmem:s12+$0x60]  }
0x36c: {  	v31 =	vld [tilespmem:s12+$0x70];
	_ =	sdelay $0x1  }
0x36d: {  	v16 =	vand.u32 $0x7FFFFFFF, v16  }
0x36e: {  	v17 =	vand.u32 $0x7FFFFFFF, v17;
	v18 =	vand.u32 $0x7FFFFFFF, v26;
	v19 =	vand.u32 $0x7FFFFFFF, v27  }
0x36f: {  	v20 =	vand.u32 $0x7FFFFFFF, v28;
	v21 =	vand.u32 $0x7FFFFFFF, v29;
	v22 =	vand.u32 $0x7FFFFFFF, v30  }
0x370: {  	v23 =	vand.u32 $0x7FFFFFFF, v31;
	v16 =	vadd.f32 v17, v16;
	v17 =	vadd.f32 v19, v18  }
0x371: {  	v32 =	vadd.f32 v21, v20;
	v33 =	vadd.f32 v23, v22;
	_ =	sdelay $0x1  }
0x372: {  	v16 =	vadd.f32 v17, v16;
	v17 =	vadd.f32 v33, v32;
	_ =	sdelay $0x1  }
0x373: {  	v16 =	vadd.f32 v17, v16;
	_ =	sdelay $0x1  }
0x374: {  	[tilespmem:$0xB080] =	vst v16  }
0x375: {  	v16 =	vld [tilespmem:s12+$0x80]  }
0x376: {  	v17 =	vld [tilespmem:s12+$0x90]  }
0x377: {  	v34 =	vld [tilespmem:s12+$0xA0]  }
0x378: {  	v35 =	vld [tilespmem:s12+$0xB0]  }
0x379: {  	v36 =	vld [tilespmem:s12+$0xC0]  }
0x37a: {  	v37 =	vld [tilespmem:s12+$0xD0]  }
0x37b: {  	v38 =	vld [tilespmem:s12+$0xE0]  }
0x37c: {  	v39 =	vld [tilespmem:s12+$0xF0];
	_ =	sdelay $0x1  }
0x37d: {  	v16 =	vand.u32 $0x7FFFFFFF, v16  }
0x37e: {  	v17 =	vand.u32 $0x7FFFFFFF, v17;
	v18 =	vand.u32 $0x7FFFFFFF, v34;
	v19 =	vand.u32 $0x7FFFFFFF, v35  }
0x37f: {  	v20 =	vand.u32 $0x7FFFFFFF, v36;
	v21 =	vand.u32 $0x7FFFFFFF, v37;
	v22 =	vand.u32 $0x7FFFFFFF, v38  }
0x380: {  	v23 =	vand.u32 $0x7FFFFFFF, v39;
	v16 =	vadd.f32 v17, v16;
	v17 =	vadd.f32 v19, v18  }
0x381: {  	v40 =	vadd.f32 v21, v20;
	v41 =	vadd.f32 v23, v22;
	_ =	sdelay $0x1  }
0x382: {  	v16 =	vadd.f32 v17, v16;
	v17 =	vadd.f32 v41, v40;
	_ =	sdelay $0x1  }
0x383: {  	v16 =	vadd.f32 v17, v16;
	_ =	sdelay $0x1  }
0x384: {  	[tilespmem:$0xB100] =	vst v16  }
0x385: {  	v16 =	vld [tilespmem:s12+$0x100]  }
0x386: {  	v17 =	vld [tilespmem:s12+$0x110]  }
0x387: {  	v42 =	vld [tilespmem:s12+$0x120]  }
0x388: {  	v43 =	vld [tilespmem:s12+$0x130]  }
0x389: {  	v44 =	vld [tilespmem:s12+$0x140]  }
0x38a: {  	v45 =	vld [tilespmem:s12+$0x150]  }
0x38b: {  	v46 =	vld [tilespmem:s12+$0x160]  }
0x38c: {  	v47 =	vld [tilespmem:s12+$0x170];
	_ =	sdelay $0x1  }
0x38d: {  	v16 =	vand.u32 $0x7FFFFFFF, v16  }
0x38e: {  	v17 =	vand.u32 $0x7FFFFFFF, v17;
	v18 =	vand.u32 $0x7FFFFFFF, v42;
	v19 =	vand.u32 $0x7FFFFFFF, v43  }
0x38f: {  	v20 =	vand.u32 $0x7FFFFFFF, v44;
	v21 =	vand.u32 $0x7FFFFFFF, v45;
	v22 =	vand.u32 $0x7FFFFFFF, v46  }
0x390: {  	v23 =	vand.u32 $0x7FFFFFFF, v47;
	v16 =	vadd.f32 v17, v16;
	v17 =	vadd.f32 v19, v18  }
0x391: {  	v48 =	vadd.f32 v21, v20;
	v49 =	vadd.f32 v23, v22;
	_ =	sdelay $0x1  }
0x392: {  	v16 =	vadd.f32 v17, v16;
	v17 =	vadd.f32 v49, v48;
	_ =	sdelay $0x1  }
0x393: {  	v16 =	vadd.f32 v17, v16;
	_ =	sdelay $0x1  }
0x394: {  	[tilespmem:$0xB180] =	vst v16  }
0x395: {  	v16 =	vld [tilespmem:s12+$0x180]  }
0x396: {  	v17 =	vld [tilespmem:s12+$0x190]  }
0x397: {  	v50 =	vld [tilespmem:s12+$0x1A0]  }
0x398: {  	v51 =	vld [tilespmem:s12+$0x1B0]  }
0x399: {  	v52 =	vld [tilespmem:s12+$0x1C0]  }
0x39a: {  	v53 =	vld [tilespmem:s12+$0x1D0]  }
0x39b: {  	v54 =	vld [tilespmem:s12+$0x1E0]  }
0x39c: {  	v55 =	vld [tilespmem:s12+$0x1F0];
	_ =	sdelay $0x1  }
0x39d: {  	v16 =	vand.u32 $0x7FFFFFFF, v16  }
0x39e: {  	v17 =	vand.u32 $0x7FFFFFFF, v17;
	v18 =	vand.u32 $0x7FFFFFFF, v50;
	v19 =	vand.u32 $0x7FFFFFFF, v51  }
0x39f: {  	v20 =	vand.u32 $0x7FFFFFFF, v52;
	v21 =	vand.u32 $0x7FFFFFFF, v53;
	v22 =	vand.u32 $0x7FFFFFFF, v54  }
0x3a0: {  	v23 =	vand.u32 $0x7FFFFFFF, v55;
	v16 =	vadd.f32 v17, v16;
	v17 =	vadd.f32 v19, v18  }
0x3a1: {  	v56 =	vadd.f32 v21, v20;
	v57 =	vadd.f32 v23, v22;
	_ =	sdelay $0x1  }
0x3a2: {  	v16 =	vadd.f32 v17, v16;
	v17 =	vadd.f32 v57, v56;
	_ =	sdelay $0x1  }
0x3a3: {  	v16 =	vadd.f32 v17, v16;
	_ =	sdelay $0x1  }
0x3a4: {  	[tilespmem:$0xB200] =	vst v16  }
0x3a5: {  	v16 =	vld [tilespmem:s12+$0x200]  }
0x3a6: {  	v17 =	vld [tilespmem:s12+$0x210]  }
0x3a7: {  	v58 =	vld [tilespmem:s12+$0x220]  }
0x3a8: {  	v59 =	vld [tilespmem:s12+$0x230]  }
0x3a9: {  	v60 =	vld [tilespmem:s12+$0x240]  }
0x3aa: {  	v61 =	vld [tilespmem:s12+$0x250]  }
0x3ab: {  	v62 =	vld [tilespmem:s12+$0x260]  }
0x3ac: {  	v63 =	vld [tilespmem:s12+$0x270];
	_ =	sdelay $0x1  }
0x3ad: {  	v16 =	vand.u32 $0x7FFFFFFF, v16  }
0x3ae: {  	v17 =	vand.u32 $0x7FFFFFFF, v17;
	v18 =	vand.u32 $0x7FFFFFFF, v58;
	v19 =	vand.u32 $0x7FFFFFFF, v59  }
0x3af: {  	v20 =	vand.u32 $0x7FFFFFFF, v60;
	v21 =	vand.u32 $0x7FFFFFFF, v61;
	v22 =	vand.u32 $0x7FFFFFFF, v62  }
0x3b0: {  	v23 =	vand.u32 $0x7FFFFFFF, v63;
	v16 =	vadd.f32 v17, v16;
	v17 =	vadd.f32 v19, v18  }
0x3b1: {  	v24 =	vadd.f32 v21, v20;
	v25 =	vadd.f32 v23, v22;
	_ =	sdelay $0x1  }
0x3b2: {  	v16 =	vadd.f32 v17, v16;
	v17 =	vadd.f32 v25, v24;
	_ =	sdelay $0x1  }
0x3b3: {  	v16 =	vadd.f32 v17, v16;
	_ =	sdelay $0x1  }
0x3b4: {  	[tilespmem:$0xB280] =	vst v16  }
0x3b5: {  	v16 =	vld [tilespmem:s12+$0x280]  }
0x3b6: {  	v17 =	vld [tilespmem:s12+$0x290]  }
0x3b7: {  	v26 =	vld [tilespmem:s12+$0x2A0]  }
0x3b8: {  	v27 =	vld [tilespmem:s12+$0x2B0]  }
0x3b9: {  	v28 =	vld [tilespmem:s12+$0x2C0]  }
0x3ba: {  	v29 =	vld [tilespmem:s12+$0x2D0]  }
0x3bb: {  	v30 =	vld [tilespmem:s12+$0x2E0]  }
0x3bc: {  	v31 =	vld [tilespmem:s12+$0x2F0];
	_ =	sdelay $0x1  }
0x3bd: {  	v16 =	vand.u32 $0x7FFFFFFF, v16  }
0x3be: {  	v17 =	vand.u32 $0x7FFFFFFF, v17;
	v18 =	vand.u32 $0x7FFFFFFF, v26;
	v19 =	vand.u32 $0x7FFFFFFF, v27  }
0x3bf: {  	v20 =	vand.u32 $0x7FFFFFFF, v28;
	v21 =	vand.u32 $0x7FFFFFFF, v29;
	v22 =	vand.u32 $0x7FFFFFFF, v30  }
0x3c0: {  	v23 =	vand.u32 $0x7FFFFFFF, v31;
	v16 =	vadd.f32 v17, v16;
	v17 =	vadd.f32 v19, v18  }
0x3c1: {  	v32 =	vadd.f32 v21, v20;
	v33 =	vadd.f32 v23, v22;
	_ =	sdelay $0x1  }
0x3c2: {  	v16 =	vadd.f32 v17, v16;
	v17 =	vadd.f32 v33, v32;
	_ =	sdelay $0x1  }
0x3c3: {  	v16 =	vadd.f32 v17, v16;
	_ =	sdelay $0x1  }
0x3c4: {  	[tilespmem:$0xB300] =	vst v16  }
0x3c5: {  	v16 =	vld [tilespmem:s12+$0x300]  }
0x3c6: {  	v17 =	vld [tilespmem:s12+$0x310]  }
0x3c7: {  	v34 =	vld [tilespmem:s12+$0x320]  }
0x3c8: {  	v35 =	vld [tilespmem:s12+$0x330]  }
0x3c9: {  	v36 =	vld [tilespmem:s12+$0x340]  }
0x3ca: {  	v37 =	vld [tilespmem:s12+$0x350]  }
0x3cb: {  	v38 =	vld [tilespmem:s12+$0x360]  }
0x3cc: {  	v39 =	vld [tilespmem:s12+$0x370];
	_ =	sdelay $0x1  }
0x3cd: {  	v16 =	vand.u32 $0x7FFFFFFF, v16  }
0x3ce: {  	v17 =	vand.u32 $0x7FFFFFFF, v17;
	v18 =	vand.u32 $0x7FFFFFFF, v34;
	v19 =	vand.u32 $0x7FFFFFFF, v35  }
0x3cf: {  	v20 =	vand.u32 $0x7FFFFFFF, v36;
	v21 =	vand.u32 $0x7FFFFFFF, v37;
	v22 =	vand.u32 $0x7FFFFFFF, v38  }
0x3d0: {  	v23 =	vand.u32 $0x7FFFFFFF, v39;
	v16 =	vadd.f32 v17, v16;
	v17 =	vadd.f32 v19, v18  }
0x3d1: {  	v40 =	vadd.f32 v21, v20;
	v41 =	vadd.f32 v23, v22;
	_ =	sdelay $0x1  }
0x3d2: {  	v16 =	vadd.f32 v17, v16;
	v17 =	vadd.f32 v41, v40;
	_ =	sdelay $0x1  }
0x3d3: {  	v16 =	vadd.f32 v17, v16;
	_ =	sdelay $0x1  }
0x3d4: {  	[tilespmem:$0xB380] =	vst v16  }
0x3d5: {  	v16 =	vld [tilespmem:s12+$0x380]  }
0x3d6: {  	v17 =	vld [tilespmem:s12+$0x390]  }
0x3d7: {  	v42 =	vld [tilespmem:s12+$0x3A0]  }
0x3d8: {  	v43 =	vld [tilespmem:s12+$0x3B0]  }
0x3d9: {  	v44 =	vld [tilespmem:s12+$0x3C0]  }
0x3da: {  	v45 =	vld [tilespmem:s12+$0x3D0]  }
0x3db: {  	v46 =	vld [tilespmem:s12+$0x3E0]  }
0x3dc: {  	v47 =	vld [tilespmem:s12+$0x3F0];
	_ =	sdelay $0x1  }
0x3dd: {  	v16 =	vand.u32 $0x7FFFFFFF, v16  }
0x3de: {  	v17 =	vand.u32 $0x7FFFFFFF, v17;
	v18 =	vand.u32 $0x7FFFFFFF, v42;
	v19 =	vand.u32 $0x7FFFFFFF, v43  }
0x3df: {  	v20 =	vand.u32 $0x7FFFFFFF, v44;
	v21 =	vand.u32 $0x7FFFFFFF, v45;
	v22 =	vand.u32 $0x7FFFFFFF, v46  }
0x3e0: {  	v23 =	vand.u32 $0x7FFFFFFF, v47;
	v16 =	vadd.f32 v17, v16;
	v17 =	vadd.f32 v19, v18  }
0x3e1: {  	v48 =	vadd.f32 v21, v20;
	v49 =	vadd.f32 v23, v22;
	_ =	sdelay $0x1  }
0x3e2: {  	v16 =	vadd.f32 v17, v16;
	v17 =	vadd.f32 v49, v48;
	_ =	sdelay $0x1  }
0x3e3: {  	v16 =	vadd.f32 v17, v16;
	_ =	sdelay $0x1  }
0x3e4: {  	[tilespmem:$0xB400] =	vst v16  }
0x3e5: {  	v16 =	vld.idx.msk [tilespmem:v0+s24+$0x0], $0xffff  }
0x3e6: {  	v17 =	vld.idx.msk [tilespmem:v1+s24+$0x0], $0xffff  }
0x3e7: {  	v50 =	vld.idx.msk [tilespmem:v2+s24+$0x0], $0xffff  }
0x3e8: {  	v51 =	vld.idx.msk [tilespmem:v3+s24+$0x0], $0xffff  }
0x3e9: {  	v52 =	vld.idx.msk [tilespmem:v4+s24+$0x0], $0xffff  }
0x3ea: {  	v53 =	vld.idx.msk [tilespmem:v5+s24+$0x0], $0xffff  }
0x3eb: {  	v54 =	vld.idx.msk [tilespmem:v6+s24+$0x0], $0xffff;
	v16 =	vsub.f32 $1.200000000e+01, v16;
	v17 =	vadd.f32 $0.0e+00, v17  }
0x3ec: {  	v55 =	vld.idx.msk [tilespmem:v7+s24+$0x0], $0xffff  }
0x3ed: {  	v56 =	vld.idx.msk [tilespmem:v8+s24+$0x0], $0xffff;
	v16 =	vsub.f32 v16, v50;
	v17 =	vadd.f32 v51, v17  }
0x3ee: {  	v57 =	vld.idx.msk [tilespmem:v9+s24+$0x0], $0xffff  }
0x3ef: {  	v58 =	vld.idx.msk [tilespmem:v10+s24+$0x0], $0xffff;
	v16 =	vsub.f32 v16, v52;
	v17 =	vadd.f32 v53, v17  }
0x3f0: {  	v59 =	vld.idx.msk [tilespmem:v11+s24+$0x0], $0xffff  }
0x3f1: {  	v60 =	vld.idx.msk [tilespmem:v12+s24+$0x0], $0xffff;
	v16 =	vsub.f32 v16, v54;
	v17 =	vadd.f32 v55, v17  }
0x3f2: {  	v61 =	vld.idx.msk [tilespmem:v13+s24+$0x0], $0xffff  }
0x3f3: {  	v62 =	vld.idx.msk [tilespmem:v14+s24+$0x0], $0xffff;
	v16 =	vsub.f32 v16, v56;
	v17 =	vadd.f32 v57, v17  }
0x3f4: {  	v63 =	vld.idx.msk [tilespmem:v15+s24+$0x0], $0xffff  }
0x3f5: {  	v16 =	vsub.f32 v16, v58;
	v17 =	vadd.f32 v59, v17;
	_ =	sdelay $0x1  }
0x3f6: {  	v16 =	vsub.f32 v16, v60;
	v17 =	vadd.f32 v61, v17  }
0x3f7: {  	p1 =	sne.s32 s10, $0x180  }
.Ltmp7:
0x3f8: {  	v16 =	vsub.f32 v16, v62;
	v17 =	vadd.f32 v63, v17;
	(pc) =	sbr.rel @p1 .LBB2_14-.Ltmp7, $4  }
0x3f9: {  	_ = 	snop  }
0x3fa: {  	v16 =	vsub.f32 v16, v17  }
0x3fb: {  	s13 =	sshra.s32 s10, $0x2  }
0x3fc: {  	s10 =	sadd.s32 $0x40, s10;
	s12 =	sadd.s32 $0x800, s12;
	[tilespmem:s13+$0xAC00] =	vst v16  }
0x3fd: {  	s31 =	sadd.s32 $0x1, s31  }
0x3fe: {  	p1 =	sne.s32 s31, $0x1E  }
.Ltmp8:
0x3ff: {  	_ = 	snop;
	(pc) =	sbr.rel @p1 .LBB2_2-.Ltmp8, $4  }
0x400: {  	_ = 	snop  }
0x401: {  	s6 =	sshrl.u32 s6, $0x3  }
0x402: {  	s10 =	simm.s32 $0xAC00;
	s6 =	sadd.s32 s3, s6  }
0x403: {  	[hbm4b:s6+s5] =	stream.linear.scatter [tilespmem:s10], [sflag:$0xF], $0x70, $0x38;
	[tilespmem:$0x1ED00] =	vst v63  }
0x404: {  	s6 =	simm.s32 $0x5  }
0x405: {  	_ =	swait.ge [sflag:s6], $0x70  }
0x406: {  	[sflag:s6] =	ssyncset.done $0x0  }
0x407: {  	s30 =	simm.s32 $0xA;
	[sflag:s6] =	ssyncadd.s32 $0xFFFFFF90  }
0x408: {  	_ =	swait.ge [sflag:s30], $0x70  }
0x409: {  	[sflag:s30] =	ssyncset.done $0x0  }
0x40a: {  	[sflag:s30] =	ssyncadd.s32 $0xFFFFFF90  }
0x40b: {  	_ =	swait.ge [sflag:s29], $0x70  }
0x40c: {  	s10 =	rddreg [dreg:$0x17]  }
0x40d: {  	s31 =	rddreg [dreg:$0x13];
	s10 =	sadd.s32 $0x1, s10  }
0x40e: {  	p1 =	sne.s32 s10, s31  }
.Ltmp9:
0x40f: {  	_ = 	snop;
	(pc) =	sbr.rel @p1 .LBB2_1-.Ltmp9, $3  }
0x410: {  	_ =	sdelay $0x1  }
0x411: {  	[sflag:s29] =	ssyncset.done $0x0  }
0x412: {  	[sflag:s29] =	ssyncadd.s32 $0xFFFFFF90  }
0x413: {  	_ =	sfence.sel $0x180000  }
0x414: {  	[bflag:$0x0] =	sbarrier.arrive $0xFFFF  }
0x415: {  	_ =	strace $0x90000047  }
0x416: {  	s0 =	stileid.u32;
	[bflag:$0x2] =	sbarrier.arrive $0xFFFF  }
0x417: {  	p0 =	sne.s32 s0, $0x0;
	s0 =	rddreg [dreg:$0x5]  }
0x418: {  	s0 =	sadd.s32 @!p0 $0x100000, s0  }
0x419: {  	[sflag:s0] =	ssyncadd.tile.s32 @!p0 $0x1;
	_ =	shalt  }
.Lfunc_end2:
_tile_overlayer_lowered:
.L_overlay_start_2:
0x41a: {  	(tag) =	ssettag $0x2  }
0x41b: {  	s0 =	rddreg [dreg:$0x0];
	s2 =	stileid.u32  }
0x41c: {  	s1 =	rddreg [dreg:$0x1];
	p0 =	sne.s32 s2, $0x0  }
0x41d: {  	s3 =	rddreg [dreg:$0x2];
	[bflag:$0x3] =	sbarrier.arrive $0xFFFF;
	s2 =	simm.s32 @!p0 $0x1C10  }
0x41e: {  	[timem:s3], [sflag:s2] =	dma.local @!p0 [hbm:s0], s1  }
0x41f: {  	s0 =	simm.s32 @!p0 $0x10  }
0x420: {  	_ =	swait.ge @!p0 [sflag:s0], s1  }
0x421: {  	s1 =	ssub.s32 @!p0 $0x0, s1;
	[sflag:s0] =	ssyncset.done @!p0 $0x0  }
0x422: {  	[sflag:s0] =	ssyncadd.s32 @!p0 s1  }
0x423: {  	[bflag:$0x3] =	sbarrier.arrive $0xFFFF  }
0x424: {  	_ =	shalt  }

</sc_bundles>
